<compile_context>
chip_gen: v7x
topology: tpu7x:2x2x1
jax: 0.10.2.dev20260603
libtpu: 0.0.44.dev20260713+nightly
codegen_flags: <defaults>
</compile_context>

<pallas_src>
import functools

import jax
import jax.numpy as jnp
from jax import lax
from jax.experimental import pallas as pl
from jax.experimental.pallas import tpu as pltpu
from jax.experimental.pallas import tpu_sc as plsc

_BATCH = 16384
_FACTOR = 32
_NC = 2
_NS = 16
_NW = _NC * _NS
_BPW = _BATCH // _NW
_LANES = 16
_GROUP = 16


def _extract_col(strip, c):
    cv = jnp.full((_LANES,), c, jnp.int32)
    lo = plsc.load_gather(strip, [lax.iota(jnp.int32, _LANES), cv])
    hi = plsc.load_gather(strip, [lax.iota(jnp.int32, _LANES) + 16, cv])
    return lo, hi


def _body(user_hbm, item_i_hbm, item_j_hbm, eut_hbm, eit_hbm,
          pred_i_hbm, pred_j_hbm,
          uidx, iidx, jidx, su0, su1, si0, si1, sj0, sj1, oi, oj,
          sem0, sem1):
    sem = (sem0, sem1)
    wid = lax.axis_index("s") * _NC + lax.axis_index("c")
    base = wid * _BPW
    pltpu.sync_copy(user_hbm.at[pl.ds(base, _BPW)], uidx.at[pl.ds(0, _BPW)])
    pltpu.sync_copy(item_i_hbm.at[pl.ds(base, _BPW)], iidx.at[pl.ds(0, _BPW)])
    pltpu.sync_copy(item_j_hbm.at[pl.ds(base, _BPW)], jidx.at[pl.ds(0, _BPW)])

    su = (su0, su1)
    si = (si0, si1)
    sj = (sj0, sj1)

    def issue(ru, ri, rj, k):
        ualn = pl.multiple_of((ru // 128) * 128, 128)
        ialn = pl.multiple_of((ri // 128) * 128, 128)
        jaln = pl.multiple_of((rj // 128) * 128, 128)
        pltpu.async_copy(eut_hbm.at[:, pl.ds(ualn, 128)], su[k], sem[k])
        pltpu.async_copy(eit_hbm.at[:, pl.ds(ialn, 128)], si[k], sem[k])
        pltpu.async_copy(eit_hbm.at[:, pl.ds(jaln, 128)], sj[k], sem[k])

    def drain3(k):
        pltpu.make_async_copy(eut_hbm.at[:, pl.ds(0, 128)], su0, sem[k]).wait()
        pltpu.make_async_copy(eut_hbm.at[:, pl.ds(0, 128)], si0, sem[k]).wait()
        pltpu.make_async_copy(eut_hbm.at[:, pl.ds(0, 128)], sj0, sem[k]).wait()

    uv = uidx[pl.ds(0, _LANES)]
    iv = iidx[pl.ds(0, _LANES)]
    jv = jidx[pl.ds(0, _LANES)]
    issue(uv[0], iv[0], jv[0], 0)

    def group(gix, carry):
        b0 = gix * _GROUP
        ucur = uidx[pl.ds(b0, _LANES)]
        icur = iidx[pl.ds(b0, _LANES)]
        jcur = jidx[pl.ds(b0, _LANES)]
        unxt = uidx[pl.ds(b0 + _LANES, _LANES)]
        inxt = iidx[pl.ds(b0 + _LANES, _LANES)]
        jnxt = jidx[pl.ds(b0 + _LANES, _LANES)]
        acc_i = jnp.zeros((_LANES,), jnp.float32)
        acc_j = jnp.zeros((_LANES,), jnp.float32)
        lane = lax.iota(jnp.int32, _LANES)
        for g in range(_GROUP):
            b = b0 + g
            k = g % 2
            if g < _GROUP - 1:
                nu, ni, nj = ucur[g + 1], icur[g + 1], jcur[g + 1]
            else:
                nu, ni, nj = unxt[0], inxt[0], jnxt[0]

            @pl.when(b + 1 < _BPW)
            def _():
                issue(nu, ni, nj, (g + 1) % 2)

            drain3(k)
            u_lo, u_hi = _extract_col(su[k], lax.rem(ucur[g], 128))
            i_lo, i_hi = _extract_col(si[k], lax.rem(icur[g], 128))
            j_lo, j_hi = _extract_col(sj[k], lax.rem(jcur[g], 128))
            di = jnp.sum(u_lo * i_lo + u_hi * i_hi)
            dj = jnp.sum(u_lo * j_lo + u_hi * j_hi)
            sel = lane == g
            acc_i = jnp.where(sel, di, acc_i)
            acc_j = jnp.where(sel, dj, acc_j)
        oi[pl.ds(b0, _LANES)] = acc_i
        oj[pl.ds(b0, _LANES)] = acc_j
        return carry

    lax.fori_loop(0, _BPW // _GROUP, group, 0)

    pltpu.sync_copy(oi, pred_i_hbm.at[pl.ds(base, _BPW)])
    pltpu.sync_copy(oj, pred_j_hbm.at[pl.ds(base, _BPW)])


@jax.jit
def _mf_bpr(user, item_i, item_j, embed_user_t, embed_item_t):
    mesh = plsc.VectorSubcoreMesh(core_axis_name="c", subcore_axis_name="s")
    strip = functools.partial(pltpu.VMEM, (_FACTOR, 128), jnp.float32)
    run = pl.kernel(
        _body,
        out_type=(
            jax.ShapeDtypeStruct((_BATCH,), jnp.float32),
            jax.ShapeDtypeStruct((_BATCH,), jnp.float32),
        ),
        mesh=mesh,
        scratch_types=[
            pltpu.VMEM((_BPW + _LANES,), jnp.int32),
            pltpu.VMEM((_BPW + _LANES,), jnp.int32),
            pltpu.VMEM((_BPW + _LANES,), jnp.int32),
            strip(), strip(), strip(), strip(), strip(), strip(),
            pltpu.VMEM((_BPW,), jnp.float32),
            pltpu.VMEM((_BPW,), jnp.float32),
            pltpu.SemaphoreType.DMA,
            pltpu.SemaphoreType.DMA,
        ],
        compiler_params=pltpu.CompilerParams(
            needs_layout_passes=False, use_tc_tiling_on_sc=True),
    )
    return run(user, item_i, item_j, embed_user_t, embed_item_t)


def kernel(user, item_i, item_j, embed_user, embed_item):
    user = user.astype(jnp.int32)
    item_i = item_i.astype(jnp.int32)
    item_j = item_j.astype(jnp.int32)
    pred_i, pred_j = _mf_bpr(user, item_i, item_j,
                             embed_user.T, embed_item.T)
    return (pred_i, pred_j)

# --- scband reference (transcript-rebuilt; emitter-appended) ---
"""Pipeline reference for scband-mf-bpr-5231270167246 (READ-ONLY COPY).

The authoritative reference and input builder live on the scoring server;
editing this copy changes nothing except your own understanding.
"""

import jax, jax.numpy as jnp
import numpy as np

USER_NUM = 1000000
ITEM_NUM = 1000000
FACTOR = 32
BATCH = 16384


def setup_inputs(seed: int = 0) -> dict:
    key = jax.random.key(seed)
    k1, k2, k3, k4, k5 = jax.random.split(key, 5)
    user = jax.random.randint(k1, (BATCH,), 0, USER_NUM)
    item_i = jax.random.randint(k2, (BATCH,), 0, ITEM_NUM)
    item_j = jax.random.randint(k3, (BATCH,), 0, ITEM_NUM)
    # embedding tables initialized with std=0.01 as in _init_weight_
    embed_user = jax.random.normal(k4, (USER_NUM, FACTOR), dtype=jnp.float32) * 0.01
    embed_item = jax.random.normal(k5, (ITEM_NUM, FACTOR), dtype=jnp.float32) * 0.01
    return {"user": user, "item_i": item_i, "item_j": item_j,
            "embed_user": embed_user, "embed_item": embed_item}


def _forward_one_item(embed_user, embed_item, user, item):
    eu = jnp.take(embed_user, user, axis=0)
    ei = jnp.take(embed_item, item, axis=0)
    pred = eu * ei
    pred = jnp.sum(pred, axis=1)
    return pred.reshape(-1)


def reference(user, item_i, item_j, embed_user, embed_item):
    prediction_i = _forward_one_item(embed_user, embed_item, user, item_i)
    prediction_j = _forward_one_item(embed_user, embed_item, user, item_j)
    return (prediction_i, prediction_j)

if __name__ == "__main__":
    import jax
    _d = setup_inputs()
    print(jax.jit(kernel)(*tuple(_d.values())))

</pallas_src>

<mosaic_0001>
#map = affine_map<(d0, d1) -> (0)>
#map1 = affine_map<(d0, d1) -> (0, 0)>
module attributes {stable_mosaic.version = 14 : i64} {
  func.func @_body(%arg0: i32, %arg1: i32, %arg2: memref<16384xi32, #tpu.memory_space<hbm>>, %arg3: memref<16384xi32, #tpu.memory_space<hbm>>, %arg4: memref<16384xi32, #tpu.memory_space<hbm>>, %arg5: memref<32x1000000xf32, #tpu.memory_space<hbm>>, %arg6: memref<32x1000000xf32, #tpu.memory_space<hbm>>, %arg7: memref<16384xf32, #tpu.memory_space<hbm>>, %arg8: memref<16384xf32, #tpu.memory_space<hbm>>, %arg9: memref<528xi32, #tpu.memory_space<vmem>>, %arg10: memref<528xi32, #tpu.memory_space<vmem>>, %arg11: memref<528xi32, #tpu.memory_space<vmem>>, %arg12: memref<32x128xf32, #tpu.memory_space<vmem>>, %arg13: memref<32x128xf32, #tpu.memory_space<vmem>>, %arg14: memref<32x128xf32, #tpu.memory_space<vmem>>, %arg15: memref<32x128xf32, #tpu.memory_space<vmem>>, %arg16: memref<32x128xf32, #tpu.memory_space<vmem>>, %arg17: memref<32x128xf32, #tpu.memory_space<vmem>>, %arg18: memref<512xf32, #tpu.memory_space<vmem>>, %arg19: memref<512xf32, #tpu.memory_space<vmem>>, %arg20: memref<!tpu.dma_semaphore, #tpu.memory_space<semaphore_mem>>, %arg21: memref<!tpu.dma_semaphore, #tpu.memory_space<semaphore_mem>>) attributes {dimension_semantics = [#tpu.dimension_semantics<core_parallel>, #tpu.dimension_semantics<subcore_parallel>], iteration_bounds = array<i64: 2, 16>, scalar_prefetch = 0 : i64, scratch_operands = 13 : i64, tpu.core_type = #tpu.core_type<sc_vector_subcore>, window_params = [{transform_indices = #map}, {transform_indices = #map}, {transform_indices = #map}, {transform_indices = #map1}, {transform_indices = #map1}, {transform_indices = #map}, {transform_indices = #map}]} {
    %mul3A = arith.constant 2 : i32
    %mul3A_0 = arith.muli %arg1, %mul3A : i32
    %add3A = arith.addi %mul3A_0, %arg0 : i32
    %mul3A_1 = arith.constant 512 : i32
    %mul3A_2 = arith.muli %add3A, %mul3A_1 : i32
    "tpu.region"() ({
      %run_scoped3A = tpu.sem_alloc : memref<!tpu.dma_semaphore, #tpu.memory_space<semaphore_mem>>
      %dma_start3A_100 = arith.constant 0 : i32
      %dma_start3A_101 = tpu.memref_slice %arg9[%dma_start3A_100] : memref<528xi32, #tpu.memory_space<vmem>> -> memref<512xi32, #tpu.memory_space<vmem>>
      %dma_start3A_102 = tpu.memref_slice %arg2[%mul3A_2] : memref<16384xi32, #tpu.memory_space<hbm>> -> memref<512xi32, #tpu.memory_space<hbm>>
      %dma_start3A_103 = arith.constant 0 : i32
      %dma_start3A_104 = tpu.memref_slice %arg9[%dma_start3A_103] : memref<528xi32, #tpu.memory_space<vmem>> -> memref<512xi32, #tpu.memory_space<vmem>>
      %dma_start3A_105 = tpu.memref_slice %arg2[%mul3A_2] : memref<16384xi32, #tpu.memory_space<hbm>> -> memref<512xi32, #tpu.memory_space<hbm>>
      tpu.enqueue_dma source(%dma_start3A_105 : memref<512xi32, #tpu.memory_space<hbm>>) target(%dma_start3A_104 : memref<512xi32, #tpu.memory_space<vmem>>) target_semaphore(%run_scoped3A : memref<!tpu.dma_semaphore, #tpu.memory_space<semaphore_mem>>)
      %dma_wait3A = arith.constant 0 : i32
      %dma_wait3A_106 = tpu.memref_slice %arg9[%dma_wait3A] : memref<528xi32, #tpu.memory_space<vmem>> -> memref<512xi32, #tpu.memory_space<vmem>>
      %dma_wait3A_107 = tpu.memref_slice %arg2[%mul3A_2] : memref<16384xi32, #tpu.memory_space<hbm>> -> memref<512xi32, #tpu.memory_space<hbm>>
      %dma_wait3A_108 = arith.constant 0 : i32
      %dma_wait3A_109 = tpu.memref_slice %arg9[%dma_wait3A_108] : memref<528xi32, #tpu.memory_space<vmem>> -> memref<512xi32, #tpu.memory_space<vmem>>
      %dma_wait3A_110 = tpu.memref_slice %arg2[%mul3A_2] : memref<16384xi32, #tpu.memory_space<hbm>> -> memref<512xi32, #tpu.memory_space<hbm>>
      tpu.wait_dma2 semaphore(%run_scoped3A : memref<!tpu.dma_semaphore, #tpu.memory_space<semaphore_mem>>) src(%dma_wait3A_110 : memref<512xi32, #tpu.memory_space<hbm>>) dst(%dma_wait3A_109 : memref<512xi32, #tpu.memory_space<vmem>>)
      tpu.yield
    }) : () -> ()
    "tpu.region"() ({
      %run_scoped3A = tpu.sem_alloc : memref<!tpu.dma_semaphore, #tpu.memory_space<semaphore_mem>>
      %dma_start3A_100 = arith.constant 0 : i32
      %dma_start3A_101 = tpu.memref_slice %arg10[%dma_start3A_100] : memref<528xi32, #tpu.memory_space<vmem>> -> memref<512xi32, #tpu.memory_space<vmem>>
      %dma_start3A_102 = tpu.memref_slice %arg3[%mul3A_2] : memref<16384xi32, #tpu.memory_space<hbm>> -> memref<512xi32, #tpu.memory_space<hbm>>
      %dma_start3A_103 = arith.constant 0 : i32
      %dma_start3A_104 = tpu.memref_slice %arg10[%dma_start3A_103] : memref<528xi32, #tpu.memory_space<vmem>> -> memref<512xi32, #tpu.memory_space<vmem>>
      %dma_start3A_105 = tpu.memref_slice %arg3[%mul3A_2] : memref<16384xi32, #tpu.memory_space<hbm>> -> memref<512xi32, #tpu.memory_space<hbm>>
      tpu.enqueue_dma source(%dma_start3A_105 : memref<512xi32, #tpu.memory_space<hbm>>) target(%dma_start3A_104 : memref<512xi32, #tpu.memory_space<vmem>>) target_semaphore(%run_scoped3A : memref<!tpu.dma_semaphore, #tpu.memory_space<semaphore_mem>>)
      %dma_wait3A = arith.constant 0 : i32
      %dma_wait3A_106 = tpu.memref_slice %arg10[%dma_wait3A] : memref<528xi32, #tpu.memory_space<vmem>> -> memref<512xi32, #tpu.memory_space<vmem>>
      %dma_wait3A_107 = tpu.memref_slice %arg3[%mul3A_2] : memref<16384xi32, #tpu.memory_space<hbm>> -> memref<512xi32, #tpu.memory_space<hbm>>
      %dma_wait3A_108 = arith.constant 0 : i32
      %dma_wait3A_109 = tpu.memref_slice %arg10[%dma_wait3A_108] : memref<528xi32, #tpu.memory_space<vmem>> -> memref<512xi32, #tpu.memory_space<vmem>>
      %dma_wait3A_110 = tpu.memref_slice %arg3[%mul3A_2] : memref<16384xi32, #tpu.memory_space<hbm>> -> memref<512xi32, #tpu.memory_space<hbm>>
      tpu.wait_dma2 semaphore(%run_scoped3A : memref<!tpu.dma_semaphore, #tpu.memory_space<semaphore_mem>>) src(%dma_wait3A_110 : memref<512xi32, #tpu.memory_space<hbm>>) dst(%dma_wait3A_109 : memref<512xi32, #tpu.memory_space<vmem>>)
      tpu.yield
    }) : () -> ()
    "tpu.region"() ({
      %run_scoped3A = tpu.sem_alloc : memref<!tpu.dma_semaphore, #tpu.memory_space<semaphore_mem>>
      %dma_start3A_100 = arith.constant 0 : i32
      %dma_start3A_101 = tpu.memref_slice %arg11[%dma_start3A_100] : memref<528xi32, #tpu.memory_space<vmem>> -> memref<512xi32, #tpu.memory_space<vmem>>
      %dma_start3A_102 = tpu.memref_slice %arg4[%mul3A_2] : memref<16384xi32, #tpu.memory_space<hbm>> -> memref<512xi32, #tpu.memory_space<hbm>>
      %dma_start3A_103 = arith.constant 0 : i32
      %dma_start3A_104 = tpu.memref_slice %arg11[%dma_start3A_103] : memref<528xi32, #tpu.memory_space<vmem>> -> memref<512xi32, #tpu.memory_space<vmem>>
      %dma_start3A_105 = tpu.memref_slice %arg4[%mul3A_2] : memref<16384xi32, #tpu.memory_space<hbm>> -> memref<512xi32, #tpu.memory_space<hbm>>
      tpu.enqueue_dma source(%dma_start3A_105 : memref<512xi32, #tpu.memory_space<hbm>>) target(%dma_start3A_104 : memref<512xi32, #tpu.memory_space<vmem>>) target_semaphore(%run_scoped3A : memref<!tpu.dma_semaphore, #tpu.memory_space<semaphore_mem>>)
      %dma_wait3A = arith.constant 0 : i32
      %dma_wait3A_106 = tpu.memref_slice %arg11[%dma_wait3A] : memref<528xi32, #tpu.memory_space<vmem>> -> memref<512xi32, #tpu.memory_space<vmem>>
      %dma_wait3A_107 = tpu.memref_slice %arg4[%mul3A_2] : memref<16384xi32, #tpu.memory_space<hbm>> -> memref<512xi32, #tpu.memory_space<hbm>>
      %dma_wait3A_108 = arith.constant 0 : i32
      %dma_wait3A_109 = tpu.memref_slice %arg11[%dma_wait3A_108] : memref<528xi32, #tpu.memory_space<vmem>> -> memref<512xi32, #tpu.memory_space<vmem>>
      %dma_wait3A_110 = tpu.memref_slice %arg4[%mul3A_2] : memref<16384xi32, #tpu.memory_space<hbm>> -> memref<512xi32, #tpu.memory_space<hbm>>
      tpu.wait_dma2 semaphore(%run_scoped3A : memref<!tpu.dma_semaphore, #tpu.memory_space<semaphore_mem>>) src(%dma_wait3A_110 : memref<512xi32, #tpu.memory_space<hbm>>) dst(%dma_wait3A_109 : memref<512xi32, #tpu.memory_space<vmem>>)
      tpu.yield
    }) : () -> ()
    %get3A = arith.constant 0 : index
    %get3A_3 = tpu.vector_load %arg9[%get3A] {strides = array<i32>} : memref<528xi32, #tpu.memory_space<vmem>>, vector<16xi32>,
    %get3A_4 = arith.constant 0 : index
    %get3A_5 = tpu.vector_load %arg10[%get3A_4] {strides = array<i32>} : memref<528xi32, #tpu.memory_space<vmem>>, vector<16xi32>,
    %get3A_6 = arith.constant 0 : index
    %get3A_7 = tpu.vector_load %arg11[%get3A_6] {strides = array<i32>} : memref<528xi32, #tpu.memory_space<vmem>>, vector<16xi32>,
    %slice3A = vector.extract_strided_slice %get3A_3 {offsets = [0], sizes = [1], strides = [1]} : vector<16xi32> to vector<1xi32>
    %squeeze3A = vector.extract %slice3A[0] : i32 from vector<1xi32>
    %slice3A_8 = vector.extract_strided_slice %get3A_5 {offsets = [0], sizes = [1], strides = [1]} : vector<16xi32> to vector<1xi32>
    %squeeze3A_9 = vector.extract %slice3A_8[0] : i32 from vector<1xi32>
    %slice3A_10 = vector.extract_strided_slice %get3A_7 {offsets = [0], sizes = [1], strides = [1]} : vector<16xi32> to vector<1xi32>
    %squeeze3A_11 = vector.extract %slice3A_10[0] : i32 from vector<1xi32>
    %jit3A = arith.constant 128 : i32
    %div3A = arith.divsi %squeeze3A, %jit3A : i32
    %sign3A = arith.constant 0 : i32
    %sign3A_12 = arith.cmpi sgt, %squeeze3A, %sign3A : i32
    %sign3A_13 = arith.extui %sign3A_12 : i1 to i32
    %sign3A_14 = arith.constant 0 : i32
    %sign3A_15 = arith.cmpi slt, %squeeze3A, %sign3A_14 : i32
    %sign3A_16 = arith.extui %sign3A_15 : i1 to i32
    %sign3A_17 = arith.subi %sign3A_13, %sign3A_16 : i32
    %sign3A_18 = arith.constant 0 : i32
    %sign3A_19 = arith.cmpi sgt, %jit3A, %sign3A_18 : i32
    %sign3A_20 = arith.extui %sign3A_19 : i1 to i32
    %sign3A_21 = arith.constant 0 : i32
    %sign3A_22 = arith.cmpi slt, %jit3A, %sign3A_21 : i32
    %sign3A_23 = arith.extui %sign3A_22 : i1 to i32
    %sign3A_24 = arith.subi %sign3A_20, %sign3A_23 : i32
    %ne3A = arith.cmpi ne, %sign3A_17, %sign3A_24 : i32
    %rem3A = arith.remsi %squeeze3A, %jit3A : i32
    %ne3A_25 = arith.constant 0 : i32
    %ne3A_26 = arith.cmpi ne, %rem3A, %ne3A_25 : i32
    %and3A = arith.andi %ne3A, %ne3A_26 : i1
    %sub3A = arith.constant 1 : i32
    %sub3A_27 = arith.subi %div3A, %sub3A : i32
    %select_n3A = arith.select %and3A, %sub3A_27, %div3A : i32
    %mul3A_28 = arith.constant 128 : i32
    %mul3A_29 = arith.muli %select_n3A, %mul3A_28 : i32
    %multiple_of3A = tpu.assume_multiple %mul3A_29, 128 : i32
    %jit3A_30 = arith.constant 128 : i32
    %div3A_31 = arith.divsi %squeeze3A_9, %jit3A_30 : i32
    %sign3A_32 = arith.constant 0 : i32
    %sign3A_33 = arith.cmpi sgt, %squeeze3A_9, %sign3A_32 : i32
    %sign3A_34 = arith.extui %sign3A_33 : i1 to i32
    %sign3A_35 = arith.constant 0 : i32
    %sign3A_36 = arith.cmpi slt, %squeeze3A_9, %sign3A_35 : i32
    %sign3A_37 = arith.extui %sign3A_36 : i1 to i32
    %sign3A_38 = arith.subi %sign3A_34, %sign3A_37 : i32
    %sign3A_39 = arith.constant 0 : i32
    %sign3A_40 = arith.cmpi sgt, %jit3A_30, %sign3A_39 : i32
    %sign3A_41 = arith.extui %sign3A_40 : i1 to i32
    %sign3A_42 = arith.constant 0 : i32
    %sign3A_43 = arith.cmpi slt, %jit3A_30, %sign3A_42 : i32
    %sign3A_44 = arith.extui %sign3A_43 : i1 to i32
    %sign3A_45 = arith.subi %sign3A_41, %sign3A_44 : i32
    %ne3A_46 = arith.cmpi ne, %sign3A_38, %sign3A_45 : i32
    %rem3A_47 = arith.remsi %squeeze3A_9, %jit3A_30 : i32
    %ne3A_48 = arith.constant 0 : i32
    %ne3A_49 = arith.cmpi ne, %rem3A_47, %ne3A_48 : i32
    %and3A_50 = arith.andi %ne3A_46, %ne3A_49 : i1
    %sub3A_51 = arith.constant 1 : i32
    %sub3A_52 = arith.subi %div3A_31, %sub3A_51 : i32
    %select_n3A_53 = arith.select %and3A_50, %sub3A_52, %div3A_31 : i32
    %mul3A_54 = arith.constant 128 : i32
    %mul3A_55 = arith.muli %select_n3A_53, %mul3A_54 : i32
    %multiple_of3A_56 = tpu.assume_multiple %mul3A_55, 128 : i32
    %jit3A_57 = arith.constant 128 : i32
    %div3A_58 = arith.divsi %squeeze3A_11, %jit3A_57 : i32
    %sign3A_59 = arith.constant 0 : i32
    %sign3A_60 = arith.cmpi sgt, %squeeze3A_11, %sign3A_59 : i32
    %sign3A_61 = arith.extui %sign3A_60 : i1 to i32
    %sign3A_62 = arith.constant 0 : i32
    %sign3A_63 = arith.cmpi slt, %squeeze3A_11, %sign3A_62 : i32
    %sign3A_64 = arith.extui %sign3A_63 : i1 to i32
    %sign3A_65 = arith.subi %sign3A_61, %sign3A_64 : i32
    %sign3A_66 = arith.constant 0 : i32
    %sign3A_67 = arith.cmpi sgt, %jit3A_57, %sign3A_66 : i32
    %sign3A_68 = arith.extui %sign3A_67 : i1 to i32
    %sign3A_69 = arith.constant 0 : i32
    %sign3A_70 = arith.cmpi slt, %jit3A_57, %sign3A_69 : i32
    %sign3A_71 = arith.extui %sign3A_70 : i1 to i32
    %sign3A_72 = arith.subi %sign3A_68, %sign3A_71 : i32
    %ne3A_73 = arith.cmpi ne, %sign3A_65, %sign3A_72 : i32
    %rem3A_74 = arith.remsi %squeeze3A_11, %jit3A_57 : i32
    %ne3A_75 = arith.constant 0 : i32
    %ne3A_76 = arith.cmpi ne, %rem3A_74, %ne3A_75 : i32
    %and3A_77 = arith.andi %ne3A_73, %ne3A_76 : i1
    %sub3A_78 = arith.constant 1 : i32
    %sub3A_79 = arith.subi %div3A_58, %sub3A_78 : i32
    %select_n3A_80 = arith.select %and3A_77, %sub3A_79, %div3A_58 : i32
    %mul3A_81 = arith.constant 128 : i32
    %mul3A_82 = arith.muli %select_n3A_80, %mul3A_81 : i32
    %multiple_of3A_83 = tpu.assume_multiple %mul3A_82, 128 : i32
    %dma_start3A = arith.constant 0 : i32
    %dma_start3A_84 = tpu.memref_slice %arg5[%dma_start3A, %multiple_of3A] : memref<32x1000000xf32, #tpu.memory_space<hbm>> -> memref<32x128xf32, #tpu.memory_space<hbm>>
    %dma_start3A_85 = arith.constant 0 : i32
    %dma_start3A_86 = tpu.memref_slice %arg5[%dma_start3A_85, %multiple_of3A] : memref<32x1000000xf32, #tpu.memory_space<hbm>> -> memref<32x128xf32, #tpu.memory_space<hbm>>
    tpu.enqueue_dma source(%dma_start3A_86 : memref<32x128xf32, #tpu.memory_space<hbm>>) target(%arg12 : memref<32x128xf32, #tpu.memory_space<vmem>>) target_semaphore(%arg20 : memref<!tpu.dma_semaphore, #tpu.memory_space<semaphore_mem>>)
    %dma_start3A_87 = arith.constant 0 : i32
    %dma_start3A_88 = tpu.memref_slice %arg6[%dma_start3A_87, %multiple_of3A_56] : memref<32x1000000xf32, #tpu.memory_space<hbm>> -> memref<32x128xf32, #tpu.memory_space<hbm>>
    %dma_start3A_89 = arith.constant 0 : i32
    %dma_start3A_90 = tpu.memref_slice %arg6[%dma_start3A_89, %multiple_of3A_56] : memref<32x1000000xf32, #tpu.memory_space<hbm>> -> memref<32x128xf32, #tpu.memory_space<hbm>>
    tpu.enqueue_dma source(%dma_start3A_90 : memref<32x128xf32, #tpu.memory_space<hbm>>) target(%arg14 : memref<32x128xf32, #tpu.memory_space<vmem>>) target_semaphore(%arg20 : memref<!tpu.dma_semaphore, #tpu.memory_space<semaphore_mem>>)
    %dma_start3A_91 = arith.constant 0 : i32
    %dma_start3A_92 = tpu.memref_slice %arg6[%dma_start3A_91, %multiple_of3A_83] : memref<32x1000000xf32, #tpu.memory_space<hbm>> -> memref<32x128xf32, #tpu.memory_space<hbm>>
    %dma_start3A_93 = arith.constant 0 : i32
    %dma_start3A_94 = tpu.memref_slice %arg6[%dma_start3A_93, %multiple_of3A_83] : memref<32x1000000xf32, #tpu.memory_space<hbm>> -> memref<32x128xf32, #tpu.memory_space<hbm>>
    tpu.enqueue_dma source(%dma_start3A_94 : memref<32x128xf32, #tpu.memory_space<hbm>>) target(%arg16 : memref<32x128xf32, #tpu.memory_space<vmem>>) target_semaphore(%arg20 : memref<!tpu.dma_semaphore, #tpu.memory_space<semaphore_mem>>)
    %scan3A = arith.constant 0 : i32
    %scan3A_95 = arith.constant 0 : i32
    %scan3A_96 = arith.constant 32 : i32
    %scan3A_97 = arith.addi %scan3A_95, %scan3A_96 : i32
    %scan3A_98 = arith.constant 1 : i32
    scf.for %scan3A_100 = %scan3A_95 to %scan3A_97 step %scan3A_98  : i32 {
      %mul3A_101 = arith.constant 16 : i32
      %mul3A_102 = arith.muli %scan3A_100, %mul3A_101 : i32
      %get3A_103 = arith.index_cast %mul3A_102 : i32 to index
      %get3A_104 = tpu.vector_load %arg9[%get3A_103] {strides = array<i32>} : memref<528xi32, #tpu.memory_space<vmem>>, vector<16xi32>,
      %get3A_105 = arith.index_cast %mul3A_102 : i32 to index
      %get3A_106 = tpu.vector_load %arg10[%get3A_105] {strides = array<i32>} : memref<528xi32, #tpu.memory_space<vmem>>, vector<16xi32>,
      %get3A_107 = arith.index_cast %mul3A_102 : i32 to index
      %get3A_108 = tpu.vector_load %arg11[%get3A_107] {strides = array<i32>} : memref<528xi32, #tpu.memory_space<vmem>>, vector<16xi32>,
      %add3A_109 = arith.constant 16 : i32
      %add3A_110 = arith.addi %mul3A_102, %add3A_109 : i32
      %get3A_111 = arith.index_cast %add3A_110 : i32 to index
      %get3A_112 = tpu.vector_load %arg9[%get3A_111] {strides = array<i32>} : memref<528xi32, #tpu.memory_space<vmem>>, vector<16xi32>,
      %add3A_113 = arith.constant 16 : i32
      %add3A_114 = arith.addi %mul3A_102, %add3A_113 : i32
      %get3A_115 = arith.index_cast %add3A_114 : i32 to index
      %get3A_116 = tpu.vector_load %arg10[%get3A_115] {strides = array<i32>} : memref<528xi32, #tpu.memory_space<vmem>>, vector<16xi32>,
      %add3A_117 = arith.constant 16 : i32
      %add3A_118 = arith.addi %mul3A_102, %add3A_117 : i32
      %get3A_119 = arith.index_cast %add3A_118 : i32 to index
      %get3A_120 = tpu.vector_load %arg11[%get3A_119] {strides = array<i32>} : memref<528xi32, #tpu.memory_space<vmem>>, vector<16xi32>,
      %broadcast_in_dim3A = arith.constant 0.000000e+00 : f32
      %broadcast_in_dim3A_121 = vector.broadcast %broadcast_in_dim3A : f32 to vector<16xf32>
      %broadcast_in_dim3A_122 = arith.constant 0.000000e+00 : f32
      %broadcast_in_dim3A_123 = vector.broadcast %broadcast_in_dim3A_122 : f32 to vector<16xf32>
      %iota3A = tpu.iota {dimensions = array<i32: 0>} : vector<16xi32>
      %add3A_124 = arith.constant 0 : i32
      %add3A_125 = arith.addi %mul3A_102, %add3A_124 : i32
      %slice3A_126 = vector.extract_strided_slice %get3A_104 {offsets = [1], sizes = [1], strides = [1]} : vector<16xi32> to vector<1xi32>
      %squeeze3A_127 = vector.extract %slice3A_126[0] : i32 from vector<1xi32>
      %slice3A_128 = vector.extract_strided_slice %get3A_106 {offsets = [1], sizes = [1], strides = [1]} : vector<16xi32> to vector<1xi32>
      %squeeze3A_129 = vector.extract %slice3A_128[0] : i32 from vector<1xi32>
      %slice3A_130 = vector.extract_strided_slice %get3A_108 {offsets = [1], sizes = [1], strides = [1]} : vector<16xi32> to vector<1xi32>
      %squeeze3A_131 = vector.extract %slice3A_130[0] : i32 from vector<1xi32>
      %add3A_132 = arith.constant 1 : i32
      %add3A_133 = arith.addi %add3A_125, %add3A_132 : i32
      %lt3A = arith.constant 512 : i32
      %lt3A_134 = arith.cmpi slt, %add3A_133, %lt3A : i32
      %convert_element_type3A = arith.extui %lt3A_134 : i1 to i32
      %cond3A = arith.constant 0 : i32
      %cond3A_135 = arith.cmpi ne, %convert_element_type3A, %cond3A : i32
      scf.if %cond3A_135 {
        %jit3A_1560 = arith.constant 128 : i32
        %div3A_1561 = arith.divsi %squeeze3A_127, %jit3A_1560 : i32
        %sign3A_1562 = arith.constant 0 : i32
        %sign3A_1563 = arith.cmpi sgt, %squeeze3A_127, %sign3A_1562 : i32
        %sign3A_1564 = arith.extui %sign3A_1563 : i1 to i32
        %sign3A_1565 = arith.constant 0 : i32
        %sign3A_1566 = arith.cmpi slt, %squeeze3A_127, %sign3A_1565 : i32
        %sign3A_1567 = arith.extui %sign3A_1566 : i1 to i32
        %sign3A_1568 = arith.subi %sign3A_1564, %sign3A_1567 : i32
        %sign3A_1569 = arith.constant 0 : i32
        %sign3A_1570 = arith.cmpi sgt, %jit3A_1560, %sign3A_1569 : i32
        %sign3A_1571 = arith.extui %sign3A_1570 : i1 to i32
        %sign3A_1572 = arith.constant 0 : i32
        %sign3A_1573 = arith.cmpi slt, %jit3A_1560, %sign3A_1572 : i32
        %sign3A_1574 = arith.extui %sign3A_1573 : i1 to i32
        %sign3A_1575 = arith.subi %sign3A_1571, %sign3A_1574 : i32
        %ne3A_1576 = arith.cmpi ne, %sign3A_1568, %sign3A_1575 : i32
        %rem3A_1577 = arith.remsi %squeeze3A_127, %jit3A_1560 : i32
        %ne3A_1578 = arith.constant 0 : i32
        %ne3A_1579 = arith.cmpi ne, %rem3A_1577, %ne3A_1578 : i32
        %and3A_1580 = arith.andi %ne3A_1576, %ne3A_1579 : i1
        %sub3A_1581 = arith.constant 1 : i32
        %sub3A_1582 = arith.subi %div3A_1561, %sub3A_1581 : i32
        %select_n3A_1583 = arith.select %and3A_1580, %sub3A_1582, %div3A_1561 : i32
        %mul3A_1584 = arith.constant 128 : i32
        %mul3A_1585 = arith.muli %select_n3A_1583, %mul3A_1584 : i32
        %multiple_of3A_1586 = tpu.assume_multiple %mul3A_1585, 128 : i32
        %jit3A_1587 = arith.constant 128 : i32
        %div3A_1588 = arith.divsi %squeeze3A_129, %jit3A_1587 : i32
        %sign3A_1589 = arith.constant 0 : i32
        %sign3A_1590 = arith.cmpi sgt, %squeeze3A_129, %sign3A_1589 : i32
        %sign3A_1591 = arith.extui %sign3A_1590 : i1 to i32
        %sign3A_1592 = arith.constant 0 : i32
        %sign3A_1593 = arith.cmpi slt, %squeeze3A_129, %sign3A_1592 : i32
        %sign3A_1594 = arith.extui %sign3A_1593 : i1 to i32
        %sign3A_1595 = arith.subi %sign3A_1591, %sign3A_1594 : i32
        %sign3A_1596 = arith.constant 0 : i32
        %sign3A_1597 = arith.cmpi sgt, %jit3A_1587, %sign3A_1596 : i32
        %sign3A_1598 = arith.extui %sign3A_1597 : i1 to i32
        %sign3A_1599 = arith.constant 0 : i32
        %sign3A_1600 = arith.cmpi slt, %jit3A_1587, %sign3A_1599 : i32
        %sign3A_1601 = arith.extui %sign3A_1600 : i1 to i32
        %sign3A_1602 = arith.subi %sign3A_1598, %sign3A_1601 : i32
        %ne3A_1603 = arith.cmpi ne, %sign3A_1595, %sign3A_1602 : i32
        %rem3A_1604 = arith.remsi %squeeze3A_129, %jit3A_1587 : i32
        %ne3A_1605 = arith.constant 0 : i32
        %ne3A_1606 = arith.cmpi ne, %rem3A_1604, %ne3A_1605 : i32
        %and3A_1607 = arith.andi %ne3A_1603, %ne3A_1606 : i1
        %sub3A_1608 = arith.constant 1 : i32
        %sub3A_1609 = arith.subi %div3A_1588, %sub3A_1608 : i32
        %select_n3A_1610 = arith.select %and3A_1607, %sub3A_1609, %div3A_1588 : i32
        %mul3A_1611 = arith.constant 128 : i32
        %mul3A_1612 = arith.muli %select_n3A_1610, %mul3A_1611 : i32
        %multiple_of3A_1613 = tpu.assume_multiple %mul3A_1612, 128 : i32
        %jit3A_1614 = arith.constant 128 : i32
        %div3A_1615 = arith.divsi %squeeze3A_131, %jit3A_1614 : i32
        %sign3A_1616 = arith.constant 0 : i32
        %sign3A_1617 = arith.cmpi sgt, %squeeze3A_131, %sign3A_1616 : i32
        %sign3A_1618 = arith.extui %sign3A_1617 : i1 to i32
        %sign3A_1619 = arith.constant 0 : i32
        %sign3A_1620 = arith.cmpi slt, %squeeze3A_131, %sign3A_1619 : i32
        %sign3A_1621 = arith.extui %sign3A_1620 : i1 to i32
        %sign3A_1622 = arith.subi %sign3A_1618, %sign3A_1621 : i32
        %sign3A_1623 = arith.constant 0 : i32
        %sign3A_1624 = arith.cmpi sgt, %jit3A_1614, %sign3A_1623 : i32
        %sign3A_1625 = arith.extui %sign3A_1624 : i1 to i32
        %sign3A_1626 = arith.constant 0 : i32
        %sign3A_1627 = arith.cmpi slt, %jit3A_1614, %sign3A_1626 : i32
        %sign3A_1628 = arith.extui %sign3A_1627 : i1 to i32
        %sign3A_1629 = arith.subi %sign3A_1625, %sign3A_1628 : i32
        %ne3A_1630 = arith.cmpi ne, %sign3A_1622, %sign3A_1629 : i32
        %rem3A_1631 = arith.remsi %squeeze3A_131, %jit3A_1614 : i32
        %ne3A_1632 = arith.constant 0 : i32
        %ne3A_1633 = arith.cmpi ne, %rem3A_1631, %ne3A_1632 : i32
        %and3A_1634 = arith.andi %ne3A_1630, %ne3A_1633 : i1
        %sub3A_1635 = arith.constant 1 : i32
        %sub3A_1636 = arith.subi %div3A_1615, %sub3A_1635 : i32
        %select_n3A_1637 = arith.select %and3A_1634, %sub3A_1636, %div3A_1615 : i32
        %mul3A_1638 = arith.constant 128 : i32
        %mul3A_1639 = arith.muli %select_n3A_1637, %mul3A_1638 : i32
        %multiple_of3A_1640 = tpu.assume_multiple %mul3A_1639, 128 : i32
        %dma_start3A_1641 = arith.constant 0 : i32
        %dma_start3A_1642 = tpu.memref_slice %arg5[%dma_start3A_1641, %multiple_of3A_1586] : memref<32x1000000xf32, #tpu.memory_space<hbm>> -> memref<32x128xf32, #tpu.memory_space<hbm>>
        %dma_start3A_1643 = arith.constant 0 : i32
        %dma_start3A_1644 = tpu.memref_slice %arg5[%dma_start3A_1643, %multiple_of3A_1586] : memref<32x1000000xf32, #tpu.memory_space<hbm>> -> memref<32x128xf32, #tpu.memory_space<hbm>>
        tpu.enqueue_dma source(%dma_start3A_1644 : memref<32x128xf32, #tpu.memory_space<hbm>>) target(%arg13 : memref<32x128xf32, #tpu.memory_space<vmem>>) target_semaphore(%arg21 : memref<!tpu.dma_semaphore, #tpu.memory_space<semaphore_mem>>)
        %dma_start3A_1645 = arith.constant 0 : i32
        %dma_start3A_1646 = tpu.memref_slice %arg6[%dma_start3A_1645, %multiple_of3A_1613] : memref<32x1000000xf32, #tpu.memory_space<hbm>> -> memref<32x128xf32, #tpu.memory_space<hbm>>
        %dma_start3A_1647 = arith.constant 0 : i32
        %dma_start3A_1648 = tpu.memref_slice %arg6[%dma_start3A_1647, %multiple_of3A_1613] : memref<32x1000000xf32, #tpu.memory_space<hbm>> -> memref<32x128xf32, #tpu.memory_space<hbm>>
        tpu.enqueue_dma source(%dma_start3A_1648 : memref<32x128xf32, #tpu.memory_space<hbm>>) target(%arg15 : memref<32x128xf32, #tpu.memory_space<vmem>>) target_semaphore(%arg21 : memref<!tpu.dma_semaphore, #tpu.memory_space<semaphore_mem>>)
        %dma_start3A_1649 = arith.constant 0 : i32
        %dma_start3A_1650 = tpu.memref_slice %arg6[%dma_start3A_1649, %multiple_of3A_1640] : memref<32x1000000xf32, #tpu.memory_space<hbm>> -> memref<32x128xf32, #tpu.memory_space<hbm>>
        %dma_start3A_1651 = arith.constant 0 : i32
        %dma_start3A_1652 = tpu.memref_slice %arg6[%dma_start3A_1651, %multiple_of3A_1640] : memref<32x1000000xf32, #tpu.memory_space<hbm>> -> memref<32x128xf32, #tpu.memory_space<hbm>>
        tpu.enqueue_dma source(%dma_start3A_1652 : memref<32x128xf32, #tpu.memory_space<hbm>>) target(%arg17 : memref<32x128xf32, #tpu.memory_space<vmem>>) target_semaphore(%arg21 : memref<!tpu.dma_semaphore, #tpu.memory_space<semaphore_mem>>)
      } else {
      }
      %dma_wait3A = arith.constant 0 : i32
      %dma_wait3A_136 = arith.constant 0 : i32
      %dma_wait3A_137 = tpu.memref_slice %arg5[%dma_wait3A, %dma_wait3A_136] : memref<32x1000000xf32, #tpu.memory_space<hbm>> -> memref<32x128xf32, #tpu.memory_space<hbm>>
      %dma_wait3A_138 = arith.constant 0 : i32
      %dma_wait3A_139 = arith.constant 0 : i32
      %dma_wait3A_140 = tpu.memref_slice %arg5[%dma_wait3A_138, %dma_wait3A_139] : memref<32x1000000xf32, #tpu.memory_space<hbm>> -> memref<32x128xf32, #tpu.memory_space<hbm>>
      tpu.wait_dma2 semaphore(%arg20 : memref<!tpu.dma_semaphore, #tpu.memory_space<semaphore_mem>>) src(%dma_wait3A_140 : memref<32x128xf32, #tpu.memory_space<hbm>>) dst(%arg12 : memref<32x128xf32, #tpu.memory_space<vmem>>)
      %dma_wait3A_141 = arith.constant 0 : i32
      %dma_wait3A_142 = arith.constant 0 : i32
      %dma_wait3A_143 = tpu.memref_slice %arg5[%dma_wait3A_141, %dma_wait3A_142] : memref<32x1000000xf32, #tpu.memory_space<hbm>> -> memref<32x128xf32, #tpu.memory_space<hbm>>
      %dma_wait3A_144 = arith.constant 0 : i32
      %dma_wait3A_145 = arith.constant 0 : i32
      %dma_wait3A_146 = tpu.memref_slice %arg5[%dma_wait3A_144, %dma_wait3A_145] : memref<32x1000000xf32, #tpu.memory_space<hbm>> -> memref<32x128xf32, #tpu.memory_space<hbm>>
      tpu.wait_dma2 semaphore(%arg20 : memref<!tpu.dma_semaphore, #tpu.memory_space<semaphore_mem>>) src(%dma_wait3A_146 : memref<32x128xf32, #tpu.memory_space<hbm>>) dst(%arg14 : memref<32x128xf32, #tpu.memory_space<vmem>>)
      %dma_wait3A_147 = arith.constant 0 : i32
      %dma_wait3A_148 = arith.constant 0 : i32
      %dma_wait3A_149 = tpu.memref_slice %arg5[%dma_wait3A_147, %dma_wait3A_148] : memref<32x1000000xf32, #tpu.memory_space<hbm>> -> memref<32x128xf32, #tpu.memory_space<hbm>>
      %dma_wait3A_150 = arith.constant 0 : i32
      %dma_wait3A_151 = arith.constant 0 : i32
      %dma_wait3A_152 = tpu.memref_slice %arg5[%dma_wait3A_150, %dma_wait3A_151] : memref<32x1000000xf32, #tpu.memory_space<hbm>> -> memref<32x128xf32, #tpu.memory_space<hbm>>
      tpu.wait_dma2 semaphore(%arg20 : memref<!tpu.dma_semaphore, #tpu.memory_space<semaphore_mem>>) src(%dma_wait3A_152 : memref<32x128xf32, #tpu.memory_space<hbm>>) dst(%arg16 : memref<32x128xf32, #tpu.memory_space<vmem>>)
      %slice3A_153 = vector.extract_strided_slice %get3A_104 {offsets = [0], sizes = [1], strides = [1]} : vector<16xi32> to vector<1xi32>
      %squeeze3A_154 = vector.extract %slice3A_153[0] : i32 from vector<1xi32>
      %rem3A_155 = arith.constant 128 : i32
      %rem3A_156 = arith.remsi %squeeze3A_154, %rem3A_155 : i32
      %broadcast_in_dim3A_157 = vector.broadcast %rem3A_156 : i32 to vector<16xi32>
      %iota3A_158 = tpu.iota {dimensions = array<i32: 0>} : vector<16xi32>
      %gather3A = tpu.vector_load_idx %arg12[%iota3A_158, %broadcast_in_dim3A_157] : memref<32x128xf32, #tpu.memory_space<vmem>>[vector<16xi32>, vector<16xi32>], vector<16xf32>,
      %iota3A_159 = tpu.iota {dimensions = array<i32: 0>} : vector<16xi32>
      %add3A_160 = arith.constant 16 : i32
      %add3A_161 = vector.broadcast %add3A_160 : i32 to vector<16xi32>
      %add3A_162 = arith.addi %iota3A_159, %add3A_161 : vector<16xi32>
      %gather3A_163 = tpu.vector_load_idx %arg12[%add3A_162, %broadcast_in_dim3A_157] : memref<32x128xf32, #tpu.memory_space<vmem>>[vector<16xi32>, vector<16xi32>], vector<16xf32>,
      %slice3A_164 = vector.extract_strided_slice %get3A_106 {offsets = [0], sizes = [1], strides = [1]} : vector<16xi32> to vector<1xi32>
      %squeeze3A_165 = vector.extract %slice3A_164[0] : i32 from vector<1xi32>
      %rem3A_166 = arith.constant 128 : i32
      %rem3A_167 = arith.remsi %squeeze3A_165, %rem3A_166 : i32
      %broadcast_in_dim3A_168 = vector.broadcast %rem3A_167 : i32 to vector<16xi32>
      %iota3A_169 = tpu.iota {dimensions = array<i32: 0>} : vector<16xi32>
      %gather3A_170 = tpu.vector_load_idx %arg14[%iota3A_169, %broadcast_in_dim3A_168] : memref<32x128xf32, #tpu.memory_space<vmem>>[vector<16xi32>, vector<16xi32>], vector<16xf32>,
      %iota3A_171 = tpu.iota {dimensions = array<i32: 0>} : vector<16xi32>
      %add3A_172 = arith.constant 16 : i32
      %add3A_173 = vector.broadcast %add3A_172 : i32 to vector<16xi32>
      %add3A_174 = arith.addi %iota3A_171, %add3A_173 : vector<16xi32>
      %gather3A_175 = tpu.vector_load_idx %arg14[%add3A_174, %broadcast_in_dim3A_168] : memref<32x128xf32, #tpu.memory_space<vmem>>[vector<16xi32>, vector<16xi32>], vector<16xf32>,
      %slice3A_176 = vector.extract_strided_slice %get3A_108 {offsets = [0], sizes = [1], strides = [1]} : vector<16xi32> to vector<1xi32>
      %squeeze3A_177 = vector.extract %slice3A_176[0] : i32 from vector<1xi32>
      %rem3A_178 = arith.constant 128 : i32
      %rem3A_179 = arith.remsi %squeeze3A_177, %rem3A_178 : i32
      %broadcast_in_dim3A_180 = vector.broadcast %rem3A_179 : i32 to vector<16xi32>
      %iota3A_181 = tpu.iota {dimensions = array<i32: 0>} : vector<16xi32>
      %gather3A_182 = tpu.vector_load_idx %arg16[%iota3A_181, %broadcast_in_dim3A_180] : memref<32x128xf32, #tpu.memory_space<vmem>>[vector<16xi32>, vector<16xi32>], vector<16xf32>,
      %iota3A_183 = tpu.iota {dimensions = array<i32: 0>} : vector<16xi32>
      %add3A_184 = arith.constant 16 : i32
      %add3A_185 = vector.broadcast %add3A_184 : i32 to vector<16xi32>
      %add3A_186 = arith.addi %iota3A_183, %add3A_185 : vector<16xi32>
      %gather3A_187 = tpu.vector_load_idx %arg16[%add3A_186, %broadcast_in_dim3A_180] : memref<32x128xf32, #tpu.memory_space<vmem>>[vector<16xi32>, vector<16xi32>], vector<16xf32>,
      %mul3A_188 = arith.mulf %gather3A, %gather3A_170 : vector<16xf32>
      %mul3A_189 = arith.mulf %gather3A_163, %gather3A_175 : vector<16xf32>
      %add3A_190 = arith.addf %mul3A_188, %mul3A_189 : vector<16xf32>
      %reduce_sum3A = arith.constant true
      %reduce_sum3A_191 = vector.broadcast %reduce_sum3A : i1 to vector<16xi1>
      %reduce_sum3A_192 = tpu.scan <sum>, %add3A_190 masked %reduce_sum3A_191 : vector<16xf32>, vector<16xi1> -> vector<16xf32>
      %reduce_sum3A_193 = vector.extract %reduce_sum3A_192[15] : f32 from vector<16xf32>
      %mul3A_194 = arith.mulf %gather3A, %gather3A_182 : vector<16xf32>
      %mul3A_195 = arith.mulf %gather3A_163, %gather3A_187 : vector<16xf32>
      %add3A_196 = arith.addf %mul3A_194, %mul3A_195 : vector<16xf32>
      %reduce_sum3A_197 = arith.constant true
      %reduce_sum3A_198 = vector.broadcast %reduce_sum3A_197 : i1 to vector<16xi1>
      %reduce_sum3A_199 = tpu.scan <sum>, %add3A_196 masked %reduce_sum3A_198 : vector<16xf32>, vector<16xi1> -> vector<16xf32>
      %reduce_sum3A_200 = vector.extract %reduce_sum3A_199[15] : f32 from vector<16xf32>
      %eq3A = arith.constant 0 : i32
      %eq3A_201 = vector.broadcast %eq3A : i32 to vector<16xi32>
      %eq3A_202 = arith.cmpi eq, %iota3A, %eq3A_201 : vector<16xi32>
      %broadcast_in_dim3A_203 = vector.broadcast %reduce_sum3A_193 : f32 to vector<16xf32>
      %select_n3A_204 = arith.select %eq3A_202, %broadcast_in_dim3A_203, %broadcast_in_dim3A_121 : vector<16xi1>, vector<16xf32>
      %broadcast_in_dim3A_205 = vector.broadcast %reduce_sum3A_200 : f32 to vector<16xf32>
      %select_n3A_206 = arith.select %eq3A_202, %broadcast_in_dim3A_205, %broadcast_in_dim3A_123 : vector<16xi1>, vector<16xf32>
      %add3A_207 = arith.constant 1 : i32
      %add3A_208 = arith.addi %mul3A_102, %add3A_207 : i32
      %slice3A_209 = vector.extract_strided_slice %get3A_104 {offsets = [2], sizes = [1], strides = [1]} : vector<16xi32> to vector<1xi32>
      %squeeze3A_210 = vector.extract %slice3A_209[0] : i32 from vector<1xi32>
      %slice3A_211 = vector.extract_strided_slice %get3A_106 {offsets = [2], sizes = [1], strides = [1]} : vector<16xi32> to vector<1xi32>
      %squeeze3A_212 = vector.extract %slice3A_211[0] : i32 from vector<1xi32>
      %slice3A_213 = vector.extract_strided_slice %get3A_108 {offsets = [2], sizes = [1], strides = [1]} : vector<16xi32> to vector<1xi32>
      %squeeze3A_214 = vector.extract %slice3A_213[0] : i32 from vector<1xi32>
      %add3A_215 = arith.constant 1 : i32
      %add3A_216 = arith.addi %add3A_208, %add3A_215 : i32
      %lt3A_217 = arith.constant 512 : i32
      %lt3A_218 = arith.cmpi slt, %add3A_216, %lt3A_217 : i32
      %convert_element_type3A_219 = arith.extui %lt3A_218 : i1 to i32
      %cond3A_220 = arith.constant 0 : i32
      %cond3A_221 = arith.cmpi ne, %convert_element_type3A_219, %cond3A_220 : i32
      scf.if %cond3A_221 {
        %jit3A_1560 = arith.constant 128 : i32
        %div3A_1561 = arith.divsi %squeeze3A_210, %jit3A_1560 : i32
        %sign3A_1562 = arith.constant 0 : i32
        %sign3A_1563 = arith.cmpi sgt, %squeeze3A_210, %sign3A_1562 : i32
        %sign3A_1564 = arith.extui %sign3A_1563 : i1 to i32
        %sign3A_1565 = arith.constant 0 : i32
        %sign3A_1566 = arith.cmpi slt, %squeeze3A_210, %sign3A_1565 : i32
        %sign3A_1567 = arith.extui %sign3A_1566 : i1 to i32
        %sign3A_1568 = arith.subi %sign3A_1564, %sign3A_1567 : i32
        %sign3A_1569 = arith.constant 0 : i32
        %sign3A_1570 = arith.cmpi sgt, %jit3A_1560, %sign3A_1569 : i32
        %sign3A_1571 = arith.extui %sign3A_1570 : i1 to i32
        %sign3A_1572 = arith.constant 0 : i32
        %sign3A_1573 = arith.cmpi slt, %jit3A_1560, %sign3A_1572 : i32
        %sign3A_1574 = arith.extui %sign3A_1573 : i1 to i32
        %sign3A_1575 = arith.subi %sign3A_1571, %sign3A_1574 : i32
        %ne3A_1576 = arith.cmpi ne, %sign3A_1568, %sign3A_1575 : i32
        %rem3A_1577 = arith.remsi %squeeze3A_210, %jit3A_1560 : i32
        %ne3A_1578 = arith.constant 0 : i32
        %ne3A_1579 = arith.cmpi ne, %rem3A_1577, %ne3A_1578 : i32
        %and3A_1580 = arith.andi %ne3A_1576, %ne3A_1579 : i1
        %sub3A_1581 = arith.constant 1 : i32
        %sub3A_1582 = arith.subi %div3A_1561, %sub3A_1581 : i32
        %select_n3A_1583 = arith.select %and3A_1580, %sub3A_1582, %div3A_1561 : i32
        %mul3A_1584 = arith.constant 128 : i32
        %mul3A_1585 = arith.muli %select_n3A_1583, %mul3A_1584 : i32
        %multiple_of3A_1586 = tpu.assume_multiple %mul3A_1585, 128 : i32
        %jit3A_1587 = arith.constant 128 : i32
        %div3A_1588 = arith.divsi %squeeze3A_212, %jit3A_1587 : i32
        %sign3A_1589 = arith.constant 0 : i32
        %sign3A_1590 = arith.cmpi sgt, %squeeze3A_212, %sign3A_1589 : i32
        %sign3A_1591 = arith.extui %sign3A_1590 : i1 to i32
        %sign3A_1592 = arith.constant 0 : i32
        %sign3A_1593 = arith.cmpi slt, %squeeze3A_212, %sign3A_1592 : i32
        %sign3A_1594 = arith.extui %sign3A_1593 : i1 to i32
        %sign3A_1595 = arith.subi %sign3A_1591, %sign3A_1594 : i32
        %sign3A_1596 = arith.constant 0 : i32
        %sign3A_1597 = arith.cmpi sgt, %jit3A_1587, %sign3A_1596 : i32
        %sign3A_1598 = arith.extui %sign3A_1597 : i1 to i32
        %sign3A_1599 = arith.constant 0 : i32
        %sign3A_1600 = arith.cmpi slt, %jit3A_1587, %sign3A_1599 : i32
        %sign3A_1601 = arith.extui %sign3A_1600 : i1 to i32
        %sign3A_1602 = arith.subi %sign3A_1598, %sign3A_1601 : i32
        %ne3A_1603 = arith.cmpi ne, %sign3A_1595, %sign3A_1602 : i32
        %rem3A_1604 = arith.remsi %squeeze3A_212, %jit3A_1587 : i32
        %ne3A_1605 = arith.constant 0 : i32
        %ne3A_1606 = arith.cmpi ne, %rem3A_1604, %ne3A_1605 : i32
        %and3A_1607 = arith.andi %ne3A_1603, %ne3A_1606 : i1
        %sub3A_1608 = arith.constant 1 : i32
        %sub3A_1609 = arith.subi %div3A_1588, %sub3A_1608 : i32
        %select_n3A_1610 = arith.select %and3A_1607, %sub3A_1609, %div3A_1588 : i32
        %mul3A_1611 = arith.constant 128 : i32
        %mul3A_1612 = arith.muli %select_n3A_1610, %mul3A_1611 : i32
        %multiple_of3A_1613 = tpu.assume_multiple %mul3A_1612, 128 : i32
        %jit3A_1614 = arith.constant 128 : i32
        %div3A_1615 = arith.divsi %squeeze3A_214, %jit3A_1614 : i32
        %sign3A_1616 = arith.constant 0 : i32
        %sign3A_1617 = arith.cmpi sgt, %squeeze3A_214, %sign3A_1616 : i32
        %sign3A_1618 = arith.extui %sign3A_1617 : i1 to i32
        %sign3A_1619 = arith.constant 0 : i32
        %sign3A_1620 = arith.cmpi slt, %squeeze3A_214, %sign3A_1619 : i32
        %sign3A_1621 = arith.extui %sign3A_1620 : i1 to i32
        %sign3A_1622 = arith.subi %sign3A_1618, %sign3A_1621 : i32
        %sign3A_1623 = arith.constant 0 : i32
        %sign3A_1624 = arith.cmpi sgt, %jit3A_1614, %sign3A_1623 : i32
        %sign3A_1625 = arith.extui %sign3A_1624 : i1 to i32
        %sign3A_1626 = arith.constant 0 : i32
        %sign3A_1627 = arith.cmpi slt, %jit3A_1614, %sign3A_1626 : i32
        %sign3A_1628 = arith.extui %sign3A_1627 : i1 to i32
        %sign3A_1629 = arith.subi %sign3A_1625, %sign3A_1628 : i32
        %ne3A_1630 = arith.cmpi ne, %sign3A_1622, %sign3A_1629 : i32
        %rem3A_1631 = arith.remsi %squeeze3A_214, %jit3A_1614 : i32
        %ne3A_1632 = arith.constant 0 : i32
        %ne3A_1633 = arith.cmpi ne, %rem3A_1631, %ne3A_1632 : i32
        %and3A_1634 = arith.andi %ne3A_1630, %ne3A_1633 : i1
        %sub3A_1635 = arith.constant 1 : i32
        %sub3A_1636 = arith.subi %div3A_1615, %sub3A_1635 : i32
        %select_n3A_1637 = arith.select %and3A_1634, %sub3A_1636, %div3A_1615 : i32
        %mul3A_1638 = arith.constant 128 : i32
        %mul3A_1639 = arith.muli %select_n3A_1637, %mul3A_1638 : i32
        %multiple_of3A_1640 = tpu.assume_multiple %mul3A_1639, 128 : i32
        %dma_start3A_1641 = arith.constant 0 : i32
        %dma_start3A_1642 = tpu.memref_slice %arg5[%dma_start3A_1641, %multiple_of3A_1586] : memref<32x1000000xf32, #tpu.memory_space<hbm>> -> memref<32x128xf32, #tpu.memory_space<hbm>>
        %dma_start3A_1643 = arith.constant 0 : i32
        %dma_start3A_1644 = tpu.memref_slice %arg5[%dma_start3A_1643, %multiple_of3A_1586] : memref<32x1000000xf32, #tpu.memory_space<hbm>> -> memref<32x128xf32, #tpu.memory_space<hbm>>
        tpu.enqueue_dma source(%dma_start3A_1644 : memref<32x128xf32, #tpu.memory_space<hbm>>) target(%arg12 : memref<32x128xf32, #tpu.memory_space<vmem>>) target_semaphore(%arg20 : memref<!tpu.dma_semaphore, #tpu.memory_space<semaphore_mem>>)
        %dma_start3A_1645 = arith.constant 0 : i32
        %dma_start3A_1646 = tpu.memref_slice %arg6[%dma_start3A_1645, %multiple_of3A_1613] : memref<32x1000000xf32, #tpu.memory_space<hbm>> -> memref<32x128xf32, #tpu.memory_space<hbm>>
        %dma_start3A_1647 = arith.constant 0 : i32
        %dma_start3A_1648 = tpu.memref_slice %arg6[%dma_start3A_1647, %multiple_of3A_1613] : memref<32x1000000xf32, #tpu.memory_space<hbm>> -> memref<32x128xf32, #tpu.memory_space<hbm>>
        tpu.enqueue_dma source(%dma_start3A_1648 : memref<32x128xf32, #tpu.memory_space<hbm>>) target(%arg14 : memref<32x128xf32, #tpu.memory_space<vmem>>) target_semaphore(%arg20 : memref<!tpu.dma_semaphore, #tpu.memory_space<semaphore_mem>>)
        %dma_start3A_1649 = arith.constant 0 : i32
        %dma_start3A_1650 = tpu.memref_slice %arg6[%dma_start3A_1649, %multiple_of3A_1640] : memref<32x1000000xf32, #tpu.memory_space<hbm>> -> memref<32x128xf32, #tpu.memory_space<hbm>>
        %dma_start3A_1651 = arith.constant 0 : i32
        %dma_start3A_1652 = tpu.memref_slice %arg6[%dma_start3A_1651, %multiple_of3A_1640] : memref<32x1000000xf32, #tpu.memory_space<hbm>> -> memref<32x128xf32, #tpu.memory_space<hbm>>
        tpu.enqueue_dma source(%dma_start3A_1652 : memref<32x128xf32, #tpu.memory_space<hbm>>) target(%arg16 : memref<32x128xf32, #tpu.memory_space<vmem>>) target_semaphore(%arg20 : memref<!tpu.dma_semaphore, #tpu.memory_space<semaphore_mem>>)
      } else {
      }
      %dma_wait3A_222 = arith.constant 0 : i32
      %dma_wait3A_223 = arith.constant 0 : i32
      %dma_wait3A_224 = tpu.memref_slice %arg5[%dma_wait3A_222, %dma_wait3A_223] : memref<32x1000000xf32, #tpu.memory_space<hbm>> -> memref<32x128xf32, #tpu.memory_space<hbm>>
      %dma_wait3A_225 = arith.constant 0 : i32
      %dma_wait3A_226 = arith.constant 0 : i32
      %dma_wait3A_227 = tpu.memref_slice %arg5[%dma_wait3A_225, %dma_wait3A_226] : memref<32x1000000xf32, #tpu.memory_space<hbm>> -> memref<32x128xf32, #tpu.memory_space<hbm>>
      tpu.wait_dma2 semaphore(%arg21 : memref<!tpu.dma_semaphore, #tpu.memory_space<semaphore_mem>>) src(%dma_wait3A_227 : memref<32x128xf32, #tpu.memory_space<hbm>>) dst(%arg12 : memref<32x128xf32, #tpu.memory_space<vmem>>)
      %dma_wait3A_228 = arith.constant 0 : i32
      %dma_wait3A_229 = arith.constant 0 : i32
      %dma_wait3A_230 = tpu.memref_slice %arg5[%dma_wait3A_228, %dma_wait3A_229] : memref<32x1000000xf32, #tpu.memory_space<hbm>> -> memref<32x128xf32, #tpu.memory_space<hbm>>
      %dma_wait3A_231 = arith.constant 0 : i32
      %dma_wait3A_232 = arith.constant 0 : i32
      %dma_wait3A_233 = tpu.memref_slice %arg5[%dma_wait3A_231, %dma_wait3A_232] : memref<32x1000000xf32, #tpu.memory_space<hbm>> -> memref<32x128xf32, #tpu.memory_space<hbm>>
      tpu.wait_dma2 semaphore(%arg21 : memref<!tpu.dma_semaphore, #tpu.memory_space<semaphore_mem>>) src(%dma_wait3A_233 : memref<32x128xf32, #tpu.memory_space<hbm>>) dst(%arg14 : memref<32x128xf32, #tpu.memory_space<vmem>>)
      %dma_wait3A_234 = arith.constant 0 : i32
      %dma_wait3A_235 = arith.constant 0 : i32
      %dma_wait3A_236 = tpu.memref_slice %arg5[%dma_wait3A_234, %dma_wait3A_235] : memref<32x1000000xf32, #tpu.memory_space<hbm>> -> memref<32x128xf32, #tpu.memory_space<hbm>>
      %dma_wait3A_237 = arith.constant 0 : i32
      %dma_wait3A_238 = arith.constant 0 : i32
      %dma_wait3A_239 = tpu.memref_slice %arg5[%dma_wait3A_237, %dma_wait3A_238] : memref<32x1000000xf32, #tpu.memory_space<hbm>> -> memref<32x128xf32, #tpu.memory_space<hbm>>
      tpu.wait_dma2 semaphore(%arg21 : memref<!tpu.dma_semaphore, #tpu.memory_space<semaphore_mem>>) src(%dma_wait3A_239 : memref<32x128xf32, #tpu.memory_space<hbm>>) dst(%arg16 : memref<32x128xf32, #tpu.memory_space<vmem>>)
      %slice3A_240 = vector.extract_strided_slice %get3A_104 {offsets = [1], sizes = [1], strides = [1]} : vector<16xi32> to vector<1xi32>
      %squeeze3A_241 = vector.extract %slice3A_240[0] : i32 from vector<1xi32>
      %rem3A_242 = arith.constant 128 : i32
      %rem3A_243 = arith.remsi %squeeze3A_241, %rem3A_242 : i32
      %broadcast_in_dim3A_244 = vector.broadcast %rem3A_243 : i32 to vector<16xi32>
      %iota3A_245 = tpu.iota {dimensions = array<i32: 0>} : vector<16xi32>
      %gather3A_246 = tpu.vector_load_idx %arg13[%iota3A_245, %broadcast_in_dim3A_244] : memref<32x128xf32, #tpu.memory_space<vmem>>[vector<16xi32>, vector<16xi32>], vector<16xf32>,
      %iota3A_247 = tpu.iota {dimensions = array<i32: 0>} : vector<16xi32>
      %add3A_248 = arith.constant 16 : i32
      %add3A_249 = vector.broadcast %add3A_248 : i32 to vector<16xi32>
      %add3A_250 = arith.addi %iota3A_247, %add3A_249 : vector<16xi32>
      %gather3A_251 = tpu.vector_load_idx %arg13[%add3A_250, %broadcast_in_dim3A_244] : memref<32x128xf32, #tpu.memory_space<vmem>>[vector<16xi32>, vector<16xi32>], vector<16xf32>,
      %slice3A_252 = vector.extract_strided_slice %get3A_106 {offsets = [1], sizes = [1], strides = [1]} : vector<16xi32> to vector<1xi32>
      %squeeze3A_253 = vector.extract %slice3A_252[0] : i32 from vector<1xi32>
      %rem3A_254 = arith.constant 128 : i32
      %rem3A_255 = arith.remsi %squeeze3A_253, %rem3A_254 : i32
      %broadcast_in_dim3A_256 = vector.broadcast %rem3A_255 : i32 to vector<16xi32>
      %iota3A_257 = tpu.iota {dimensions = array<i32: 0>} : vector<16xi32>
      %gather3A_258 = tpu.vector_load_idx %arg15[%iota3A_257, %broadcast_in_dim3A_256] : memref<32x128xf32, #tpu.memory_space<vmem>>[vector<16xi32>, vector<16xi32>], vector<16xf32>,
      %iota3A_259 = tpu.iota {dimensions = array<i32: 0>} : vector<16xi32>
      %add3A_260 = arith.constant 16 : i32
      %add3A_261 = vector.broadcast %add3A_260 : i32 to vector<16xi32>
      %add3A_262 = arith.addi %iota3A_259, %add3A_261 : vector<16xi32>
      %gather3A_263 = tpu.vector_load_idx %arg15[%add3A_262, %broadcast_in_dim3A_256] : memref<32x128xf32, #tpu.memory_space<vmem>>[vector<16xi32>, vector<16xi32>], vector<16xf32>,
      %slice3A_264 = vector.extract_strided_slice %get3A_108 {offsets = [1], sizes = [1], strides = [1]} : vector<16xi32> to vector<1xi32>
      %squeeze3A_265 = vector.extract %slice3A_264[0] : i32 from vector<1xi32>
      %rem3A_266 = arith.constant 128 : i32
      %rem3A_267 = arith.remsi %squeeze3A_265, %rem3A_266 : i32
      %broadcast_in_dim3A_268 = vector.broadcast %rem3A_267 : i32 to vector<16xi32>
      %iota3A_269 = tpu.iota {dimensions = array<i32: 0>} : vector<16xi32>
      %gather3A_270 = tpu.vector_load_idx %arg17[%iota3A_269, %broadcast_in_dim3A_268] : memref<32x128xf32, #tpu.memory_space<vmem>>[vector<16xi32>, vector<16xi32>], vector<16xf32>,
      %iota3A_271 = tpu.iota {dimensions = array<i32: 0>} : vector<16xi32>
      %add3A_272 = arith.constant 16 : i32
      %add3A_273 = vector.broadcast %add3A_272 : i32 to vector<16xi32>
      %add3A_274 = arith.addi %iota3A_271, %add3A_273 : vector<16xi32>
      %gather3A_275 = tpu.vector_load_idx %arg17[%add3A_274, %broadcast_in_dim3A_268] : memref<32x128xf32, #tpu.memory_space<vmem>>[vector<16xi32>, vector<16xi32>], vector<16xf32>,
      %mul3A_276 = arith.mulf %gather3A_246, %gather3A_258 : vector<16xf32>
      %mul3A_277 = arith.mulf %gather3A_251, %gather3A_263 : vector<16xf32>
      %add3A_278 = arith.addf %mul3A_276, %mul3A_277 : vector<16xf32>
      %reduce_sum3A_279 = arith.constant true
      %reduce_sum3A_280 = vector.broadcast %reduce_sum3A_279 : i1 to vector<16xi1>
      %reduce_sum3A_281 = tpu.scan <sum>, %add3A_278 masked %reduce_sum3A_280 : vector<16xf32>, vector<16xi1> -> vector<16xf32>
      %reduce_sum3A_282 = vector.extract %reduce_sum3A_281[15] : f32 from vector<16xf32>
      %mul3A_283 = arith.mulf %gather3A_246, %gather3A_270 : vector<16xf32>
      %mul3A_284 = arith.mulf %gather3A_251, %gather3A_275 : vector<16xf32>
      %add3A_285 = arith.addf %mul3A_283, %mul3A_284 : vector<16xf32>
      %reduce_sum3A_286 = arith.constant true
      %reduce_sum3A_287 = vector.broadcast %reduce_sum3A_286 : i1 to vector<16xi1>
      %reduce_sum3A_288 = tpu.scan <sum>, %add3A_285 masked %reduce_sum3A_287 : vector<16xf32>, vector<16xi1> -> vector<16xf32>
      %reduce_sum3A_289 = vector.extract %reduce_sum3A_288[15] : f32 from vector<16xf32>
      %eq3A_290 = arith.constant 1 : i32
      %eq3A_291 = vector.broadcast %eq3A_290 : i32 to vector<16xi32>
      %eq3A_292 = arith.cmpi eq, %iota3A, %eq3A_291 : vector<16xi32>
      %broadcast_in_dim3A_293 = vector.broadcast %reduce_sum3A_282 : f32 to vector<16xf32>
      %select_n3A_294 = arith.select %eq3A_292, %broadcast_in_dim3A_293, %select_n3A_204 : vector<16xi1>, vector<16xf32>
      %broadcast_in_dim3A_295 = vector.broadcast %reduce_sum3A_289 : f32 to vector<16xf32>
      %select_n3A_296 = arith.select %eq3A_292, %broadcast_in_dim3A_295, %select_n3A_206 : vector<16xi1>, vector<16xf32>
      %add3A_297 = arith.constant 2 : i32
      %add3A_298 = arith.addi %mul3A_102, %add3A_297 : i32
      %slice3A_299 = vector.extract_strided_slice %get3A_104 {offsets = [3], sizes = [1], strides = [1]} : vector<16xi32> to vector<1xi32>
      %squeeze3A_300 = vector.extract %slice3A_299[0] : i32 from vector<1xi32>
      %slice3A_301 = vector.extract_strided_slice %get3A_106 {offsets = [3], sizes = [1], strides = [1]} : vector<16xi32> to vector<1xi32>
      %squeeze3A_302 = vector.extract %slice3A_301[0] : i32 from vector<1xi32>
      %slice3A_303 = vector.extract_strided_slice %get3A_108 {offsets = [3], sizes = [1], strides = [1]} : vector<16xi32> to vector<1xi32>
      %squeeze3A_304 = vector.extract %slice3A_303[0] : i32 from vector<1xi32>
      %add3A_305 = arith.constant 1 : i32
      %add3A_306 = arith.addi %add3A_298, %add3A_305 : i32
      %lt3A_307 = arith.constant 512 : i32
      %lt3A_308 = arith.cmpi slt, %add3A_306, %lt3A_307 : i32
      %convert_element_type3A_309 = arith.extui %lt3A_308 : i1 to i32
      %cond3A_310 = arith.constant 0 : i32
      %cond3A_311 = arith.cmpi ne, %convert_element_type3A_309, %cond3A_310 : i32
      scf.if %cond3A_311 {
        %jit3A_1560 = arith.constant 128 : i32
        %div3A_1561 = arith.divsi %squeeze3A_300, %jit3A_1560 : i32
        %sign3A_1562 = arith.constant 0 : i32
        %sign3A_1563 = arith.cmpi sgt, %squeeze3A_300, %sign3A_1562 : i32
        %sign3A_1564 = arith.extui %sign3A_1563 : i1 to i32
        %sign3A_1565 = arith.constant 0 : i32
        %sign3A_1566 = arith.cmpi slt, %squeeze3A_300, %sign3A_1565 : i32
        %sign3A_1567 = arith.extui %sign3A_1566 : i1 to i32
        %sign3A_1568 = arith.subi %sign3A_1564, %sign3A_1567 : i32
        %sign3A_1569 = arith.constant 0 : i32
        %sign3A_1570 = arith.cmpi sgt, %jit3A_1560, %sign3A_1569 : i32
        %sign3A_1571 = arith.extui %sign3A_1570 : i1 to i32
        %sign3A_1572 = arith.constant 0 : i32
        %sign3A_1573 = arith.cmpi slt, %jit3A_1560, %sign3A_1572 : i32
        %sign3A_1574 = arith.extui %sign3A_1573 : i1 to i32
        %sign3A_1575 = arith.subi %sign3A_1571, %sign3A_1574 : i32
        %ne3A_1576 = arith.cmpi ne, %sign3A_1568, %sign3A_1575 : i32
        %rem3A_1577 = arith.remsi %squeeze3A_300, %jit3A_1560 : i32
        %ne3A_1578 = arith.constant 0 : i32
        %ne3A_1579 = arith.cmpi ne, %rem3A_1577, %ne3A_1578 : i32
        %and3A_1580 = arith.andi %ne3A_1576, %ne3A_1579 : i1
        %sub3A_1581 = arith.constant 1 : i32
        %sub3A_1582 = arith.subi %div3A_1561, %sub3A_1581 : i32
        %select_n3A_1583 = arith.select %and3A_1580, %sub3A_1582, %div3A_1561 : i32
        %mul3A_1584 = arith.constant 128 : i32
        %mul3A_1585 = arith.muli %select_n3A_1583, %mul3A_1584 : i32
        %multiple_of3A_1586 = tpu.assume_multiple %mul3A_1585, 128 : i32
        %jit3A_1587 = arith.constant 128 : i32
        %div3A_1588 = arith.divsi %squeeze3A_302, %jit3A_1587 : i32
        %sign3A_1589 = arith.constant 0 : i32
        %sign3A_1590 = arith.cmpi sgt, %squeeze3A_302, %sign3A_1589 : i32
        %sign3A_1591 = arith.extui %sign3A_1590 : i1 to i32
        %sign3A_1592 = arith.constant 0 : i32
        %sign3A_1593 = arith.cmpi slt, %squeeze3A_302, %sign3A_1592 : i32
        %sign3A_1594 = arith.extui %sign3A_1593 : i1 to i32
        %sign3A_1595 = arith.subi %sign3A_1591, %sign3A_1594 : i32
        %sign3A_1596 = arith.constant 0 : i32
        %sign3A_1597 = arith.cmpi sgt, %jit3A_1587, %sign3A_1596 : i32
        %sign3A_1598 = arith.extui %sign3A_1597 : i1 to i32
        %sign3A_1599 = arith.constant 0 : i32
        %sign3A_1600 = arith.cmpi slt, %jit3A_1587, %sign3A_1599 : i32
        %sign3A_1601 = arith.extui %sign3A_1600 : i1 to i32
        %sign3A_1602 = arith.subi %sign3A_1598, %sign3A_1601 : i32
        %ne3A_1603 = arith.cmpi ne, %sign3A_1595, %sign3A_1602 : i32
        %rem3A_1604 = arith.remsi %squeeze3A_302, %jit3A_1587 : i32
        %ne3A_1605 = arith.constant 0 : i32
        %ne3A_1606 = arith.cmpi ne, %rem3A_1604, %ne3A_1605 : i32
        %and3A_1607 = arith.andi %ne3A_1603, %ne3A_1606 : i1
        %sub3A_1608 = arith.constant 1 : i32
        %sub3A_1609 = arith.subi %div3A_1588, %sub3A_1608 : i32
        %select_n3A_1610 = arith.select %and3A_1607, %sub3A_1609, %div3A_1588 : i32
        %mul3A_1611 = arith.constant 128 : i32
        %mul3A_1612 = arith.muli %select_n3A_1610, %mul3A_1611 : i32
        %multiple_of3A_1613 = tpu.assume_multiple %mul3A_1612, 128 : i32
        %jit3A_1614 = arith.constant 128 : i32
        %div3A_1615 = arith.divsi %squeeze3A_304, %jit3A_1614 : i32
        %sign3A_1616 = arith.constant 0 : i32
        %sign3A_1617 = arith.cmpi sgt, %squeeze3A_304, %sign3A_1616 : i32
        %sign3A_1618 = arith.extui %sign3A_1617 : i1 to i32
        %sign3A_1619 = arith.constant 0 : i32
        %sign3A_1620 = arith.cmpi slt, %squeeze3A_304, %sign3A_1619 : i32
        %sign3A_1621 = arith.extui %sign3A_1620 : i1 to i32
        %sign3A_1622 = arith.subi %sign3A_1618, %sign3A_1621 : i32
        %sign3A_1623 = arith.constant 0 : i32
        %sign3A_1624 = arith.cmpi sgt, %jit3A_1614, %sign3A_1623 : i32
        %sign3A_1625 = arith.extui %sign3A_1624 : i1 to i32
        %sign3A_1626 = arith.constant 0 : i32
        %sign3A_1627 = arith.cmpi slt, %jit3A_1614, %sign3A_1626 : i32
        %sign3A_1628 = arith.extui %sign3A_1627 : i1 to i32
        %sign3A_1629 = arith.subi %sign3A_1625, %sign3A_1628 : i32
        %ne3A_1630 = arith.cmpi ne, %sign3A_1622, %sign3A_1629 : i32
        %rem3A_1631 = arith.remsi %squeeze3A_304, %jit3A_1614 : i32
        %ne3A_1632 = arith.constant 0 : i32
        %ne3A_1633 = arith.cmpi ne, %rem3A_1631, %ne3A_1632 : i32
        %and3A_1634 = arith.andi %ne3A_1630, %ne3A_1633 : i1
        %sub3A_1635 = arith.constant 1 : i32
        %sub3A_1636 = arith.subi %div3A_1615, %sub3A_1635 : i32
        %select_n3A_1637 = arith.select %and3A_1634, %sub3A_1636, %div3A_1615 : i32
        %mul3A_1638 = arith.constant 128 : i32
        %mul3A_1639 = arith.muli %select_n3A_1637, %mul3A_1638 : i32
        %multiple_of3A_1640 = tpu.assume_multiple %mul3A_1639, 128 : i32
        %dma_start3A_1641 = arith.constant 0 : i32
        %dma_start3A_1642 = tpu.memref_slice %arg5[%dma_start3A_1641, %multiple_of3A_1586] : memref<32x1000000xf32, #tpu.memory_space<hbm>> -> memref<32x128xf32, #tpu.memory_space<hbm>>
        %dma_start3A_1643 = arith.constant 0 : i32
        %dma_start3A_1644 = tpu.memref_slice %arg5[%dma_start3A_1643, %multiple_of3A_1586] : memref<32x1000000xf32, #tpu.memory_space<hbm>> -> memref<32x128xf32, #tpu.memory_space<hbm>>
        tpu.enqueue_dma source(%dma_start3A_1644 : memref<32x128xf32, #tpu.memory_space<hbm>>) target(%arg13 : memref<32x128xf32, #tpu.memory_space<vmem>>) target_semaphore(%arg21 : memref<!tpu.dma_semaphore, #tpu.memory_space<semaphore_mem>>)
        %dma_start3A_1645 = arith.constant 0 : i32
        %dma_start3A_1646 = tpu.memref_slice %arg6[%dma_start3A_1645, %multiple_of3A_1613] : memref<32x1000000xf32, #tpu.memory_space<hbm>> -> memref<32x128xf32, #tpu.memory_space<hbm>>
        %dma_start3A_1647 = arith.constant 0 : i32
        %dma_start3A_1648 = tpu.memref_slice %arg6[%dma_start3A_1647, %multiple_of3A_1613] : memref<32x1000000xf32, #tpu.memory_space<hbm>> -> memref<32x128xf32, #tpu.memory_space<hbm>>
        tpu.enqueue_dma source(%dma_start3A_1648 : memref<32x128xf32, #tpu.memory_space<hbm>>) target(%arg15 : memref<32x128xf32, #tpu.memory_space<vmem>>) target_semaphore(%arg21 : memref<!tpu.dma_semaphore, #tpu.memory_space<semaphore_mem>>)
        %dma_start3A_1649 = arith.constant 0 : i32
        %dma_start3A_1650 = tpu.memref_slice %arg6[%dma_start3A_1649, %multiple_of3A_1640] : memref<32x1000000xf32, #tpu.memory_space<hbm>> -> memref<32x128xf32, #tpu.memory_space<hbm>>
        %dma_start3A_1651 = arith.constant 0 : i32
        %dma_start3A_1652 = tpu.memref_slice %arg6[%dma_start3A_1651, %multiple_of3A_1640] : memref<32x1000000xf32, #tpu.memory_space<hbm>> -> memref<32x128xf32, #tpu.memory_space<hbm>>
        tpu.enqueue_dma source(%dma_start3A_1652 : memref<32x128xf32, #tpu.memory_space<hbm>>) target(%arg17 : memref<32x128xf32, #tpu.memory_space<vmem>>) target_semaphore(%arg21 : memref<!tpu.dma_semaphore, #tpu.memory_space<semaphore_mem>>)
      } else {
      }
      %dma_wait3A_312 = arith.constant 0 : i32
      %dma_wait3A_313 = arith.constant 0 : i32
      %dma_wait3A_314 = tpu.memref_slice %arg5[%dma_wait3A_312, %dma_wait3A_313] : memref<32x1000000xf32, #tpu.memory_space<hbm>> -> memref<32x128xf32, #tpu.memory_space<hbm>>
      %dma_wait3A_315 = arith.constant 0 : i32
      %dma_wait3A_316 = arith.constant 0 : i32
      %dma_wait3A_317 = tpu.memref_slice %arg5[%dma_wait3A_315, %dma_wait3A_316] : memref<32x1000000xf32, #tpu.memory_space<hbm>> -> memref<32x128xf32, #tpu.memory_space<hbm>>
      tpu.wait_dma2 semaphore(%arg20 : memref<!tpu.dma_semaphore, #tpu.memory_space<semaphore_mem>>) src(%dma_wait3A_317 : memref<32x128xf32, #tpu.memory_space<hbm>>) dst(%arg12 : memref<32x128xf32, #tpu.memory_space<vmem>>)
      %dma_wait3A_318 = arith.constant 0 : i32
      %dma_wait3A_319 = arith.constant 0 : i32
      %dma_wait3A_320 = tpu.memref_slice %arg5[%dma_wait3A_318, %dma_wait3A_319] : memref<32x1000000xf32, #tpu.memory_space<hbm>> -> memref<32x128xf32, #tpu.memory_space<hbm>>
      %dma_wait3A_321 = arith.constant 0 : i32
      %dma_wait3A_322 = arith.constant 0 : i32
      %dma_wait3A_323 = tpu.memref_slice %arg5[%dma_wait3A_321, %dma_wait3A_322] : memref<32x1000000xf32, #tpu.memory_space<hbm>> -> memref<32x128xf32, #tpu.memory_space<hbm>>
      tpu.wait_dma2 semaphore(%arg20 : memref<!tpu.dma_semaphore, #tpu.memory_space<semaphore_mem>>) src(%dma_wait3A_323 : memref<32x128xf32, #tpu.memory_space<hbm>>) dst(%arg14 : memref<32x128xf32, #tpu.memory_space<vmem>>)
      %dma_wait3A_324 = arith.constant 0 : i32
      %dma_wait3A_325 = arith.constant 0 : i32
      %dma_wait3A_326 = tpu.memref_slice %arg5[%dma_wait3A_324, %dma_wait3A_325] : memref<32x1000000xf32, #tpu.memory_space<hbm>> -> memref<32x128xf32, #tpu.memory_space<hbm>>
      %dma_wait3A_327 = arith.constant 0 : i32
      %dma_wait3A_328 = arith.constant 0 : i32
      %dma_wait3A_329 = tpu.memref_slice %arg5[%dma_wait3A_327, %dma_wait3A_328] : memref<32x1000000xf32, #tpu.memory_space<hbm>> -> memref<32x128xf32, #tpu.memory_space<hbm>>
      tpu.wait_dma2 semaphore(%arg20 : memref<!tpu.dma_semaphore, #tpu.memory_space<semaphore_mem>>) src(%dma_wait3A_329 : memref<32x128xf32, #tpu.memory_space<hbm>>) dst(%arg16 : memref<32x128xf32, #tpu.memory_space<vmem>>)
      %slice3A_330 = vector.extract_strided_slice %get3A_104 {offsets = [2], sizes = [1], strides = [1]} : vector<16xi32> to vector<1xi32>
      %squeeze3A_331 = vector.extract %slice3A_330[0] : i32 from vector<1xi32>
      %rem3A_332 = arith.constant 128 : i32
      %rem3A_333 = arith.remsi %squeeze3A_331, %rem3A_332 : i32
      %broadcast_in_dim3A_334 = vector.broadcast %rem3A_333 : i32 to vector<16xi32>
      %iota3A_335 = tpu.iota {dimensions = array<i32: 0>} : vector<16xi32>
      %gather3A_336 = tpu.vector_load_idx %arg12[%iota3A_335, %broadcast_in_dim3A_334] : memref<32x128xf32, #tpu.memory_space<vmem>>[vector<16xi32>, vector<16xi32>], vector<16xf32>,
      %iota3A_337 = tpu.iota {dimensions = array<i32: 0>} : vector<16xi32>
      %add3A_338 = arith.constant 16 : i32
      %add3A_339 = vector.broadcast %add3A_338 : i32 to vector<16xi32>
      %add3A_340 = arith.addi %iota3A_337, %add3A_339 : vector<16xi32>
      %gather3A_341 = tpu.vector_load_idx %arg12[%add3A_340, %broadcast_in_dim3A_334] : memref<32x128xf32, #tpu.memory_space<vmem>>[vector<16xi32>, vector<16xi32>], vector<16xf32>,
      %slice3A_342 = vector.extract_strided_slice %get3A_106 {offsets = [2], sizes = [1], strides = [1]} : vector<16xi32> to vector<1xi32>
      %squeeze3A_343 = vector.extract %slice3A_342[0] : i32 from vector<1xi32>
      %rem3A_344 = arith.constant 128 : i32
      %rem3A_345 = arith.remsi %squeeze3A_343, %rem3A_344 : i32
      %broadcast_in_dim3A_346 = vector.broadcast %rem3A_345 : i32 to vector<16xi32>
      %iota3A_347 = tpu.iota {dimensions = array<i32: 0>} : vector<16xi32>
      %gather3A_348 = tpu.vector_load_idx %arg14[%iota3A_347, %broadcast_in_dim3A_346] : memref<32x128xf32, #tpu.memory_space<vmem>>[vector<16xi32>, vector<16xi32>], vector<16xf32>,
      %iota3A_349 = tpu.iota {dimensions = array<i32: 0>} : vector<16xi32>
      %add3A_350 = arith.constant 16 : i32
      %add3A_351 = vector.broadcast %add3A_350 : i32 to vector<16xi32>
      %add3A_352 = arith.addi %iota3A_349, %add3A_351 : vector<16xi32>
      %gather3A_353 = tpu.vector_load_idx %arg14[%add3A_352, %broadcast_in_dim3A_346] : memref<32x128xf32, #tpu.memory_space<vmem>>[vector<16xi32>, vector<16xi32>], vector<16xf32>,
      %slice3A_354 = vector.extract_strided_slice %get3A_108 {offsets = [2], sizes = [1], strides = [1]} : vector<16xi32> to vector<1xi32>
      %squeeze3A_355 = vector.extract %slice3A_354[0] : i32 from vector<1xi32>
      %rem3A_356 = arith.constant 128 : i32
      %rem3A_357 = arith.remsi %squeeze3A_355, %rem3A_356 : i32
      %broadcast_in_dim3A_358 = vector.broadcast %rem3A_357 : i32 to vector<16xi32>
      %iota3A_359 = tpu.iota {dimensions = array<i32: 0>} : vector<16xi32>
      %gather3A_360 = tpu.vector_load_idx %arg16[%iota3A_359, %broadcast_in_dim3A_358] : memref<32x128xf32, #tpu.memory_space<vmem>>[vector<16xi32>, vector<16xi32>], vector<16xf32>,
      %iota3A_361 = tpu.iota {dimensions = array<i32: 0>} : vector<16xi32>
      %add3A_362 = arith.constant 16 : i32
      %add3A_363 = vector.broadcast %add3A_362 : i32 to vector<16xi32>
      %add3A_364 = arith.addi %iota3A_361, %add3A_363 : vector<16xi32>
      %gather3A_365 = tpu.vector_load_idx %arg16[%add3A_364, %broadcast_in_dim3A_358] : memref<32x128xf32, #tpu.memory_space<vmem>>[vector<16xi32>, vector<16xi32>], vector<16xf32>,
      %mul3A_366 = arith.mulf %gather3A_336, %gather3A_348 : vector<16xf32>
      %mul3A_367 = arith.mulf %gather3A_341, %gather3A_353 : vector<16xf32>
      %add3A_368 = arith.addf %mul3A_366, %mul3A_367 : vector<16xf32>
      %reduce_sum3A_369 = arith.constant true
      %reduce_sum3A_370 = vector.broadcast %reduce_sum3A_369 : i1 to vector<16xi1>
      %reduce_sum3A_371 = tpu.scan <sum>, %add3A_368 masked %reduce_sum3A_370 : vector<16xf32>, vector<16xi1> -> vector<16xf32>
      %reduce_sum3A_372 = vector.extract %reduce_sum3A_371[15] : f32 from vector<16xf32>
      %mul3A_373 = arith.mulf %gather3A_336, %gather3A_360 : vector<16xf32>
      %mul3A_374 = arith.mulf %gather3A_341, %gather3A_365 : vector<16xf32>
      %add3A_375 = arith.addf %mul3A_373, %mul3A_374 : vector<16xf32>
      %reduce_sum3A_376 = arith.constant true
      %reduce_sum3A_377 = vector.broadcast %reduce_sum3A_376 : i1 to vector<16xi1>
      %reduce_sum3A_378 = tpu.scan <sum>, %add3A_375 masked %reduce_sum3A_377 : vector<16xf32>, vector<16xi1> -> vector<16xf32>
      %reduce_sum3A_379 = vector.extract %reduce_sum3A_378[15] : f32 from vector<16xf32>
      %eq3A_380 = arith.constant 2 : i32
      %eq3A_381 = vector.broadcast %eq3A_380 : i32 to vector<16xi32>
      %eq3A_382 = arith.cmpi eq, %iota3A, %eq3A_381 : vector<16xi32>
      %broadcast_in_dim3A_383 = vector.broadcast %reduce_sum3A_372 : f32 to vector<16xf32>
      %select_n3A_384 = arith.select %eq3A_382, %broadcast_in_dim3A_383, %select_n3A_294 : vector<16xi1>, vector<16xf32>
      %broadcast_in_dim3A_385 = vector.broadcast %reduce_sum3A_379 : f32 to vector<16xf32>
      %select_n3A_386 = arith.select %eq3A_382, %broadcast_in_dim3A_385, %select_n3A_296 : vector<16xi1>, vector<16xf32>
      %add3A_387 = arith.constant 3 : i32
      %add3A_388 = arith.addi %mul3A_102, %add3A_387 : i32
      %slice3A_389 = vector.extract_strided_slice %get3A_104 {offsets = [4], sizes = [1], strides = [1]} : vector<16xi32> to vector<1xi32>
      %squeeze3A_390 = vector.extract %slice3A_389[0] : i32 from vector<1xi32>
      %slice3A_391 = vector.extract_strided_slice %get3A_106 {offsets = [4], sizes = [1], strides = [1]} : vector<16xi32> to vector<1xi32>
      %squeeze3A_392 = vector.extract %slice3A_391[0] : i32 from vector<1xi32>
      %slice3A_393 = vector.extract_strided_slice %get3A_108 {offsets = [4], sizes = [1], strides = [1]} : vector<16xi32> to vector<1xi32>
      %squeeze3A_394 = vector.extract %slice3A_393[0] : i32 from vector<1xi32>
      %add3A_395 = arith.constant 1 : i32
      %add3A_396 = arith.addi %add3A_388, %add3A_395 : i32
      %lt3A_397 = arith.constant 512 : i32
      %lt3A_398 = arith.cmpi slt, %add3A_396, %lt3A_397 : i32
      %convert_element_type3A_399 = arith.extui %lt3A_398 : i1 to i32
      %cond3A_400 = arith.constant 0 : i32
      %cond3A_401 = arith.cmpi ne, %convert_element_type3A_399, %cond3A_400 : i32
      scf.if %cond3A_401 {
        %jit3A_1560 = arith.constant 128 : i32
        %div3A_1561 = arith.divsi %squeeze3A_390, %jit3A_1560 : i32
        %sign3A_1562 = arith.constant 0 : i32
        %sign3A_1563 = arith.cmpi sgt, %squeeze3A_390, %sign3A_1562 : i32
        %sign3A_1564 = arith.extui %sign3A_1563 : i1 to i32
        %sign3A_1565 = arith.constant 0 : i32
        %sign3A_1566 = arith.cmpi slt, %squeeze3A_390, %sign3A_1565 : i32
        %sign3A_1567 = arith.extui %sign3A_1566 : i1 to i32
        %sign3A_1568 = arith.subi %sign3A_1564, %sign3A_1567 : i32
        %sign3A_1569 = arith.constant 0 : i32
        %sign3A_1570 = arith.cmpi sgt, %jit3A_1560, %sign3A_1569 : i32
        %sign3A_1571 = arith.extui %sign3A_1570 : i1 to i32
        %sign3A_1572 = arith.constant 0 : i32
        %sign3A_1573 = arith.cmpi slt, %jit3A_1560, %sign3A_1572 : i32
        %sign3A_1574 = arith.extui %sign3A_1573 : i1 to i32
        %sign3A_1575 = arith.subi %sign3A_1571, %sign3A_1574 : i32
        %ne3A_1576 = arith.cmpi ne, %sign3A_1568, %sign3A_1575 : i32
        %rem3A_1577 = arith.remsi %squeeze3A_390, %jit3A_1560 : i32
        %ne3A_1578 = arith.constant 0 : i32
        %ne3A_1579 = arith.cmpi ne, %rem3A_1577, %ne3A_1578 : i32
        %and3A_1580 = arith.andi %ne3A_1576, %ne3A_1579 : i1
        %sub3A_1581 = arith.constant 1 : i32
        %sub3A_1582 = arith.subi %div3A_1561, %sub3A_1581 : i32
        %select_n3A_1583 = arith.select %and3A_1580, %sub3A_1582, %div3A_1561 : i32
        %mul3A_1584 = arith.constant 128 : i32
        %mul3A_1585 = arith.muli %select_n3A_1583, %mul3A_1584 : i32
        %multiple_of3A_1586 = tpu.assume_multiple %mul3A_1585, 128 : i32
        %jit3A_1587 = arith.constant 128 : i32
        %div3A_1588 = arith.divsi %squeeze3A_392, %jit3A_1587 : i32
        %sign3A_1589 = arith.constant 0 : i32
        %sign3A_1590 = arith.cmpi sgt, %squeeze3A_392, %sign3A_1589 : i32
        %sign3A_1591 = arith.extui %sign3A_1590 : i1 to i32
        %sign3A_1592 = arith.constant 0 : i32
        %sign3A_1593 = arith.cmpi slt, %squeeze3A_392, %sign3A_1592 : i32
        %sign3A_1594 = arith.extui %sign3A_1593 : i1 to i32
        %sign3A_1595 = arith.subi %sign3A_1591, %sign3A_1594 : i32
        %sign3A_1596 = arith.constant 0 : i32
        %sign3A_1597 = arith.cmpi sgt, %jit3A_1587, %sign3A_1596 : i32
        %sign3A_1598 = arith.extui %sign3A_1597 : i1 to i32
        %sign3A_1599 = arith.constant 0 : i32
        %sign3A_1600 = arith.cmpi slt, %jit3A_1587, %sign3A_1599 : i32
        %sign3A_1601 = arith.extui %sign3A_1600 : i1 to i32
        %sign3A_1602 = arith.subi %sign3A_1598, %sign3A_1601 : i32
        %ne3A_1603 = arith.cmpi ne, %sign3A_1595, %sign3A_1602 : i32
        %rem3A_1604 = arith.remsi %squeeze3A_392, %jit3A_1587 : i32
        %ne3A_1605 = arith.constant 0 : i32
        %ne3A_1606 = arith.cmpi ne, %rem3A_1604, %ne3A_1605 : i32
        %and3A_1607 = arith.andi %ne3A_1603, %ne3A_1606 : i1
        %sub3A_1608 = arith.constant 1 : i32
        %sub3A_1609 = arith.subi %div3A_1588, %sub3A_1608 : i32
        %select_n3A_1610 = arith.select %and3A_1607, %sub3A_1609, %div3A_1588 : i32
        %mul3A_1611 = arith.constant 128 : i32
        %mul3A_1612 = arith.muli %select_n3A_1610, %mul3A_1611 : i32
        %multiple_of3A_1613 = tpu.assume_multiple %mul3A_1612, 128 : i32
        %jit3A_1614 = arith.constant 128 : i32
        %div3A_1615 = arith.divsi %squeeze3A_394, %jit3A_1614 : i32
        %sign3A_1616 = arith.constant 0 : i32
        %sign3A_1617 = arith.cmpi sgt, %squeeze3A_394, %sign3A_1616 : i32
        %sign3A_1618 = arith.extui %sign3A_1617 : i1 to i32
        %sign3A_1619 = arith.constant 0 : i32
        %sign3A_1620 = arith.cmpi slt, %squeeze3A_394, %sign3A_1619 : i32
        %sign3A_1621 = arith.extui %sign3A_1620 : i1 to i32
        %sign3A_1622 = arith.subi %sign3A_1618, %sign3A_1621 : i32
        %sign3A_1623 = arith.constant 0 : i32
        %sign3A_1624 = arith.cmpi sgt, %jit3A_1614, %sign3A_1623 : i32
        %sign3A_1625 = arith.extui %sign3A_1624 : i1 to i32
        %sign3A_1626 = arith.constant 0 : i32
        %sign3A_1627 = arith.cmpi slt, %jit3A_1614, %sign3A_1626 : i32
        %sign3A_1628 = arith.extui %sign3A_1627 : i1 to i32
        %sign3A_1629 = arith.subi %sign3A_1625, %sign3A_1628 : i32
        %ne3A_1630 = arith.cmpi ne, %sign3A_1622, %sign3A_1629 : i32
        %rem3A_1631 = arith.remsi %squeeze3A_394, %jit3A_1614 : i32
        %ne3A_1632 = arith.constant 0 : i32
        %ne3A_1633 = arith.cmpi ne, %rem3A_1631, %ne3A_1632 : i32
        %and3A_1634 = arith.andi %ne3A_1630, %ne3A_1633 : i1
        %sub3A_1635 = arith.constant 1 : i32
        %sub3A_1636 = arith.subi %div3A_1615, %sub3A_1635 : i32
        %select_n3A_1637 = arith.select %and3A_1634, %sub3A_1636, %div3A_1615 : i32
        %mul3A_1638 = arith.constant 128 : i32
        %mul3A_1639 = arith.muli %select_n3A_1637, %mul3A_1638 : i32
        %multiple_of3A_1640 = tpu.assume_multiple %mul3A_1639, 128 : i32
        %dma_start3A_1641 = arith.constant 0 : i32
        %dma_start3A_1642 = tpu.memref_slice %arg5[%dma_start3A_1641, %multiple_of3A_1586] : memref<32x1000000xf32, #tpu.memory_space<hbm>> -> memref<32x128xf32, #tpu.memory_space<hbm>>
        %dma_start3A_1643 = arith.constant 0 : i32
        %dma_start3A_1644 = tpu.memref_slice %arg5[%dma_start3A_1643, %multiple_of3A_1586] : memref<32x1000000xf32, #tpu.memory_space<hbm>> -> memref<32x128xf32, #tpu.memory_space<hbm>>
        tpu.enqueue_dma source(%dma_start3A_1644 : memref<32x128xf32, #tpu.memory_space<hbm>>) target(%arg12 : memref<32x128xf32, #tpu.memory_space<vmem>>) target_semaphore(%arg20 : memref<!tpu.dma_semaphore, #tpu.memory_space<semaphore_mem>>)
        %dma_start3A_1645 = arith.constant 0 : i32
        %dma_start3A_1646 = tpu.memref_slice %arg6[%dma_start3A_1645, %multiple_of3A_1613] : memref<32x1000000xf32, #tpu.memory_space<hbm>> -> memref<32x128xf32, #tpu.memory_space<hbm>>
        %dma_start3A_1647 = arith.constant 0 : i32
        %dma_start3A_1648 = tpu.memref_slice %arg6[%dma_start3A_1647, %multiple_of3A_1613] : memref<32x1000000xf32, #tpu.memory_space<hbm>> -> memref<32x128xf32, #tpu.memory_space<hbm>>
        tpu.enqueue_dma source(%dma_start3A_1648 : memref<32x128xf32, #tpu.memory_space<hbm>>) target(%arg14 : memref<32x128xf32, #tpu.memory_space<vmem>>) target_semaphore(%arg20 : memref<!tpu.dma_semaphore, #tpu.memory_space<semaphore_mem>>)
        %dma_start3A_1649 = arith.constant 0 : i32
        %dma_start3A_1650 = tpu.memref_slice %arg6[%dma_start3A_1649, %multiple_of3A_1640] : memref<32x1000000xf32, #tpu.memory_space<hbm>> -> memref<32x128xf32, #tpu.memory_space<hbm>>
        %dma_start3A_1651 = arith.constant 0 : i32
        %dma_start3A_1652 = tpu.memref_slice %arg6[%dma_start3A_1651, %multiple_of3A_1640] : memref<32x1000000xf32, #tpu.memory_space<hbm>> -> memref<32x128xf32, #tpu.memory_space<hbm>>
        tpu.enqueue_dma source(%dma_start3A_1652 : memref<32x128xf32, #tpu.memory_space<hbm>>) target(%arg16 : memref<32x128xf32, #tpu.memory_space<vmem>>) target_semaphore(%arg20 : memref<!tpu.dma_semaphore, #tpu.memory_space<semaphore_mem>>)
      } else {
      }
      %dma_wait3A_402 = arith.constant 0 : i32
      %dma_wait3A_403 = arith.constant 0 : i32
      %dma_wait3A_404 = tpu.memref_slice %arg5[%dma_wait3A_402, %dma_wait3A_403] : memref<32x1000000xf32, #tpu.memory_space<hbm>> -> memref<32x128xf32, #tpu.memory_space<hbm>>
      %dma_wait3A_405 = arith.constant 0 : i32
      %dma_wait3A_406 = arith.constant 0 : i32
      %dma_wait3A_407 = tpu.memref_slice %arg5[%dma_wait3A_405, %dma_wait3A_406] : memref<32x1000000xf32, #tpu.memory_space<hbm>> -> memref<32x128xf32, #tpu.memory_space<hbm>>
      tpu.wait_dma2 semaphore(%arg21 : memref<!tpu.dma_semaphore, #tpu.memory_space<semaphore_mem>>) src(%dma_wait3A_407 : memref<32x128xf32, #tpu.memory_space<hbm>>) dst(%arg12 : memref<32x128xf32, #tpu.memory_space<vmem>>)
      %dma_wait3A_408 = arith.constant 0 : i32
      %dma_wait3A_409 = arith.constant 0 : i32
      %dma_wait3A_410 = tpu.memref_slice %arg5[%dma_wait3A_408, %dma_wait3A_409] : memref<32x1000000xf32, #tpu.memory_space<hbm>> -> memref<32x128xf32, #tpu.memory_space<hbm>>
      %dma_wait3A_411 = arith.constant 0 : i32
      %dma_wait3A_412 = arith.constant 0 : i32
      %dma_wait3A_413 = tpu.memref_slice %arg5[%dma_wait3A_411, %dma_wait3A_412] : memref<32x1000000xf32, #tpu.memory_space<hbm>> -> memref<32x128xf32, #tpu.memory_space<hbm>>
      tpu.wait_dma2 semaphore(%arg21 : memref<!tpu.dma_semaphore, #tpu.memory_space<semaphore_mem>>) src(%dma_wait3A_413 : memref<32x128xf32, #tpu.memory_space<hbm>>) dst(%arg14 : memref<32x128xf32, #tpu.memory_space<vmem>>)
      %dma_wait3A_414 = arith.constant 0 : i32
      %dma_wait3A_415 = arith.constant 0 : i32
      %dma_wait3A_416 = tpu.memref_slice %arg5[%dma_wait3A_414, %dma_wait3A_415] : memref<32x1000000xf32, #tpu.memory_space<hbm>> -> memref<32x128xf32, #tpu.memory_space<hbm>>
      %dma_wait3A_417 = arith.constant 0 : i32
      %dma_wait3A_418 = arith.constant 0 : i32
      %dma_wait3A_419 = tpu.memref_slice %arg5[%dma_wait3A_417, %dma_wait3A_418] : memref<32x1000000xf32, #tpu.memory_space<hbm>> -> memref<32x128xf32, #tpu.memory_space<hbm>>
      tpu.wait_dma2 semaphore(%arg21 : memref<!tpu.dma_semaphore, #tpu.memory_space<semaphore_mem>>) src(%dma_wait3A_419 : memref<32x128xf32, #tpu.memory_space<hbm>>) dst(%arg16 : memref<32x128xf32, #tpu.memory_space<vmem>>)
      %slice3A_420 = vector.extract_strided_slice %get3A_104 {offsets = [3], sizes = [1], strides = [1]} : vector<16xi32> to vector<1xi32>
      %squeeze3A_421 = vector.extract %slice3A_420[0] : i32 from vector<1xi32>
      %rem3A_422 = arith.constant 128 : i32
      %rem3A_423 = arith.remsi %squeeze3A_421, %rem3A_422 : i32
      %broadcast_in_dim3A_424 = vector.broadcast %rem3A_423 : i32 to vector<16xi32>
      %iota3A_425 = tpu.iota {dimensions = array<i32: 0>} : vector<16xi32>
      %gather3A_426 = tpu.vector_load_idx %arg13[%iota3A_425, %broadcast_in_dim3A_424] : memref<32x128xf32, #tpu.memory_space<vmem>>[vector<16xi32>, vector<16xi32>], vector<16xf32>,
      %iota3A_427 = tpu.iota {dimensions = array<i32: 0>} : vector<16xi32>
      %add3A_428 = arith.constant 16 : i32
      %add3A_429 = vector.broadcast %add3A_428 : i32 to vector<16xi32>
      %add3A_430 = arith.addi %iota3A_427, %add3A_429 : vector<16xi32>
      %gather3A_431 = tpu.vector_load_idx %arg13[%add3A_430, %broadcast_in_dim3A_424] : memref<32x128xf32, #tpu.memory_space<vmem>>[vector<16xi32>, vector<16xi32>], vector<16xf32>,
      %slice3A_432 = vector.extract_strided_slice %get3A_106 {offsets = [3], sizes = [1], strides = [1]} : vector<16xi32> to vector<1xi32>
      %squeeze3A_433 = vector.extract %slice3A_432[0] : i32 from vector<1xi32>
      %rem3A_434 = arith.constant 128 : i32
      %rem3A_435 = arith.remsi %squeeze3A_433, %rem3A_434 : i32
      %broadcast_in_dim3A_436 = vector.broadcast %rem3A_435 : i32 to vector<16xi32>
      %iota3A_437 = tpu.iota {dimensions = array<i32: 0>} : vector<16xi32>
      %gather3A_438 = tpu.vector_load_idx %arg15[%iota3A_437, %broadcast_in_dim3A_436] : memref<32x128xf32, #tpu.memory_space<vmem>>[vector<16xi32>, vector<16xi32>], vector<16xf32>,
      %iota3A_439 = tpu.iota {dimensions = array<i32: 0>} : vector<16xi32>
      %add3A_440 = arith.constant 16 : i32
      %add3A_441 = vector.broadcast %add3A_440 : i32 to vector<16xi32>
      %add3A_442 = arith.addi %iota3A_439, %add3A_441 : vector<16xi32>
      %gather3A_443 = tpu.vector_load_idx %arg15[%add3A_442, %broadcast_in_dim3A_436] : memref<32x128xf32, #tpu.memory_space<vmem>>[vector<16xi32>, vector<16xi32>], vector<16xf32>,
      %slice3A_444 = vector.extract_strided_slice %get3A_108 {offsets = [3], sizes = [1], strides = [1]} : vector<16xi32> to vector<1xi32>
      %squeeze3A_445 = vector.extract %slice3A_444[0] : i32 from vector<1xi32>
      %rem3A_446 = arith.constant 128 : i32
      %rem3A_447 = arith.remsi %squeeze3A_445, %rem3A_446 : i32
      %broadcast_in_dim3A_448 = vector.broadcast %rem3A_447 : i32 to vector<16xi32>
      %iota3A_449 = tpu.iota {dimensions = array<i32: 0>} : vector<16xi32>
      %gather3A_450 = tpu.vector_load_idx %arg17[%iota3A_449, %broadcast_in_dim3A_448] : memref<32x128xf32, #tpu.memory_space<vmem>>[vector<16xi32>, vector<16xi32>], vector<16xf32>,
      %iota3A_451 = tpu.iota {dimensions = array<i32: 0>} : vector<16xi32>
      %add3A_452 = arith.constant 16 : i32
      %add3A_453 = vector.broadcast %add3A_452 : i32 to vector<16xi32>
      %add3A_454 = arith.addi %iota3A_451, %add3A_453 : vector<16xi32>
      %gather3A_455 = tpu.vector_load_idx %arg17[%add3A_454, %broadcast_in_dim3A_448] : memref<32x128xf32, #tpu.memory_space<vmem>>[vector<16xi32>, vector<16xi32>], vector<16xf32>,
      %mul3A_456 = arith.mulf %gather3A_426, %gather3A_438 : vector<16xf32>
      %mul3A_457 = arith.mulf %gather3A_431, %gather3A_443 : vector<16xf32>
      %add3A_458 = arith.addf %mul3A_456, %mul3A_457 : vector<16xf32>
      %reduce_sum3A_459 = arith.constant true
      %reduce_sum3A_460 = vector.broadcast %reduce_sum3A_459 : i1 to vector<16xi1>
      %reduce_sum3A_461 = tpu.scan <sum>, %add3A_458 masked %reduce_sum3A_460 : vector<16xf32>, vector<16xi1> -> vector<16xf32>
      %reduce_sum3A_462 = vector.extract %reduce_sum3A_461[15] : f32 from vector<16xf32>
      %mul3A_463 = arith.mulf %gather3A_426, %gather3A_450 : vector<16xf32>
      %mul3A_464 = arith.mulf %gather3A_431, %gather3A_455 : vector<16xf32>
      %add3A_465 = arith.addf %mul3A_463, %mul3A_464 : vector<16xf32>
      %reduce_sum3A_466 = arith.constant true
      %reduce_sum3A_467 = vector.broadcast %reduce_sum3A_466 : i1 to vector<16xi1>
      %reduce_sum3A_468 = tpu.scan <sum>, %add3A_465 masked %reduce_sum3A_467 : vector<16xf32>, vector<16xi1> -> vector<16xf32>
      %reduce_sum3A_469 = vector.extract %reduce_sum3A_468[15] : f32 from vector<16xf32>
      %eq3A_470 = arith.constant 3 : i32
      %eq3A_471 = vector.broadcast %eq3A_470 : i32 to vector<16xi32>
      %eq3A_472 = arith.cmpi eq, %iota3A, %eq3A_471 : vector<16xi32>
      %broadcast_in_dim3A_473 = vector.broadcast %reduce_sum3A_462 : f32 to vector<16xf32>
      %select_n3A_474 = arith.select %eq3A_472, %broadcast_in_dim3A_473, %select_n3A_384 : vector<16xi1>, vector<16xf32>
      %broadcast_in_dim3A_475 = vector.broadcast %reduce_sum3A_469 : f32 to vector<16xf32>
      %select_n3A_476 = arith.select %eq3A_472, %broadcast_in_dim3A_475, %select_n3A_386 : vector<16xi1>, vector<16xf32>
      %add3A_477 = arith.constant 4 : i32
      %add3A_478 = arith.addi %mul3A_102, %add3A_477 : i32
      %slice3A_479 = vector.extract_strided_slice %get3A_104 {offsets = [5], sizes = [1], strides = [1]} : vector<16xi32> to vector<1xi32>
      %squeeze3A_480 = vector.extract %slice3A_479[0] : i32 from vector<1xi32>
      %slice3A_481 = vector.extract_strided_slice %get3A_106 {offsets = [5], sizes = [1], strides = [1]} : vector<16xi32> to vector<1xi32>
      %squeeze3A_482 = vector.extract %slice3A_481[0] : i32 from vector<1xi32>
      %slice3A_483 = vector.extract_strided_slice %get3A_108 {offsets = [5], sizes = [1], strides = [1]} : vector<16xi32> to vector<1xi32>
      %squeeze3A_484 = vector.extract %slice3A_483[0] : i32 from vector<1xi32>
      %add3A_485 = arith.constant 1 : i32
      %add3A_486 = arith.addi %add3A_478, %add3A_485 : i32
      %lt3A_487 = arith.constant 512 : i32
      %lt3A_488 = arith.cmpi slt, %add3A_486, %lt3A_487 : i32
      %convert_element_type3A_489 = arith.extui %lt3A_488 : i1 to i32
      %cond3A_490 = arith.constant 0 : i32
      %cond3A_491 = arith.cmpi ne, %convert_element_type3A_489, %cond3A_490 : i32
      scf.if %cond3A_491 {
        %jit3A_1560 = arith.constant 128 : i32
        %div3A_1561 = arith.divsi %squeeze3A_480, %jit3A_1560 : i32
        %sign3A_1562 = arith.constant 0 : i32
        %sign3A_1563 = arith.cmpi sgt, %squeeze3A_480, %sign3A_1562 : i32
        %sign3A_1564 = arith.extui %sign3A_1563 : i1 to i32
        %sign3A_1565 = arith.constant 0 : i32
        %sign3A_1566 = arith.cmpi slt, %squeeze3A_480, %sign3A_1565 : i32
        %sign3A_1567 = arith.extui %sign3A_1566 : i1 to i32
        %sign3A_1568 = arith.subi %sign3A_1564, %sign3A_1567 : i32
        %sign3A_1569 = arith.constant 0 : i32
        %sign3A_1570 = arith.cmpi sgt, %jit3A_1560, %sign3A_1569 : i32
        %sign3A_1571 = arith.extui %sign3A_1570 : i1 to i32
        %sign3A_1572 = arith.constant 0 : i32
        %sign3A_1573 = arith.cmpi slt, %jit3A_1560, %sign3A_1572 : i32
        %sign3A_1574 = arith.extui %sign3A_1573 : i1 to i32
        %sign3A_1575 = arith.subi %sign3A_1571, %sign3A_1574 : i32
        %ne3A_1576 = arith.cmpi ne, %sign3A_1568, %sign3A_1575 : i32
        %rem3A_1577 = arith.remsi %squeeze3A_480, %jit3A_1560 : i32
        %ne3A_1578 = arith.constant 0 : i32
        %ne3A_1579 = arith.cmpi ne, %rem3A_1577, %ne3A_1578 : i32
        %and3A_1580 = arith.andi %ne3A_1576, %ne3A_1579 : i1
        %sub3A_1581 = arith.constant 1 : i32
        %sub3A_1582 = arith.subi %div3A_1561, %sub3A_1581 : i32
        %select_n3A_1583 = arith.select %and3A_1580, %sub3A_1582, %div3A_1561 : i32
        %mul3A_1584 = arith.constant 128 : i32
        %mul3A_1585 = arith.muli %select_n3A_1583, %mul3A_1584 : i32
        %multiple_of3A_1586 = tpu.assume_multiple %mul3A_1585, 128 : i32
        %jit3A_1587 = arith.constant 128 : i32
        %div3A_1588 = arith.divsi %squeeze3A_482, %jit3A_1587 : i32
        %sign3A_1589 = arith.constant 0 : i32
        %sign3A_1590 = arith.cmpi sgt, %squeeze3A_482, %sign3A_1589 : i32
        %sign3A_1591 = arith.extui %sign3A_1590 : i1 to i32
        %sign3A_1592 = arith.constant 0 : i32
        %sign3A_1593 = arith.cmpi slt, %squeeze3A_482, %sign3A_1592 : i32
        %sign3A_1594 = arith.extui %sign3A_1593 : i1 to i32
        %sign3A_1595 = arith.subi %sign3A_1591, %sign3A_1594 : i32
        %sign3A_1596 = arith.constant 0 : i32
        %sign3A_1597 = arith.cmpi sgt, %jit3A_1587, %sign3A_1596 : i32
        %sign3A_1598 = arith.extui %sign3A_1597 : i1 to i32
        %sign3A_1599 = arith.constant 0 : i32
        %sign3A_1600 = arith.cmpi slt, %jit3A_1587, %sign3A_1599 : i32
        %sign3A_1601 = arith.extui %sign3A_1600 : i1 to i32
        %sign3A_1602 = arith.subi %sign3A_1598, %sign3A_1601 : i32
        %ne3A_1603 = arith.cmpi ne, %sign3A_1595, %sign3A_1602 : i32
        %rem3A_1604 = arith.remsi %squeeze3A_482, %jit3A_1587 : i32
        %ne3A_1605 = arith.constant 0 : i32
        %ne3A_1606 = arith.cmpi ne, %rem3A_1604, %ne3A_1605 : i32
        %and3A_1607 = arith.andi %ne3A_1603, %ne3A_1606 : i1
        %sub3A_1608 = arith.constant 1 : i32
        %sub3A_1609 = arith.subi %div3A_1588, %sub3A_1608 : i32
        %select_n3A_1610 = arith.select %and3A_1607, %sub3A_1609, %div3A_1588 : i32
        %mul3A_1611 = arith.constant 128 : i32
        %mul3A_1612 = arith.muli %select_n3A_1610, %mul3A_1611 : i32
        %multiple_of3A_1613 = tpu.assume_multiple %mul3A_1612, 128 : i32
        %jit3A_1614 = arith.constant 128 : i32
        %div3A_1615 = arith.divsi %squeeze3A_484, %jit3A_1614 : i32
        %sign3A_1616 = arith.constant 0 : i32
        %sign3A_1617 = arith.cmpi sgt, %squeeze3A_484, %sign3A_1616 : i32
        %sign3A_1618 = arith.extui %sign3A_1617 : i1 to i32
        %sign3A_1619 = arith.constant 0 : i32
        %sign3A_1620 = arith.cmpi slt, %squeeze3A_484, %sign3A_1619 : i32
        %sign3A_1621 = arith.extui %sign3A_1620 : i1 to i32
        %sign3A_1622 = arith.subi %sign3A_1618, %sign3A_1621 : i32
        %sign3A_1623 = arith.constant 0 : i32
        %sign3A_1624 = arith.cmpi sgt, %jit3A_1614, %sign3A_1623 : i32
        %sign3A_1625 = arith.extui %sign3A_1624 : i1 to i32
        %sign3A_1626 = arith.constant 0 : i32
        %sign3A_1627 = arith.cmpi slt, %jit3A_1614, %sign3A_1626 : i32
        %sign3A_1628 = arith.extui %sign3A_1627 : i1 to i32
        %sign3A_1629 = arith.subi %sign3A_1625, %sign3A_1628 : i32
        %ne3A_1630 = arith.cmpi ne, %sign3A_1622, %sign3A_1629 : i32
        %rem3A_1631 = arith.remsi %squeeze3A_484, %jit3A_1614 : i32
        %ne3A_1632 = arith.constant 0 : i32
        %ne3A_1633 = arith.cmpi ne, %rem3A_1631, %ne3A_1632 : i32
        %and3A_1634 = arith.andi %ne3A_1630, %ne3A_1633 : i1
        %sub3A_1635 = arith.constant 1 : i32
        %sub3A_1636 = arith.subi %div3A_1615, %sub3A_1635 : i32
        %select_n3A_1637 = arith.select %and3A_1634, %sub3A_1636, %div3A_1615 : i32
        %mul3A_1638 = arith.constant 128 : i32
        %mul3A_1639 = arith.muli %select_n3A_1637, %mul3A_1638 : i32
        %multiple_of3A_1640 = tpu.assume_multiple %mul3A_1639, 128 : i32
        %dma_start3A_1641 = arith.constant 0 : i32
        %dma_start3A_1642 = tpu.memref_slice %arg5[%dma_start3A_1641, %multiple_of3A_1586] : memref<32x1000000xf32, #tpu.memory_space<hbm>> -> memref<32x128xf32, #tpu.memory_space<hbm>>
        %dma_start3A_1643 = arith.constant 0 : i32
        %dma_start3A_1644 = tpu.memref_slice %arg5[%dma_start3A_1643, %multiple_of3A_1586] : memref<32x1000000xf32, #tpu.memory_space<hbm>> -> memref<32x128xf32, #tpu.memory_space<hbm>>
        tpu.enqueue_dma source(%dma_start3A_1644 : memref<32x128xf32, #tpu.memory_space<hbm>>) target(%arg13 : memref<32x128xf32, #tpu.memory_space<vmem>>) target_semaphore(%arg21 : memref<!tpu.dma_semaphore, #tpu.memory_space<semaphore_mem>>)
        %dma_start3A_1645 = arith.constant 0 : i32
        %dma_start3A_1646 = tpu.memref_slice %arg6[%dma_start3A_1645, %multiple_of3A_1613] : memref<32x1000000xf32, #tpu.memory_space<hbm>> -> memref<32x128xf32, #tpu.memory_space<hbm>>
        %dma_start3A_1647 = arith.constant 0 : i32
        %dma_start3A_1648 = tpu.memref_slice %arg6[%dma_start3A_1647, %multiple_of3A_1613] : memref<32x1000000xf32, #tpu.memory_space<hbm>> -> memref<32x128xf32, #tpu.memory_space<hbm>>
        tpu.enqueue_dma source(%dma_start3A_1648 : memref<32x128xf32, #tpu.memory_space<hbm>>) target(%arg15 : memref<32x128xf32, #tpu.memory_space<vmem>>) target_semaphore(%arg21 : memref<!tpu.dma_semaphore, #tpu.memory_space<semaphore_mem>>)
        %dma_start3A_1649 = arith.constant 0 : i32
        %dma_start3A_1650 = tpu.memref_slice %arg6[%dma_start3A_1649, %multiple_of3A_1640] : memref<32x1000000xf32, #tpu.memory_space<hbm>> -> memref<32x128xf32, #tpu.memory_space<hbm>>
        %dma_start3A_1651 = arith.constant 0 : i32
        %dma_start3A_1652 = tpu.memref_slice %arg6[%dma_start3A_1651, %multiple_of3A_1640] : memref<32x1000000xf32, #tpu.memory_space<hbm>> -> memref<32x128xf32, #tpu.memory_space<hbm>>
        tpu.enqueue_dma source(%dma_start3A_1652 : memref<32x128xf32, #tpu.memory_space<hbm>>) target(%arg17 : memref<32x128xf32, #tpu.memory_space<vmem>>) target_semaphore(%arg21 : memref<!tpu.dma_semaphore, #tpu.memory_space<semaphore_mem>>)
      } else {
      }
      %dma_wait3A_492 = arith.constant 0 : i32
      %dma_wait3A_493 = arith.constant 0 : i32
      %dma_wait3A_494 = tpu.memref_slice %arg5[%dma_wait3A_492, %dma_wait3A_493] : memref<32x1000000xf32, #tpu.memory_space<hbm>> -> memref<32x128xf32, #tpu.memory_space<hbm>>
      %dma_wait3A_495 = arith.constant 0 : i32
      %dma_wait3A_496 = arith.constant 0 : i32
      %dma_wait3A_497 = tpu.memref_slice %arg5[%dma_wait3A_495, %dma_wait3A_496] : memref<32x1000000xf32, #tpu.memory_space<hbm>> -> memref<32x128xf32, #tpu.memory_space<hbm>>
      tpu.wait_dma2 semaphore(%arg20 : memref<!tpu.dma_semaphore, #tpu.memory_space<semaphore_mem>>) src(%dma_wait3A_497 : memref<32x128xf32, #tpu.memory_space<hbm>>) dst(%arg12 : memref<32x128xf32, #tpu.memory_space<vmem>>)
      %dma_wait3A_498 = arith.constant 0 : i32
      %dma_wait3A_499 = arith.constant 0 : i32
      %dma_wait3A_500 = tpu.memref_slice %arg5[%dma_wait3A_498, %dma_wait3A_499] : memref<32x1000000xf32, #tpu.memory_space<hbm>> -> memref<32x128xf32, #tpu.memory_space<hbm>>
      %dma_wait3A_501 = arith.constant 0 : i32
      %dma_wait3A_502 = arith.constant 0 : i32
      %dma_wait3A_503 = tpu.memref_slice %arg5[%dma_wait3A_501, %dma_wait3A_502] : memref<32x1000000xf32, #tpu.memory_space<hbm>> -> memref<32x128xf32, #tpu.memory_space<hbm>>
      tpu.wait_dma2 semaphore(%arg20 : memref<!tpu.dma_semaphore, #tpu.memory_space<semaphore_mem>>) src(%dma_wait3A_503 : memref<32x128xf32, #tpu.memory_space<hbm>>) dst(%arg14 : memref<32x128xf32, #tpu.memory_space<vmem>>)
      %dma_wait3A_504 = arith.constant 0 : i32
      %dma_wait3A_505 = arith.constant 0 : i32
      %dma_wait3A_506 = tpu.memref_slice %arg5[%dma_wait3A_504, %dma_wait3A_505] : memref<32x1000000xf32, #tpu.memory_space<hbm>> -> memref<32x128xf32, #tpu.memory_space<hbm>>
      %dma_wait3A_507 = arith.constant 0 : i32
      %dma_wait3A_508 = arith.constant 0 : i32
      %dma_wait3A_509 = tpu.memref_slice %arg5[%dma_wait3A_507, %dma_wait3A_508] : memref<32x1000000xf32, #tpu.memory_space<hbm>> -> memref<32x128xf32, #tpu.memory_space<hbm>>
      tpu.wait_dma2 semaphore(%arg20 : memref<!tpu.dma_semaphore, #tpu.memory_space<semaphore_mem>>) src(%dma_wait3A_509 : memref<32x128xf32, #tpu.memory_space<hbm>>) dst(%arg16 : memref<32x128xf32, #tpu.memory_space<vmem>>)
      %slice3A_510 = vector.extract_strided_slice %get3A_104 {offsets = [4], sizes = [1], strides = [1]} : vector<16xi32> to vector<1xi32>
      %squeeze3A_511 = vector.extract %slice3A_510[0] : i32 from vector<1xi32>
      %rem3A_512 = arith.constant 128 : i32
      %rem3A_513 = arith.remsi %squeeze3A_511, %rem3A_512 : i32
      %broadcast_in_dim3A_514 = vector.broadcast %rem3A_513 : i32 to vector<16xi32>
      %iota3A_515 = tpu.iota {dimensions = array<i32: 0>} : vector<16xi32>
      %gather3A_516 = tpu.vector_load_idx %arg12[%iota3A_515, %broadcast_in_dim3A_514] : memref<32x128xf32, #tpu.memory_space<vmem>>[vector<16xi32>, vector<16xi32>], vector<16xf32>,
      %iota3A_517 = tpu.iota {dimensions = array<i32: 0>} : vector<16xi32>
      %add3A_518 = arith.constant 16 : i32
      %add3A_519 = vector.broadcast %add3A_518 : i32 to vector<16xi32>
      %add3A_520 = arith.addi %iota3A_517, %add3A_519 : vector<16xi32>
      %gather3A_521 = tpu.vector_load_idx %arg12[%add3A_520, %broadcast_in_dim3A_514] : memref<32x128xf32, #tpu.memory_space<vmem>>[vector<16xi32>, vector<16xi32>], vector<16xf32>,
      %slice3A_522 = vector.extract_strided_slice %get3A_106 {offsets = [4], sizes = [1], strides = [1]} : vector<16xi32> to vector<1xi32>
      %squeeze3A_523 = vector.extract %slice3A_522[0] : i32 from vector<1xi32>
      %rem3A_524 = arith.constant 128 : i32
      %rem3A_525 = arith.remsi %squeeze3A_523, %rem3A_524 : i32
      %broadcast_in_dim3A_526 = vector.broadcast %rem3A_525 : i32 to vector<16xi32>
      %iota3A_527 = tpu.iota {dimensions = array<i32: 0>} : vector<16xi32>
      %gather3A_528 = tpu.vector_load_idx %arg14[%iota3A_527, %broadcast_in_dim3A_526] : memref<32x128xf32, #tpu.memory_space<vmem>>[vector<16xi32>, vector<16xi32>], vector<16xf32>,
      %iota3A_529 = tpu.iota {dimensions = array<i32: 0>} : vector<16xi32>
      %add3A_530 = arith.constant 16 : i32
      %add3A_531 = vector.broadcast %add3A_530 : i32 to vector<16xi32>
      %add3A_532 = arith.addi %iota3A_529, %add3A_531 : vector<16xi32>
      %gather3A_533 = tpu.vector_load_idx %arg14[%add3A_532, %broadcast_in_dim3A_526] : memref<32x128xf32, #tpu.memory_space<vmem>>[vector<16xi32>, vector<16xi32>], vector<16xf32>,
      %slice3A_534 = vector.extract_strided_slice %get3A_108 {offsets = [4], sizes = [1], strides = [1]} : vector<16xi32> to vector<1xi32>
      %squeeze3A_535 = vector.extract %slice3A_534[0] : i32 from vector<1xi32>
      %rem3A_536 = arith.constant 128 : i32
      %rem3A_537 = arith.remsi %squeeze3A_535, %rem3A_536 : i32
      %broadcast_in_dim3A_538 = vector.broadcast %rem3A_537 : i32 to vector<16xi32>
      %iota3A_539 = tpu.iota {dimensions = array<i32: 0>} : vector<16xi32>
      %gather3A_540 = tpu.vector_load_idx %arg16[%iota3A_539, %broadcast_in_dim3A_538] : memref<32x128xf32, #tpu.memory_space<vmem>>[vector<16xi32>, vector<16xi32>], vector<16xf32>,
      %iota3A_541 = tpu.iota {dimensions = array<i32: 0>} : vector<16xi32>
      %add3A_542 = arith.constant 16 : i32
      %add3A_543 = vector.broadcast %add3A_542 : i32 to vector<16xi32>
      %add3A_544 = arith.addi %iota3A_541, %add3A_543 : vector<16xi32>
      %gather3A_545 = tpu.vector_load_idx %arg16[%add3A_544, %broadcast_in_dim3A_538] : memref<32x128xf32, #tpu.memory_space<vmem>>[vector<16xi32>, vector<16xi32>], vector<16xf32>,
      %mul3A_546 = arith.mulf %gather3A_516, %gather3A_528 : vector<16xf32>
      %mul3A_547 = arith.mulf %gather3A_521, %gather3A_533 : vector<16xf32>
      %add3A_548 = arith.addf %mul3A_546, %mul3A_547 : vector<16xf32>
      %reduce_sum3A_549 = arith.constant true
      %reduce_sum3A_550 = vector.broadcast %reduce_sum3A_549 : i1 to vector<16xi1>
      %reduce_sum3A_551 = tpu.scan <sum>, %add3A_548 masked %reduce_sum3A_550 : vector<16xf32>, vector<16xi1> -> vector<16xf32>
      %reduce_sum3A_552 = vector.extract %reduce_sum3A_551[15] : f32 from vector<16xf32>
      %mul3A_553 = arith.mulf %gather3A_516, %gather3A_540 : vector<16xf32>
      %mul3A_554 = arith.mulf %gather3A_521, %gather3A_545 : vector<16xf32>
      %add3A_555 = arith.addf %mul3A_553, %mul3A_554 : vector<16xf32>
      %reduce_sum3A_556 = arith.constant true
      %reduce_sum3A_557 = vector.broadcast %reduce_sum3A_556 : i1 to vector<16xi1>
      %reduce_sum3A_558 = tpu.scan <sum>, %add3A_555 masked %reduce_sum3A_557 : vector<16xf32>, vector<16xi1> -> vector<16xf32>
      %reduce_sum3A_559 = vector.extract %reduce_sum3A_558[15] : f32 from vector<16xf32>
      %eq3A_560 = arith.constant 4 : i32
      %eq3A_561 = vector.broadcast %eq3A_560 : i32 to vector<16xi32>
      %eq3A_562 = arith.cmpi eq, %iota3A, %eq3A_561 : vector<16xi32>
      %broadcast_in_dim3A_563 = vector.broadcast %reduce_sum3A_552 : f32 to vector<16xf32>
      %select_n3A_564 = arith.select %eq3A_562, %broadcast_in_dim3A_563, %select_n3A_474 : vector<16xi1>, vector<16xf32>
      %broadcast_in_dim3A_565 = vector.broadcast %reduce_sum3A_559 : f32 to vector<16xf32>
      %select_n3A_566 = arith.select %eq3A_562, %broadcast_in_dim3A_565, %select_n3A_476 : vector<16xi1>, vector<16xf32>
      %add3A_567 = arith.constant 5 : i32
      %add3A_568 = arith.addi %mul3A_102, %add3A_567 : i32
      %slice3A_569 = vector.extract_strided_slice %get3A_104 {offsets = [6], sizes = [1], strides = [1]} : vector<16xi32> to vector<1xi32>
      %squeeze3A_570 = vector.extract %slice3A_569[0] : i32 from vector<1xi32>
      %slice3A_571 = vector.extract_strided_slice %get3A_106 {offsets = [6], sizes = [1], strides = [1]} : vector<16xi32> to vector<1xi32>
      %squeeze3A_572 = vector.extract %slice3A_571[0] : i32 from vector<1xi32>
      %slice3A_573 = vector.extract_strided_slice %get3A_108 {offsets = [6], sizes = [1], strides = [1]} : vector<16xi32> to vector<1xi32>
      %squeeze3A_574 = vector.extract %slice3A_573[0] : i32 from vector<1xi32>
      %add3A_575 = arith.constant 1 : i32
      %add3A_576 = arith.addi %add3A_568, %add3A_575 : i32
      %lt3A_577 = arith.constant 512 : i32
      %lt3A_578 = arith.cmpi slt, %add3A_576, %lt3A_577 : i32
      %convert_element_type3A_579 = arith.extui %lt3A_578 : i1 to i32
      %cond3A_580 = arith.constant 0 : i32
      %cond3A_581 = arith.cmpi ne, %convert_element_type3A_579, %cond3A_580 : i32
      scf.if %cond3A_581 {
        %jit3A_1560 = arith.constant 128 : i32
        %div3A_1561 = arith.divsi %squeeze3A_570, %jit3A_1560 : i32
        %sign3A_1562 = arith.constant 0 : i32
        %sign3A_1563 = arith.cmpi sgt, %squeeze3A_570, %sign3A_1562 : i32
        %sign3A_1564 = arith.extui %sign3A_1563 : i1 to i32
        %sign3A_1565 = arith.constant 0 : i32
        %sign3A_1566 = arith.cmpi slt, %squeeze3A_570, %sign3A_1565 : i32
        %sign3A_1567 = arith.extui %sign3A_1566 : i1 to i32
        %sign3A_1568 = arith.subi %sign3A_1564, %sign3A_1567 : i32
        %sign3A_1569 = arith.constant 0 : i32
        %sign3A_1570 = arith.cmpi sgt, %jit3A_1560, %sign3A_1569 : i32
        %sign3A_1571 = arith.extui %sign3A_1570 : i1 to i32
        %sign3A_1572 = arith.constant 0 : i32
        %sign3A_1573 = arith.cmpi slt, %jit3A_1560, %sign3A_1572 : i32
        %sign3A_1574 = arith.extui %sign3A_1573 : i1 to i32
        %sign3A_1575 = arith.subi %sign3A_1571, %sign3A_1574 : i32
        %ne3A_1576 = arith.cmpi ne, %sign3A_1568, %sign3A_1575 : i32
        %rem3A_1577 = arith.remsi %squeeze3A_570, %jit3A_1560 : i32
        %ne3A_1578 = arith.constant 0 : i32
        %ne3A_1579 = arith.cmpi ne, %rem3A_1577, %ne3A_1578 : i32
        %and3A_1580 = arith.andi %ne3A_1576, %ne3A_1579 : i1
        %sub3A_1581 = arith.constant 1 : i32
        %sub3A_1582 = arith.subi %div3A_1561, %sub3A_1581 : i32
        %select_n3A_1583 = arith.select %and3A_1580, %sub3A_1582, %div3A_1561 : i32
        %mul3A_1584 = arith.constant 128 : i32
        %mul3A_1585 = arith.muli %select_n3A_1583, %mul3A_1584 : i32
        %multiple_of3A_1586 = tpu.assume_multiple %mul3A_1585, 128 : i32
        %jit3A_1587 = arith.constant 128 : i32
        %div3A_1588 = arith.divsi %squeeze3A_572, %jit3A_1587 : i32
        %sign3A_1589 = arith.constant 0 : i32
        %sign3A_1590 = arith.cmpi sgt, %squeeze3A_572, %sign3A_1589 : i32
        %sign3A_1591 = arith.extui %sign3A_1590 : i1 to i32
        %sign3A_1592 = arith.constant 0 : i32
        %sign3A_1593 = arith.cmpi slt, %squeeze3A_572, %sign3A_1592 : i32
        %sign3A_1594 = arith.extui %sign3A_1593 : i1 to i32
        %sign3A_1595 = arith.subi %sign3A_1591, %sign3A_1594 : i32
        %sign3A_1596 = arith.constant 0 : i32
        %sign3A_1597 = arith.cmpi sgt, %jit3A_1587, %sign3A_1596 : i32
        %sign3A_1598 = arith.extui %sign3A_1597 : i1 to i32
        %sign3A_1599 = arith.constant 0 : i32
        %sign3A_1600 = arith.cmpi slt, %jit3A_1587, %sign3A_1599 : i32
        %sign3A_1601 = arith.extui %sign3A_1600 : i1 to i32
        %sign3A_1602 = arith.subi %sign3A_1598, %sign3A_1601 : i32
        %ne3A_1603 = arith.cmpi ne, %sign3A_1595, %sign3A_1602 : i32
        %rem3A_1604 = arith.remsi %squeeze3A_572, %jit3A_1587 : i32
        %ne3A_1605 = arith.constant 0 : i32
        %ne3A_1606 = arith.cmpi ne, %rem3A_1604, %ne3A_1605 : i32
        %and3A_1607 = arith.andi %ne3A_1603, %ne3A_1606 : i1
        %sub3A_1608 = arith.constant 1 : i32
        %sub3A_1609 = arith.subi %div3A_1588, %sub3A_1608 : i32
        %select_n3A_1610 = arith.select %and3A_1607, %sub3A_1609, %div3A_1588 : i32
        %mul3A_1611 = arith.constant 128 : i32
        %mul3A_1612 = arith.muli %select_n3A_1610, %mul3A_1611 : i32
        %multiple_of3A_1613 = tpu.assume_multiple %mul3A_1612, 128 : i32
        %jit3A_1614 = arith.constant 128 : i32
        %div3A_1615 = arith.divsi %squeeze3A_574, %jit3A_1614 : i32
        %sign3A_1616 = arith.constant 0 : i32
        %sign3A_1617 = arith.cmpi sgt, %squeeze3A_574, %sign3A_1616 : i32
        %sign3A_1618 = arith.extui %sign3A_1617 : i1 to i32
        %sign3A_1619 = arith.constant 0 : i32
        %sign3A_1620 = arith.cmpi slt, %squeeze3A_574, %sign3A_1619 : i32
        %sign3A_1621 = arith.extui %sign3A_1620 : i1 to i32
        %sign3A_1622 = arith.subi %sign3A_1618, %sign3A_1621 : i32
        %sign3A_1623 = arith.constant 0 : i32
        %sign3A_1624 = arith.cmpi sgt, %jit3A_1614, %sign3A_1623 : i32
        %sign3A_1625 = arith.extui %sign3A_1624 : i1 to i32
        %sign3A_1626 = arith.constant 0 : i32
        %sign3A_1627 = arith.cmpi slt, %jit3A_1614, %sign3A_1626 : i32
        %sign3A_1628 = arith.extui %sign3A_1627 : i1 to i32
        %sign3A_1629 = arith.subi %sign3A_1625, %sign3A_1628 : i32
        %ne3A_1630 = arith.cmpi ne, %sign3A_1622, %sign3A_1629 : i32
        %rem3A_1631 = arith.remsi %squeeze3A_574, %jit3A_1614 : i32
        %ne3A_1632 = arith.constant 0 : i32
        %ne3A_1633 = arith.cmpi ne, %rem3A_1631, %ne3A_1632 : i32
        %and3A_1634 = arith.andi %ne3A_1630, %ne3A_1633 : i1
        %sub3A_1635 = arith.constant 1 : i32
        %sub3A_1636 = arith.subi %div3A_1615, %sub3A_1635 : i32
        %select_n3A_1637 = arith.select %and3A_1634, %sub3A_1636, %div3A_1615 : i32
        %mul3A_1638 = arith.constant 128 : i32
        %mul3A_1639 = arith.muli %select_n3A_1637, %mul3A_1638 : i32
        %multiple_of3A_1640 = tpu.assume_multiple %mul3A_1639, 128 : i32
        %dma_start3A_1641 = arith.constant 0 : i32
        %dma_start3A_1642 = tpu.memref_slice %arg5[%dma_start3A_1641, %multiple_of3A_1586] : memref<32x1000000xf32, #tpu.memory_space<hbm>> -> memref<32x128xf32, #tpu.memory_space<hbm>>
        %dma_start3A_1643 = arith.constant 0 : i32
        %dma_start3A_1644 = tpu.memref_slice %arg5[%dma_start3A_1643, %multiple_of3A_1586] : memref<32x1000000xf32, #tpu.memory_space<hbm>> -> memref<32x128xf32, #tpu.memory_space<hbm>>
        tpu.enqueue_dma source(%dma_start3A_1644 : memref<32x128xf32, #tpu.memory_space<hbm>>) target(%arg12 : memref<32x128xf32, #tpu.memory_space<vmem>>) target_semaphore(%arg20 : memref<!tpu.dma_semaphore, #tpu.memory_space<semaphore_mem>>)
        %dma_start3A_1645 = arith.constant 0 : i32
        %dma_start3A_1646 = tpu.memref_slice %arg6[%dma_start3A_1645, %multiple_of3A_1613] : memref<32x1000000xf32, #tpu.memory_space<hbm>> -> memref<32x128xf32, #tpu.memory_space<hbm>>
        %dma_start3A_1647 = arith.constant 0 : i32
        %dma_start3A_1648 = tpu.memref_slice %arg6[%dma_start3A_1647, %multiple_of3A_1613] : memref<32x1000000xf32, #tpu.memory_space<hbm>> -> memref<32x128xf32, #tpu.memory_space<hbm>>
        tpu.enqueue_dma source(%dma_start3A_1648 : memref<32x128xf32, #tpu.memory_space<hbm>>) target(%arg14 : memref<32x128xf32, #tpu.memory_space<vmem>>) target_semaphore(%arg20 : memref<!tpu.dma_semaphore, #tpu.memory_space<semaphore_mem>>)
        %dma_start3A_1649 = arith.constant 0 : i32
        %dma_start3A_1650 = tpu.memref_slice %arg6[%dma_start3A_1649, %multiple_of3A_1640] : memref<32x1000000xf32, #tpu.memory_space<hbm>> -> memref<32x128xf32, #tpu.memory_space<hbm>>
        %dma_start3A_1651 = arith.constant 0 : i32
        %dma_start3A_1652 = tpu.memref_slice %arg6[%dma_start3A_1651, %multiple_of3A_1640] : memref<32x1000000xf32, #tpu.memory_space<hbm>> -> memref<32x128xf32, #tpu.memory_space<hbm>>
        tpu.enqueue_dma source(%dma_start3A_1652 : memref<32x128xf32, #tpu.memory_space<hbm>>) target(%arg16 : memref<32x128xf32, #tpu.memory_space<vmem>>) target_semaphore(%arg20 : memref<!tpu.dma_semaphore, #tpu.memory_space<semaphore_mem>>)
      } else {
      }
      %dma_wait3A_582 = arith.constant 0 : i32
      %dma_wait3A_583 = arith.constant 0 : i32
      %dma_wait3A_584 = tpu.memref_slice %arg5[%dma_wait3A_582, %dma_wait3A_583] : memref<32x1000000xf32, #tpu.memory_space<hbm>> -> memref<32x128xf32, #tpu.memory_space<hbm>>
      %dma_wait3A_585 = arith.constant 0 : i32
      %dma_wait3A_586 = arith.constant 0 : i32
      %dma_wait3A_587 = tpu.memref_slice %arg5[%dma_wait3A_585, %dma_wait3A_586] : memref<32x1000000xf32, #tpu.memory_space<hbm>> -> memref<32x128xf32, #tpu.memory_space<hbm>>
      tpu.wait_dma2 semaphore(%arg21 : memref<!tpu.dma_semaphore, #tpu.memory_space<semaphore_mem>>) src(%dma_wait3A_587 : memref<32x128xf32, #tpu.memory_space<hbm>>) dst(%arg12 : memref<32x128xf32, #tpu.memory_space<vmem>>)
      %dma_wait3A_588 = arith.constant 0 : i32
      %dma_wait3A_589 = arith.constant 0 : i32
      %dma_wait3A_590 = tpu.memref_slice %arg5[%dma_wait3A_588, %dma_wait3A_589] : memref<32x1000000xf32, #tpu.memory_space<hbm>> -> memref<32x128xf32, #tpu.memory_space<hbm>>
      %dma_wait3A_591 = arith.constant 0 : i32
      %dma_wait3A_592 = arith.constant 0 : i32
      %dma_wait3A_593 = tpu.memref_slice %arg5[%dma_wait3A_591, %dma_wait3A_592] : memref<32x1000000xf32, #tpu.memory_space<hbm>> -> memref<32x128xf32, #tpu.memory_space<hbm>>
      tpu.wait_dma2 semaphore(%arg21 : memref<!tpu.dma_semaphore, #tpu.memory_space<semaphore_mem>>) src(%dma_wait3A_593 : memref<32x128xf32, #tpu.memory_space<hbm>>) dst(%arg14 : memref<32x128xf32, #tpu.memory_space<vmem>>)
      %dma_wait3A_594 = arith.constant 0 : i32
      %dma_wait3A_595 = arith.constant 0 : i32
      %dma_wait3A_596 = tpu.memref_slice %arg5[%dma_wait3A_594, %dma_wait3A_595] : memref<32x1000000xf32, #tpu.memory_space<hbm>> -> memref<32x128xf32, #tpu.memory_space<hbm>>
      %dma_wait3A_597 = arith.constant 0 : i32
      %dma_wait3A_598 = arith.constant 0 : i32
      %dma_wait3A_599 = tpu.memref_slice %arg5[%dma_wait3A_597, %dma_wait3A_598] : memref<32x1000000xf32, #tpu.memory_space<hbm>> -> memref<32x128xf32, #tpu.memory_space<hbm>>
      tpu.wait_dma2 semaphore(%arg21 : memref<!tpu.dma_semaphore, #tpu.memory_space<semaphore_mem>>) src(%dma_wait3A_599 : memref<32x128xf32, #tpu.memory_space<hbm>>) dst(%arg16 : memref<32x128xf32, #tpu.memory_space<vmem>>)
      %slice3A_600 = vector.extract_strided_slice %get3A_104 {offsets = [5], sizes = [1], strides = [1]} : vector<16xi32> to vector<1xi32>
      %squeeze3A_601 = vector.extract %slice3A_600[0] : i32 from vector<1xi32>
      %rem3A_602 = arith.constant 128 : i32
      %rem3A_603 = arith.remsi %squeeze3A_601, %rem3A_602 : i32
      %broadcast_in_dim3A_604 = vector.broadcast %rem3A_603 : i32 to vector<16xi32>
      %iota3A_605 = tpu.iota {dimensions = array<i32: 0>} : vector<16xi32>
      %gather3A_606 = tpu.vector_load_idx %arg13[%iota3A_605, %broadcast_in_dim3A_604] : memref<32x128xf32, #tpu.memory_space<vmem>>[vector<16xi32>, vector<16xi32>], vector<16xf32>,
      %iota3A_607 = tpu.iota {dimensions = array<i32: 0>} : vector<16xi32>
      %add3A_608 = arith.constant 16 : i32
      %add3A_609 = vector.broadcast %add3A_608 : i32 to vector<16xi32>
      %add3A_610 = arith.addi %iota3A_607, %add3A_609 : vector<16xi32>
      %gather3A_611 = tpu.vector_load_idx %arg13[%add3A_610, %broadcast_in_dim3A_604] : memref<32x128xf32, #tpu.memory_space<vmem>>[vector<16xi32>, vector<16xi32>], vector<16xf32>,
      %slice3A_612 = vector.extract_strided_slice %get3A_106 {offsets = [5], sizes = [1], strides = [1]} : vector<16xi32> to vector<1xi32>
      %squeeze3A_613 = vector.extract %slice3A_612[0] : i32 from vector<1xi32>
      %rem3A_614 = arith.constant 128 : i32
      %rem3A_615 = arith.remsi %squeeze3A_613, %rem3A_614 : i32
      %broadcast_in_dim3A_616 = vector.broadcast %rem3A_615 : i32 to vector<16xi32>
      %iota3A_617 = tpu.iota {dimensions = array<i32: 0>} : vector<16xi32>
      %gather3A_618 = tpu.vector_load_idx %arg15[%iota3A_617, %broadcast_in_dim3A_616] : memref<32x128xf32, #tpu.memory_space<vmem>>[vector<16xi32>, vector<16xi32>], vector<16xf32>,
      %iota3A_619 = tpu.iota {dimensions = array<i32: 0>} : vector<16xi32>
      %add3A_620 = arith.constant 16 : i32
      %add3A_621 = vector.broadcast %add3A_620 : i32 to vector<16xi32>
      %add3A_622 = arith.addi %iota3A_619, %add3A_621 : vector<16xi32>
      %gather3A_623 = tpu.vector_load_idx %arg15[%add3A_622, %broadcast_in_dim3A_616] : memref<32x128xf32, #tpu.memory_space<vmem>>[vector<16xi32>, vector<16xi32>], vector<16xf32>,
      %slice3A_624 = vector.extract_strided_slice %get3A_108 {offsets = [5], sizes = [1], strides = [1]} : vector<16xi32> to vector<1xi32>
      %squeeze3A_625 = vector.extract %slice3A_624[0] : i32 from vector<1xi32>
      %rem3A_626 = arith.constant 128 : i32
      %rem3A_627 = arith.remsi %squeeze3A_625, %rem3A_626 : i32
      %broadcast_in_dim3A_628 = vector.broadcast %rem3A_627 : i32 to vector<16xi32>
      %iota3A_629 = tpu.iota {dimensions = array<i32: 0>} : vector<16xi32>
      %gather3A_630 = tpu.vector_load_idx %arg17[%iota3A_629, %broadcast_in_dim3A_628] : memref<32x128xf32, #tpu.memory_space<vmem>>[vector<16xi32>, vector<16xi32>], vector<16xf32>,
      %iota3A_631 = tpu.iota {dimensions = array<i32: 0>} : vector<16xi32>
      %add3A_632 = arith.constant 16 : i32
      %add3A_633 = vector.broadcast %add3A_632 : i32 to vector<16xi32>
      %add3A_634 = arith.addi %iota3A_631, %add3A_633 : vector<16xi32>
      %gather3A_635 = tpu.vector_load_idx %arg17[%add3A_634, %broadcast_in_dim3A_628] : memref<32x128xf32, #tpu.memory_space<vmem>>[vector<16xi32>, vector<16xi32>], vector<16xf32>,
      %mul3A_636 = arith.mulf %gather3A_606, %gather3A_618 : vector<16xf32>
      %mul3A_637 = arith.mulf %gather3A_611, %gather3A_623 : vector<16xf32>
      %add3A_638 = arith.addf %mul3A_636, %mul3A_637 : vector<16xf32>
      %reduce_sum3A_639 = arith.constant true
      %reduce_sum3A_640 = vector.broadcast %reduce_sum3A_639 : i1 to vector<16xi1>
      %reduce_sum3A_641 = tpu.scan <sum>, %add3A_638 masked %reduce_sum3A_640 : vector<16xf32>, vector<16xi1> -> vector<16xf32>
      %reduce_sum3A_642 = vector.extract %reduce_sum3A_641[15] : f32 from vector<16xf32>
      %mul3A_643 = arith.mulf %gather3A_606, %gather3A_630 : vector<16xf32>
      %mul3A_644 = arith.mulf %gather3A_611, %gather3A_635 : vector<16xf32>
      %add3A_645 = arith.addf %mul3A_643, %mul3A_644 : vector<16xf32>
      %reduce_sum3A_646 = arith.constant true
      %reduce_sum3A_647 = vector.broadcast %reduce_sum3A_646 : i1 to vector<16xi1>
      %reduce_sum3A_648 = tpu.scan <sum>, %add3A_645 masked %reduce_sum3A_647 : vector<16xf32>, vector<16xi1> -> vector<16xf32>
      %reduce_sum3A_649 = vector.extract %reduce_sum3A_648[15] : f32 from vector<16xf32>
      %eq3A_650 = arith.constant 5 : i32
      %eq3A_651 = vector.broadcast %eq3A_650 : i32 to vector<16xi32>
      %eq3A_652 = arith.cmpi eq, %iota3A, %eq3A_651 : vector<16xi32>
      %broadcast_in_dim3A_653 = vector.broadcast %reduce_sum3A_642 : f32 to vector<16xf32>
      %select_n3A_654 = arith.select %eq3A_652, %broadcast_in_dim3A_653, %select_n3A_564 : vector<16xi1>, vector<16xf32>
      %broadcast_in_dim3A_655 = vector.broadcast %reduce_sum3A_649 : f32 to vector<16xf32>
      %select_n3A_656 = arith.select %eq3A_652, %broadcast_in_dim3A_655, %select_n3A_566 : vector<16xi1>, vector<16xf32>
      %add3A_657 = arith.constant 6 : i32
      %add3A_658 = arith.addi %mul3A_102, %add3A_657 : i32
      %slice3A_659 = vector.extract_strided_slice %get3A_104 {offsets = [7], sizes = [1], strides = [1]} : vector<16xi32> to vector<1xi32>
      %squeeze3A_660 = vector.extract %slice3A_659[0] : i32 from vector<1xi32>
      %slice3A_661 = vector.extract_strided_slice %get3A_106 {offsets = [7], sizes = [1], strides = [1]} : vector<16xi32> to vector<1xi32>
      %squeeze3A_662 = vector.extract %slice3A_661[0] : i32 from vector<1xi32>
      %slice3A_663 = vector.extract_strided_slice %get3A_108 {offsets = [7], sizes = [1], strides = [1]} : vector<16xi32> to vector<1xi32>
      %squeeze3A_664 = vector.extract %slice3A_663[0] : i32 from vector<1xi32>
      %add3A_665 = arith.constant 1 : i32
      %add3A_666 = arith.addi %add3A_658, %add3A_665 : i32
      %lt3A_667 = arith.constant 512 : i32
      %lt3A_668 = arith.cmpi slt, %add3A_666, %lt3A_667 : i32
      %convert_element_type3A_669 = arith.extui %lt3A_668 : i1 to i32
      %cond3A_670 = arith.constant 0 : i32
      %cond3A_671 = arith.cmpi ne, %convert_element_type3A_669, %cond3A_670 : i32
      scf.if %cond3A_671 {
        %jit3A_1560 = arith.constant 128 : i32
        %div3A_1561 = arith.divsi %squeeze3A_660, %jit3A_1560 : i32
        %sign3A_1562 = arith.constant 0 : i32
        %sign3A_1563 = arith.cmpi sgt, %squeeze3A_660, %sign3A_1562 : i32
        %sign3A_1564 = arith.extui %sign3A_1563 : i1 to i32
        %sign3A_1565 = arith.constant 0 : i32
        %sign3A_1566 = arith.cmpi slt, %squeeze3A_660, %sign3A_1565 : i32
        %sign3A_1567 = arith.extui %sign3A_1566 : i1 to i32
        %sign3A_1568 = arith.subi %sign3A_1564, %sign3A_1567 : i32
        %sign3A_1569 = arith.constant 0 : i32
        %sign3A_1570 = arith.cmpi sgt, %jit3A_1560, %sign3A_1569 : i32
        %sign3A_1571 = arith.extui %sign3A_1570 : i1 to i32
        %sign3A_1572 = arith.constant 0 : i32
        %sign3A_1573 = arith.cmpi slt, %jit3A_1560, %sign3A_1572 : i32
        %sign3A_1574 = arith.extui %sign3A_1573 : i1 to i32
        %sign3A_1575 = arith.subi %sign3A_1571, %sign3A_1574 : i32
        %ne3A_1576 = arith.cmpi ne, %sign3A_1568, %sign3A_1575 : i32
        %rem3A_1577 = arith.remsi %squeeze3A_660, %jit3A_1560 : i32
        %ne3A_1578 = arith.constant 0 : i32
        %ne3A_1579 = arith.cmpi ne, %rem3A_1577, %ne3A_1578 : i32
        %and3A_1580 = arith.andi %ne3A_1576, %ne3A_1579 : i1
        %sub3A_1581 = arith.constant 1 : i32
        %sub3A_1582 = arith.subi %div3A_1561, %sub3A_1581 : i32
        %select_n3A_1583 = arith.select %and3A_1580, %sub3A_1582, %div3A_1561 : i32
        %mul3A_1584 = arith.constant 128 : i32
        %mul3A_1585 = arith.muli %select_n3A_1583, %mul3A_1584 : i32
        %multiple_of3A_1586 = tpu.assume_multiple %mul3A_1585, 128 : i32
        %jit3A_1587 = arith.constant 128 : i32
        %div3A_1588 = arith.divsi %squeeze3A_662, %jit3A_1587 : i32
        %sign3A_1589 = arith.constant 0 : i32
        %sign3A_1590 = arith.cmpi sgt, %squeeze3A_662, %sign3A_1589 : i32
        %sign3A_1591 = arith.extui %sign3A_1590 : i1 to i32
        %sign3A_1592 = arith.constant 0 : i32
        %sign3A_1593 = arith.cmpi slt, %squeeze3A_662, %sign3A_1592 : i32
        %sign3A_1594 = arith.extui %sign3A_1593 : i1 to i32
        %sign3A_1595 = arith.subi %sign3A_1591, %sign3A_1594 : i32
        %sign3A_1596 = arith.constant 0 : i32
        %sign3A_1597 = arith.cmpi sgt, %jit3A_1587, %sign3A_1596 : i32
        %sign3A_1598 = arith.extui %sign3A_1597 : i1 to i32
        %sign3A_1599 = arith.constant 0 : i32
        %sign3A_1600 = arith.cmpi slt, %jit3A_1587, %sign3A_1599 : i32
        %sign3A_1601 = arith.extui %sign3A_1600 : i1 to i32
        %sign3A_1602 = arith.subi %sign3A_1598, %sign3A_1601 : i32
        %ne3A_1603 = arith.cmpi ne, %sign3A_1595, %sign3A_1602 : i32
        %rem3A_1604 = arith.remsi %squeeze3A_662, %jit3A_1587 : i32
        %ne3A_1605 = arith.constant 0 : i32
        %ne3A_1606 = arith.cmpi ne, %rem3A_1604, %ne3A_1605 : i32
        %and3A_1607 = arith.andi %ne3A_1603, %ne3A_1606 : i1
        %sub3A_1608 = arith.constant 1 : i32
        %sub3A_1609 = arith.subi %div3A_1588, %sub3A_1608 : i32
        %select_n3A_1610 = arith.select %and3A_1607, %sub3A_1609, %div3A_1588 : i32
        %mul3A_1611 = arith.constant 128 : i32
        %mul3A_1612 = arith.muli %select_n3A_1610, %mul3A_1611 : i32
        %multiple_of3A_1613 = tpu.assume_multiple %mul3A_1612, 128 : i32
        %jit3A_1614 = arith.constant 128 : i32
        %div3A_1615 = arith.divsi %squeeze3A_664, %jit3A_1614 : i32
        %sign3A_1616 = arith.constant 0 : i32
        %sign3A_1617 = arith.cmpi sgt, %squeeze3A_664, %sign3A_1616 : i32
        %sign3A_1618 = arith.extui %sign3A_1617 : i1 to i32
        %sign3A_1619 = arith.constant 0 : i32
        %sign3A_1620 = arith.cmpi slt, %squeeze3A_664, %sign3A_1619 : i32
        %sign3A_1621 = arith.extui %sign3A_1620 : i1 to i32
        %sign3A_1622 = arith.subi %sign3A_1618, %sign3A_1621 : i32
        %sign3A_1623 = arith.constant 0 : i32
        %sign3A_1624 = arith.cmpi sgt, %jit3A_1614, %sign3A_1623 : i32
        %sign3A_1625 = arith.extui %sign3A_1624 : i1 to i32
        %sign3A_1626 = arith.constant 0 : i32
        %sign3A_1627 = arith.cmpi slt, %jit3A_1614, %sign3A_1626 : i32
        %sign3A_1628 = arith.extui %sign3A_1627 : i1 to i32
        %sign3A_1629 = arith.subi %sign3A_1625, %sign3A_1628 : i32
        %ne3A_1630 = arith.cmpi ne, %sign3A_1622, %sign3A_1629 : i32
        %rem3A_1631 = arith.remsi %squeeze3A_664, %jit3A_1614 : i32
        %ne3A_1632 = arith.constant 0 : i32
        %ne3A_1633 = arith.cmpi ne, %rem3A_1631, %ne3A_1632 : i32
        %and3A_1634 = arith.andi %ne3A_1630, %ne3A_1633 : i1
        %sub3A_1635 = arith.constant 1 : i32
        %sub3A_1636 = arith.subi %div3A_1615, %sub3A_1635 : i32
        %select_n3A_1637 = arith.select %and3A_1634, %sub3A_1636, %div3A_1615 : i32
        %mul3A_1638 = arith.constant 128 : i32
        %mul3A_1639 = arith.muli %select_n3A_1637, %mul3A_1638 : i32
        %multiple_of3A_1640 = tpu.assume_multiple %mul3A_1639, 128 : i32
        %dma_start3A_1641 = arith.constant 0 : i32
        %dma_start3A_1642 = tpu.memref_slice %arg5[%dma_start3A_1641, %multiple_of3A_1586] : memref<32x1000000xf32, #tpu.memory_space<hbm>> -> memref<32x128xf32, #tpu.memory_space<hbm>>
        %dma_start3A_1643 = arith.constant 0 : i32
        %dma_start3A_1644 = tpu.memref_slice %arg5[%dma_start3A_1643, %multiple_of3A_1586] : memref<32x1000000xf32, #tpu.memory_space<hbm>> -> memref<32x128xf32, #tpu.memory_space<hbm>>
        tpu.enqueue_dma source(%dma_start3A_1644 : memref<32x128xf32, #tpu.memory_space<hbm>>) target(%arg13 : memref<32x128xf32, #tpu.memory_space<vmem>>) target_semaphore(%arg21 : memref<!tpu.dma_semaphore, #tpu.memory_space<semaphore_mem>>)
        %dma_start3A_1645 = arith.constant 0 : i32
        %dma_start3A_1646 = tpu.memref_slice %arg6[%dma_start3A_1645, %multiple_of3A_1613] : memref<32x1000000xf32, #tpu.memory_space<hbm>> -> memref<32x128xf32, #tpu.memory_space<hbm>>
        %dma_start3A_1647 = arith.constant 0 : i32
        %dma_start3A_1648 = tpu.memref_slice %arg6[%dma_start3A_1647, %multiple_of3A_1613] : memref<32x1000000xf32, #tpu.memory_space<hbm>> -> memref<32x128xf32, #tpu.memory_space<hbm>>
        tpu.enqueue_dma source(%dma_start3A_1648 : memref<32x128xf32, #tpu.memory_space<hbm>>) target(%arg15 : memref<32x128xf32, #tpu.memory_space<vmem>>) target_semaphore(%arg21 : memref<!tpu.dma_semaphore, #tpu.memory_space<semaphore_mem>>)
        %dma_start3A_1649 = arith.constant 0 : i32
        %dma_start3A_1650 = tpu.memref_slice %arg6[%dma_start3A_1649, %multiple_of3A_1640] : memref<32x1000000xf32, #tpu.memory_space<hbm>> -> memref<32x128xf32, #tpu.memory_space<hbm>>
        %dma_start3A_1651 = arith.constant 0 : i32
        %dma_start3A_1652 = tpu.memref_slice %arg6[%dma_start3A_1651, %multiple_of3A_1640] : memref<32x1000000xf32, #tpu.memory_space<hbm>> -> memref<32x128xf32, #tpu.memory_space<hbm>>
        tpu.enqueue_dma source(%dma_start3A_1652 : memref<32x128xf32, #tpu.memory_space<hbm>>) target(%arg17 : memref<32x128xf32, #tpu.memory_space<vmem>>) target_semaphore(%arg21 : memref<!tpu.dma_semaphore, #tpu.memory_space<semaphore_mem>>)
      } else {
      }
      %dma_wait3A_672 = arith.constant 0 : i32
      %dma_wait3A_673 = arith.constant 0 : i32
      %dma_wait3A_674 = tpu.memref_slice %arg5[%dma_wait3A_672, %dma_wait3A_673] : memref<32x1000000xf32, #tpu.memory_space<hbm>> -> memref<32x128xf32, #tpu.memory_space<hbm>>
      %dma_wait3A_675 = arith.constant 0 : i32
      %dma_wait3A_676 = arith.constant 0 : i32
      %dma_wait3A_677 = tpu.memref_slice %arg5[%dma_wait3A_675, %dma_wait3A_676] : memref<32x1000000xf32, #tpu.memory_space<hbm>> -> memref<32x128xf32, #tpu.memory_space<hbm>>
      tpu.wait_dma2 semaphore(%arg20 : memref<!tpu.dma_semaphore, #tpu.memory_space<semaphore_mem>>) src(%dma_wait3A_677 : memref<32x128xf32, #tpu.memory_space<hbm>>) dst(%arg12 : memref<32x128xf32, #tpu.memory_space<vmem>>)
      %dma_wait3A_678 = arith.constant 0 : i32
      %dma_wait3A_679 = arith.constant 0 : i32
      %dma_wait3A_680 = tpu.memref_slice %arg5[%dma_wait3A_678, %dma_wait3A_679] : memref<32x1000000xf32, #tpu.memory_space<hbm>> -> memref<32x128xf32, #tpu.memory_space<hbm>>
      %dma_wait3A_681 = arith.constant 0 : i32
      %dma_wait3A_682 = arith.constant 0 : i32
      %dma_wait3A_683 = tpu.memref_slice %arg5[%dma_wait3A_681, %dma_wait3A_682] : memref<32x1000000xf32, #tpu.memory_space<hbm>> -> memref<32x128xf32, #tpu.memory_space<hbm>>
      tpu.wait_dma2 semaphore(%arg20 : memref<!tpu.dma_semaphore, #tpu.memory_space<semaphore_mem>>) src(%dma_wait3A_683 : memref<32x128xf32, #tpu.memory_space<hbm>>) dst(%arg14 : memref<32x128xf32, #tpu.memory_space<vmem>>)
      %dma_wait3A_684 = arith.constant 0 : i32
      %dma_wait3A_685 = arith.constant 0 : i32
      %dma_wait3A_686 = tpu.memref_slice %arg5[%dma_wait3A_684, %dma_wait3A_685] : memref<32x1000000xf32, #tpu.memory_space<hbm>> -> memref<32x128xf32, #tpu.memory_space<hbm>>
      %dma_wait3A_687 = arith.constant 0 : i32
      %dma_wait3A_688 = arith.constant 0 : i32
      %dma_wait3A_689 = tpu.memref_slice %arg5[%dma_wait3A_687, %dma_wait3A_688] : memref<32x1000000xf32, #tpu.memory_space<hbm>> -> memref<32x128xf32, #tpu.memory_space<hbm>>
      tpu.wait_dma2 semaphore(%arg20 : memref<!tpu.dma_semaphore, #tpu.memory_space<semaphore_mem>>) src(%dma_wait3A_689 : memref<32x128xf32, #tpu.memory_space<hbm>>) dst(%arg16 : memref<32x128xf32, #tpu.memory_space<vmem>>)
      %slice3A_690 = vector.extract_strided_slice %get3A_104 {offsets = [6], sizes = [1], strides = [1]} : vector<16xi32> to vector<1xi32>
      %squeeze3A_691 = vector.extract %slice3A_690[0] : i32 from vector<1xi32>
      %rem3A_692 = arith.constant 128 : i32
      %rem3A_693 = arith.remsi %squeeze3A_691, %rem3A_692 : i32
      %broadcast_in_dim3A_694 = vector.broadcast %rem3A_693 : i32 to vector<16xi32>
      %iota3A_695 = tpu.iota {dimensions = array<i32: 0>} : vector<16xi32>
      %gather3A_696 = tpu.vector_load_idx %arg12[%iota3A_695, %broadcast_in_dim3A_694] : memref<32x128xf32, #tpu.memory_space<vmem>>[vector<16xi32>, vector<16xi32>], vector<16xf32>,
      %iota3A_697 = tpu.iota {dimensions = array<i32: 0>} : vector<16xi32>
      %add3A_698 = arith.constant 16 : i32
      %add3A_699 = vector.broadcast %add3A_698 : i32 to vector<16xi32>
      %add3A_700 = arith.addi %iota3A_697, %add3A_699 : vector<16xi32>
      %gather3A_701 = tpu.vector_load_idx %arg12[%add3A_700, %broadcast_in_dim3A_694] : memref<32x128xf32, #tpu.memory_space<vmem>>[vector<16xi32>, vector<16xi32>], vector<16xf32>,
      %slice3A_702 = vector.extract_strided_slice %get3A_106 {offsets = [6], sizes = [1], strides = [1]} : vector<16xi32> to vector<1xi32>
      %squeeze3A_703 = vector.extract %slice3A_702[0] : i32 from vector<1xi32>
      %rem3A_704 = arith.constant 128 : i32
      %rem3A_705 = arith.remsi %squeeze3A_703, %rem3A_704 : i32
      %broadcast_in_dim3A_706 = vector.broadcast %rem3A_705 : i32 to vector<16xi32>
      %iota3A_707 = tpu.iota {dimensions = array<i32: 0>} : vector<16xi32>
      %gather3A_708 = tpu.vector_load_idx %arg14[%iota3A_707, %broadcast_in_dim3A_706] : memref<32x128xf32, #tpu.memory_space<vmem>>[vector<16xi32>, vector<16xi32>], vector<16xf32>,
      %iota3A_709 = tpu.iota {dimensions = array<i32: 0>} : vector<16xi32>
      %add3A_710 = arith.constant 16 : i32
      %add3A_711 = vector.broadcast %add3A_710 : i32 to vector<16xi32>
      %add3A_712 = arith.addi %iota3A_709, %add3A_711 : vector<16xi32>
      %gather3A_713 = tpu.vector_load_idx %arg14[%add3A_712, %broadcast_in_dim3A_706] : memref<32x128xf32, #tpu.memory_space<vmem>>[vector<16xi32>, vector<16xi32>], vector<16xf32>,
      %slice3A_714 = vector.extract_strided_slice %get3A_108 {offsets = [6], sizes = [1], strides = [1]} : vector<16xi32> to vector<1xi32>
      %squeeze3A_715 = vector.extract %slice3A_714[0] : i32 from vector<1xi32>
      %rem3A_716 = arith.constant 128 : i32
      %rem3A_717 = arith.remsi %squeeze3A_715, %rem3A_716 : i32
      %broadcast_in_dim3A_718 = vector.broadcast %rem3A_717 : i32 to vector<16xi32>
      %iota3A_719 = tpu.iota {dimensions = array<i32: 0>} : vector<16xi32>
      %gather3A_720 = tpu.vector_load_idx %arg16[%iota3A_719, %broadcast_in_dim3A_718] : memref<32x128xf32, #tpu.memory_space<vmem>>[vector<16xi32>, vector<16xi32>], vector<16xf32>,
      %iota3A_721 = tpu.iota {dimensions = array<i32: 0>} : vector<16xi32>
      %add3A_722 = arith.constant 16 : i32
      %add3A_723 = vector.broadcast %add3A_722 : i32 to vector<16xi32>
      %add3A_724 = arith.addi %iota3A_721, %add3A_723 : vector<16xi32>
      %gather3A_725 = tpu.vector_load_idx %arg16[%add3A_724, %broadcast_in_dim3A_718] : memref<32x128xf32, #tpu.memory_space<vmem>>[vector<16xi32>, vector<16xi32>], vector<16xf32>,
      %mul3A_726 = arith.mulf %gather3A_696, %gather3A_708 : vector<16xf32>
      %mul3A_727 = arith.mulf %gather3A_701, %gather3A_713 : vector<16xf32>
      %add3A_728 = arith.addf %mul3A_726, %mul3A_727 : vector<16xf32>
      %reduce_sum3A_729 = arith.constant true
      %reduce_sum3A_730 = vector.broadcast %reduce_sum3A_729 : i1 to vector<16xi1>
      %reduce_sum3A_731 = tpu.scan <sum>, %add3A_728 masked %reduce_sum3A_730 : vector<16xf32>, vector<16xi1> -> vector<16xf32>
      %reduce_sum3A_732 = vector.extract %reduce_sum3A_731[15] : f32 from vector<16xf32>
      %mul3A_733 = arith.mulf %gather3A_696, %gather3A_720 : vector<16xf32>
      %mul3A_734 = arith.mulf %gather3A_701, %gather3A_725 : vector<16xf32>
      %add3A_735 = arith.addf %mul3A_733, %mul3A_734 : vector<16xf32>
      %reduce_sum3A_736 = arith.constant true
      %reduce_sum3A_737 = vector.broadcast %reduce_sum3A_736 : i1 to vector<16xi1>
      %reduce_sum3A_738 = tpu.scan <sum>, %add3A_735 masked %reduce_sum3A_737 : vector<16xf32>, vector<16xi1> -> vector<16xf32>
      %reduce_sum3A_739 = vector.extract %reduce_sum3A_738[15] : f32 from vector<16xf32>
      %eq3A_740 = arith.constant 6 : i32
      %eq3A_741 = vector.broadcast %eq3A_740 : i32 to vector<16xi32>
      %eq3A_742 = arith.cmpi eq, %iota3A, %eq3A_741 : vector<16xi32>
      %broadcast_in_dim3A_743 = vector.broadcast %reduce_sum3A_732 : f32 to vector<16xf32>
      %select_n3A_744 = arith.select %eq3A_742, %broadcast_in_dim3A_743, %select_n3A_654 : vector<16xi1>, vector<16xf32>
      %broadcast_in_dim3A_745 = vector.broadcast %reduce_sum3A_739 : f32 to vector<16xf32>
      %select_n3A_746 = arith.select %eq3A_742, %broadcast_in_dim3A_745, %select_n3A_656 : vector<16xi1>, vector<16xf32>
      %add3A_747 = arith.constant 7 : i32
      %add3A_748 = arith.addi %mul3A_102, %add3A_747 : i32
      %slice3A_749 = vector.extract_strided_slice %get3A_104 {offsets = [8], sizes = [1], strides = [1]} : vector<16xi32> to vector<1xi32>
      %squeeze3A_750 = vector.extract %slice3A_749[0] : i32 from vector<1xi32>
      %slice3A_751 = vector.extract_strided_slice %get3A_106 {offsets = [8], sizes = [1], strides = [1]} : vector<16xi32> to vector<1xi32>
      %squeeze3A_752 = vector.extract %slice3A_751[0] : i32 from vector<1xi32>
      %slice3A_753 = vector.extract_strided_slice %get3A_108 {offsets = [8], sizes = [1], strides = [1]} : vector<16xi32> to vector<1xi32>
      %squeeze3A_754 = vector.extract %slice3A_753[0] : i32 from vector<1xi32>
      %add3A_755 = arith.constant 1 : i32
      %add3A_756 = arith.addi %add3A_748, %add3A_755 : i32
      %lt3A_757 = arith.constant 512 : i32
      %lt3A_758 = arith.cmpi slt, %add3A_756, %lt3A_757 : i32
      %convert_element_type3A_759 = arith.extui %lt3A_758 : i1 to i32
      %cond3A_760 = arith.constant 0 : i32
      %cond3A_761 = arith.cmpi ne, %convert_element_type3A_759, %cond3A_760 : i32
      scf.if %cond3A_761 {
        %jit3A_1560 = arith.constant 128 : i32
        %div3A_1561 = arith.divsi %squeeze3A_750, %jit3A_1560 : i32
        %sign3A_1562 = arith.constant 0 : i32
        %sign3A_1563 = arith.cmpi sgt, %squeeze3A_750, %sign3A_1562 : i32
        %sign3A_1564 = arith.extui %sign3A_1563 : i1 to i32
        %sign3A_1565 = arith.constant 0 : i32
        %sign3A_1566 = arith.cmpi slt, %squeeze3A_750, %sign3A_1565 : i32
        %sign3A_1567 = arith.extui %sign3A_1566 : i1 to i32
        %sign3A_1568 = arith.subi %sign3A_1564, %sign3A_1567 : i32
        %sign3A_1569 = arith.constant 0 : i32
        %sign3A_1570 = arith.cmpi sgt, %jit3A_1560, %sign3A_1569 : i32
        %sign3A_1571 = arith.extui %sign3A_1570 : i1 to i32
        %sign3A_1572 = arith.constant 0 : i32
        %sign3A_1573 = arith.cmpi slt, %jit3A_1560, %sign3A_1572 : i32
        %sign3A_1574 = arith.extui %sign3A_1573 : i1 to i32
        %sign3A_1575 = arith.subi %sign3A_1571, %sign3A_1574 : i32
        %ne3A_1576 = arith.cmpi ne, %sign3A_1568, %sign3A_1575 : i32
        %rem3A_1577 = arith.remsi %squeeze3A_750, %jit3A_1560 : i32
        %ne3A_1578 = arith.constant 0 : i32
        %ne3A_1579 = arith.cmpi ne, %rem3A_1577, %ne3A_1578 : i32
        %and3A_1580 = arith.andi %ne3A_1576, %ne3A_1579 : i1
        %sub3A_1581 = arith.constant 1 : i32
        %sub3A_1582 = arith.subi %div3A_1561, %sub3A_1581 : i32
        %select_n3A_1583 = arith.select %and3A_1580, %sub3A_1582, %div3A_1561 : i32
        %mul3A_1584 = arith.constant 128 : i32
        %mul3A_1585 = arith.muli %select_n3A_1583, %mul3A_1584 : i32
        %multiple_of3A_1586 = tpu.assume_multiple %mul3A_1585, 128 : i32
        %jit3A_1587 = arith.constant 128 : i32
        %div3A_1588 = arith.divsi %squeeze3A_752, %jit3A_1587 : i32
        %sign3A_1589 = arith.constant 0 : i32
        %sign3A_1590 = arith.cmpi sgt, %squeeze3A_752, %sign3A_1589 : i32
        %sign3A_1591 = arith.extui %sign3A_1590 : i1 to i32
        %sign3A_1592 = arith.constant 0 : i32
        %sign3A_1593 = arith.cmpi slt, %squeeze3A_752, %sign3A_1592 : i32
        %sign3A_1594 = arith.extui %sign3A_1593 : i1 to i32
        %sign3A_1595 = arith.subi %sign3A_1591, %sign3A_1594 : i32
        %sign3A_1596 = arith.constant 0 : i32
        %sign3A_1597 = arith.cmpi sgt, %jit3A_1587, %sign3A_1596 : i32
        %sign3A_1598 = arith.extui %sign3A_1597 : i1 to i32
        %sign3A_1599 = arith.constant 0 : i32
        %sign3A_1600 = arith.cmpi slt, %jit3A_1587, %sign3A_1599 : i32
        %sign3A_1601 = arith.extui %sign3A_1600 : i1 to i32
        %sign3A_1602 = arith.subi %sign3A_1598, %sign3A_1601 : i32
        %ne3A_1603 = arith.cmpi ne, %sign3A_1595, %sign3A_1602 : i32
        %rem3A_1604 = arith.remsi %squeeze3A_752, %jit3A_1587 : i32
        %ne3A_1605 = arith.constant 0 : i32
        %ne3A_1606 = arith.cmpi ne, %rem3A_1604, %ne3A_1605 : i32
        %and3A_1607 = arith.andi %ne3A_1603, %ne3A_1606 : i1
        %sub3A_1608 = arith.constant 1 : i32
        %sub3A_1609 = arith.subi %div3A_1588, %sub3A_1608 : i32
        %select_n3A_1610 = arith.select %and3A_1607, %sub3A_1609, %div3A_1588 : i32
        %mul3A_1611 = arith.constant 128 : i32
        %mul3A_1612 = arith.muli %select_n3A_1610, %mul3A_1611 : i32
        %multiple_of3A_1613 = tpu.assume_multiple %mul3A_1612, 128 : i32
        %jit3A_1614 = arith.constant 128 : i32
        %div3A_1615 = arith.divsi %squeeze3A_754, %jit3A_1614 : i32
        %sign3A_1616 = arith.constant 0 : i32
        %sign3A_1617 = arith.cmpi sgt, %squeeze3A_754, %sign3A_1616 : i32
        %sign3A_1618 = arith.extui %sign3A_1617 : i1 to i32
        %sign3A_1619 = arith.constant 0 : i32
        %sign3A_1620 = arith.cmpi slt, %squeeze3A_754, %sign3A_1619 : i32
        %sign3A_1621 = arith.extui %sign3A_1620 : i1 to i32
        %sign3A_1622 = arith.subi %sign3A_1618, %sign3A_1621 : i32
        %sign3A_1623 = arith.constant 0 : i32
        %sign3A_1624 = arith.cmpi sgt, %jit3A_1614, %sign3A_1623 : i32
        %sign3A_1625 = arith.extui %sign3A_1624 : i1 to i32
        %sign3A_1626 = arith.constant 0 : i32
        %sign3A_1627 = arith.cmpi slt, %jit3A_1614, %sign3A_1626 : i32
        %sign3A_1628 = arith.extui %sign3A_1627 : i1 to i32
        %sign3A_1629 = arith.subi %sign3A_1625, %sign3A_1628 : i32
        %ne3A_1630 = arith.cmpi ne, %sign3A_1622, %sign3A_1629 : i32
        %rem3A_1631 = arith.remsi %squeeze3A_754, %jit3A_1614 : i32
        %ne3A_1632 = arith.constant 0 : i32
        %ne3A_1633 = arith.cmpi ne, %rem3A_1631, %ne3A_1632 : i32
        %and3A_1634 = arith.andi %ne3A_1630, %ne3A_1633 : i1
        %sub3A_1635 = arith.constant 1 : i32
        %sub3A_1636 = arith.subi %div3A_1615, %sub3A_1635 : i32
        %select_n3A_1637 = arith.select %and3A_1634, %sub3A_1636, %div3A_1615 : i32
        %mul3A_1638 = arith.constant 128 : i32
        %mul3A_1639 = arith.muli %select_n3A_1637, %mul3A_1638 : i32
        %multiple_of3A_1640 = tpu.assume_multiple %mul3A_1639, 128 : i32
        %dma_start3A_1641 = arith.constant 0 : i32
        %dma_start3A_1642 = tpu.memref_slice %arg5[%dma_start3A_1641, %multiple_of3A_1586] : memref<32x1000000xf32, #tpu.memory_space<hbm>> -> memref<32x128xf32, #tpu.memory_space<hbm>>
        %dma_start3A_1643 = arith.constant 0 : i32
        %dma_start3A_1644 = tpu.memref_slice %arg5[%dma_start3A_1643, %multiple_of3A_1586] : memref<32x1000000xf32, #tpu.memory_space<hbm>> -> memref<32x128xf32, #tpu.memory_space<hbm>>
        tpu.enqueue_dma source(%dma_start3A_1644 : memref<32x128xf32, #tpu.memory_space<hbm>>) target(%arg12 : memref<32x128xf32, #tpu.memory_space<vmem>>) target_semaphore(%arg20 : memref<!tpu.dma_semaphore, #tpu.memory_space<semaphore_mem>>)
        %dma_start3A_1645 = arith.constant 0 : i32
        %dma_start3A_1646 = tpu.memref_slice %arg6[%dma_start3A_1645, %multiple_of3A_1613] : memref<32x1000000xf32, #tpu.memory_space<hbm>> -> memref<32x128xf32, #tpu.memory_space<hbm>>
        %dma_start3A_1647 = arith.constant 0 : i32
        %dma_start3A_1648 = tpu.memref_slice %arg6[%dma_start3A_1647, %multiple_of3A_1613] : memref<32x1000000xf32, #tpu.memory_space<hbm>> -> memref<32x128xf32, #tpu.memory_space<hbm>>
        tpu.enqueue_dma source(%dma_start3A_1648 : memref<32x128xf32, #tpu.memory_space<hbm>>) target(%arg14 : memref<32x128xf32, #tpu.memory_space<vmem>>) target_semaphore(%arg20 : memref<!tpu.dma_semaphore, #tpu.memory_space<semaphore_mem>>)
        %dma_start3A_1649 = arith.constant 0 : i32
        %dma_start3A_1650 = tpu.memref_slice %arg6[%dma_start3A_1649, %multiple_of3A_1640] : memref<32x1000000xf32, #tpu.memory_space<hbm>> -> memref<32x128xf32, #tpu.memory_space<hbm>>
        %dma_start3A_1651 = arith.constant 0 : i32
        %dma_start3A_1652 = tpu.memref_slice %arg6[%dma_start3A_1651, %multiple_of3A_1640] : memref<32x1000000xf32, #tpu.memory_space<hbm>> -> memref<32x128xf32, #tpu.memory_space<hbm>>
        tpu.enqueue_dma source(%dma_start3A_1652 : memref<32x128xf32, #tpu.memory_space<hbm>>) target(%arg16 : memref<32x128xf32, #tpu.memory_space<vmem>>) target_semaphore(%arg20 : memref<!tpu.dma_semaphore, #tpu.memory_space<semaphore_mem>>)
      } else {
      }
      %dma_wait3A_762 = arith.constant 0 : i32
      %dma_wait3A_763 = arith.constant 0 : i32
      %dma_wait3A_764 = tpu.memref_slice %arg5[%dma_wait3A_762, %dma_wait3A_763] : memref<32x1000000xf32, #tpu.memory_space<hbm>> -> memref<32x128xf32, #tpu.memory_space<hbm>>
      %dma_wait3A_765 = arith.constant 0 : i32
      %dma_wait3A_766 = arith.constant 0 : i32
      %dma_wait3A_767 = tpu.memref_slice %arg5[%dma_wait3A_765, %dma_wait3A_766] : memref<32x1000000xf32, #tpu.memory_space<hbm>> -> memref<32x128xf32, #tpu.memory_space<hbm>>
      tpu.wait_dma2 semaphore(%arg21 : memref<!tpu.dma_semaphore, #tpu.memory_space<semaphore_mem>>) src(%dma_wait3A_767 : memref<32x128xf32, #tpu.memory_space<hbm>>) dst(%arg12 : memref<32x128xf32, #tpu.memory_space<vmem>>)
      %dma_wait3A_768 = arith.constant 0 : i32
      %dma_wait3A_769 = arith.constant 0 : i32
      %dma_wait3A_770 = tpu.memref_slice %arg5[%dma_wait3A_768, %dma_wait3A_769] : memref<32x1000000xf32, #tpu.memory_space<hbm>> -> memref<32x128xf32, #tpu.memory_space<hbm>>
      %dma_wait3A_771 = arith.constant 0 : i32
      %dma_wait3A_772 = arith.constant 0 : i32
      %dma_wait3A_773 = tpu.memref_slice %arg5[%dma_wait3A_771, %dma_wait3A_772] : memref<32x1000000xf32, #tpu.memory_space<hbm>> -> memref<32x128xf32, #tpu.memory_space<hbm>>
      tpu.wait_dma2 semaphore(%arg21 : memref<!tpu.dma_semaphore, #tpu.memory_space<semaphore_mem>>) src(%dma_wait3A_773 : memref<32x128xf32, #tpu.memory_space<hbm>>) dst(%arg14 : memref<32x128xf32, #tpu.memory_space<vmem>>)
      %dma_wait3A_774 = arith.constant 0 : i32
      %dma_wait3A_775 = arith.constant 0 : i32
      %dma_wait3A_776 = tpu.memref_slice %arg5[%dma_wait3A_774, %dma_wait3A_775] : memref<32x1000000xf32, #tpu.memory_space<hbm>> -> memref<32x128xf32, #tpu.memory_space<hbm>>
      %dma_wait3A_777 = arith.constant 0 : i32
      %dma_wait3A_778 = arith.constant 0 : i32
      %dma_wait3A_779 = tpu.memref_slice %arg5[%dma_wait3A_777, %dma_wait3A_778] : memref<32x1000000xf32, #tpu.memory_space<hbm>> -> memref<32x128xf32, #tpu.memory_space<hbm>>
      tpu.wait_dma2 semaphore(%arg21 : memref<!tpu.dma_semaphore, #tpu.memory_space<semaphore_mem>>) src(%dma_wait3A_779 : memref<32x128xf32, #tpu.memory_space<hbm>>) dst(%arg16 : memref<32x128xf32, #tpu.memory_space<vmem>>)
      %slice3A_780 = vector.extract_strided_slice %get3A_104 {offsets = [7], sizes = [1], strides = [1]} : vector<16xi32> to vector<1xi32>
      %squeeze3A_781 = vector.extract %slice3A_780[0] : i32 from vector<1xi32>
      %rem3A_782 = arith.constant 128 : i32
      %rem3A_783 = arith.remsi %squeeze3A_781, %rem3A_782 : i32
      %broadcast_in_dim3A_784 = vector.broadcast %rem3A_783 : i32 to vector<16xi32>
      %iota3A_785 = tpu.iota {dimensions = array<i32: 0>} : vector<16xi32>
      %gather3A_786 = tpu.vector_load_idx %arg13[%iota3A_785, %broadcast_in_dim3A_784] : memref<32x128xf32, #tpu.memory_space<vmem>>[vector<16xi32>, vector<16xi32>], vector<16xf32>,
      %iota3A_787 = tpu.iota {dimensions = array<i32: 0>} : vector<16xi32>
      %add3A_788 = arith.constant 16 : i32
      %add3A_789 = vector.broadcast %add3A_788 : i32 to vector<16xi32>
      %add3A_790 = arith.addi %iota3A_787, %add3A_789 : vector<16xi32>
      %gather3A_791 = tpu.vector_load_idx %arg13[%add3A_790, %broadcast_in_dim3A_784] : memref<32x128xf32, #tpu.memory_space<vmem>>[vector<16xi32>, vector<16xi32>], vector<16xf32>,
      %slice3A_792 = vector.extract_strided_slice %get3A_106 {offsets = [7], sizes = [1], strides = [1]} : vector<16xi32> to vector<1xi32>
      %squeeze3A_793 = vector.extract %slice3A_792[0] : i32 from vector<1xi32>
      %rem3A_794 = arith.constant 128 : i32
      %rem3A_795 = arith.remsi %squeeze3A_793, %rem3A_794 : i32
      %broadcast_in_dim3A_796 = vector.broadcast %rem3A_795 : i32 to vector<16xi32>
      %iota3A_797 = tpu.iota {dimensions = array<i32: 0>} : vector<16xi32>
      %gather3A_798 = tpu.vector_load_idx %arg15[%iota3A_797, %broadcast_in_dim3A_796] : memref<32x128xf32, #tpu.memory_space<vmem>>[vector<16xi32>, vector<16xi32>], vector<16xf32>,
      %iota3A_799 = tpu.iota {dimensions = array<i32: 0>} : vector<16xi32>
      %add3A_800 = arith.constant 16 : i32
      %add3A_801 = vector.broadcast %add3A_800 : i32 to vector<16xi32>
      %add3A_802 = arith.addi %iota3A_799, %add3A_801 : vector<16xi32>
      %gather3A_803 = tpu.vector_load_idx %arg15[%add3A_802, %broadcast_in_dim3A_796] : memref<32x128xf32, #tpu.memory_space<vmem>>[vector<16xi32>, vector<16xi32>], vector<16xf32>,
      %slice3A_804 = vector.extract_strided_slice %get3A_108 {offsets = [7], sizes = [1], strides = [1]} : vector<16xi32> to vector<1xi32>
      %squeeze3A_805 = vector.extract %slice3A_804[0] : i32 from vector<1xi32>
      %rem3A_806 = arith.constant 128 : i32
      %rem3A_807 = arith.remsi %squeeze3A_805, %rem3A_806 : i32
      %broadcast_in_dim3A_808 = vector.broadcast %rem3A_807 : i32 to vector<16xi32>
      %iota3A_809 = tpu.iota {dimensions = array<i32: 0>} : vector<16xi32>
      %gather3A_810 = tpu.vector_load_idx %arg17[%iota3A_809, %broadcast_in_dim3A_808] : memref<32x128xf32, #tpu.memory_space<vmem>>[vector<16xi32>, vector<16xi32>], vector<16xf32>,
      %iota3A_811 = tpu.iota {dimensions = array<i32: 0>} : vector<16xi32>
      %add3A_812 = arith.constant 16 : i32
      %add3A_813 = vector.broadcast %add3A_812 : i32 to vector<16xi32>
      %add3A_814 = arith.addi %iota3A_811, %add3A_813 : vector<16xi32>
      %gather3A_815 = tpu.vector_load_idx %arg17[%add3A_814, %broadcast_in_dim3A_808] : memref<32x128xf32, #tpu.memory_space<vmem>>[vector<16xi32>, vector<16xi32>], vector<16xf32>,
      %mul3A_816 = arith.mulf %gather3A_786, %gather3A_798 : vector<16xf32>
      %mul3A_817 = arith.mulf %gather3A_791, %gather3A_803 : vector<16xf32>
      %add3A_818 = arith.addf %mul3A_816, %mul3A_817 : vector<16xf32>
      %reduce_sum3A_819 = arith.constant true
      %reduce_sum3A_820 = vector.broadcast %reduce_sum3A_819 : i1 to vector<16xi1>
      %reduce_sum3A_821 = tpu.scan <sum>, %add3A_818 masked %reduce_sum3A_820 : vector<16xf32>, vector<16xi1> -> vector<16xf32>
      %reduce_sum3A_822 = vector.extract %reduce_sum3A_821[15] : f32 from vector<16xf32>
      %mul3A_823 = arith.mulf %gather3A_786, %gather3A_810 : vector<16xf32>
      %mul3A_824 = arith.mulf %gather3A_791, %gather3A_815 : vector<16xf32>
      %add3A_825 = arith.addf %mul3A_823, %mul3A_824 : vector<16xf32>
      %reduce_sum3A_826 = arith.constant true
      %reduce_sum3A_827 = vector.broadcast %reduce_sum3A_826 : i1 to vector<16xi1>
      %reduce_sum3A_828 = tpu.scan <sum>, %add3A_825 masked %reduce_sum3A_827 : vector<16xf32>, vector<16xi1> -> vector<16xf32>
      %reduce_sum3A_829 = vector.extract %reduce_sum3A_828[15] : f32 from vector<16xf32>
      %eq3A_830 = arith.constant 7 : i32
      %eq3A_831 = vector.broadcast %eq3A_830 : i32 to vector<16xi32>
      %eq3A_832 = arith.cmpi eq, %iota3A, %eq3A_831 : vector<16xi32>
      %broadcast_in_dim3A_833 = vector.broadcast %reduce_sum3A_822 : f32 to vector<16xf32>
      %select_n3A_834 = arith.select %eq3A_832, %broadcast_in_dim3A_833, %select_n3A_744 : vector<16xi1>, vector<16xf32>
      %broadcast_in_dim3A_835 = vector.broadcast %reduce_sum3A_829 : f32 to vector<16xf32>
      %select_n3A_836 = arith.select %eq3A_832, %broadcast_in_dim3A_835, %select_n3A_746 : vector<16xi1>, vector<16xf32>
      %add3A_837 = arith.constant 8 : i32
      %add3A_838 = arith.addi %mul3A_102, %add3A_837 : i32
      %slice3A_839 = vector.extract_strided_slice %get3A_104 {offsets = [9], sizes = [1], strides = [1]} : vector<16xi32> to vector<1xi32>
      %squeeze3A_840 = vector.extract %slice3A_839[0] : i32 from vector<1xi32>
      %slice3A_841 = vector.extract_strided_slice %get3A_106 {offsets = [9], sizes = [1], strides = [1]} : vector<16xi32> to vector<1xi32>
      %squeeze3A_842 = vector.extract %slice3A_841[0] : i32 from vector<1xi32>
      %slice3A_843 = vector.extract_strided_slice %get3A_108 {offsets = [9], sizes = [1], strides = [1]} : vector<16xi32> to vector<1xi32>
      %squeeze3A_844 = vector.extract %slice3A_843[0] : i32 from vector<1xi32>
      %add3A_845 = arith.constant 1 : i32
      %add3A_846 = arith.addi %add3A_838, %add3A_845 : i32
      %lt3A_847 = arith.constant 512 : i32
      %lt3A_848 = arith.cmpi slt, %add3A_846, %lt3A_847 : i32
      %convert_element_type3A_849 = arith.extui %lt3A_848 : i1 to i32
      %cond3A_850 = arith.constant 0 : i32
      %cond3A_851 = arith.cmpi ne, %convert_element_type3A_849, %cond3A_850 : i32
      scf.if %cond3A_851 {
        %jit3A_1560 = arith.constant 128 : i32
        %div3A_1561 = arith.divsi %squeeze3A_840, %jit3A_1560 : i32
        %sign3A_1562 = arith.constant 0 : i32
        %sign3A_1563 = arith.cmpi sgt, %squeeze3A_840, %sign3A_1562 : i32
        %sign3A_1564 = arith.extui %sign3A_1563 : i1 to i32
        %sign3A_1565 = arith.constant 0 : i32
        %sign3A_1566 = arith.cmpi slt, %squeeze3A_840, %sign3A_1565 : i32
        %sign3A_1567 = arith.extui %sign3A_1566 : i1 to i32
        %sign3A_1568 = arith.subi %sign3A_1564, %sign3A_1567 : i32
        %sign3A_1569 = arith.constant 0 : i32
        %sign3A_1570 = arith.cmpi sgt, %jit3A_1560, %sign3A_1569 : i32
        %sign3A_1571 = arith.extui %sign3A_1570 : i1 to i32
        %sign3A_1572 = arith.constant 0 : i32
        %sign3A_1573 = arith.cmpi slt, %jit3A_1560, %sign3A_1572 : i32
        %sign3A_1574 = arith.extui %sign3A_1573 : i1 to i32
        %sign3A_1575 = arith.subi %sign3A_1571, %sign3A_1574 : i32
        %ne3A_1576 = arith.cmpi ne, %sign3A_1568, %sign3A_1575 : i32
        %rem3A_1577 = arith.remsi %squeeze3A_840, %jit3A_1560 : i32
        %ne3A_1578 = arith.constant 0 : i32
        %ne3A_1579 = arith.cmpi ne, %rem3A_1577, %ne3A_1578 : i32
        %and3A_1580 = arith.andi %ne3A_1576, %ne3A_1579 : i1
        %sub3A_1581 = arith.constant 1 : i32
        %sub3A_1582 = arith.subi %div3A_1561, %sub3A_1581 : i32
        %select_n3A_1583 = arith.select %and3A_1580, %sub3A_1582, %div3A_1561 : i32
        %mul3A_1584 = arith.constant 128 : i32
        %mul3A_1585 = arith.muli %select_n3A_1583, %mul3A_1584 : i32
        %multiple_of3A_1586 = tpu.assume_multiple %mul3A_1585, 128 : i32
        %jit3A_1587 = arith.constant 128 : i32
        %div3A_1588 = arith.divsi %squeeze3A_842, %jit3A_1587 : i32
        %sign3A_1589 = arith.constant 0 : i32
        %sign3A_1590 = arith.cmpi sgt, %squeeze3A_842, %sign3A_1589 : i32
        %sign3A_1591 = arith.extui %sign3A_1590 : i1 to i32
        %sign3A_1592 = arith.constant 0 : i32
        %sign3A_1593 = arith.cmpi slt, %squeeze3A_842, %sign3A_1592 : i32
        %sign3A_1594 = arith.extui %sign3A_1593 : i1 to i32
        %sign3A_1595 = arith.subi %sign3A_1591, %sign3A_1594 : i32
        %sign3A_1596 = arith.constant 0 : i32
        %sign3A_1597 = arith.cmpi sgt, %jit3A_1587, %sign3A_1596 : i32
        %sign3A_1598 = arith.extui %sign3A_1597 : i1 to i32
        %sign3A_1599 = arith.constant 0 : i32
        %sign3A_1600 = arith.cmpi slt, %jit3A_1587, %sign3A_1599 : i32
        %sign3A_1601 = arith.extui %sign3A_1600 : i1 to i32
        %sign3A_1602 = arith.subi %sign3A_1598, %sign3A_1601 : i32
        %ne3A_1603 = arith.cmpi ne, %sign3A_1595, %sign3A_1602 : i32
        %rem3A_1604 = arith.remsi %squeeze3A_842, %jit3A_1587 : i32
        %ne3A_1605 = arith.constant 0 : i32
        %ne3A_1606 = arith.cmpi ne, %rem3A_1604, %ne3A_1605 : i32
        %and3A_1607 = arith.andi %ne3A_1603, %ne3A_1606 : i1
        %sub3A_1608 = arith.constant 1 : i32
        %sub3A_1609 = arith.subi %div3A_1588, %sub3A_1608 : i32
        %select_n3A_1610 = arith.select %and3A_1607, %sub3A_1609, %div3A_1588 : i32
        %mul3A_1611 = arith.constant 128 : i32
        %mul3A_1612 = arith.muli %select_n3A_1610, %mul3A_1611 : i32
        %multiple_of3A_1613 = tpu.assume_multiple %mul3A_1612, 128 : i32
        %jit3A_1614 = arith.constant 128 : i32
        %div3A_1615 = arith.divsi %squeeze3A_844, %jit3A_1614 : i32
        %sign3A_1616 = arith.constant 0 : i32
        %sign3A_1617 = arith.cmpi sgt, %squeeze3A_844, %sign3A_1616 : i32
        %sign3A_1618 = arith.extui %sign3A_1617 : i1 to i32
        %sign3A_1619 = arith.constant 0 : i32
        %sign3A_1620 = arith.cmpi slt, %squeeze3A_844, %sign3A_1619 : i32
        %sign3A_1621 = arith.extui %sign3A_1620 : i1 to i32
        %sign3A_1622 = arith.subi %sign3A_1618, %sign3A_1621 : i32
        %sign3A_1623 = arith.constant 0 : i32
        %sign3A_1624 = arith.cmpi sgt, %jit3A_1614, %sign3A_1623 : i32
        %sign3A_1625 = arith.extui %sign3A_1624 : i1 to i32
        %sign3A_1626 = arith.constant 0 : i32
        %sign3A_1627 = arith.cmpi slt, %jit3A_1614, %sign3A_1626 : i32
        %sign3A_1628 = arith.extui %sign3A_1627 : i1 to i32
        %sign3A_1629 = arith.subi %sign3A_1625, %sign3A_1628 : i32
        %ne3A_1630 = arith.cmpi ne, %sign3A_1622, %sign3A_1629 : i32
        %rem3A_1631 = arith.remsi %squeeze3A_844, %jit3A_1614 : i32
        %ne3A_1632 = arith.constant 0 : i32
        %ne3A_1633 = arith.cmpi ne, %rem3A_1631, %ne3A_1632 : i32
        %and3A_1634 = arith.andi %ne3A_1630, %ne3A_1633 : i1
        %sub3A_1635 = arith.constant 1 : i32
        %sub3A_1636 = arith.subi %div3A_1615, %sub3A_1635 : i32
        %select_n3A_1637 = arith.select %and3A_1634, %sub3A_1636, %div3A_1615 : i32
        %mul3A_1638 = arith.constant 128 : i32
        %mul3A_1639 = arith.muli %select_n3A_1637, %mul3A_1638 : i32
        %multiple_of3A_1640 = tpu.assume_multiple %mul3A_1639, 128 : i32
        %dma_start3A_1641 = arith.constant 0 : i32
        %dma_start3A_1642 = tpu.memref_slice %arg5[%dma_start3A_1641, %multiple_of3A_1586] : memref<32x1000000xf32, #tpu.memory_space<hbm>> -> memref<32x128xf32, #tpu.memory_space<hbm>>
        %dma_start3A_1643 = arith.constant 0 : i32
        %dma_start3A_1644 = tpu.memref_slice %arg5[%dma_start3A_1643, %multiple_of3A_1586] : memref<32x1000000xf32, #tpu.memory_space<hbm>> -> memref<32x128xf32, #tpu.memory_space<hbm>>
        tpu.enqueue_dma source(%dma_start3A_1644 : memref<32x128xf32, #tpu.memory_space<hbm>>) target(%arg13 : memref<32x128xf32, #tpu.memory_space<vmem>>) target_semaphore(%arg21 : memref<!tpu.dma_semaphore, #tpu.memory_space<semaphore_mem>>)
        %dma_start3A_1645 = arith.constant 0 : i32
        %dma_start3A_1646 = tpu.memref_slice %arg6[%dma_start3A_1645, %multiple_of3A_1613] : memref<32x1000000xf32, #tpu.memory_space<hbm>> -> memref<32x128xf32, #tpu.memory_space<hbm>>
        %dma_start3A_1647 = arith.constant 0 : i32
        %dma_start3A_1648 = tpu.memref_slice %arg6[%dma_start3A_1647, %multiple_of3A_1613] : memref<32x1000000xf32, #tpu.memory_space<hbm>> -> memref<32x128xf32, #tpu.memory_space<hbm>>
        tpu.enqueue_dma source(%dma_start3A_1648 : memref<32x128xf32, #tpu.memory_space<hbm>>) target(%arg15 : memref<32x128xf32, #tpu.memory_space<vmem>>) target_semaphore(%arg21 : memref<!tpu.dma_semaphore, #tpu.memory_space<semaphore_mem>>)
        %dma_start3A_1649 = arith.constant 0 : i32
        %dma_start3A_1650 = tpu.memref_slice %arg6[%dma_start3A_1649, %multiple_of3A_1640] : memref<32x1000000xf32, #tpu.memory_space<hbm>> -> memref<32x128xf32, #tpu.memory_space<hbm>>
        %dma_start3A_1651 = arith.constant 0 : i32
        %dma_start3A_1652 = tpu.memref_slice %arg6[%dma_start3A_1651, %multiple_of3A_1640] : memref<32x1000000xf32, #tpu.memory_space<hbm>> -> memref<32x128xf32, #tpu.memory_space<hbm>>
        tpu.enqueue_dma source(%dma_start3A_1652 : memref<32x128xf32, #tpu.memory_space<hbm>>) target(%arg17 : memref<32x128xf32, #tpu.memory_space<vmem>>) target_semaphore(%arg21 : memref<!tpu.dma_semaphore, #tpu.memory_space<semaphore_mem>>)
      } else {
      }
      %dma_wait3A_852 = arith.constant 0 : i32
      %dma_wait3A_853 = arith.constant 0 : i32
      %dma_wait3A_854 = tpu.memref_slice %arg5[%dma_wait3A_852, %dma_wait3A_853] : memref<32x1000000xf32, #tpu.memory_space<hbm>> -> memref<32x128xf32, #tpu.memory_space<hbm>>
      %dma_wait3A_855 = arith.constant 0 : i32
      %dma_wait3A_856 = arith.constant 0 : i32
      %dma_wait3A_857 = tpu.memref_slice %arg5[%dma_wait3A_855, %dma_wait3A_856] : memref<32x1000000xf32, #tpu.memory_space<hbm>> -> memref<32x128xf32, #tpu.memory_space<hbm>>
      tpu.wait_dma2 semaphore(%arg20 : memref<!tpu.dma_semaphore, #tpu.memory_space<semaphore_mem>>) src(%dma_wait3A_857 : memref<32x128xf32, #tpu.memory_space<hbm>>) dst(%arg12 : memref<32x128xf32, #tpu.memory_space<vmem>>)
      %dma_wait3A_858 = arith.constant 0 : i32
      %dma_wait3A_859 = arith.constant 0 : i32
      %dma_wait3A_860 = tpu.memref_slice %arg5[%dma_wait3A_858, %dma_wait3A_859] : memref<32x1000000xf32, #tpu.memory_space<hbm>> -> memref<32x128xf32, #tpu.memory_space<hbm>>
      %dma_wait3A_861 = arith.constant 0 : i32
      %dma_wait3A_862 = arith.constant 0 : i32
      %dma_wait3A_863 = tpu.memref_slice %arg5[%dma_wait3A_861, %dma_wait3A_862] : memref<32x1000000xf32, #tpu.memory_space<hbm>> -> memref<32x128xf32, #tpu.memory_space<hbm>>
      tpu.wait_dma2 semaphore(%arg20 : memref<!tpu.dma_semaphore, #tpu.memory_space<semaphore_mem>>) src(%dma_wait3A_863 : memref<32x128xf32, #tpu.memory_space<hbm>>) dst(%arg14 : memref<32x128xf32, #tpu.memory_space<vmem>>)
      %dma_wait3A_864 = arith.constant 0 : i32
      %dma_wait3A_865 = arith.constant 0 : i32
      %dma_wait3A_866 = tpu.memref_slice %arg5[%dma_wait3A_864, %dma_wait3A_865] : memref<32x1000000xf32, #tpu.memory_space<hbm>> -> memref<32x128xf32, #tpu.memory_space<hbm>>
      %dma_wait3A_867 = arith.constant 0 : i32
      %dma_wait3A_868 = arith.constant 0 : i32
      %dma_wait3A_869 = tpu.memref_slice %arg5[%dma_wait3A_867, %dma_wait3A_868] : memref<32x1000000xf32, #tpu.memory_space<hbm>> -> memref<32x128xf32, #tpu.memory_space<hbm>>
      tpu.wait_dma2 semaphore(%arg20 : memref<!tpu.dma_semaphore, #tpu.memory_space<semaphore_mem>>) src(%dma_wait3A_869 : memref<32x128xf32, #tpu.memory_space<hbm>>) dst(%arg16 : memref<32x128xf32, #tpu.memory_space<vmem>>)
      %slice3A_870 = vector.extract_strided_slice %get3A_104 {offsets = [8], sizes = [1], strides = [1]} : vector<16xi32> to vector<1xi32>
      %squeeze3A_871 = vector.extract %slice3A_870[0] : i32 from vector<1xi32>
      %rem3A_872 = arith.constant 128 : i32
      %rem3A_873 = arith.remsi %squeeze3A_871, %rem3A_872 : i32
      %broadcast_in_dim3A_874 = vector.broadcast %rem3A_873 : i32 to vector<16xi32>
      %iota3A_875 = tpu.iota {dimensions = array<i32: 0>} : vector<16xi32>
      %gather3A_876 = tpu.vector_load_idx %arg12[%iota3A_875, %broadcast_in_dim3A_874] : memref<32x128xf32, #tpu.memory_space<vmem>>[vector<16xi32>, vector<16xi32>], vector<16xf32>,
      %iota3A_877 = tpu.iota {dimensions = array<i32: 0>} : vector<16xi32>
      %add3A_878 = arith.constant 16 : i32
      %add3A_879 = vector.broadcast %add3A_878 : i32 to vector<16xi32>
      %add3A_880 = arith.addi %iota3A_877, %add3A_879 : vector<16xi32>
      %gather3A_881 = tpu.vector_load_idx %arg12[%add3A_880, %broadcast_in_dim3A_874] : memref<32x128xf32, #tpu.memory_space<vmem>>[vector<16xi32>, vector<16xi32>], vector<16xf32>,
      %slice3A_882 = vector.extract_strided_slice %get3A_106 {offsets = [8], sizes = [1], strides = [1]} : vector<16xi32> to vector<1xi32>
      %squeeze3A_883 = vector.extract %slice3A_882[0] : i32 from vector<1xi32>
      %rem3A_884 = arith.constant 128 : i32
      %rem3A_885 = arith.remsi %squeeze3A_883, %rem3A_884 : i32
      %broadcast_in_dim3A_886 = vector.broadcast %rem3A_885 : i32 to vector<16xi32>
      %iota3A_887 = tpu.iota {dimensions = array<i32: 0>} : vector<16xi32>
      %gather3A_888 = tpu.vector_load_idx %arg14[%iota3A_887, %broadcast_in_dim3A_886] : memref<32x128xf32, #tpu.memory_space<vmem>>[vector<16xi32>, vector<16xi32>], vector<16xf32>,
      %iota3A_889 = tpu.iota {dimensions = array<i32: 0>} : vector<16xi32>
      %add3A_890 = arith.constant 16 : i32
      %add3A_891 = vector.broadcast %add3A_890 : i32 to vector<16xi32>
      %add3A_892 = arith.addi %iota3A_889, %add3A_891 : vector<16xi32>
      %gather3A_893 = tpu.vector_load_idx %arg14[%add3A_892, %broadcast_in_dim3A_886] : memref<32x128xf32, #tpu.memory_space<vmem>>[vector<16xi32>, vector<16xi32>], vector<16xf32>,
      %slice3A_894 = vector.extract_strided_slice %get3A_108 {offsets = [8], sizes = [1], strides = [1]} : vector<16xi32> to vector<1xi32>
      %squeeze3A_895 = vector.extract %slice3A_894[0] : i32 from vector<1xi32>
      %rem3A_896 = arith.constant 128 : i32
      %rem3A_897 = arith.remsi %squeeze3A_895, %rem3A_896 : i32
      %broadcast_in_dim3A_898 = vector.broadcast %rem3A_897 : i32 to vector<16xi32>
      %iota3A_899 = tpu.iota {dimensions = array<i32: 0>} : vector<16xi32>
      %gather3A_900 = tpu.vector_load_idx %arg16[%iota3A_899, %broadcast_in_dim3A_898] : memref<32x128xf32, #tpu.memory_space<vmem>>[vector<16xi32>, vector<16xi32>], vector<16xf32>,
      %iota3A_901 = tpu.iota {dimensions = array<i32: 0>} : vector<16xi32>
      %add3A_902 = arith.constant 16 : i32
      %add3A_903 = vector.broadcast %add3A_902 : i32 to vector<16xi32>
      %add3A_904 = arith.addi %iota3A_901, %add3A_903 : vector<16xi32>
      %gather3A_905 = tpu.vector_load_idx %arg16[%add3A_904, %broadcast_in_dim3A_898] : memref<32x128xf32, #tpu.memory_space<vmem>>[vector<16xi32>, vector<16xi32>], vector<16xf32>,
      %mul3A_906 = arith.mulf %gather3A_876, %gather3A_888 : vector<16xf32>
      %mul3A_907 = arith.mulf %gather3A_881, %gather3A_893 : vector<16xf32>
      %add3A_908 = arith.addf %mul3A_906, %mul3A_907 : vector<16xf32>
      %reduce_sum3A_909 = arith.constant true
      %reduce_sum3A_910 = vector.broadcast %reduce_sum3A_909 : i1 to vector<16xi1>
      %reduce_sum3A_911 = tpu.scan <sum>, %add3A_908 masked %reduce_sum3A_910 : vector<16xf32>, vector<16xi1> -> vector<16xf32>
      %reduce_sum3A_912 = vector.extract %reduce_sum3A_911[15] : f32 from vector<16xf32>
      %mul3A_913 = arith.mulf %gather3A_876, %gather3A_900 : vector<16xf32>
      %mul3A_914 = arith.mulf %gather3A_881, %gather3A_905 : vector<16xf32>
      %add3A_915 = arith.addf %mul3A_913, %mul3A_914 : vector<16xf32>
      %reduce_sum3A_916 = arith.constant true
      %reduce_sum3A_917 = vector.broadcast %reduce_sum3A_916 : i1 to vector<16xi1>
      %reduce_sum3A_918 = tpu.scan <sum>, %add3A_915 masked %reduce_sum3A_917 : vector<16xf32>, vector<16xi1> -> vector<16xf32>
      %reduce_sum3A_919 = vector.extract %reduce_sum3A_918[15] : f32 from vector<16xf32>
      %eq3A_920 = arith.constant 8 : i32
      %eq3A_921 = vector.broadcast %eq3A_920 : i32 to vector<16xi32>
      %eq3A_922 = arith.cmpi eq, %iota3A, %eq3A_921 : vector<16xi32>
      %broadcast_in_dim3A_923 = vector.broadcast %reduce_sum3A_912 : f32 to vector<16xf32>
      %select_n3A_924 = arith.select %eq3A_922, %broadcast_in_dim3A_923, %select_n3A_834 : vector<16xi1>, vector<16xf32>
      %broadcast_in_dim3A_925 = vector.broadcast %reduce_sum3A_919 : f32 to vector<16xf32>
      %select_n3A_926 = arith.select %eq3A_922, %broadcast_in_dim3A_925, %select_n3A_836 : vector<16xi1>, vector<16xf32>
      %add3A_927 = arith.constant 9 : i32
      %add3A_928 = arith.addi %mul3A_102, %add3A_927 : i32
      %slice3A_929 = vector.extract_strided_slice %get3A_104 {offsets = [10], sizes = [1], strides = [1]} : vector<16xi32> to vector<1xi32>
      %squeeze3A_930 = vector.extract %slice3A_929[0] : i32 from vector<1xi32>
      %slice3A_931 = vector.extract_strided_slice %get3A_106 {offsets = [10], sizes = [1], strides = [1]} : vector<16xi32> to vector<1xi32>
      %squeeze3A_932 = vector.extract %slice3A_931[0] : i32 from vector<1xi32>
      %slice3A_933 = vector.extract_strided_slice %get3A_108 {offsets = [10], sizes = [1], strides = [1]} : vector<16xi32> to vector<1xi32>
      %squeeze3A_934 = vector.extract %slice3A_933[0] : i32 from vector<1xi32>
      %add3A_935 = arith.constant 1 : i32
      %add3A_936 = arith.addi %add3A_928, %add3A_935 : i32
      %lt3A_937 = arith.constant 512 : i32
      %lt3A_938 = arith.cmpi slt, %add3A_936, %lt3A_937 : i32
      %convert_element_type3A_939 = arith.extui %lt3A_938 : i1 to i32
      %cond3A_940 = arith.constant 0 : i32
      %cond3A_941 = arith.cmpi ne, %convert_element_type3A_939, %cond3A_940 : i32
      scf.if %cond3A_941 {
        %jit3A_1560 = arith.constant 128 : i32
        %div3A_1561 = arith.divsi %squeeze3A_930, %jit3A_1560 : i32
        %sign3A_1562 = arith.constant 0 : i32
        %sign3A_1563 = arith.cmpi sgt, %squeeze3A_930, %sign3A_1562 : i32
        %sign3A_1564 = arith.extui %sign3A_1563 : i1 to i32
        %sign3A_1565 = arith.constant 0 : i32
        %sign3A_1566 = arith.cmpi slt, %squeeze3A_930, %sign3A_1565 : i32
        %sign3A_1567 = arith.extui %sign3A_1566 : i1 to i32
        %sign3A_1568 = arith.subi %sign3A_1564, %sign3A_1567 : i32
        %sign3A_1569 = arith.constant 0 : i32
        %sign3A_1570 = arith.cmpi sgt, %jit3A_1560, %sign3A_1569 : i32
        %sign3A_1571 = arith.extui %sign3A_1570 : i1 to i32
        %sign3A_1572 = arith.constant 0 : i32
        %sign3A_1573 = arith.cmpi slt, %jit3A_1560, %sign3A_1572 : i32
        %sign3A_1574 = arith.extui %sign3A_1573 : i1 to i32
        %sign3A_1575 = arith.subi %sign3A_1571, %sign3A_1574 : i32
        %ne3A_1576 = arith.cmpi ne, %sign3A_1568, %sign3A_1575 : i32
        %rem3A_1577 = arith.remsi %squeeze3A_930, %jit3A_1560 : i32
        %ne3A_1578 = arith.constant 0 : i32
        %ne3A_1579 = arith.cmpi ne, %rem3A_1577, %ne3A_1578 : i32
        %and3A_1580 = arith.andi %ne3A_1576, %ne3A_1579 : i1
        %sub3A_1581 = arith.constant 1 : i32
        %sub3A_1582 = arith.subi %div3A_1561, %sub3A_1581 : i32
        %select_n3A_1583 = arith.select %and3A_1580, %sub3A_1582, %div3A_1561 : i32
        %mul3A_1584 = arith.constant 128 : i32
        %mul3A_1585 = arith.muli %select_n3A_1583, %mul3A_1584 : i32
        %multiple_of3A_1586 = tpu.assume_multiple %mul3A_1585, 128 : i32
        %jit3A_1587 = arith.constant 128 : i32
        %div3A_1588 = arith.divsi %squeeze3A_932, %jit3A_1587 : i32
        %sign3A_1589 = arith.constant 0 : i32
        %sign3A_1590 = arith.cmpi sgt, %squeeze3A_932, %sign3A_1589 : i32
        %sign3A_1591 = arith.extui %sign3A_1590 : i1 to i32
        %sign3A_1592 = arith.constant 0 : i32
        %sign3A_1593 = arith.cmpi slt, %squeeze3A_932, %sign3A_1592 : i32
        %sign3A_1594 = arith.extui %sign3A_1593 : i1 to i32
        %sign3A_1595 = arith.subi %sign3A_1591, %sign3A_1594 : i32
        %sign3A_1596 = arith.constant 0 : i32
        %sign3A_1597 = arith.cmpi sgt, %jit3A_1587, %sign3A_1596 : i32
        %sign3A_1598 = arith.extui %sign3A_1597 : i1 to i32
        %sign3A_1599 = arith.constant 0 : i32
        %sign3A_1600 = arith.cmpi slt, %jit3A_1587, %sign3A_1599 : i32
        %sign3A_1601 = arith.extui %sign3A_1600 : i1 to i32
        %sign3A_1602 = arith.subi %sign3A_1598, %sign3A_1601 : i32
        %ne3A_1603 = arith.cmpi ne, %sign3A_1595, %sign3A_1602 : i32
        %rem3A_1604 = arith.remsi %squeeze3A_932, %jit3A_1587 : i32
        %ne3A_1605 = arith.constant 0 : i32
        %ne3A_1606 = arith.cmpi ne, %rem3A_1604, %ne3A_1605 : i32
        %and3A_1607 = arith.andi %ne3A_1603, %ne3A_1606 : i1
        %sub3A_1608 = arith.constant 1 : i32
        %sub3A_1609 = arith.subi %div3A_1588, %sub3A_1608 : i32
        %select_n3A_1610 = arith.select %and3A_1607, %sub3A_1609, %div3A_1588 : i32
        %mul3A_1611 = arith.constant 128 : i32
        %mul3A_1612 = arith.muli %select_n3A_1610, %mul3A_1611 : i32
        %multiple_of3A_1613 = tpu.assume_multiple %mul3A_1612, 128 : i32
        %jit3A_1614 = arith.constant 128 : i32
        %div3A_1615 = arith.divsi %squeeze3A_934, %jit3A_1614 : i32
        %sign3A_1616 = arith.constant 0 : i32
        %sign3A_1617 = arith.cmpi sgt, %squeeze3A_934, %sign3A_1616 : i32
        %sign3A_1618 = arith.extui %sign3A_1617 : i1 to i32
        %sign3A_1619 = arith.constant 0 : i32
        %sign3A_1620 = arith.cmpi slt, %squeeze3A_934, %sign3A_1619 : i32
        %sign3A_1621 = arith.extui %sign3A_1620 : i1 to i32
        %sign3A_1622 = arith.subi %sign3A_1618, %sign3A_1621 : i32
        %sign3A_1623 = arith.constant 0 : i32
        %sign3A_1624 = arith.cmpi sgt, %jit3A_1614, %sign3A_1623 : i32
        %sign3A_1625 = arith.extui %sign3A_1624 : i1 to i32
        %sign3A_1626 = arith.constant 0 : i32
        %sign3A_1627 = arith.cmpi slt, %jit3A_1614, %sign3A_1626 : i32
        %sign3A_1628 = arith.extui %sign3A_1627 : i1 to i32
        %sign3A_1629 = arith.subi %sign3A_1625, %sign3A_1628 : i32
        %ne3A_1630 = arith.cmpi ne, %sign3A_1622, %sign3A_1629 : i32
        %rem3A_1631 = arith.remsi %squeeze3A_934, %jit3A_1614 : i32
        %ne3A_1632 = arith.constant 0 : i32
        %ne3A_1633 = arith.cmpi ne, %rem3A_1631, %ne3A_1632 : i32
        %and3A_1634 = arith.andi %ne3A_1630, %ne3A_1633 : i1
        %sub3A_1635 = arith.constant 1 : i32
        %sub3A_1636 = arith.subi %div3A_1615, %sub3A_1635 : i32
        %select_n3A_1637 = arith.select %and3A_1634, %sub3A_1636, %div3A_1615 : i32
        %mul3A_1638 = arith.constant 128 : i32
        %mul3A_1639 = arith.muli %select_n3A_1637, %mul3A_1638 : i32
        %multiple_of3A_1640 = tpu.assume_multiple %mul3A_1639, 128 : i32
        %dma_start3A_1641 = arith.constant 0 : i32
        %dma_start3A_1642 = tpu.memref_slice %arg5[%dma_start3A_1641, %multiple_of3A_1586] : memref<32x1000000xf32, #tpu.memory_space<hbm>> -> memref<32x128xf32, #tpu.memory_space<hbm>>
        %dma_start3A_1643 = arith.constant 0 : i32
        %dma_start3A_1644 = tpu.memref_slice %arg5[%dma_start3A_1643, %multiple_of3A_1586] : memref<32x1000000xf32, #tpu.memory_space<hbm>> -> memref<32x128xf32, #tpu.memory_space<hbm>>
        tpu.enqueue_dma source(%dma_start3A_1644 : memref<32x128xf32, #tpu.memory_space<hbm>>) target(%arg12 : memref<32x128xf32, #tpu.memory_space<vmem>>) target_semaphore(%arg20 : memref<!tpu.dma_semaphore, #tpu.memory_space<semaphore_mem>>)
        %dma_start3A_1645 = arith.constant 0 : i32
        %dma_start3A_1646 = tpu.memref_slice %arg6[%dma_start3A_1645, %multiple_of3A_1613] : memref<32x1000000xf32, #tpu.memory_space<hbm>> -> memref<32x128xf32, #tpu.memory_space<hbm>>
        %dma_start3A_1647 = arith.constant 0 : i32
        %dma_start3A_1648 = tpu.memref_slice %arg6[%dma_start3A_1647, %multiple_of3A_1613] : memref<32x1000000xf32, #tpu.memory_space<hbm>> -> memref<32x128xf32, #tpu.memory_space<hbm>>
        tpu.enqueue_dma source(%dma_start3A_1648 : memref<32x128xf32, #tpu.memory_space<hbm>>) target(%arg14 : memref<32x128xf32, #tpu.memory_space<vmem>>) target_semaphore(%arg20 : memref<!tpu.dma_semaphore, #tpu.memory_space<semaphore_mem>>)
        %dma_start3A_1649 = arith.constant 0 : i32
        %dma_start3A_1650 = tpu.memref_slice %arg6[%dma_start3A_1649, %multiple_of3A_1640] : memref<32x1000000xf32, #tpu.memory_space<hbm>> -> memref<32x128xf32, #tpu.memory_space<hbm>>
        %dma_start3A_1651 = arith.constant 0 : i32
        %dma_start3A_1652 = tpu.memref_slice %arg6[%dma_start3A_1651, %multiple_of3A_1640] : memref<32x1000000xf32, #tpu.memory_space<hbm>> -> memref<32x128xf32, #tpu.memory_space<hbm>>
        tpu.enqueue_dma source(%dma_start3A_1652 : memref<32x128xf32, #tpu.memory_space<hbm>>) target(%arg16 : memref<32x128xf32, #tpu.memory_space<vmem>>) target_semaphore(%arg20 : memref<!tpu.dma_semaphore, #tpu.memory_space<semaphore_mem>>)
      } else {
      }
      %dma_wait3A_942 = arith.constant 0 : i32
      %dma_wait3A_943 = arith.constant 0 : i32
      %dma_wait3A_944 = tpu.memref_slice %arg5[%dma_wait3A_942, %dma_wait3A_943] : memref<32x1000000xf32, #tpu.memory_space<hbm>> -> memref<32x128xf32, #tpu.memory_space<hbm>>
      %dma_wait3A_945 = arith.constant 0 : i32
      %dma_wait3A_946 = arith.constant 0 : i32
      %dma_wait3A_947 = tpu.memref_slice %arg5[%dma_wait3A_945, %dma_wait3A_946] : memref<32x1000000xf32, #tpu.memory_space<hbm>> -> memref<32x128xf32, #tpu.memory_space<hbm>>
      tpu.wait_dma2 semaphore(%arg21 : memref<!tpu.dma_semaphore, #tpu.memory_space<semaphore_mem>>) src(%dma_wait3A_947 : memref<32x128xf32, #tpu.memory_space<hbm>>) dst(%arg12 : memref<32x128xf32, #tpu.memory_space<vmem>>)
      %dma_wait3A_948 = arith.constant 0 : i32
      %dma_wait3A_949 = arith.constant 0 : i32
      %dma_wait3A_950 = tpu.memref_slice %arg5[%dma_wait3A_948, %dma_wait3A_949] : memref<32x1000000xf32, #tpu.memory_space<hbm>> -> memref<32x128xf32, #tpu.memory_space<hbm>>
      %dma_wait3A_951 = arith.constant 0 : i32
      %dma_wait3A_952 = arith.constant 0 : i32
      %dma_wait3A_953 = tpu.memref_slice %arg5[%dma_wait3A_951, %dma_wait3A_952] : memref<32x1000000xf32, #tpu.memory_space<hbm>> -> memref<32x128xf32, #tpu.memory_space<hbm>>
      tpu.wait_dma2 semaphore(%arg21 : memref<!tpu.dma_semaphore, #tpu.memory_space<semaphore_mem>>) src(%dma_wait3A_953 : memref<32x128xf32, #tpu.memory_space<hbm>>) dst(%arg14 : memref<32x128xf32, #tpu.memory_space<vmem>>)
      %dma_wait3A_954 = arith.constant 0 : i32
      %dma_wait3A_955 = arith.constant 0 : i32
      %dma_wait3A_956 = tpu.memref_slice %arg5[%dma_wait3A_954, %dma_wait3A_955] : memref<32x1000000xf32, #tpu.memory_space<hbm>> -> memref<32x128xf32, #tpu.memory_space<hbm>>
      %dma_wait3A_957 = arith.constant 0 : i32
      %dma_wait3A_958 = arith.constant 0 : i32
      %dma_wait3A_959 = tpu.memref_slice %arg5[%dma_wait3A_957, %dma_wait3A_958] : memref<32x1000000xf32, #tpu.memory_space<hbm>> -> memref<32x128xf32, #tpu.memory_space<hbm>>
      tpu.wait_dma2 semaphore(%arg21 : memref<!tpu.dma_semaphore, #tpu.memory_space<semaphore_mem>>) src(%dma_wait3A_959 : memref<32x128xf32, #tpu.memory_space<hbm>>) dst(%arg16 : memref<32x128xf32, #tpu.memory_space<vmem>>)
      %slice3A_960 = vector.extract_strided_slice %get3A_104 {offsets = [9], sizes = [1], strides = [1]} : vector<16xi32> to vector<1xi32>
      %squeeze3A_961 = vector.extract %slice3A_960[0] : i32 from vector<1xi32>
      %rem3A_962 = arith.constant 128 : i32
      %rem3A_963 = arith.remsi %squeeze3A_961, %rem3A_962 : i32
      %broadcast_in_dim3A_964 = vector.broadcast %rem3A_963 : i32 to vector<16xi32>
      %iota3A_965 = tpu.iota {dimensions = array<i32: 0>} : vector<16xi32>
      %gather3A_966 = tpu.vector_load_idx %arg13[%iota3A_965, %broadcast_in_dim3A_964] : memref<32x128xf32, #tpu.memory_space<vmem>>[vector<16xi32>, vector<16xi32>], vector<16xf32>,
      %iota3A_967 = tpu.iota {dimensions = array<i32: 0>} : vector<16xi32>
      %add3A_968 = arith.constant 16 : i32
      %add3A_969 = vector.broadcast %add3A_968 : i32 to vector<16xi32>
      %add3A_970 = arith.addi %iota3A_967, %add3A_969 : vector<16xi32>
      %gather3A_971 = tpu.vector_load_idx %arg13[%add3A_970, %broadcast_in_dim3A_964] : memref<32x128xf32, #tpu.memory_space<vmem>>[vector<16xi32>, vector<16xi32>], vector<16xf32>,
      %slice3A_972 = vector.extract_strided_slice %get3A_106 {offsets = [9], sizes = [1], strides = [1]} : vector<16xi32> to vector<1xi32>
      %squeeze3A_973 = vector.extract %slice3A_972[0] : i32 from vector<1xi32>
      %rem3A_974 = arith.constant 128 : i32
      %rem3A_975 = arith.remsi %squeeze3A_973, %rem3A_974 : i32
      %broadcast_in_dim3A_976 = vector.broadcast %rem3A_975 : i32 to vector<16xi32>
      %iota3A_977 = tpu.iota {dimensions = array<i32: 0>} : vector<16xi32>
      %gather3A_978 = tpu.vector_load_idx %arg15[%iota3A_977, %broadcast_in_dim3A_976] : memref<32x128xf32, #tpu.memory_space<vmem>>[vector<16xi32>, vector<16xi32>], vector<16xf32>,
      %iota3A_979 = tpu.iota {dimensions = array<i32: 0>} : vector<16xi32>
      %add3A_980 = arith.constant 16 : i32
      %add3A_981 = vector.broadcast %add3A_980 : i32 to vector<16xi32>
      %add3A_982 = arith.addi %iota3A_979, %add3A_981 : vector<16xi32>
      %gather3A_983 = tpu.vector_load_idx %arg15[%add3A_982, %broadcast_in_dim3A_976] : memref<32x128xf32, #tpu.memory_space<vmem>>[vector<16xi32>, vector<16xi32>], vector<16xf32>,
      %slice3A_984 = vector.extract_strided_slice %get3A_108 {offsets = [9], sizes = [1], strides = [1]} : vector<16xi32> to vector<1xi32>
      %squeeze3A_985 = vector.extract %slice3A_984[0] : i32 from vector<1xi32>
      %rem3A_986 = arith.constant 128 : i32
      %rem3A_987 = arith.remsi %squeeze3A_985, %rem3A_986 : i32
      %broadcast_in_dim3A_988 = vector.broadcast %rem3A_987 : i32 to vector<16xi32>
      %iota3A_989 = tpu.iota {dimensions = array<i32: 0>} : vector<16xi32>
      %gather3A_990 = tpu.vector_load_idx %arg17[%iota3A_989, %broadcast_in_dim3A_988] : memref<32x128xf32, #tpu.memory_space<vmem>>[vector<16xi32>, vector<16xi32>], vector<16xf32>,
      %iota3A_991 = tpu.iota {dimensions = array<i32: 0>} : vector<16xi32>
      %add3A_992 = arith.constant 16 : i32
      %add3A_993 = vector.broadcast %add3A_992 : i32 to vector<16xi32>
      %add3A_994 = arith.addi %iota3A_991, %add3A_993 : vector<16xi32>
      %gather3A_995 = tpu.vector_load_idx %arg17[%add3A_994, %broadcast_in_dim3A_988] : memref<32x128xf32, #tpu.memory_space<vmem>>[vector<16xi32>, vector<16xi32>], vector<16xf32>,
      %mul3A_996 = arith.mulf %gather3A_966, %gather3A_978 : vector<16xf32>
      %mul3A_997 = arith.mulf %gather3A_971, %gather3A_983 : vector<16xf32>
      %add3A_998 = arith.addf %mul3A_996, %mul3A_997 : vector<16xf32>
      %reduce_sum3A_999 = arith.constant true
      %reduce_sum3A_1000 = vector.broadcast %reduce_sum3A_999 : i1 to vector<16xi1>
      %reduce_sum3A_1001 = tpu.scan <sum>, %add3A_998 masked %reduce_sum3A_1000 : vector<16xf32>, vector<16xi1> -> vector<16xf32>
      %reduce_sum3A_1002 = vector.extract %reduce_sum3A_1001[15] : f32 from vector<16xf32>
      %mul3A_1003 = arith.mulf %gather3A_966, %gather3A_990 : vector<16xf32>
      %mul3A_1004 = arith.mulf %gather3A_971, %gather3A_995 : vector<16xf32>
      %add3A_1005 = arith.addf %mul3A_1003, %mul3A_1004 : vector<16xf32>
      %reduce_sum3A_1006 = arith.constant true
      %reduce_sum3A_1007 = vector.broadcast %reduce_sum3A_1006 : i1 to vector<16xi1>
      %reduce_sum3A_1008 = tpu.scan <sum>, %add3A_1005 masked %reduce_sum3A_1007 : vector<16xf32>, vector<16xi1> -> vector<16xf32>
      %reduce_sum3A_1009 = vector.extract %reduce_sum3A_1008[15] : f32 from vector<16xf32>
      %eq3A_1010 = arith.constant 9 : i32
      %eq3A_1011 = vector.broadcast %eq3A_1010 : i32 to vector<16xi32>
      %eq3A_1012 = arith.cmpi eq, %iota3A, %eq3A_1011 : vector<16xi32>
      %broadcast_in_dim3A_1013 = vector.broadcast %reduce_sum3A_1002 : f32 to vector<16xf32>
      %select_n3A_1014 = arith.select %eq3A_1012, %broadcast_in_dim3A_1013, %select_n3A_924 : vector<16xi1>, vector<16xf32>
      %broadcast_in_dim3A_1015 = vector.broadcast %reduce_sum3A_1009 : f32 to vector<16xf32>
      %select_n3A_1016 = arith.select %eq3A_1012, %broadcast_in_dim3A_1015, %select_n3A_926 : vector<16xi1>, vector<16xf32>
      %add3A_1017 = arith.constant 10 : i32
      %add3A_1018 = arith.addi %mul3A_102, %add3A_1017 : i32
      %slice3A_1019 = vector.extract_strided_slice %get3A_104 {offsets = [11], sizes = [1], strides = [1]} : vector<16xi32> to vector<1xi32>
      %squeeze3A_1020 = vector.extract %slice3A_1019[0] : i32 from vector<1xi32>
      %slice3A_1021 = vector.extract_strided_slice %get3A_106 {offsets = [11], sizes = [1], strides = [1]} : vector<16xi32> to vector<1xi32>
      %squeeze3A_1022 = vector.extract %slice3A_1021[0] : i32 from vector<1xi32>
      %slice3A_1023 = vector.extract_strided_slice %get3A_108 {offsets = [11], sizes = [1], strides = [1]} : vector<16xi32> to vector<1xi32>
      %squeeze3A_1024 = vector.extract %slice3A_1023[0] : i32 from vector<1xi32>
      %add3A_1025 = arith.constant 1 : i32
      %add3A_1026 = arith.addi %add3A_1018, %add3A_1025 : i32
      %lt3A_1027 = arith.constant 512 : i32
      %lt3A_1028 = arith.cmpi slt, %add3A_1026, %lt3A_1027 : i32
      %convert_element_type3A_1029 = arith.extui %lt3A_1028 : i1 to i32
      %cond3A_1030 = arith.constant 0 : i32
      %cond3A_1031 = arith.cmpi ne, %convert_element_type3A_1029, %cond3A_1030 : i32
      scf.if %cond3A_1031 {
        %jit3A_1560 = arith.constant 128 : i32
        %div3A_1561 = arith.divsi %squeeze3A_1020, %jit3A_1560 : i32
        %sign3A_1562 = arith.constant 0 : i32
        %sign3A_1563 = arith.cmpi sgt, %squeeze3A_1020, %sign3A_1562 : i32
        %sign3A_1564 = arith.extui %sign3A_1563 : i1 to i32
        %sign3A_1565 = arith.constant 0 : i32
        %sign3A_1566 = arith.cmpi slt, %squeeze3A_1020, %sign3A_1565 : i32
        %sign3A_1567 = arith.extui %sign3A_1566 : i1 to i32
        %sign3A_1568 = arith.subi %sign3A_1564, %sign3A_1567 : i32
        %sign3A_1569 = arith.constant 0 : i32
        %sign3A_1570 = arith.cmpi sgt, %jit3A_1560, %sign3A_1569 : i32
        %sign3A_1571 = arith.extui %sign3A_1570 : i1 to i32
        %sign3A_1572 = arith.constant 0 : i32
        %sign3A_1573 = arith.cmpi slt, %jit3A_1560, %sign3A_1572 : i32
        %sign3A_1574 = arith.extui %sign3A_1573 : i1 to i32
        %sign3A_1575 = arith.subi %sign3A_1571, %sign3A_1574 : i32
        %ne3A_1576 = arith.cmpi ne, %sign3A_1568, %sign3A_1575 : i32
        %rem3A_1577 = arith.remsi %squeeze3A_1020, %jit3A_1560 : i32
        %ne3A_1578 = arith.constant 0 : i32
        %ne3A_1579 = arith.cmpi ne, %rem3A_1577, %ne3A_1578 : i32
        %and3A_1580 = arith.andi %ne3A_1576, %ne3A_1579 : i1
        %sub3A_1581 = arith.constant 1 : i32
        %sub3A_1582 = arith.subi %div3A_1561, %sub3A_1581 : i32
        %select_n3A_1583 = arith.select %and3A_1580, %sub3A_1582, %div3A_1561 : i32
        %mul3A_1584 = arith.constant 128 : i32
        %mul3A_1585 = arith.muli %select_n3A_1583, %mul3A_1584 : i32
        %multiple_of3A_1586 = tpu.assume_multiple %mul3A_1585, 128 : i32
        %jit3A_1587 = arith.constant 128 : i32
        %div3A_1588 = arith.divsi %squeeze3A_1022, %jit3A_1587 : i32
        %sign3A_1589 = arith.constant 0 : i32
        %sign3A_1590 = arith.cmpi sgt, %squeeze3A_1022, %sign3A_1589 : i32
        %sign3A_1591 = arith.extui %sign3A_1590 : i1 to i32
        %sign3A_1592 = arith.constant 0 : i32
        %sign3A_1593 = arith.cmpi slt, %squeeze3A_1022, %sign3A_1592 : i32
        %sign3A_1594 = arith.extui %sign3A_1593 : i1 to i32
        %sign3A_1595 = arith.subi %sign3A_1591, %sign3A_1594 : i32
        %sign3A_1596 = arith.constant 0 : i32
        %sign3A_1597 = arith.cmpi sgt, %jit3A_1587, %sign3A_1596 : i32
        %sign3A_1598 = arith.extui %sign3A_1597 : i1 to i32
        %sign3A_1599 = arith.constant 0 : i32
        %sign3A_1600 = arith.cmpi slt, %jit3A_1587, %sign3A_1599 : i32
        %sign3A_1601 = arith.extui %sign3A_1600 : i1 to i32
        %sign3A_1602 = arith.subi %sign3A_1598, %sign3A_1601 : i32
        %ne3A_1603 = arith.cmpi ne, %sign3A_1595, %sign3A_1602 : i32
        %rem3A_1604 = arith.remsi %squeeze3A_1022, %jit3A_1587 : i32
        %ne3A_1605 = arith.constant 0 : i32
        %ne3A_1606 = arith.cmpi ne, %rem3A_1604, %ne3A_1605 : i32
        %and3A_1607 = arith.andi %ne3A_1603, %ne3A_1606 : i1
        %sub3A_1608 = arith.constant 1 : i32
        %sub3A_1609 = arith.subi %div3A_1588, %sub3A_1608 : i32
        %select_n3A_1610 = arith.select %and3A_1607, %sub3A_1609, %div3A_1588 : i32
        %mul3A_1611 = arith.constant 128 : i32
        %mul3A_1612 = arith.muli %select_n3A_1610, %mul3A_1611 : i32
        %multiple_of3A_1613 = tpu.assume_multiple %mul3A_1612, 128 : i32
        %jit3A_1614 = arith.constant 128 : i32
        %div3A_1615 = arith.divsi %squeeze3A_1024, %jit3A_1614 : i32
        %sign3A_1616 = arith.constant 0 : i32
        %sign3A_1617 = arith.cmpi sgt, %squeeze3A_1024, %sign3A_1616 : i32
        %sign3A_1618 = arith.extui %sign3A_1617 : i1 to i32
        %sign3A_1619 = arith.constant 0 : i32
        %sign3A_1620 = arith.cmpi slt, %squeeze3A_1024, %sign3A_1619 : i32
        %sign3A_1621 = arith.extui %sign3A_1620 : i1 to i32
        %sign3A_1622 = arith.subi %sign3A_1618, %sign3A_1621 : i32
        %sign3A_1623 = arith.constant 0 : i32
        %sign3A_1624 = arith.cmpi sgt, %jit3A_1614, %sign3A_1623 : i32
        %sign3A_1625 = arith.extui %sign3A_1624 : i1 to i32
        %sign3A_1626 = arith.constant 0 : i32
        %sign3A_1627 = arith.cmpi slt, %jit3A_1614, %sign3A_1626 : i32
        %sign3A_1628 = arith.extui %sign3A_1627 : i1 to i32
        %sign3A_1629 = arith.subi %sign3A_1625, %sign3A_1628 : i32
        %ne3A_1630 = arith.cmpi ne, %sign3A_1622, %sign3A_1629 : i32
        %rem3A_1631 = arith.remsi %squeeze3A_1024, %jit3A_1614 : i32
        %ne3A_1632 = arith.constant 0 : i32
        %ne3A_1633 = arith.cmpi ne, %rem3A_1631, %ne3A_1632 : i32
        %and3A_1634 = arith.andi %ne3A_1630, %ne3A_1633 : i1
        %sub3A_1635 = arith.constant 1 : i32
        %sub3A_1636 = arith.subi %div3A_1615, %sub3A_1635 : i32
        %select_n3A_1637 = arith.select %and3A_1634, %sub3A_1636, %div3A_1615 : i32
        %mul3A_1638 = arith.constant 128 : i32
        %mul3A_1639 = arith.muli %select_n3A_1637, %mul3A_1638 : i32
        %multiple_of3A_1640 = tpu.assume_multiple %mul3A_1639, 128 : i32
        %dma_start3A_1641 = arith.constant 0 : i32
        %dma_start3A_1642 = tpu.memref_slice %arg5[%dma_start3A_1641, %multiple_of3A_1586] : memref<32x1000000xf32, #tpu.memory_space<hbm>> -> memref<32x128xf32, #tpu.memory_space<hbm>>
        %dma_start3A_1643 = arith.constant 0 : i32
        %dma_start3A_1644 = tpu.memref_slice %arg5[%dma_start3A_1643, %multiple_of3A_1586] : memref<32x1000000xf32, #tpu.memory_space<hbm>> -> memref<32x128xf32, #tpu.memory_space<hbm>>
        tpu.enqueue_dma source(%dma_start3A_1644 : memref<32x128xf32, #tpu.memory_space<hbm>>) target(%arg13 : memref<32x128xf32, #tpu.memory_space<vmem>>) target_semaphore(%arg21 : memref<!tpu.dma_semaphore, #tpu.memory_space<semaphore_mem>>)
        %dma_start3A_1645 = arith.constant 0 : i32
        %dma_start3A_1646 = tpu.memref_slice %arg6[%dma_start3A_1645, %multiple_of3A_1613] : memref<32x1000000xf32, #tpu.memory_space<hbm>> -> memref<32x128xf32, #tpu.memory_space<hbm>>
        %dma_start3A_1647 = arith.constant 0 : i32
        %dma_start3A_1648 = tpu.memref_slice %arg6[%dma_start3A_1647, %multiple_of3A_1613] : memref<32x1000000xf32, #tpu.memory_space<hbm>> -> memref<32x128xf32, #tpu.memory_space<hbm>>
        tpu.enqueue_dma source(%dma_start3A_1648 : memref<32x128xf32, #tpu.memory_space<hbm>>) target(%arg15 : memref<32x128xf32, #tpu.memory_space<vmem>>) target_semaphore(%arg21 : memref<!tpu.dma_semaphore, #tpu.memory_space<semaphore_mem>>)
        %dma_start3A_1649 = arith.constant 0 : i32
        %dma_start3A_1650 = tpu.memref_slice %arg6[%dma_start3A_1649, %multiple_of3A_1640] : memref<32x1000000xf32, #tpu.memory_space<hbm>> -> memref<32x128xf32, #tpu.memory_space<hbm>>
        %dma_start3A_1651 = arith.constant 0 : i32
        %dma_start3A_1652 = tpu.memref_slice %arg6[%dma_start3A_1651, %multiple_of3A_1640] : memref<32x1000000xf32, #tpu.memory_space<hbm>> -> memref<32x128xf32, #tpu.memory_space<hbm>>
        tpu.enqueue_dma source(%dma_start3A_1652 : memref<32x128xf32, #tpu.memory_space<hbm>>) target(%arg17 : memref<32x128xf32, #tpu.memory_space<vmem>>) target_semaphore(%arg21 : memref<!tpu.dma_semaphore, #tpu.memory_space<semaphore_mem>>)
      } else {
      }
      %dma_wait3A_1032 = arith.constant 0 : i32
      %dma_wait3A_1033 = arith.constant 0 : i32
      %dma_wait3A_1034 = tpu.memref_slice %arg5[%dma_wait3A_1032, %dma_wait3A_1033] : memref<32x1000000xf32, #tpu.memory_space<hbm>> -> memref<32x128xf32, #tpu.memory_space<hbm>>
      %dma_wait3A_1035 = arith.constant 0 : i32
      %dma_wait3A_1036 = arith.constant 0 : i32
      %dma_wait3A_1037 = tpu.memref_slice %arg5[%dma_wait3A_1035, %dma_wait3A_1036] : memref<32x1000000xf32, #tpu.memory_space<hbm>> -> memref<32x128xf32, #tpu.memory_space<hbm>>
      tpu.wait_dma2 semaphore(%arg20 : memref<!tpu.dma_semaphore, #tpu.memory_space<semaphore_mem>>) src(%dma_wait3A_1037 : memref<32x128xf32, #tpu.memory_space<hbm>>) dst(%arg12 : memref<32x128xf32, #tpu.memory_space<vmem>>)
      %dma_wait3A_1038 = arith.constant 0 : i32
      %dma_wait3A_1039 = arith.constant 0 : i32
      %dma_wait3A_1040 = tpu.memref_slice %arg5[%dma_wait3A_1038, %dma_wait3A_1039] : memref<32x1000000xf32, #tpu.memory_space<hbm>> -> memref<32x128xf32, #tpu.memory_space<hbm>>
      %dma_wait3A_1041 = arith.constant 0 : i32
      %dma_wait3A_1042 = arith.constant 0 : i32
      %dma_wait3A_1043 = tpu.memref_slice %arg5[%dma_wait3A_1041, %dma_wait3A_1042] : memref<32x1000000xf32, #tpu.memory_space<hbm>> -> memref<32x128xf32, #tpu.memory_space<hbm>>
      tpu.wait_dma2 semaphore(%arg20 : memref<!tpu.dma_semaphore, #tpu.memory_space<semaphore_mem>>) src(%dma_wait3A_1043 : memref<32x128xf32, #tpu.memory_space<hbm>>) dst(%arg14 : memref<32x128xf32, #tpu.memory_space<vmem>>)
      %dma_wait3A_1044 = arith.constant 0 : i32
      %dma_wait3A_1045 = arith.constant 0 : i32
      %dma_wait3A_1046 = tpu.memref_slice %arg5[%dma_wait3A_1044, %dma_wait3A_1045] : memref<32x1000000xf32, #tpu.memory_space<hbm>> -> memref<32x128xf32, #tpu.memory_space<hbm>>
      %dma_wait3A_1047 = arith.constant 0 : i32
      %dma_wait3A_1048 = arith.constant 0 : i32
      %dma_wait3A_1049 = tpu.memref_slice %arg5[%dma_wait3A_1047, %dma_wait3A_1048] : memref<32x1000000xf32, #tpu.memory_space<hbm>> -> memref<32x128xf32, #tpu.memory_space<hbm>>
      tpu.wait_dma2 semaphore(%arg20 : memref<!tpu.dma_semaphore, #tpu.memory_space<semaphore_mem>>) src(%dma_wait3A_1049 : memref<32x128xf32, #tpu.memory_space<hbm>>) dst(%arg16 : memref<32x128xf32, #tpu.memory_space<vmem>>)
      %slice3A_1050 = vector.extract_strided_slice %get3A_104 {offsets = [10], sizes = [1], strides = [1]} : vector<16xi32> to vector<1xi32>
      %squeeze3A_1051 = vector.extract %slice3A_1050[0] : i32 from vector<1xi32>
      %rem3A_1052 = arith.constant 128 : i32
      %rem3A_1053 = arith.remsi %squeeze3A_1051, %rem3A_1052 : i32
      %broadcast_in_dim3A_1054 = vector.broadcast %rem3A_1053 : i32 to vector<16xi32>
      %iota3A_1055 = tpu.iota {dimensions = array<i32: 0>} : vector<16xi32>
      %gather3A_1056 = tpu.vector_load_idx %arg12[%iota3A_1055, %broadcast_in_dim3A_1054] : memref<32x128xf32, #tpu.memory_space<vmem>>[vector<16xi32>, vector<16xi32>], vector<16xf32>,
      %iota3A_1057 = tpu.iota {dimensions = array<i32: 0>} : vector<16xi32>
      %add3A_1058 = arith.constant 16 : i32
      %add3A_1059 = vector.broadcast %add3A_1058 : i32 to vector<16xi32>
      %add3A_1060 = arith.addi %iota3A_1057, %add3A_1059 : vector<16xi32>
      %gather3A_1061 = tpu.vector_load_idx %arg12[%add3A_1060, %broadcast_in_dim3A_1054] : memref<32x128xf32, #tpu.memory_space<vmem>>[vector<16xi32>, vector<16xi32>], vector<16xf32>,
      %slice3A_1062 = vector.extract_strided_slice %get3A_106 {offsets = [10], sizes = [1], strides = [1]} : vector<16xi32> to vector<1xi32>
      %squeeze3A_1063 = vector.extract %slice3A_1062[0] : i32 from vector<1xi32>
      %rem3A_1064 = arith.constant 128 : i32
      %rem3A_1065 = arith.remsi %squeeze3A_1063, %rem3A_1064 : i32
      %broadcast_in_dim3A_1066 = vector.broadcast %rem3A_1065 : i32 to vector<16xi32>
      %iota3A_1067 = tpu.iota {dimensions = array<i32: 0>} : vector<16xi32>
      %gather3A_1068 = tpu.vector_load_idx %arg14[%iota3A_1067, %broadcast_in_dim3A_1066] : memref<32x128xf32, #tpu.memory_space<vmem>>[vector<16xi32>, vector<16xi32>], vector<16xf32>,
      %iota3A_1069 = tpu.iota {dimensions = array<i32: 0>} : vector<16xi32>
      %add3A_1070 = arith.constant 16 : i32
      %add3A_1071 = vector.broadcast %add3A_1070 : i32 to vector<16xi32>
      %add3A_1072 = arith.addi %iota3A_1069, %add3A_1071 : vector<16xi32>
      %gather3A_1073 = tpu.vector_load_idx %arg14[%add3A_1072, %broadcast_in_dim3A_1066] : memref<32x128xf32, #tpu.memory_space<vmem>>[vector<16xi32>, vector<16xi32>], vector<16xf32>,
      %slice3A_1074 = vector.extract_strided_slice %get3A_108 {offsets = [10], sizes = [1], strides = [1]} : vector<16xi32> to vector<1xi32>
      %squeeze3A_1075 = vector.extract %slice3A_1074[0] : i32 from vector<1xi32>
      %rem3A_1076 = arith.constant 128 : i32
      %rem3A_1077 = arith.remsi %squeeze3A_1075, %rem3A_1076 : i32
      %broadcast_in_dim3A_1078 = vector.broadcast %rem3A_1077 : i32 to vector<16xi32>
      %iota3A_1079 = tpu.iota {dimensions = array<i32: 0>} : vector<16xi32>
      %gather3A_1080 = tpu.vector_load_idx %arg16[%iota3A_1079, %broadcast_in_dim3A_1078] : memref<32x128xf32, #tpu.memory_space<vmem>>[vector<16xi32>, vector<16xi32>], vector<16xf32>,
      %iota3A_1081 = tpu.iota {dimensions = array<i32: 0>} : vector<16xi32>
      %add3A_1082 = arith.constant 16 : i32
      %add3A_1083 = vector.broadcast %add3A_1082 : i32 to vector<16xi32>
      %add3A_1084 = arith.addi %iota3A_1081, %add3A_1083 : vector<16xi32>
      %gather3A_1085 = tpu.vector_load_idx %arg16[%add3A_1084, %broadcast_in_dim3A_1078] : memref<32x128xf32, #tpu.memory_space<vmem>>[vector<16xi32>, vector<16xi32>], vector<16xf32>,
      %mul3A_1086 = arith.mulf %gather3A_1056, %gather3A_1068 : vector<16xf32>
      %mul3A_1087 = arith.mulf %gather3A_1061, %gather3A_1073 : vector<16xf32>
      %add3A_1088 = arith.addf %mul3A_1086, %mul3A_1087 : vector<16xf32>
      %reduce_sum3A_1089 = arith.constant true
      %reduce_sum3A_1090 = vector.broadcast %reduce_sum3A_1089 : i1 to vector<16xi1>
      %reduce_sum3A_1091 = tpu.scan <sum>, %add3A_1088 masked %reduce_sum3A_1090 : vector<16xf32>, vector<16xi1> -> vector<16xf32>
      %reduce_sum3A_1092 = vector.extract %reduce_sum3A_1091[15] : f32 from vector<16xf32>
      %mul3A_1093 = arith.mulf %gather3A_1056, %gather3A_1080 : vector<16xf32>
      %mul3A_1094 = arith.mulf %gather3A_1061, %gather3A_1085 : vector<16xf32>
      %add3A_1095 = arith.addf %mul3A_1093, %mul3A_1094 : vector<16xf32>
      %reduce_sum3A_1096 = arith.constant true
      %reduce_sum3A_1097 = vector.broadcast %reduce_sum3A_1096 : i1 to vector<16xi1>
      %reduce_sum3A_1098 = tpu.scan <sum>, %add3A_1095 masked %reduce_sum3A_1097 : vector<16xf32>, vector<16xi1> -> vector<16xf32>
      %reduce_sum3A_1099 = vector.extract %reduce_sum3A_1098[15] : f32 from vector<16xf32>
      %eq3A_1100 = arith.constant 10 : i32
      %eq3A_1101 = vector.broadcast %eq3A_1100 : i32 to vector<16xi32>
      %eq3A_1102 = arith.cmpi eq, %iota3A, %eq3A_1101 : vector<16xi32>
      %broadcast_in_dim3A_1103 = vector.broadcast %reduce_sum3A_1092 : f32 to vector<16xf32>
      %select_n3A_1104 = arith.select %eq3A_1102, %broadcast_in_dim3A_1103, %select_n3A_1014 : vector<16xi1>, vector<16xf32>
      %broadcast_in_dim3A_1105 = vector.broadcast %reduce_sum3A_1099 : f32 to vector<16xf32>
      %select_n3A_1106 = arith.select %eq3A_1102, %broadcast_in_dim3A_1105, %select_n3A_1016 : vector<16xi1>, vector<16xf32>
      %add3A_1107 = arith.constant 11 : i32
      %add3A_1108 = arith.addi %mul3A_102, %add3A_1107 : i32
      %slice3A_1109 = vector.extract_strided_slice %get3A_104 {offsets = [12], sizes = [1], strides = [1]} : vector<16xi32> to vector<1xi32>
      %squeeze3A_1110 = vector.extract %slice3A_1109[0] : i32 from vector<1xi32>
      %slice3A_1111 = vector.extract_strided_slice %get3A_106 {offsets = [12], sizes = [1], strides = [1]} : vector<16xi32> to vector<1xi32>
      %squeeze3A_1112 = vector.extract %slice3A_1111[0] : i32 from vector<1xi32>
      %slice3A_1113 = vector.extract_strided_slice %get3A_108 {offsets = [12], sizes = [1], strides = [1]} : vector<16xi32> to vector<1xi32>
      %squeeze3A_1114 = vector.extract %slice3A_1113[0] : i32 from vector<1xi32>
      %add3A_1115 = arith.constant 1 : i32
      %add3A_1116 = arith.addi %add3A_1108, %add3A_1115 : i32
      %lt3A_1117 = arith.constant 512 : i32
      %lt3A_1118 = arith.cmpi slt, %add3A_1116, %lt3A_1117 : i32
      %convert_element_type3A_1119 = arith.extui %lt3A_1118 : i1 to i32
      %cond3A_1120 = arith.constant 0 : i32
      %cond3A_1121 = arith.cmpi ne, %convert_element_type3A_1119, %cond3A_1120 : i32
      scf.if %cond3A_1121 {
        %jit3A_1560 = arith.constant 128 : i32
        %div3A_1561 = arith.divsi %squeeze3A_1110, %jit3A_1560 : i32
        %sign3A_1562 = arith.constant 0 : i32
        %sign3A_1563 = arith.cmpi sgt, %squeeze3A_1110, %sign3A_1562 : i32
        %sign3A_1564 = arith.extui %sign3A_1563 : i1 to i32
        %sign3A_1565 = arith.constant 0 : i32
        %sign3A_1566 = arith.cmpi slt, %squeeze3A_1110, %sign3A_1565 : i32
        %sign3A_1567 = arith.extui %sign3A_1566 : i1 to i32
        %sign3A_1568 = arith.subi %sign3A_1564, %sign3A_1567 : i32
        %sign3A_1569 = arith.constant 0 : i32
        %sign3A_1570 = arith.cmpi sgt, %jit3A_1560, %sign3A_1569 : i32
        %sign3A_1571 = arith.extui %sign3A_1570 : i1 to i32
        %sign3A_1572 = arith.constant 0 : i32
        %sign3A_1573 = arith.cmpi slt, %jit3A_1560, %sign3A_1572 : i32
        %sign3A_1574 = arith.extui %sign3A_1573 : i1 to i32
        %sign3A_1575 = arith.subi %sign3A_1571, %sign3A_1574 : i32
        %ne3A_1576 = arith.cmpi ne, %sign3A_1568, %sign3A_1575 : i32
        %rem3A_1577 = arith.remsi %squeeze3A_1110, %jit3A_1560 : i32
        %ne3A_1578 = arith.constant 0 : i32
        %ne3A_1579 = arith.cmpi ne, %rem3A_1577, %ne3A_1578 : i32
        %and3A_1580 = arith.andi %ne3A_1576, %ne3A_1579 : i1
        %sub3A_1581 = arith.constant 1 : i32
        %sub3A_1582 = arith.subi %div3A_1561, %sub3A_1581 : i32
        %select_n3A_1583 = arith.select %and3A_1580, %sub3A_1582, %div3A_1561 : i32
        %mul3A_1584 = arith.constant 128 : i32
        %mul3A_1585 = arith.muli %select_n3A_1583, %mul3A_1584 : i32
        %multiple_of3A_1586 = tpu.assume_multiple %mul3A_1585, 128 : i32
        %jit3A_1587 = arith.constant 128 : i32
        %div3A_1588 = arith.divsi %squeeze3A_1112, %jit3A_1587 : i32
        %sign3A_1589 = arith.constant 0 : i32
        %sign3A_1590 = arith.cmpi sgt, %squeeze3A_1112, %sign3A_1589 : i32
        %sign3A_1591 = arith.extui %sign3A_1590 : i1 to i32
        %sign3A_1592 = arith.constant 0 : i32
        %sign3A_1593 = arith.cmpi slt, %squeeze3A_1112, %sign3A_1592 : i32
        %sign3A_1594 = arith.extui %sign3A_1593 : i1 to i32
        %sign3A_1595 = arith.subi %sign3A_1591, %sign3A_1594 : i32
        %sign3A_1596 = arith.constant 0 : i32
        %sign3A_1597 = arith.cmpi sgt, %jit3A_1587, %sign3A_1596 : i32
        %sign3A_1598 = arith.extui %sign3A_1597 : i1 to i32
        %sign3A_1599 = arith.constant 0 : i32
        %sign3A_1600 = arith.cmpi slt, %jit3A_1587, %sign3A_1599 : i32
        %sign3A_1601 = arith.extui %sign3A_1600 : i1 to i32
        %sign3A_1602 = arith.subi %sign3A_1598, %sign3A_1601 : i32
        %ne3A_1603 = arith.cmpi ne, %sign3A_1595, %sign3A_1602 : i32
        %rem3A_1604 = arith.remsi %squeeze3A_1112, %jit3A_1587 : i32
        %ne3A_1605 = arith.constant 0 : i32
        %ne3A_1606 = arith.cmpi ne, %rem3A_1604, %ne3A_1605 : i32
        %and3A_1607 = arith.andi %ne3A_1603, %ne3A_1606 : i1
        %sub3A_1608 = arith.constant 1 : i32
        %sub3A_1609 = arith.subi %div3A_1588, %sub3A_1608 : i32
        %select_n3A_1610 = arith.select %and3A_1607, %sub3A_1609, %div3A_1588 : i32
        %mul3A_1611 = arith.constant 128 : i32
        %mul3A_1612 = arith.muli %select_n3A_1610, %mul3A_1611 : i32
        %multiple_of3A_1613 = tpu.assume_multiple %mul3A_1612, 128 : i32
        %jit3A_1614 = arith.constant 128 : i32
        %div3A_1615 = arith.divsi %squeeze3A_1114, %jit3A_1614 : i32
        %sign3A_1616 = arith.constant 0 : i32
        %sign3A_1617 = arith.cmpi sgt, %squeeze3A_1114, %sign3A_1616 : i32
        %sign3A_1618 = arith.extui %sign3A_1617 : i1 to i32
        %sign3A_1619 = arith.constant 0 : i32
        %sign3A_1620 = arith.cmpi slt, %squeeze3A_1114, %sign3A_1619 : i32
        %sign3A_1621 = arith.extui %sign3A_1620 : i1 to i32
        %sign3A_1622 = arith.subi %sign3A_1618, %sign3A_1621 : i32
        %sign3A_1623 = arith.constant 0 : i32
        %sign3A_1624 = arith.cmpi sgt, %jit3A_1614, %sign3A_1623 : i32
        %sign3A_1625 = arith.extui %sign3A_1624 : i1 to i32
        %sign3A_1626 = arith.constant 0 : i32
        %sign3A_1627 = arith.cmpi slt, %jit3A_1614, %sign3A_1626 : i32
        %sign3A_1628 = arith.extui %sign3A_1627 : i1 to i32
        %sign3A_1629 = arith.subi %sign3A_1625, %sign3A_1628 : i32
        %ne3A_1630 = arith.cmpi ne, %sign3A_1622, %sign3A_1629 : i32
        %rem3A_1631 = arith.remsi %squeeze3A_1114, %jit3A_1614 : i32
        %ne3A_1632 = arith.constant 0 : i32
        %ne3A_1633 = arith.cmpi ne, %rem3A_1631, %ne3A_1632 : i32
        %and3A_1634 = arith.andi %ne3A_1630, %ne3A_1633 : i1
        %sub3A_1635 = arith.constant 1 : i32
        %sub3A_1636 = arith.subi %div3A_1615, %sub3A_1635 : i32
        %select_n3A_1637 = arith.select %and3A_1634, %sub3A_1636, %div3A_1615 : i32
        %mul3A_1638 = arith.constant 128 : i32
        %mul3A_1639 = arith.muli %select_n3A_1637, %mul3A_1638 : i32
        %multiple_of3A_1640 = tpu.assume_multiple %mul3A_1639, 128 : i32
        %dma_start3A_1641 = arith.constant 0 : i32
        %dma_start3A_1642 = tpu.memref_slice %arg5[%dma_start3A_1641, %multiple_of3A_1586] : memref<32x1000000xf32, #tpu.memory_space<hbm>> -> memref<32x128xf32, #tpu.memory_space<hbm>>
        %dma_start3A_1643 = arith.constant 0 : i32
        %dma_start3A_1644 = tpu.memref_slice %arg5[%dma_start3A_1643, %multiple_of3A_1586] : memref<32x1000000xf32, #tpu.memory_space<hbm>> -> memref<32x128xf32, #tpu.memory_space<hbm>>
        tpu.enqueue_dma source(%dma_start3A_1644 : memref<32x128xf32, #tpu.memory_space<hbm>>) target(%arg12 : memref<32x128xf32, #tpu.memory_space<vmem>>) target_semaphore(%arg20 : memref<!tpu.dma_semaphore, #tpu.memory_space<semaphore_mem>>)
        %dma_start3A_1645 = arith.constant 0 : i32
        %dma_start3A_1646 = tpu.memref_slice %arg6[%dma_start3A_1645, %multiple_of3A_1613] : memref<32x1000000xf32, #tpu.memory_space<hbm>> -> memref<32x128xf32, #tpu.memory_space<hbm>>
        %dma_start3A_1647 = arith.constant 0 : i32
        %dma_start3A_1648 = tpu.memref_slice %arg6[%dma_start3A_1647, %multiple_of3A_1613] : memref<32x1000000xf32, #tpu.memory_space<hbm>> -> memref<32x128xf32, #tpu.memory_space<hbm>>
        tpu.enqueue_dma source(%dma_start3A_1648 : memref<32x128xf32, #tpu.memory_space<hbm>>) target(%arg14 : memref<32x128xf32, #tpu.memory_space<vmem>>) target_semaphore(%arg20 : memref<!tpu.dma_semaphore, #tpu.memory_space<semaphore_mem>>)
        %dma_start3A_1649 = arith.constant 0 : i32
        %dma_start3A_1650 = tpu.memref_slice %arg6[%dma_start3A_1649, %multiple_of3A_1640] : memref<32x1000000xf32, #tpu.memory_space<hbm>> -> memref<32x128xf32, #tpu.memory_space<hbm>>
        %dma_start3A_1651 = arith.constant 0 : i32
        %dma_start3A_1652 = tpu.memref_slice %arg6[%dma_start3A_1651, %multiple_of3A_1640] : memref<32x1000000xf32, #tpu.memory_space<hbm>> -> memref<32x128xf32, #tpu.memory_space<hbm>>
        tpu.enqueue_dma source(%dma_start3A_1652 : memref<32x128xf32, #tpu.memory_space<hbm>>) target(%arg16 : memref<32x128xf32, #tpu.memory_space<vmem>>) target_semaphore(%arg20 : memref<!tpu.dma_semaphore, #tpu.memory_space<semaphore_mem>>)
      } else {
      }
      %dma_wait3A_1122 = arith.constant 0 : i32
      %dma_wait3A_1123 = arith.constant 0 : i32
      %dma_wait3A_1124 = tpu.memref_slice %arg5[%dma_wait3A_1122, %dma_wait3A_1123] : memref<32x1000000xf32, #tpu.memory_space<hbm>> -> memref<32x128xf32, #tpu.memory_space<hbm>>
      %dma_wait3A_1125 = arith.constant 0 : i32
      %dma_wait3A_1126 = arith.constant 0 : i32
      %dma_wait3A_1127 = tpu.memref_slice %arg5[%dma_wait3A_1125, %dma_wait3A_1126] : memref<32x1000000xf32, #tpu.memory_space<hbm>> -> memref<32x128xf32, #tpu.memory_space<hbm>>
      tpu.wait_dma2 semaphore(%arg21 : memref<!tpu.dma_semaphore, #tpu.memory_space<semaphore_mem>>) src(%dma_wait3A_1127 : memref<32x128xf32, #tpu.memory_space<hbm>>) dst(%arg12 : memref<32x128xf32, #tpu.memory_space<vmem>>)
      %dma_wait3A_1128 = arith.constant 0 : i32
      %dma_wait3A_1129 = arith.constant 0 : i32
      %dma_wait3A_1130 = tpu.memref_slice %arg5[%dma_wait3A_1128, %dma_wait3A_1129] : memref<32x1000000xf32, #tpu.memory_space<hbm>> -> memref<32x128xf32, #tpu.memory_space<hbm>>
      %dma_wait3A_1131 = arith.constant 0 : i32
      %dma_wait3A_1132 = arith.constant 0 : i32
      %dma_wait3A_1133 = tpu.memref_slice %arg5[%dma_wait3A_1131, %dma_wait3A_1132] : memref<32x1000000xf32, #tpu.memory_space<hbm>> -> memref<32x128xf32, #tpu.memory_space<hbm>>
      tpu.wait_dma2 semaphore(%arg21 : memref<!tpu.dma_semaphore, #tpu.memory_space<semaphore_mem>>) src(%dma_wait3A_1133 : memref<32x128xf32, #tpu.memory_space<hbm>>) dst(%arg14 : memref<32x128xf32, #tpu.memory_space<vmem>>)
      %dma_wait3A_1134 = arith.constant 0 : i32
      %dma_wait3A_1135 = arith.constant 0 : i32
      %dma_wait3A_1136 = tpu.memref_slice %arg5[%dma_wait3A_1134, %dma_wait3A_1135] : memref<32x1000000xf32, #tpu.memory_space<hbm>> -> memref<32x128xf32, #tpu.memory_space<hbm>>
      %dma_wait3A_1137 = arith.constant 0 : i32
      %dma_wait3A_1138 = arith.constant 0 : i32
      %dma_wait3A_1139 = tpu.memref_slice %arg5[%dma_wait3A_1137, %dma_wait3A_1138] : memref<32x1000000xf32, #tpu.memory_space<hbm>> -> memref<32x128xf32, #tpu.memory_space<hbm>>
      tpu.wait_dma2 semaphore(%arg21 : memref<!tpu.dma_semaphore, #tpu.memory_space<semaphore_mem>>) src(%dma_wait3A_1139 : memref<32x128xf32, #tpu.memory_space<hbm>>) dst(%arg16 : memref<32x128xf32, #tpu.memory_space<vmem>>)
      %slice3A_1140 = vector.extract_strided_slice %get3A_104 {offsets = [11], sizes = [1], strides = [1]} : vector<16xi32> to vector<1xi32>
      %squeeze3A_1141 = vector.extract %slice3A_1140[0] : i32 from vector<1xi32>
      %rem3A_1142 = arith.constant 128 : i32
      %rem3A_1143 = arith.remsi %squeeze3A_1141, %rem3A_1142 : i32
      %broadcast_in_dim3A_1144 = vector.broadcast %rem3A_1143 : i32 to vector<16xi32>
      %iota3A_1145 = tpu.iota {dimensions = array<i32: 0>} : vector<16xi32>
      %gather3A_1146 = tpu.vector_load_idx %arg13[%iota3A_1145, %broadcast_in_dim3A_1144] : memref<32x128xf32, #tpu.memory_space<vmem>>[vector<16xi32>, vector<16xi32>], vector<16xf32>,
      %iota3A_1147 = tpu.iota {dimensions = array<i32: 0>} : vector<16xi32>
      %add3A_1148 = arith.constant 16 : i32
      %add3A_1149 = vector.broadcast %add3A_1148 : i32 to vector<16xi32>
      %add3A_1150 = arith.addi %iota3A_1147, %add3A_1149 : vector<16xi32>
      %gather3A_1151 = tpu.vector_load_idx %arg13[%add3A_1150, %broadcast_in_dim3A_1144] : memref<32x128xf32, #tpu.memory_space<vmem>>[vector<16xi32>, vector<16xi32>], vector<16xf32>,
      %slice3A_1152 = vector.extract_strided_slice %get3A_106 {offsets = [11], sizes = [1], strides = [1]} : vector<16xi32> to vector<1xi32>
      %squeeze3A_1153 = vector.extract %slice3A_1152[0] : i32 from vector<1xi32>
      %rem3A_1154 = arith.constant 128 : i32
      %rem3A_1155 = arith.remsi %squeeze3A_1153, %rem3A_1154 : i32
      %broadcast_in_dim3A_1156 = vector.broadcast %rem3A_1155 : i32 to vector<16xi32>
      %iota3A_1157 = tpu.iota {dimensions = array<i32: 0>} : vector<16xi32>
      %gather3A_1158 = tpu.vector_load_idx %arg15[%iota3A_1157, %broadcast_in_dim3A_1156] : memref<32x128xf32, #tpu.memory_space<vmem>>[vector<16xi32>, vector<16xi32>], vector<16xf32>,
      %iota3A_1159 = tpu.iota {dimensions = array<i32: 0>} : vector<16xi32>
      %add3A_1160 = arith.constant 16 : i32
      %add3A_1161 = vector.broadcast %add3A_1160 : i32 to vector<16xi32>
      %add3A_1162 = arith.addi %iota3A_1159, %add3A_1161 : vector<16xi32>
      %gather3A_1163 = tpu.vector_load_idx %arg15[%add3A_1162, %broadcast_in_dim3A_1156] : memref<32x128xf32, #tpu.memory_space<vmem>>[vector<16xi32>, vector<16xi32>], vector<16xf32>,
      %slice3A_1164 = vector.extract_strided_slice %get3A_108 {offsets = [11], sizes = [1], strides = [1]} : vector<16xi32> to vector<1xi32>
      %squeeze3A_1165 = vector.extract %slice3A_1164[0] : i32 from vector<1xi32>
      %rem3A_1166 = arith.constant 128 : i32
      %rem3A_1167 = arith.remsi %squeeze3A_1165, %rem3A_1166 : i32
      %broadcast_in_dim3A_1168 = vector.broadcast %rem3A_1167 : i32 to vector<16xi32>
      %iota3A_1169 = tpu.iota {dimensions = array<i32: 0>} : vector<16xi32>
      %gather3A_1170 = tpu.vector_load_idx %arg17[%iota3A_1169, %broadcast_in_dim3A_1168] : memref<32x128xf32, #tpu.memory_space<vmem>>[vector<16xi32>, vector<16xi32>], vector<16xf32>,
      %iota3A_1171 = tpu.iota {dimensions = array<i32: 0>} : vector<16xi32>
      %add3A_1172 = arith.constant 16 : i32
      %add3A_1173 = vector.broadcast %add3A_1172 : i32 to vector<16xi32>
      %add3A_1174 = arith.addi %iota3A_1171, %add3A_1173 : vector<16xi32>
      %gather3A_1175 = tpu.vector_load_idx %arg17[%add3A_1174, %broadcast_in_dim3A_1168] : memref<32x128xf32, #tpu.memory_space<vmem>>[vector<16xi32>, vector<16xi32>], vector<16xf32>,
      %mul3A_1176 = arith.mulf %gather3A_1146, %gather3A_1158 : vector<16xf32>
      %mul3A_1177 = arith.mulf %gather3A_1151, %gather3A_1163 : vector<16xf32>
      %add3A_1178 = arith.addf %mul3A_1176, %mul3A_1177 : vector<16xf32>
      %reduce_sum3A_1179 = arith.constant true
      %reduce_sum3A_1180 = vector.broadcast %reduce_sum3A_1179 : i1 to vector<16xi1>
      %reduce_sum3A_1181 = tpu.scan <sum>, %add3A_1178 masked %reduce_sum3A_1180 : vector<16xf32>, vector<16xi1> -> vector<16xf32>
      %reduce_sum3A_1182 = vector.extract %reduce_sum3A_1181[15] : f32 from vector<16xf32>
      %mul3A_1183 = arith.mulf %gather3A_1146, %gather3A_1170 : vector<16xf32>
      %mul3A_1184 = arith.mulf %gather3A_1151, %gather3A_1175 : vector<16xf32>
      %add3A_1185 = arith.addf %mul3A_1183, %mul3A_1184 : vector<16xf32>
      %reduce_sum3A_1186 = arith.constant true
      %reduce_sum3A_1187 = vector.broadcast %reduce_sum3A_1186 : i1 to vector<16xi1>
      %reduce_sum3A_1188 = tpu.scan <sum>, %add3A_1185 masked %reduce_sum3A_1187 : vector<16xf32>, vector<16xi1> -> vector<16xf32>
      %reduce_sum3A_1189 = vector.extract %reduce_sum3A_1188[15] : f32 from vector<16xf32>
      %eq3A_1190 = arith.constant 11 : i32
      %eq3A_1191 = vector.broadcast %eq3A_1190 : i32 to vector<16xi32>
      %eq3A_1192 = arith.cmpi eq, %iota3A, %eq3A_1191 : vector<16xi32>
      %broadcast_in_dim3A_1193 = vector.broadcast %reduce_sum3A_1182 : f32 to vector<16xf32>
      %select_n3A_1194 = arith.select %eq3A_1192, %broadcast_in_dim3A_1193, %select_n3A_1104 : vector<16xi1>, vector<16xf32>
      %broadcast_in_dim3A_1195 = vector.broadcast %reduce_sum3A_1189 : f32 to vector<16xf32>
      %select_n3A_1196 = arith.select %eq3A_1192, %broadcast_in_dim3A_1195, %select_n3A_1106 : vector<16xi1>, vector<16xf32>
      %add3A_1197 = arith.constant 12 : i32
      %add3A_1198 = arith.addi %mul3A_102, %add3A_1197 : i32
      %slice3A_1199 = vector.extract_strided_slice %get3A_104 {offsets = [13], sizes = [1], strides = [1]} : vector<16xi32> to vector<1xi32>
      %squeeze3A_1200 = vector.extract %slice3A_1199[0] : i32 from vector<1xi32>
      %slice3A_1201 = vector.extract_strided_slice %get3A_106 {offsets = [13], sizes = [1], strides = [1]} : vector<16xi32> to vector<1xi32>
      %squeeze3A_1202 = vector.extract %slice3A_1201[0] : i32 from vector<1xi32>
      %slice3A_1203 = vector.extract_strided_slice %get3A_108 {offsets = [13], sizes = [1], strides = [1]} : vector<16xi32> to vector<1xi32>
      %squeeze3A_1204 = vector.extract %slice3A_1203[0] : i32 from vector<1xi32>
      %add3A_1205 = arith.constant 1 : i32
      %add3A_1206 = arith.addi %add3A_1198, %add3A_1205 : i32
      %lt3A_1207 = arith.constant 512 : i32
      %lt3A_1208 = arith.cmpi slt, %add3A_1206, %lt3A_1207 : i32
      %convert_element_type3A_1209 = arith.extui %lt3A_1208 : i1 to i32
      %cond3A_1210 = arith.constant 0 : i32
      %cond3A_1211 = arith.cmpi ne, %convert_element_type3A_1209, %cond3A_1210 : i32
      scf.if %cond3A_1211 {
        %jit3A_1560 = arith.constant 128 : i32
        %div3A_1561 = arith.divsi %squeeze3A_1200, %jit3A_1560 : i32
        %sign3A_1562 = arith.constant 0 : i32
        %sign3A_1563 = arith.cmpi sgt, %squeeze3A_1200, %sign3A_1562 : i32
        %sign3A_1564 = arith.extui %sign3A_1563 : i1 to i32
        %sign3A_1565 = arith.constant 0 : i32
        %sign3A_1566 = arith.cmpi slt, %squeeze3A_1200, %sign3A_1565 : i32
        %sign3A_1567 = arith.extui %sign3A_1566 : i1 to i32
        %sign3A_1568 = arith.subi %sign3A_1564, %sign3A_1567 : i32
        %sign3A_1569 = arith.constant 0 : i32
        %sign3A_1570 = arith.cmpi sgt, %jit3A_1560, %sign3A_1569 : i32
        %sign3A_1571 = arith.extui %sign3A_1570 : i1 to i32
        %sign3A_1572 = arith.constant 0 : i32
        %sign3A_1573 = arith.cmpi slt, %jit3A_1560, %sign3A_1572 : i32
        %sign3A_1574 = arith.extui %sign3A_1573 : i1 to i32
        %sign3A_1575 = arith.subi %sign3A_1571, %sign3A_1574 : i32
        %ne3A_1576 = arith.cmpi ne, %sign3A_1568, %sign3A_1575 : i32
        %rem3A_1577 = arith.remsi %squeeze3A_1200, %jit3A_1560 : i32
        %ne3A_1578 = arith.constant 0 : i32
        %ne3A_1579 = arith.cmpi ne, %rem3A_1577, %ne3A_1578 : i32
        %and3A_1580 = arith.andi %ne3A_1576, %ne3A_1579 : i1
        %sub3A_1581 = arith.constant 1 : i32
        %sub3A_1582 = arith.subi %div3A_1561, %sub3A_1581 : i32
        %select_n3A_1583 = arith.select %and3A_1580, %sub3A_1582, %div3A_1561 : i32
        %mul3A_1584 = arith.constant 128 : i32
        %mul3A_1585 = arith.muli %select_n3A_1583, %mul3A_1584 : i32
        %multiple_of3A_1586 = tpu.assume_multiple %mul3A_1585, 128 : i32
        %jit3A_1587 = arith.constant 128 : i32
        %div3A_1588 = arith.divsi %squeeze3A_1202, %jit3A_1587 : i32
        %sign3A_1589 = arith.constant 0 : i32
        %sign3A_1590 = arith.cmpi sgt, %squeeze3A_1202, %sign3A_1589 : i32
        %sign3A_1591 = arith.extui %sign3A_1590 : i1 to i32
        %sign3A_1592 = arith.constant 0 : i32
        %sign3A_1593 = arith.cmpi slt, %squeeze3A_1202, %sign3A_1592 : i32
        %sign3A_1594 = arith.extui %sign3A_1593 : i1 to i32
        %sign3A_1595 = arith.subi %sign3A_1591, %sign3A_1594 : i32
        %sign3A_1596 = arith.constant 0 : i32
        %sign3A_1597 = arith.cmpi sgt, %jit3A_1587, %sign3A_1596 : i32
        %sign3A_1598 = arith.extui %sign3A_1597 : i1 to i32
        %sign3A_1599 = arith.constant 0 : i32
        %sign3A_1600 = arith.cmpi slt, %jit3A_1587, %sign3A_1599 : i32
        %sign3A_1601 = arith.extui %sign3A_1600 : i1 to i32
        %sign3A_1602 = arith.subi %sign3A_1598, %sign3A_1601 : i32
        %ne3A_1603 = arith.cmpi ne, %sign3A_1595, %sign3A_1602 : i32
        %rem3A_1604 = arith.remsi %squeeze3A_1202, %jit3A_1587 : i32
        %ne3A_1605 = arith.constant 0 : i32
        %ne3A_1606 = arith.cmpi ne, %rem3A_1604, %ne3A_1605 : i32
        %and3A_1607 = arith.andi %ne3A_1603, %ne3A_1606 : i1
        %sub3A_1608 = arith.constant 1 : i32
        %sub3A_1609 = arith.subi %div3A_1588, %sub3A_1608 : i32
        %select_n3A_1610 = arith.select %and3A_1607, %sub3A_1609, %div3A_1588 : i32
        %mul3A_1611 = arith.constant 128 : i32
        %mul3A_1612 = arith.muli %select_n3A_1610, %mul3A_1611 : i32
        %multiple_of3A_1613 = tpu.assume_multiple %mul3A_1612, 128 : i32
        %jit3A_1614 = arith.constant 128 : i32
        %div3A_1615 = arith.divsi %squeeze3A_1204, %jit3A_1614 : i32
        %sign3A_1616 = arith.constant 0 : i32
        %sign3A_1617 = arith.cmpi sgt, %squeeze3A_1204, %sign3A_1616 : i32
        %sign3A_1618 = arith.extui %sign3A_1617 : i1 to i32
        %sign3A_1619 = arith.constant 0 : i32
        %sign3A_1620 = arith.cmpi slt, %squeeze3A_1204, %sign3A_1619 : i32
        %sign3A_1621 = arith.extui %sign3A_1620 : i1 to i32
        %sign3A_1622 = arith.subi %sign3A_1618, %sign3A_1621 : i32
        %sign3A_1623 = arith.constant 0 : i32
        %sign3A_1624 = arith.cmpi sgt, %jit3A_1614, %sign3A_1623 : i32
        %sign3A_1625 = arith.extui %sign3A_1624 : i1 to i32
        %sign3A_1626 = arith.constant 0 : i32
        %sign3A_1627 = arith.cmpi slt, %jit3A_1614, %sign3A_1626 : i32
        %sign3A_1628 = arith.extui %sign3A_1627 : i1 to i32
        %sign3A_1629 = arith.subi %sign3A_1625, %sign3A_1628 : i32
        %ne3A_1630 = arith.cmpi ne, %sign3A_1622, %sign3A_1629 : i32
        %rem3A_1631 = arith.remsi %squeeze3A_1204, %jit3A_1614 : i32
        %ne3A_1632 = arith.constant 0 : i32
        %ne3A_1633 = arith.cmpi ne, %rem3A_1631, %ne3A_1632 : i32
        %and3A_1634 = arith.andi %ne3A_1630, %ne3A_1633 : i1
        %sub3A_1635 = arith.constant 1 : i32
        %sub3A_1636 = arith.subi %div3A_1615, %sub3A_1635 : i32
        %select_n3A_1637 = arith.select %and3A_1634, %sub3A_1636, %div3A_1615 : i32
        %mul3A_1638 = arith.constant 128 : i32
        %mul3A_1639 = arith.muli %select_n3A_1637, %mul3A_1638 : i32
        %multiple_of3A_1640 = tpu.assume_multiple %mul3A_1639, 128 : i32
        %dma_start3A_1641 = arith.constant 0 : i32
        %dma_start3A_1642 = tpu.memref_slice %arg5[%dma_start3A_1641, %multiple_of3A_1586] : memref<32x1000000xf32, #tpu.memory_space<hbm>> -> memref<32x128xf32, #tpu.memory_space<hbm>>
        %dma_start3A_1643 = arith.constant 0 : i32
        %dma_start3A_1644 = tpu.memref_slice %arg5[%dma_start3A_1643, %multiple_of3A_1586] : memref<32x1000000xf32, #tpu.memory_space<hbm>> -> memref<32x128xf32, #tpu.memory_space<hbm>>
        tpu.enqueue_dma source(%dma_start3A_1644 : memref<32x128xf32, #tpu.memory_space<hbm>>) target(%arg13 : memref<32x128xf32, #tpu.memory_space<vmem>>) target_semaphore(%arg21 : memref<!tpu.dma_semaphore, #tpu.memory_space<semaphore_mem>>)
        %dma_start3A_1645 = arith.constant 0 : i32
        %dma_start3A_1646 = tpu.memref_slice %arg6[%dma_start3A_1645, %multiple_of3A_1613] : memref<32x1000000xf32, #tpu.memory_space<hbm>> -> memref<32x128xf32, #tpu.memory_space<hbm>>
        %dma_start3A_1647 = arith.constant 0 : i32
        %dma_start3A_1648 = tpu.memref_slice %arg6[%dma_start3A_1647, %multiple_of3A_1613] : memref<32x1000000xf32, #tpu.memory_space<hbm>> -> memref<32x128xf32, #tpu.memory_space<hbm>>
        tpu.enqueue_dma source(%dma_start3A_1648 : memref<32x128xf32, #tpu.memory_space<hbm>>) target(%arg15 : memref<32x128xf32, #tpu.memory_space<vmem>>) target_semaphore(%arg21 : memref<!tpu.dma_semaphore, #tpu.memory_space<semaphore_mem>>)
        %dma_start3A_1649 = arith.constant 0 : i32
        %dma_start3A_1650 = tpu.memref_slice %arg6[%dma_start3A_1649, %multiple_of3A_1640] : memref<32x1000000xf32, #tpu.memory_space<hbm>> -> memref<32x128xf32, #tpu.memory_space<hbm>>
        %dma_start3A_1651 = arith.constant 0 : i32
        %dma_start3A_1652 = tpu.memref_slice %arg6[%dma_start3A_1651, %multiple_of3A_1640] : memref<32x1000000xf32, #tpu.memory_space<hbm>> -> memref<32x128xf32, #tpu.memory_space<hbm>>
        tpu.enqueue_dma source(%dma_start3A_1652 : memref<32x128xf32, #tpu.memory_space<hbm>>) target(%arg17 : memref<32x128xf32, #tpu.memory_space<vmem>>) target_semaphore(%arg21 : memref<!tpu.dma_semaphore, #tpu.memory_space<semaphore_mem>>)
      } else {
      }
      %dma_wait3A_1212 = arith.constant 0 : i32
      %dma_wait3A_1213 = arith.constant 0 : i32
      %dma_wait3A_1214 = tpu.memref_slice %arg5[%dma_wait3A_1212, %dma_wait3A_1213] : memref<32x1000000xf32, #tpu.memory_space<hbm>> -> memref<32x128xf32, #tpu.memory_space<hbm>>
      %dma_wait3A_1215 = arith.constant 0 : i32
      %dma_wait3A_1216 = arith.constant 0 : i32
      %dma_wait3A_1217 = tpu.memref_slice %arg5[%dma_wait3A_1215, %dma_wait3A_1216] : memref<32x1000000xf32, #tpu.memory_space<hbm>> -> memref<32x128xf32, #tpu.memory_space<hbm>>
      tpu.wait_dma2 semaphore(%arg20 : memref<!tpu.dma_semaphore, #tpu.memory_space<semaphore_mem>>) src(%dma_wait3A_1217 : memref<32x128xf32, #tpu.memory_space<hbm>>) dst(%arg12 : memref<32x128xf32, #tpu.memory_space<vmem>>)
      %dma_wait3A_1218 = arith.constant 0 : i32
      %dma_wait3A_1219 = arith.constant 0 : i32
      %dma_wait3A_1220 = tpu.memref_slice %arg5[%dma_wait3A_1218, %dma_wait3A_1219] : memref<32x1000000xf32, #tpu.memory_space<hbm>> -> memref<32x128xf32, #tpu.memory_space<hbm>>
      %dma_wait3A_1221 = arith.constant 0 : i32
      %dma_wait3A_1222 = arith.constant 0 : i32
      %dma_wait3A_1223 = tpu.memref_slice %arg5[%dma_wait3A_1221, %dma_wait3A_1222] : memref<32x1000000xf32, #tpu.memory_space<hbm>> -> memref<32x128xf32, #tpu.memory_space<hbm>>
      tpu.wait_dma2 semaphore(%arg20 : memref<!tpu.dma_semaphore, #tpu.memory_space<semaphore_mem>>) src(%dma_wait3A_1223 : memref<32x128xf32, #tpu.memory_space<hbm>>) dst(%arg14 : memref<32x128xf32, #tpu.memory_space<vmem>>)
      %dma_wait3A_1224 = arith.constant 0 : i32
      %dma_wait3A_1225 = arith.constant 0 : i32
      %dma_wait3A_1226 = tpu.memref_slice %arg5[%dma_wait3A_1224, %dma_wait3A_1225] : memref<32x1000000xf32, #tpu.memory_space<hbm>> -> memref<32x128xf32, #tpu.memory_space<hbm>>
      %dma_wait3A_1227 = arith.constant 0 : i32
      %dma_wait3A_1228 = arith.constant 0 : i32
      %dma_wait3A_1229 = tpu.memref_slice %arg5[%dma_wait3A_1227, %dma_wait3A_1228] : memref<32x1000000xf32, #tpu.memory_space<hbm>> -> memref<32x128xf32, #tpu.memory_space<hbm>>
      tpu.wait_dma2 semaphore(%arg20 : memref<!tpu.dma_semaphore, #tpu.memory_space<semaphore_mem>>) src(%dma_wait3A_1229 : memref<32x128xf32, #tpu.memory_space<hbm>>) dst(%arg16 : memref<32x128xf32, #tpu.memory_space<vmem>>)
      %slice3A_1230 = vector.extract_strided_slice %get3A_104 {offsets = [12], sizes = [1], strides = [1]} : vector<16xi32> to vector<1xi32>
      %squeeze3A_1231 = vector.extract %slice3A_1230[0] : i32 from vector<1xi32>
      %rem3A_1232 = arith.constant 128 : i32
      %rem3A_1233 = arith.remsi %squeeze3A_1231, %rem3A_1232 : i32
      %broadcast_in_dim3A_1234 = vector.broadcast %rem3A_1233 : i32 to vector<16xi32>
      %iota3A_1235 = tpu.iota {dimensions = array<i32: 0>} : vector<16xi32>
      %gather3A_1236 = tpu.vector_load_idx %arg12[%iota3A_1235, %broadcast_in_dim3A_1234] : memref<32x128xf32, #tpu.memory_space<vmem>>[vector<16xi32>, vector<16xi32>], vector<16xf32>,
      %iota3A_1237 = tpu.iota {dimensions = array<i32: 0>} : vector<16xi32>
      %add3A_1238 = arith.constant 16 : i32
      %add3A_1239 = vector.broadcast %add3A_1238 : i32 to vector<16xi32>
      %add3A_1240 = arith.addi %iota3A_1237, %add3A_1239 : vector<16xi32>
      %gather3A_1241 = tpu.vector_load_idx %arg12[%add3A_1240, %broadcast_in_dim3A_1234] : memref<32x128xf32, #tpu.memory_space<vmem>>[vector<16xi32>, vector<16xi32>], vector<16xf32>,
      %slice3A_1242 = vector.extract_strided_slice %get3A_106 {offsets = [12], sizes = [1], strides = [1]} : vector<16xi32> to vector<1xi32>
      %squeeze3A_1243 = vector.extract %slice3A_1242[0] : i32 from vector<1xi32>
      %rem3A_1244 = arith.constant 128 : i32
      %rem3A_1245 = arith.remsi %squeeze3A_1243, %rem3A_1244 : i32
      %broadcast_in_dim3A_1246 = vector.broadcast %rem3A_1245 : i32 to vector<16xi32>
      %iota3A_1247 = tpu.iota {dimensions = array<i32: 0>} : vector<16xi32>
      %gather3A_1248 = tpu.vector_load_idx %arg14[%iota3A_1247, %broadcast_in_dim3A_1246] : memref<32x128xf32, #tpu.memory_space<vmem>>[vector<16xi32>, vector<16xi32>], vector<16xf32>,
      %iota3A_1249 = tpu.iota {dimensions = array<i32: 0>} : vector<16xi32>
      %add3A_1250 = arith.constant 16 : i32
      %add3A_1251 = vector.broadcast %add3A_1250 : i32 to vector<16xi32>
      %add3A_1252 = arith.addi %iota3A_1249, %add3A_1251 : vector<16xi32>
      %gather3A_1253 = tpu.vector_load_idx %arg14[%add3A_1252, %broadcast_in_dim3A_1246] : memref<32x128xf32, #tpu.memory_space<vmem>>[vector<16xi32>, vector<16xi32>], vector<16xf32>,
      %slice3A_1254 = vector.extract_strided_slice %get3A_108 {offsets = [12], sizes = [1], strides = [1]} : vector<16xi32> to vector<1xi32>
      %squeeze3A_1255 = vector.extract %slice3A_1254[0] : i32 from vector<1xi32>
      %rem3A_1256 = arith.constant 128 : i32
      %rem3A_1257 = arith.remsi %squeeze3A_1255, %rem3A_1256 : i32
      %broadcast_in_dim3A_1258 = vector.broadcast %rem3A_1257 : i32 to vector<16xi32>
      %iota3A_1259 = tpu.iota {dimensions = array<i32: 0>} : vector<16xi32>
      %gather3A_1260 = tpu.vector_load_idx %arg16[%iota3A_1259, %broadcast_in_dim3A_1258] : memref<32x128xf32, #tpu.memory_space<vmem>>[vector<16xi32>, vector<16xi32>], vector<16xf32>,
      %iota3A_1261 = tpu.iota {dimensions = array<i32: 0>} : vector<16xi32>
      %add3A_1262 = arith.constant 16 : i32
      %add3A_1263 = vector.broadcast %add3A_1262 : i32 to vector<16xi32>
      %add3A_1264 = arith.addi %iota3A_1261, %add3A_1263 : vector<16xi32>
      %gather3A_1265 = tpu.vector_load_idx %arg16[%add3A_1264, %broadcast_in_dim3A_1258] : memref<32x128xf32, #tpu.memory_space<vmem>>[vector<16xi32>, vector<16xi32>], vector<16xf32>,
      %mul3A_1266 = arith.mulf %gather3A_1236, %gather3A_1248 : vector<16xf32>
      %mul3A_1267 = arith.mulf %gather3A_1241, %gather3A_1253 : vector<16xf32>
      %add3A_1268 = arith.addf %mul3A_1266, %mul3A_1267 : vector<16xf32>
      %reduce_sum3A_1269 = arith.constant true
      %reduce_sum3A_1270 = vector.broadcast %reduce_sum3A_1269 : i1 to vector<16xi1>
      %reduce_sum3A_1271 = tpu.scan <sum>, %add3A_1268 masked %reduce_sum3A_1270 : vector<16xf32>, vector<16xi1> -> vector<16xf32>
      %reduce_sum3A_1272 = vector.extract %reduce_sum3A_1271[15] : f32 from vector<16xf32>
      %mul3A_1273 = arith.mulf %gather3A_1236, %gather3A_1260 : vector<16xf32>
      %mul3A_1274 = arith.mulf %gather3A_1241, %gather3A_1265 : vector<16xf32>
      %add3A_1275 = arith.addf %mul3A_1273, %mul3A_1274 : vector<16xf32>
      %reduce_sum3A_1276 = arith.constant true
      %reduce_sum3A_1277 = vector.broadcast %reduce_sum3A_1276 : i1 to vector<16xi1>
      %reduce_sum3A_1278 = tpu.scan <sum>, %add3A_1275 masked %reduce_sum3A_1277 : vector<16xf32>, vector<16xi1> -> vector<16xf32>
      %reduce_sum3A_1279 = vector.extract %reduce_sum3A_1278[15] : f32 from vector<16xf32>
      %eq3A_1280 = arith.constant 12 : i32
      %eq3A_1281 = vector.broadcast %eq3A_1280 : i32 to vector<16xi32>
      %eq3A_1282 = arith.cmpi eq, %iota3A, %eq3A_1281 : vector<16xi32>
      %broadcast_in_dim3A_1283 = vector.broadcast %reduce_sum3A_1272 : f32 to vector<16xf32>
      %select_n3A_1284 = arith.select %eq3A_1282, %broadcast_in_dim3A_1283, %select_n3A_1194 : vector<16xi1>, vector<16xf32>
      %broadcast_in_dim3A_1285 = vector.broadcast %reduce_sum3A_1279 : f32 to vector<16xf32>
      %select_n3A_1286 = arith.select %eq3A_1282, %broadcast_in_dim3A_1285, %select_n3A_1196 : vector<16xi1>, vector<16xf32>
      %add3A_1287 = arith.constant 13 : i32
      %add3A_1288 = arith.addi %mul3A_102, %add3A_1287 : i32
      %slice3A_1289 = vector.extract_strided_slice %get3A_104 {offsets = [14], sizes = [1], strides = [1]} : vector<16xi32> to vector<1xi32>
      %squeeze3A_1290 = vector.extract %slice3A_1289[0] : i32 from vector<1xi32>
      %slice3A_1291 = vector.extract_strided_slice %get3A_106 {offsets = [14], sizes = [1], strides = [1]} : vector<16xi32> to vector<1xi32>
      %squeeze3A_1292 = vector.extract %slice3A_1291[0] : i32 from vector<1xi32>
      %slice3A_1293 = vector.extract_strided_slice %get3A_108 {offsets = [14], sizes = [1], strides = [1]} : vector<16xi32> to vector<1xi32>
      %squeeze3A_1294 = vector.extract %slice3A_1293[0] : i32 from vector<1xi32>
      %add3A_1295 = arith.constant 1 : i32
      %add3A_1296 = arith.addi %add3A_1288, %add3A_1295 : i32
      %lt3A_1297 = arith.constant 512 : i32
      %lt3A_1298 = arith.cmpi slt, %add3A_1296, %lt3A_1297 : i32
      %convert_element_type3A_1299 = arith.extui %lt3A_1298 : i1 to i32
      %cond3A_1300 = arith.constant 0 : i32
      %cond3A_1301 = arith.cmpi ne, %convert_element_type3A_1299, %cond3A_1300 : i32
      scf.if %cond3A_1301 {
        %jit3A_1560 = arith.constant 128 : i32
        %div3A_1561 = arith.divsi %squeeze3A_1290, %jit3A_1560 : i32
        %sign3A_1562 = arith.constant 0 : i32
        %sign3A_1563 = arith.cmpi sgt, %squeeze3A_1290, %sign3A_1562 : i32
        %sign3A_1564 = arith.extui %sign3A_1563 : i1 to i32
        %sign3A_1565 = arith.constant 0 : i32
        %sign3A_1566 = arith.cmpi slt, %squeeze3A_1290, %sign3A_1565 : i32
        %sign3A_1567 = arith.extui %sign3A_1566 : i1 to i32
        %sign3A_1568 = arith.subi %sign3A_1564, %sign3A_1567 : i32
        %sign3A_1569 = arith.constant 0 : i32
        %sign3A_1570 = arith.cmpi sgt, %jit3A_1560, %sign3A_1569 : i32
        %sign3A_1571 = arith.extui %sign3A_1570 : i1 to i32
        %sign3A_1572 = arith.constant 0 : i32
        %sign3A_1573 = arith.cmpi slt, %jit3A_1560, %sign3A_1572 : i32
        %sign3A_1574 = arith.extui %sign3A_1573 : i1 to i32
        %sign3A_1575 = arith.subi %sign3A_1571, %sign3A_1574 : i32
        %ne3A_1576 = arith.cmpi ne, %sign3A_1568, %sign3A_1575 : i32
        %rem3A_1577 = arith.remsi %squeeze3A_1290, %jit3A_1560 : i32
        %ne3A_1578 = arith.constant 0 : i32
        %ne3A_1579 = arith.cmpi ne, %rem3A_1577, %ne3A_1578 : i32
        %and3A_1580 = arith.andi %ne3A_1576, %ne3A_1579 : i1
        %sub3A_1581 = arith.constant 1 : i32
        %sub3A_1582 = arith.subi %div3A_1561, %sub3A_1581 : i32
        %select_n3A_1583 = arith.select %and3A_1580, %sub3A_1582, %div3A_1561 : i32
        %mul3A_1584 = arith.constant 128 : i32
        %mul3A_1585 = arith.muli %select_n3A_1583, %mul3A_1584 : i32
        %multiple_of3A_1586 = tpu.assume_multiple %mul3A_1585, 128 : i32
        %jit3A_1587 = arith.constant 128 : i32
        %div3A_1588 = arith.divsi %squeeze3A_1292, %jit3A_1587 : i32
        %sign3A_1589 = arith.constant 0 : i32
        %sign3A_1590 = arith.cmpi sgt, %squeeze3A_1292, %sign3A_1589 : i32
        %sign3A_1591 = arith.extui %sign3A_1590 : i1 to i32
        %sign3A_1592 = arith.constant 0 : i32
        %sign3A_1593 = arith.cmpi slt, %squeeze3A_1292, %sign3A_1592 : i32
        %sign3A_1594 = arith.extui %sign3A_1593 : i1 to i32
        %sign3A_1595 = arith.subi %sign3A_1591, %sign3A_1594 : i32
        %sign3A_1596 = arith.constant 0 : i32
        %sign3A_1597 = arith.cmpi sgt, %jit3A_1587, %sign3A_1596 : i32
        %sign3A_1598 = arith.extui %sign3A_1597 : i1 to i32
        %sign3A_1599 = arith.constant 0 : i32
        %sign3A_1600 = arith.cmpi slt, %jit3A_1587, %sign3A_1599 : i32
        %sign3A_1601 = arith.extui %sign3A_1600 : i1 to i32
        %sign3A_1602 = arith.subi %sign3A_1598, %sign3A_1601 : i32
        %ne3A_1603 = arith.cmpi ne, %sign3A_1595, %sign3A_1602 : i32
        %rem3A_1604 = arith.remsi %squeeze3A_1292, %jit3A_1587 : i32
        %ne3A_1605 = arith.constant 0 : i32
        %ne3A_1606 = arith.cmpi ne, %rem3A_1604, %ne3A_1605 : i32
        %and3A_1607 = arith.andi %ne3A_1603, %ne3A_1606 : i1
        %sub3A_1608 = arith.constant 1 : i32
        %sub3A_1609 = arith.subi %div3A_1588, %sub3A_1608 : i32
        %select_n3A_1610 = arith.select %and3A_1607, %sub3A_1609, %div3A_1588 : i32
        %mul3A_1611 = arith.constant 128 : i32
        %mul3A_1612 = arith.muli %select_n3A_1610, %mul3A_1611 : i32
        %multiple_of3A_1613 = tpu.assume_multiple %mul3A_1612, 128 : i32
        %jit3A_1614 = arith.constant 128 : i32
        %div3A_1615 = arith.divsi %squeeze3A_1294, %jit3A_1614 : i32
        %sign3A_1616 = arith.constant 0 : i32
        %sign3A_1617 = arith.cmpi sgt, %squeeze3A_1294, %sign3A_1616 : i32
        %sign3A_1618 = arith.extui %sign3A_1617 : i1 to i32
        %sign3A_1619 = arith.constant 0 : i32
        %sign3A_1620 = arith.cmpi slt, %squeeze3A_1294, %sign3A_1619 : i32
        %sign3A_1621 = arith.extui %sign3A_1620 : i1 to i32
        %sign3A_1622 = arith.subi %sign3A_1618, %sign3A_1621 : i32
        %sign3A_1623 = arith.constant 0 : i32
        %sign3A_1624 = arith.cmpi sgt, %jit3A_1614, %sign3A_1623 : i32
        %sign3A_1625 = arith.extui %sign3A_1624 : i1 to i32
        %sign3A_1626 = arith.constant 0 : i32
        %sign3A_1627 = arith.cmpi slt, %jit3A_1614, %sign3A_1626 : i32
        %sign3A_1628 = arith.extui %sign3A_1627 : i1 to i32
        %sign3A_1629 = arith.subi %sign3A_1625, %sign3A_1628 : i32
        %ne3A_1630 = arith.cmpi ne, %sign3A_1622, %sign3A_1629 : i32
        %rem3A_1631 = arith.remsi %squeeze3A_1294, %jit3A_1614 : i32
        %ne3A_1632 = arith.constant 0 : i32
        %ne3A_1633 = arith.cmpi ne, %rem3A_1631, %ne3A_1632 : i32
        %and3A_1634 = arith.andi %ne3A_1630, %ne3A_1633 : i1
        %sub3A_1635 = arith.constant 1 : i32
        %sub3A_1636 = arith.subi %div3A_1615, %sub3A_1635 : i32
        %select_n3A_1637 = arith.select %and3A_1634, %sub3A_1636, %div3A_1615 : i32
        %mul3A_1638 = arith.constant 128 : i32
        %mul3A_1639 = arith.muli %select_n3A_1637, %mul3A_1638 : i32
        %multiple_of3A_1640 = tpu.assume_multiple %mul3A_1639, 128 : i32
        %dma_start3A_1641 = arith.constant 0 : i32
        %dma_start3A_1642 = tpu.memref_slice %arg5[%dma_start3A_1641, %multiple_of3A_1586] : memref<32x1000000xf32, #tpu.memory_space<hbm>> -> memref<32x128xf32, #tpu.memory_space<hbm>>
        %dma_start3A_1643 = arith.constant 0 : i32
        %dma_start3A_1644 = tpu.memref_slice %arg5[%dma_start3A_1643, %multiple_of3A_1586] : memref<32x1000000xf32, #tpu.memory_space<hbm>> -> memref<32x128xf32, #tpu.memory_space<hbm>>
        tpu.enqueue_dma source(%dma_start3A_1644 : memref<32x128xf32, #tpu.memory_space<hbm>>) target(%arg12 : memref<32x128xf32, #tpu.memory_space<vmem>>) target_semaphore(%arg20 : memref<!tpu.dma_semaphore, #tpu.memory_space<semaphore_mem>>)
        %dma_start3A_1645 = arith.constant 0 : i32
        %dma_start3A_1646 = tpu.memref_slice %arg6[%dma_start3A_1645, %multiple_of3A_1613] : memref<32x1000000xf32, #tpu.memory_space<hbm>> -> memref<32x128xf32, #tpu.memory_space<hbm>>
        %dma_start3A_1647 = arith.constant 0 : i32
        %dma_start3A_1648 = tpu.memref_slice %arg6[%dma_start3A_1647, %multiple_of3A_1613] : memref<32x1000000xf32, #tpu.memory_space<hbm>> -> memref<32x128xf32, #tpu.memory_space<hbm>>
        tpu.enqueue_dma source(%dma_start3A_1648 : memref<32x128xf32, #tpu.memory_space<hbm>>) target(%arg14 : memref<32x128xf32, #tpu.memory_space<vmem>>) target_semaphore(%arg20 : memref<!tpu.dma_semaphore, #tpu.memory_space<semaphore_mem>>)
        %dma_start3A_1649 = arith.constant 0 : i32
        %dma_start3A_1650 = tpu.memref_slice %arg6[%dma_start3A_1649, %multiple_of3A_1640] : memref<32x1000000xf32, #tpu.memory_space<hbm>> -> memref<32x128xf32, #tpu.memory_space<hbm>>
        %dma_start3A_1651 = arith.constant 0 : i32
        %dma_start3A_1652 = tpu.memref_slice %arg6[%dma_start3A_1651, %multiple_of3A_1640] : memref<32x1000000xf32, #tpu.memory_space<hbm>> -> memref<32x128xf32, #tpu.memory_space<hbm>>
        tpu.enqueue_dma source(%dma_start3A_1652 : memref<32x128xf32, #tpu.memory_space<hbm>>) target(%arg16 : memref<32x128xf32, #tpu.memory_space<vmem>>) target_semaphore(%arg20 : memref<!tpu.dma_semaphore, #tpu.memory_space<semaphore_mem>>)
      } else {
      }
      %dma_wait3A_1302 = arith.constant 0 : i32
      %dma_wait3A_1303 = arith.constant 0 : i32
      %dma_wait3A_1304 = tpu.memref_slice %arg5[%dma_wait3A_1302, %dma_wait3A_1303] : memref<32x1000000xf32, #tpu.memory_space<hbm>> -> memref<32x128xf32, #tpu.memory_space<hbm>>
      %dma_wait3A_1305 = arith.constant 0 : i32
      %dma_wait3A_1306 = arith.constant 0 : i32
      %dma_wait3A_1307 = tpu.memref_slice %arg5[%dma_wait3A_1305, %dma_wait3A_1306] : memref<32x1000000xf32, #tpu.memory_space<hbm>> -> memref<32x128xf32, #tpu.memory_space<hbm>>
      tpu.wait_dma2 semaphore(%arg21 : memref<!tpu.dma_semaphore, #tpu.memory_space<semaphore_mem>>) src(%dma_wait3A_1307 : memref<32x128xf32, #tpu.memory_space<hbm>>) dst(%arg12 : memref<32x128xf32, #tpu.memory_space<vmem>>)
      %dma_wait3A_1308 = arith.constant 0 : i32
      %dma_wait3A_1309 = arith.constant 0 : i32
      %dma_wait3A_1310 = tpu.memref_slice %arg5[%dma_wait3A_1308, %dma_wait3A_1309] : memref<32x1000000xf32, #tpu.memory_space<hbm>> -> memref<32x128xf32, #tpu.memory_space<hbm>>
      %dma_wait3A_1311 = arith.constant 0 : i32
      %dma_wait3A_1312 = arith.constant 0 : i32
      %dma_wait3A_1313 = tpu.memref_slice %arg5[%dma_wait3A_1311, %dma_wait3A_1312] : memref<32x1000000xf32, #tpu.memory_space<hbm>> -> memref<32x128xf32, #tpu.memory_space<hbm>>
      tpu.wait_dma2 semaphore(%arg21 : memref<!tpu.dma_semaphore, #tpu.memory_space<semaphore_mem>>) src(%dma_wait3A_1313 : memref<32x128xf32, #tpu.memory_space<hbm>>) dst(%arg14 : memref<32x128xf32, #tpu.memory_space<vmem>>)
      %dma_wait3A_1314 = arith.constant 0 : i32
      %dma_wait3A_1315 = arith.constant 0 : i32
      %dma_wait3A_1316 = tpu.memref_slice %arg5[%dma_wait3A_1314, %dma_wait3A_1315] : memref<32x1000000xf32, #tpu.memory_space<hbm>> -> memref<32x128xf32, #tpu.memory_space<hbm>>
      %dma_wait3A_1317 = arith.constant 0 : i32
      %dma_wait3A_1318 = arith.constant 0 : i32
      %dma_wait3A_1319 = tpu.memref_slice %arg5[%dma_wait3A_1317, %dma_wait3A_1318] : memref<32x1000000xf32, #tpu.memory_space<hbm>> -> memref<32x128xf32, #tpu.memory_space<hbm>>
      tpu.wait_dma2 semaphore(%arg21 : memref<!tpu.dma_semaphore, #tpu.memory_space<semaphore_mem>>) src(%dma_wait3A_1319 : memref<32x128xf32, #tpu.memory_space<hbm>>) dst(%arg16 : memref<32x128xf32, #tpu.memory_space<vmem>>)
      %slice3A_1320 = vector.extract_strided_slice %get3A_104 {offsets = [13], sizes = [1], strides = [1]} : vector<16xi32> to vector<1xi32>
      %squeeze3A_1321 = vector.extract %slice3A_1320[0] : i32 from vector<1xi32>
      %rem3A_1322 = arith.constant 128 : i32
      %rem3A_1323 = arith.remsi %squeeze3A_1321, %rem3A_1322 : i32
      %broadcast_in_dim3A_1324 = vector.broadcast %rem3A_1323 : i32 to vector<16xi32>
      %iota3A_1325 = tpu.iota {dimensions = array<i32: 0>} : vector<16xi32>
      %gather3A_1326 = tpu.vector_load_idx %arg13[%iota3A_1325, %broadcast_in_dim3A_1324] : memref<32x128xf32, #tpu.memory_space<vmem>>[vector<16xi32>, vector<16xi32>], vector<16xf32>,
      %iota3A_1327 = tpu.iota {dimensions = array<i32: 0>} : vector<16xi32>
      %add3A_1328 = arith.constant 16 : i32
      %add3A_1329 = vector.broadcast %add3A_1328 : i32 to vector<16xi32>
      %add3A_1330 = arith.addi %iota3A_1327, %add3A_1329 : vector<16xi32>
      %gather3A_1331 = tpu.vector_load_idx %arg13[%add3A_1330, %broadcast_in_dim3A_1324] : memref<32x128xf32, #tpu.memory_space<vmem>>[vector<16xi32>, vector<16xi32>], vector<16xf32>,
      %slice3A_1332 = vector.extract_strided_slice %get3A_106 {offsets = [13], sizes = [1], strides = [1]} : vector<16xi32> to vector<1xi32>
      %squeeze3A_1333 = vector.extract %slice3A_1332[0] : i32 from vector<1xi32>
      %rem3A_1334 = arith.constant 128 : i32
      %rem3A_1335 = arith.remsi %squeeze3A_1333, %rem3A_1334 : i32
      %broadcast_in_dim3A_1336 = vector.broadcast %rem3A_1335 : i32 to vector<16xi32>
      %iota3A_1337 = tpu.iota {dimensions = array<i32: 0>} : vector<16xi32>
      %gather3A_1338 = tpu.vector_load_idx %arg15[%iota3A_1337, %broadcast_in_dim3A_1336] : memref<32x128xf32, #tpu.memory_space<vmem>>[vector<16xi32>, vector<16xi32>], vector<16xf32>,
      %iota3A_1339 = tpu.iota {dimensions = array<i32: 0>} : vector<16xi32>
      %add3A_1340 = arith.constant 16 : i32
      %add3A_1341 = vector.broadcast %add3A_1340 : i32 to vector<16xi32>
      %add3A_1342 = arith.addi %iota3A_1339, %add3A_1341 : vector<16xi32>
      %gather3A_1343 = tpu.vector_load_idx %arg15[%add3A_1342, %broadcast_in_dim3A_1336] : memref<32x128xf32, #tpu.memory_space<vmem>>[vector<16xi32>, vector<16xi32>], vector<16xf32>,
      %slice3A_1344 = vector.extract_strided_slice %get3A_108 {offsets = [13], sizes = [1], strides = [1]} : vector<16xi32> to vector<1xi32>
      %squeeze3A_1345 = vector.extract %slice3A_1344[0] : i32 from vector<1xi32>
      %rem3A_1346 = arith.constant 128 : i32
      %rem3A_1347 = arith.remsi %squeeze3A_1345, %rem3A_1346 : i32
      %broadcast_in_dim3A_1348 = vector.broadcast %rem3A_1347 : i32 to vector<16xi32>
      %iota3A_1349 = tpu.iota {dimensions = array<i32: 0>} : vector<16xi32>
      %gather3A_1350 = tpu.vector_load_idx %arg17[%iota3A_1349, %broadcast_in_dim3A_1348] : memref<32x128xf32, #tpu.memory_space<vmem>>[vector<16xi32>, vector<16xi32>], vector<16xf32>,
      %iota3A_1351 = tpu.iota {dimensions = array<i32: 0>} : vector<16xi32>
      %add3A_1352 = arith.constant 16 : i32
      %add3A_1353 = vector.broadcast %add3A_1352 : i32 to vector<16xi32>
      %add3A_1354 = arith.addi %iota3A_1351, %add3A_1353 : vector<16xi32>
      %gather3A_1355 = tpu.vector_load_idx %arg17[%add3A_1354, %broadcast_in_dim3A_1348] : memref<32x128xf32, #tpu.memory_space<vmem>>[vector<16xi32>, vector<16xi32>], vector<16xf32>,
      %mul3A_1356 = arith.mulf %gather3A_1326, %gather3A_1338 : vector<16xf32>
      %mul3A_1357 = arith.mulf %gather3A_1331, %gather3A_1343 : vector<16xf32>
      %add3A_1358 = arith.addf %mul3A_1356, %mul3A_1357 : vector<16xf32>
      %reduce_sum3A_1359 = arith.constant true
      %reduce_sum3A_1360 = vector.broadcast %reduce_sum3A_1359 : i1 to vector<16xi1>
      %reduce_sum3A_1361 = tpu.scan <sum>, %add3A_1358 masked %reduce_sum3A_1360 : vector<16xf32>, vector<16xi1> -> vector<16xf32>
      %reduce_sum3A_1362 = vector.extract %reduce_sum3A_1361[15] : f32 from vector<16xf32>
      %mul3A_1363 = arith.mulf %gather3A_1326, %gather3A_1350 : vector<16xf32>
      %mul3A_1364 = arith.mulf %gather3A_1331, %gather3A_1355 : vector<16xf32>
      %add3A_1365 = arith.addf %mul3A_1363, %mul3A_1364 : vector<16xf32>
      %reduce_sum3A_1366 = arith.constant true
      %reduce_sum3A_1367 = vector.broadcast %reduce_sum3A_1366 : i1 to vector<16xi1>
      %reduce_sum3A_1368 = tpu.scan <sum>, %add3A_1365 masked %reduce_sum3A_1367 : vector<16xf32>, vector<16xi1> -> vector<16xf32>
      %reduce_sum3A_1369 = vector.extract %reduce_sum3A_1368[15] : f32 from vector<16xf32>
      %eq3A_1370 = arith.constant 13 : i32
      %eq3A_1371 = vector.broadcast %eq3A_1370 : i32 to vector<16xi32>
      %eq3A_1372 = arith.cmpi eq, %iota3A, %eq3A_1371 : vector<16xi32>
      %broadcast_in_dim3A_1373 = vector.broadcast %reduce_sum3A_1362 : f32 to vector<16xf32>
      %select_n3A_1374 = arith.select %eq3A_1372, %broadcast_in_dim3A_1373, %select_n3A_1284 : vector<16xi1>, vector<16xf32>
      %broadcast_in_dim3A_1375 = vector.broadcast %reduce_sum3A_1369 : f32 to vector<16xf32>
      %select_n3A_1376 = arith.select %eq3A_1372, %broadcast_in_dim3A_1375, %select_n3A_1286 : vector<16xi1>, vector<16xf32>
      %add3A_1377 = arith.constant 14 : i32
      %add3A_1378 = arith.addi %mul3A_102, %add3A_1377 : i32
      %slice3A_1379 = vector.extract_strided_slice %get3A_104 {offsets = [15], sizes = [1], strides = [1]} : vector<16xi32> to vector<1xi32>
      %squeeze3A_1380 = vector.extract %slice3A_1379[0] : i32 from vector<1xi32>
      %slice3A_1381 = vector.extract_strided_slice %get3A_106 {offsets = [15], sizes = [1], strides = [1]} : vector<16xi32> to vector<1xi32>
      %squeeze3A_1382 = vector.extract %slice3A_1381[0] : i32 from vector<1xi32>
      %slice3A_1383 = vector.extract_strided_slice %get3A_108 {offsets = [15], sizes = [1], strides = [1]} : vector<16xi32> to vector<1xi32>
      %squeeze3A_1384 = vector.extract %slice3A_1383[0] : i32 from vector<1xi32>
      %add3A_1385 = arith.constant 1 : i32
      %add3A_1386 = arith.addi %add3A_1378, %add3A_1385 : i32
      %lt3A_1387 = arith.constant 512 : i32
      %lt3A_1388 = arith.cmpi slt, %add3A_1386, %lt3A_1387 : i32
      %convert_element_type3A_1389 = arith.extui %lt3A_1388 : i1 to i32
      %cond3A_1390 = arith.constant 0 : i32
      %cond3A_1391 = arith.cmpi ne, %convert_element_type3A_1389, %cond3A_1390 : i32
      scf.if %cond3A_1391 {
        %jit3A_1560 = arith.constant 128 : i32
        %div3A_1561 = arith.divsi %squeeze3A_1380, %jit3A_1560 : i32
        %sign3A_1562 = arith.constant 0 : i32
        %sign3A_1563 = arith.cmpi sgt, %squeeze3A_1380, %sign3A_1562 : i32
        %sign3A_1564 = arith.extui %sign3A_1563 : i1 to i32
        %sign3A_1565 = arith.constant 0 : i32
        %sign3A_1566 = arith.cmpi slt, %squeeze3A_1380, %sign3A_1565 : i32
        %sign3A_1567 = arith.extui %sign3A_1566 : i1 to i32
        %sign3A_1568 = arith.subi %sign3A_1564, %sign3A_1567 : i32
        %sign3A_1569 = arith.constant 0 : i32
        %sign3A_1570 = arith.cmpi sgt, %jit3A_1560, %sign3A_1569 : i32
        %sign3A_1571 = arith.extui %sign3A_1570 : i1 to i32
        %sign3A_1572 = arith.constant 0 : i32
        %sign3A_1573 = arith.cmpi slt, %jit3A_1560, %sign3A_1572 : i32
        %sign3A_1574 = arith.extui %sign3A_1573 : i1 to i32
        %sign3A_1575 = arith.subi %sign3A_1571, %sign3A_1574 : i32
        %ne3A_1576 = arith.cmpi ne, %sign3A_1568, %sign3A_1575 : i32
        %rem3A_1577 = arith.remsi %squeeze3A_1380, %jit3A_1560 : i32
        %ne3A_1578 = arith.constant 0 : i32
        %ne3A_1579 = arith.cmpi ne, %rem3A_1577, %ne3A_1578 : i32
        %and3A_1580 = arith.andi %ne3A_1576, %ne3A_1579 : i1
        %sub3A_1581 = arith.constant 1 : i32
        %sub3A_1582 = arith.subi %div3A_1561, %sub3A_1581 : i32
        %select_n3A_1583 = arith.select %and3A_1580, %sub3A_1582, %div3A_1561 : i32
        %mul3A_1584 = arith.constant 128 : i32
        %mul3A_1585 = arith.muli %select_n3A_1583, %mul3A_1584 : i32
        %multiple_of3A_1586 = tpu.assume_multiple %mul3A_1585, 128 : i32
        %jit3A_1587 = arith.constant 128 : i32
        %div3A_1588 = arith.divsi %squeeze3A_1382, %jit3A_1587 : i32
        %sign3A_1589 = arith.constant 0 : i32
        %sign3A_1590 = arith.cmpi sgt, %squeeze3A_1382, %sign3A_1589 : i32
        %sign3A_1591 = arith.extui %sign3A_1590 : i1 to i32
        %sign3A_1592 = arith.constant 0 : i32
        %sign3A_1593 = arith.cmpi slt, %squeeze3A_1382, %sign3A_1592 : i32
        %sign3A_1594 = arith.extui %sign3A_1593 : i1 to i32
        %sign3A_1595 = arith.subi %sign3A_1591, %sign3A_1594 : i32
        %sign3A_1596 = arith.constant 0 : i32
        %sign3A_1597 = arith.cmpi sgt, %jit3A_1587, %sign3A_1596 : i32
        %sign3A_1598 = arith.extui %sign3A_1597 : i1 to i32
        %sign3A_1599 = arith.constant 0 : i32
        %sign3A_1600 = arith.cmpi slt, %jit3A_1587, %sign3A_1599 : i32
        %sign3A_1601 = arith.extui %sign3A_1600 : i1 to i32
        %sign3A_1602 = arith.subi %sign3A_1598, %sign3A_1601 : i32
        %ne3A_1603 = arith.cmpi ne, %sign3A_1595, %sign3A_1602 : i32
        %rem3A_1604 = arith.remsi %squeeze3A_1382, %jit3A_1587 : i32
        %ne3A_1605 = arith.constant 0 : i32
        %ne3A_1606 = arith.cmpi ne, %rem3A_1604, %ne3A_1605 : i32
        %and3A_1607 = arith.andi %ne3A_1603, %ne3A_1606 : i1
        %sub3A_1608 = arith.constant 1 : i32
        %sub3A_1609 = arith.subi %div3A_1588, %sub3A_1608 : i32
        %select_n3A_1610 = arith.select %and3A_1607, %sub3A_1609, %div3A_1588 : i32
        %mul3A_1611 = arith.constant 128 : i32
        %mul3A_1612 = arith.muli %select_n3A_1610, %mul3A_1611 : i32
        %multiple_of3A_1613 = tpu.assume_multiple %mul3A_1612, 128 : i32
        %jit3A_1614 = arith.constant 128 : i32
        %div3A_1615 = arith.divsi %squeeze3A_1384, %jit3A_1614 : i32
        %sign3A_1616 = arith.constant 0 : i32
        %sign3A_1617 = arith.cmpi sgt, %squeeze3A_1384, %sign3A_1616 : i32
        %sign3A_1618 = arith.extui %sign3A_1617 : i1 to i32
        %sign3A_1619 = arith.constant 0 : i32
        %sign3A_1620 = arith.cmpi slt, %squeeze3A_1384, %sign3A_1619 : i32
        %sign3A_1621 = arith.extui %sign3A_1620 : i1 to i32
        %sign3A_1622 = arith.subi %sign3A_1618, %sign3A_1621 : i32
        %sign3A_1623 = arith.constant 0 : i32
        %sign3A_1624 = arith.cmpi sgt, %jit3A_1614, %sign3A_1623 : i32
        %sign3A_1625 = arith.extui %sign3A_1624 : i1 to i32
        %sign3A_1626 = arith.constant 0 : i32
        %sign3A_1627 = arith.cmpi slt, %jit3A_1614, %sign3A_1626 : i32
        %sign3A_1628 = arith.extui %sign3A_1627 : i1 to i32
        %sign3A_1629 = arith.subi %sign3A_1625, %sign3A_1628 : i32
        %ne3A_1630 = arith.cmpi ne, %sign3A_1622, %sign3A_1629 : i32
        %rem3A_1631 = arith.remsi %squeeze3A_1384, %jit3A_1614 : i32
        %ne3A_1632 = arith.constant 0 : i32
        %ne3A_1633 = arith.cmpi ne, %rem3A_1631, %ne3A_1632 : i32
        %and3A_1634 = arith.andi %ne3A_1630, %ne3A_1633 : i1
        %sub3A_1635 = arith.constant 1 : i32
        %sub3A_1636 = arith.subi %div3A_1615, %sub3A_1635 : i32
        %select_n3A_1637 = arith.select %and3A_1634, %sub3A_1636, %div3A_1615 : i32
        %mul3A_1638 = arith.constant 128 : i32
        %mul3A_1639 = arith.muli %select_n3A_1637, %mul3A_1638 : i32
        %multiple_of3A_1640 = tpu.assume_multiple %mul3A_1639, 128 : i32
        %dma_start3A_1641 = arith.constant 0 : i32
        %dma_start3A_1642 = tpu.memref_slice %arg5[%dma_start3A_1641, %multiple_of3A_1586] : memref<32x1000000xf32, #tpu.memory_space<hbm>> -> memref<32x128xf32, #tpu.memory_space<hbm>>
        %dma_start3A_1643 = arith.constant 0 : i32
        %dma_start3A_1644 = tpu.memref_slice %arg5[%dma_start3A_1643, %multiple_of3A_1586] : memref<32x1000000xf32, #tpu.memory_space<hbm>> -> memref<32x128xf32, #tpu.memory_space<hbm>>
        tpu.enqueue_dma source(%dma_start3A_1644 : memref<32x128xf32, #tpu.memory_space<hbm>>) target(%arg13 : memref<32x128xf32, #tpu.memory_space<vmem>>) target_semaphore(%arg21 : memref<!tpu.dma_semaphore, #tpu.memory_space<semaphore_mem>>)
        %dma_start3A_1645 = arith.constant 0 : i32
        %dma_start3A_1646 = tpu.memref_slice %arg6[%dma_start3A_1645, %multiple_of3A_1613] : memref<32x1000000xf32, #tpu.memory_space<hbm>> -> memref<32x128xf32, #tpu.memory_space<hbm>>
        %dma_start3A_1647 = arith.constant 0 : i32
        %dma_start3A_1648 = tpu.memref_slice %arg6[%dma_start3A_1647, %multiple_of3A_1613] : memref<32x1000000xf32, #tpu.memory_space<hbm>> -> memref<32x128xf32, #tpu.memory_space<hbm>>
        tpu.enqueue_dma source(%dma_start3A_1648 : memref<32x128xf32, #tpu.memory_space<hbm>>) target(%arg15 : memref<32x128xf32, #tpu.memory_space<vmem>>) target_semaphore(%arg21 : memref<!tpu.dma_semaphore, #tpu.memory_space<semaphore_mem>>)
        %dma_start3A_1649 = arith.constant 0 : i32
        %dma_start3A_1650 = tpu.memref_slice %arg6[%dma_start3A_1649, %multiple_of3A_1640] : memref<32x1000000xf32, #tpu.memory_space<hbm>> -> memref<32x128xf32, #tpu.memory_space<hbm>>
        %dma_start3A_1651 = arith.constant 0 : i32
        %dma_start3A_1652 = tpu.memref_slice %arg6[%dma_start3A_1651, %multiple_of3A_1640] : memref<32x1000000xf32, #tpu.memory_space<hbm>> -> memref<32x128xf32, #tpu.memory_space<hbm>>
        tpu.enqueue_dma source(%dma_start3A_1652 : memref<32x128xf32, #tpu.memory_space<hbm>>) target(%arg17 : memref<32x128xf32, #tpu.memory_space<vmem>>) target_semaphore(%arg21 : memref<!tpu.dma_semaphore, #tpu.memory_space<semaphore_mem>>)
      } else {
      }
      %dma_wait3A_1392 = arith.constant 0 : i32
      %dma_wait3A_1393 = arith.constant 0 : i32
      %dma_wait3A_1394 = tpu.memref_slice %arg5[%dma_wait3A_1392, %dma_wait3A_1393] : memref<32x1000000xf32, #tpu.memory_space<hbm>> -> memref<32x128xf32, #tpu.memory_space<hbm>>
      %dma_wait3A_1395 = arith.constant 0 : i32
      %dma_wait3A_1396 = arith.constant 0 : i32
      %dma_wait3A_1397 = tpu.memref_slice %arg5[%dma_wait3A_1395, %dma_wait3A_1396] : memref<32x1000000xf32, #tpu.memory_space<hbm>> -> memref<32x128xf32, #tpu.memory_space<hbm>>
      tpu.wait_dma2 semaphore(%arg20 : memref<!tpu.dma_semaphore, #tpu.memory_space<semaphore_mem>>) src(%dma_wait3A_1397 : memref<32x128xf32, #tpu.memory_space<hbm>>) dst(%arg12 : memref<32x128xf32, #tpu.memory_space<vmem>>)
      %dma_wait3A_1398 = arith.constant 0 : i32
      %dma_wait3A_1399 = arith.constant 0 : i32
      %dma_wait3A_1400 = tpu.memref_slice %arg5[%dma_wait3A_1398, %dma_wait3A_1399] : memref<32x1000000xf32, #tpu.memory_space<hbm>> -> memref<32x128xf32, #tpu.memory_space<hbm>>
      %dma_wait3A_1401 = arith.constant 0 : i32
      %dma_wait3A_1402 = arith.constant 0 : i32
      %dma_wait3A_1403 = tpu.memref_slice %arg5[%dma_wait3A_1401, %dma_wait3A_1402] : memref<32x1000000xf32, #tpu.memory_space<hbm>> -> memref<32x128xf32, #tpu.memory_space<hbm>>
      tpu.wait_dma2 semaphore(%arg20 : memref<!tpu.dma_semaphore, #tpu.memory_space<semaphore_mem>>) src(%dma_wait3A_1403 : memref<32x128xf32, #tpu.memory_space<hbm>>) dst(%arg14 : memref<32x128xf32, #tpu.memory_space<vmem>>)
      %dma_wait3A_1404 = arith.constant 0 : i32
      %dma_wait3A_1405 = arith.constant 0 : i32
      %dma_wait3A_1406 = tpu.memref_slice %arg5[%dma_wait3A_1404, %dma_wait3A_1405] : memref<32x1000000xf32, #tpu.memory_space<hbm>> -> memref<32x128xf32, #tpu.memory_space<hbm>>
      %dma_wait3A_1407 = arith.constant 0 : i32
      %dma_wait3A_1408 = arith.constant 0 : i32
      %dma_wait3A_1409 = tpu.memref_slice %arg5[%dma_wait3A_1407, %dma_wait3A_1408] : memref<32x1000000xf32, #tpu.memory_space<hbm>> -> memref<32x128xf32, #tpu.memory_space<hbm>>
      tpu.wait_dma2 semaphore(%arg20 : memref<!tpu.dma_semaphore, #tpu.memory_space<semaphore_mem>>) src(%dma_wait3A_1409 : memref<32x128xf32, #tpu.memory_space<hbm>>) dst(%arg16 : memref<32x128xf32, #tpu.memory_space<vmem>>)
      %slice3A_1410 = vector.extract_strided_slice %get3A_104 {offsets = [14], sizes = [1], strides = [1]} : vector<16xi32> to vector<1xi32>
      %squeeze3A_1411 = vector.extract %slice3A_1410[0] : i32 from vector<1xi32>
      %rem3A_1412 = arith.constant 128 : i32
      %rem3A_1413 = arith.remsi %squeeze3A_1411, %rem3A_1412 : i32
      %broadcast_in_dim3A_1414 = vector.broadcast %rem3A_1413 : i32 to vector<16xi32>
      %iota3A_1415 = tpu.iota {dimensions = array<i32: 0>} : vector<16xi32>
      %gather3A_1416 = tpu.vector_load_idx %arg12[%iota3A_1415, %broadcast_in_dim3A_1414] : memref<32x128xf32, #tpu.memory_space<vmem>>[vector<16xi32>, vector<16xi32>], vector<16xf32>,
      %iota3A_1417 = tpu.iota {dimensions = array<i32: 0>} : vector<16xi32>
      %add3A_1418 = arith.constant 16 : i32
      %add3A_1419 = vector.broadcast %add3A_1418 : i32 to vector<16xi32>
      %add3A_1420 = arith.addi %iota3A_1417, %add3A_1419 : vector<16xi32>
      %gather3A_1421 = tpu.vector_load_idx %arg12[%add3A_1420, %broadcast_in_dim3A_1414] : memref<32x128xf32, #tpu.memory_space<vmem>>[vector<16xi32>, vector<16xi32>], vector<16xf32>,
      %slice3A_1422 = vector.extract_strided_slice %get3A_106 {offsets = [14], sizes = [1], strides = [1]} : vector<16xi32> to vector<1xi32>
      %squeeze3A_1423 = vector.extract %slice3A_1422[0] : i32 from vector<1xi32>
      %rem3A_1424 = arith.constant 128 : i32
      %rem3A_1425 = arith.remsi %squeeze3A_1423, %rem3A_1424 : i32
      %broadcast_in_dim3A_1426 = vector.broadcast %rem3A_1425 : i32 to vector<16xi32>
      %iota3A_1427 = tpu.iota {dimensions = array<i32: 0>} : vector<16xi32>
      %gather3A_1428 = tpu.vector_load_idx %arg14[%iota3A_1427, %broadcast_in_dim3A_1426] : memref<32x128xf32, #tpu.memory_space<vmem>>[vector<16xi32>, vector<16xi32>], vector<16xf32>,
      %iota3A_1429 = tpu.iota {dimensions = array<i32: 0>} : vector<16xi32>
      %add3A_1430 = arith.constant 16 : i32
      %add3A_1431 = vector.broadcast %add3A_1430 : i32 to vector<16xi32>
      %add3A_1432 = arith.addi %iota3A_1429, %add3A_1431 : vector<16xi32>
      %gather3A_1433 = tpu.vector_load_idx %arg14[%add3A_1432, %broadcast_in_dim3A_1426] : memref<32x128xf32, #tpu.memory_space<vmem>>[vector<16xi32>, vector<16xi32>], vector<16xf32>,
      %slice3A_1434 = vector.extract_strided_slice %get3A_108 {offsets = [14], sizes = [1], strides = [1]} : vector<16xi32> to vector<1xi32>
      %squeeze3A_1435 = vector.extract %slice3A_1434[0] : i32 from vector<1xi32>
      %rem3A_1436 = arith.constant 128 : i32
      %rem3A_1437 = arith.remsi %squeeze3A_1435, %rem3A_1436 : i32
      %broadcast_in_dim3A_1438 = vector.broadcast %rem3A_1437 : i32 to vector<16xi32>
      %iota3A_1439 = tpu.iota {dimensions = array<i32: 0>} : vector<16xi32>
      %gather3A_1440 = tpu.vector_load_idx %arg16[%iota3A_1439, %broadcast_in_dim3A_1438] : memref<32x128xf32, #tpu.memory_space<vmem>>[vector<16xi32>, vector<16xi32>], vector<16xf32>,
      %iota3A_1441 = tpu.iota {dimensions = array<i32: 0>} : vector<16xi32>
      %add3A_1442 = arith.constant 16 : i32
      %add3A_1443 = vector.broadcast %add3A_1442 : i32 to vector<16xi32>
      %add3A_1444 = arith.addi %iota3A_1441, %add3A_1443 : vector<16xi32>
      %gather3A_1445 = tpu.vector_load_idx %arg16[%add3A_1444, %broadcast_in_dim3A_1438] : memref<32x128xf32, #tpu.memory_space<vmem>>[vector<16xi32>, vector<16xi32>], vector<16xf32>,
      %mul3A_1446 = arith.mulf %gather3A_1416, %gather3A_1428 : vector<16xf32>
      %mul3A_1447 = arith.mulf %gather3A_1421, %gather3A_1433 : vector<16xf32>
      %add3A_1448 = arith.addf %mul3A_1446, %mul3A_1447 : vector<16xf32>
      %reduce_sum3A_1449 = arith.constant true
      %reduce_sum3A_1450 = vector.broadcast %reduce_sum3A_1449 : i1 to vector<16xi1>
      %reduce_sum3A_1451 = tpu.scan <sum>, %add3A_1448 masked %reduce_sum3A_1450 : vector<16xf32>, vector<16xi1> -> vector<16xf32>
      %reduce_sum3A_1452 = vector.extract %reduce_sum3A_1451[15] : f32 from vector<16xf32>
      %mul3A_1453 = arith.mulf %gather3A_1416, %gather3A_1440 : vector<16xf32>
      %mul3A_1454 = arith.mulf %gather3A_1421, %gather3A_1445 : vector<16xf32>
      %add3A_1455 = arith.addf %mul3A_1453, %mul3A_1454 : vector<16xf32>
      %reduce_sum3A_1456 = arith.constant true
      %reduce_sum3A_1457 = vector.broadcast %reduce_sum3A_1456 : i1 to vector<16xi1>
      %reduce_sum3A_1458 = tpu.scan <sum>, %add3A_1455 masked %reduce_sum3A_1457 : vector<16xf32>, vector<16xi1> -> vector<16xf32>
      %reduce_sum3A_1459 = vector.extract %reduce_sum3A_1458[15] : f32 from vector<16xf32>
      %eq3A_1460 = arith.constant 14 : i32
      %eq3A_1461 = vector.broadcast %eq3A_1460 : i32 to vector<16xi32>
      %eq3A_1462 = arith.cmpi eq, %iota3A, %eq3A_1461 : vector<16xi32>
      %broadcast_in_dim3A_1463 = vector.broadcast %reduce_sum3A_1452 : f32 to vector<16xf32>
      %select_n3A_1464 = arith.select %eq3A_1462, %broadcast_in_dim3A_1463, %select_n3A_1374 : vector<16xi1>, vector<16xf32>
      %broadcast_in_dim3A_1465 = vector.broadcast %reduce_sum3A_1459 : f32 to vector<16xf32>
      %select_n3A_1466 = arith.select %eq3A_1462, %broadcast_in_dim3A_1465, %select_n3A_1376 : vector<16xi1>, vector<16xf32>
      %add3A_1467 = arith.constant 15 : i32
      %add3A_1468 = arith.addi %mul3A_102, %add3A_1467 : i32
      %slice3A_1469 = vector.extract_strided_slice %get3A_112 {offsets = [0], sizes = [1], strides = [1]} : vector<16xi32> to vector<1xi32>
      %squeeze3A_1470 = vector.extract %slice3A_1469[0] : i32 from vector<1xi32>
      %slice3A_1471 = vector.extract_strided_slice %get3A_116 {offsets = [0], sizes = [1], strides = [1]} : vector<16xi32> to vector<1xi32>
      %squeeze3A_1472 = vector.extract %slice3A_1471[0] : i32 from vector<1xi32>
      %slice3A_1473 = vector.extract_strided_slice %get3A_120 {offsets = [0], sizes = [1], strides = [1]} : vector<16xi32> to vector<1xi32>
      %squeeze3A_1474 = vector.extract %slice3A_1473[0] : i32 from vector<1xi32>
      %add3A_1475 = arith.constant 1 : i32
      %add3A_1476 = arith.addi %add3A_1468, %add3A_1475 : i32
      %lt3A_1477 = arith.constant 512 : i32
      %lt3A_1478 = arith.cmpi slt, %add3A_1476, %lt3A_1477 : i32
      %convert_element_type3A_1479 = arith.extui %lt3A_1478 : i1 to i32
      %cond3A_1480 = arith.constant 0 : i32
      %cond3A_1481 = arith.cmpi ne, %convert_element_type3A_1479, %cond3A_1480 : i32
      scf.if %cond3A_1481 {
        %jit3A_1560 = arith.constant 128 : i32
        %div3A_1561 = arith.divsi %squeeze3A_1470, %jit3A_1560 : i32
        %sign3A_1562 = arith.constant 0 : i32
        %sign3A_1563 = arith.cmpi sgt, %squeeze3A_1470, %sign3A_1562 : i32
        %sign3A_1564 = arith.extui %sign3A_1563 : i1 to i32
        %sign3A_1565 = arith.constant 0 : i32
        %sign3A_1566 = arith.cmpi slt, %squeeze3A_1470, %sign3A_1565 : i32
        %sign3A_1567 = arith.extui %sign3A_1566 : i1 to i32
        %sign3A_1568 = arith.subi %sign3A_1564, %sign3A_1567 : i32
        %sign3A_1569 = arith.constant 0 : i32
        %sign3A_1570 = arith.cmpi sgt, %jit3A_1560, %sign3A_1569 : i32
        %sign3A_1571 = arith.extui %sign3A_1570 : i1 to i32
        %sign3A_1572 = arith.constant 0 : i32
        %sign3A_1573 = arith.cmpi slt, %jit3A_1560, %sign3A_1572 : i32
        %sign3A_1574 = arith.extui %sign3A_1573 : i1 to i32
        %sign3A_1575 = arith.subi %sign3A_1571, %sign3A_1574 : i32
        %ne3A_1576 = arith.cmpi ne, %sign3A_1568, %sign3A_1575 : i32
        %rem3A_1577 = arith.remsi %squeeze3A_1470, %jit3A_1560 : i32
        %ne3A_1578 = arith.constant 0 : i32
        %ne3A_1579 = arith.cmpi ne, %rem3A_1577, %ne3A_1578 : i32
        %and3A_1580 = arith.andi %ne3A_1576, %ne3A_1579 : i1
        %sub3A_1581 = arith.constant 1 : i32
        %sub3A_1582 = arith.subi %div3A_1561, %sub3A_1581 : i32
        %select_n3A_1583 = arith.select %and3A_1580, %sub3A_1582, %div3A_1561 : i32
        %mul3A_1584 = arith.constant 128 : i32
        %mul3A_1585 = arith.muli %select_n3A_1583, %mul3A_1584 : i32
        %multiple_of3A_1586 = tpu.assume_multiple %mul3A_1585, 128 : i32
        %jit3A_1587 = arith.constant 128 : i32
        %div3A_1588 = arith.divsi %squeeze3A_1472, %jit3A_1587 : i32
        %sign3A_1589 = arith.constant 0 : i32
        %sign3A_1590 = arith.cmpi sgt, %squeeze3A_1472, %sign3A_1589 : i32
        %sign3A_1591 = arith.extui %sign3A_1590 : i1 to i32
        %sign3A_1592 = arith.constant 0 : i32
        %sign3A_1593 = arith.cmpi slt, %squeeze3A_1472, %sign3A_1592 : i32
        %sign3A_1594 = arith.extui %sign3A_1593 : i1 to i32
        %sign3A_1595 = arith.subi %sign3A_1591, %sign3A_1594 : i32
        %sign3A_1596 = arith.constant 0 : i32
        %sign3A_1597 = arith.cmpi sgt, %jit3A_1587, %sign3A_1596 : i32
        %sign3A_1598 = arith.extui %sign3A_1597 : i1 to i32
        %sign3A_1599 = arith.constant 0 : i32
        %sign3A_1600 = arith.cmpi slt, %jit3A_1587, %sign3A_1599 : i32
        %sign3A_1601 = arith.extui %sign3A_1600 : i1 to i32
        %sign3A_1602 = arith.subi %sign3A_1598, %sign3A_1601 : i32
        %ne3A_1603 = arith.cmpi ne, %sign3A_1595, %sign3A_1602 : i32
        %rem3A_1604 = arith.remsi %squeeze3A_1472, %jit3A_1587 : i32
        %ne3A_1605 = arith.constant 0 : i32
        %ne3A_1606 = arith.cmpi ne, %rem3A_1604, %ne3A_1605 : i32
        %and3A_1607 = arith.andi %ne3A_1603, %ne3A_1606 : i1
        %sub3A_1608 = arith.constant 1 : i32
        %sub3A_1609 = arith.subi %div3A_1588, %sub3A_1608 : i32
        %select_n3A_1610 = arith.select %and3A_1607, %sub3A_1609, %div3A_1588 : i32
        %mul3A_1611 = arith.constant 128 : i32
        %mul3A_1612 = arith.muli %select_n3A_1610, %mul3A_1611 : i32
        %multiple_of3A_1613 = tpu.assume_multiple %mul3A_1612, 128 : i32
        %jit3A_1614 = arith.constant 128 : i32
        %div3A_1615 = arith.divsi %squeeze3A_1474, %jit3A_1614 : i32
        %sign3A_1616 = arith.constant 0 : i32
        %sign3A_1617 = arith.cmpi sgt, %squeeze3A_1474, %sign3A_1616 : i32
        %sign3A_1618 = arith.extui %sign3A_1617 : i1 to i32
        %sign3A_1619 = arith.constant 0 : i32
        %sign3A_1620 = arith.cmpi slt, %squeeze3A_1474, %sign3A_1619 : i32
        %sign3A_1621 = arith.extui %sign3A_1620 : i1 to i32
        %sign3A_1622 = arith.subi %sign3A_1618, %sign3A_1621 : i32
        %sign3A_1623 = arith.constant 0 : i32
        %sign3A_1624 = arith.cmpi sgt, %jit3A_1614, %sign3A_1623 : i32
        %sign3A_1625 = arith.extui %sign3A_1624 : i1 to i32
        %sign3A_1626 = arith.constant 0 : i32
        %sign3A_1627 = arith.cmpi slt, %jit3A_1614, %sign3A_1626 : i32
        %sign3A_1628 = arith.extui %sign3A_1627 : i1 to i32
        %sign3A_1629 = arith.subi %sign3A_1625, %sign3A_1628 : i32
        %ne3A_1630 = arith.cmpi ne, %sign3A_1622, %sign3A_1629 : i32
        %rem3A_1631 = arith.remsi %squeeze3A_1474, %jit3A_1614 : i32
        %ne3A_1632 = arith.constant 0 : i32
        %ne3A_1633 = arith.cmpi ne, %rem3A_1631, %ne3A_1632 : i32
        %and3A_1634 = arith.andi %ne3A_1630, %ne3A_1633 : i1
        %sub3A_1635 = arith.constant 1 : i32
        %sub3A_1636 = arith.subi %div3A_1615, %sub3A_1635 : i32
        %select_n3A_1637 = arith.select %and3A_1634, %sub3A_1636, %div3A_1615 : i32
        %mul3A_1638 = arith.constant 128 : i32
        %mul3A_1639 = arith.muli %select_n3A_1637, %mul3A_1638 : i32
        %multiple_of3A_1640 = tpu.assume_multiple %mul3A_1639, 128 : i32
        %dma_start3A_1641 = arith.constant 0 : i32
        %dma_start3A_1642 = tpu.memref_slice %arg5[%dma_start3A_1641, %multiple_of3A_1586] : memref<32x1000000xf32, #tpu.memory_space<hbm>> -> memref<32x128xf32, #tpu.memory_space<hbm>>
        %dma_start3A_1643 = arith.constant 0 : i32
        %dma_start3A_1644 = tpu.memref_slice %arg5[%dma_start3A_1643, %multiple_of3A_1586] : memref<32x1000000xf32, #tpu.memory_space<hbm>> -> memref<32x128xf32, #tpu.memory_space<hbm>>
        tpu.enqueue_dma source(%dma_start3A_1644 : memref<32x128xf32, #tpu.memory_space<hbm>>) target(%arg12 : memref<32x128xf32, #tpu.memory_space<vmem>>) target_semaphore(%arg20 : memref<!tpu.dma_semaphore, #tpu.memory_space<semaphore_mem>>)
        %dma_start3A_1645 = arith.constant 0 : i32
        %dma_start3A_1646 = tpu.memref_slice %arg6[%dma_start3A_1645, %multiple_of3A_1613] : memref<32x1000000xf32, #tpu.memory_space<hbm>> -> memref<32x128xf32, #tpu.memory_space<hbm>>
        %dma_start3A_1647 = arith.constant 0 : i32
        %dma_start3A_1648 = tpu.memref_slice %arg6[%dma_start3A_1647, %multiple_of3A_1613] : memref<32x1000000xf32, #tpu.memory_space<hbm>> -> memref<32x128xf32, #tpu.memory_space<hbm>>
        tpu.enqueue_dma source(%dma_start3A_1648 : memref<32x128xf32, #tpu.memory_space<hbm>>) target(%arg14 : memref<32x128xf32, #tpu.memory_space<vmem>>) target_semaphore(%arg20 : memref<!tpu.dma_semaphore, #tpu.memory_space<semaphore_mem>>)
        %dma_start3A_1649 = arith.constant 0 : i32
        %dma_start3A_1650 = tpu.memref_slice %arg6[%dma_start3A_1649, %multiple_of3A_1640] : memref<32x1000000xf32, #tpu.memory_space<hbm>> -> memref<32x128xf32, #tpu.memory_space<hbm>>
        %dma_start3A_1651 = arith.constant 0 : i32
        %dma_start3A_1652 = tpu.memref_slice %arg6[%dma_start3A_1651, %multiple_of3A_1640] : memref<32x1000000xf32, #tpu.memory_space<hbm>> -> memref<32x128xf32, #tpu.memory_space<hbm>>
        tpu.enqueue_dma source(%dma_start3A_1652 : memref<32x128xf32, #tpu.memory_space<hbm>>) target(%arg16 : memref<32x128xf32, #tpu.memory_space<vmem>>) target_semaphore(%arg20 : memref<!tpu.dma_semaphore, #tpu.memory_space<semaphore_mem>>)
      } else {
      }
      %dma_wait3A_1482 = arith.constant 0 : i32
      %dma_wait3A_1483 = arith.constant 0 : i32
      %dma_wait3A_1484 = tpu.memref_slice %arg5[%dma_wait3A_1482, %dma_wait3A_1483] : memref<32x1000000xf32, #tpu.memory_space<hbm>> -> memref<32x128xf32, #tpu.memory_space<hbm>>
      %dma_wait3A_1485 = arith.constant 0 : i32
      %dma_wait3A_1486 = arith.constant 0 : i32
      %dma_wait3A_1487 = tpu.memref_slice %arg5[%dma_wait3A_1485, %dma_wait3A_1486] : memref<32x1000000xf32, #tpu.memory_space<hbm>> -> memref<32x128xf32, #tpu.memory_space<hbm>>
      tpu.wait_dma2 semaphore(%arg21 : memref<!tpu.dma_semaphore, #tpu.memory_space<semaphore_mem>>) src(%dma_wait3A_1487 : memref<32x128xf32, #tpu.memory_space<hbm>>) dst(%arg12 : memref<32x128xf32, #tpu.memory_space<vmem>>)
      %dma_wait3A_1488 = arith.constant 0 : i32
      %dma_wait3A_1489 = arith.constant 0 : i32
      %dma_wait3A_1490 = tpu.memref_slice %arg5[%dma_wait3A_1488, %dma_wait3A_1489] : memref<32x1000000xf32, #tpu.memory_space<hbm>> -> memref<32x128xf32, #tpu.memory_space<hbm>>
      %dma_wait3A_1491 = arith.constant 0 : i32
      %dma_wait3A_1492 = arith.constant 0 : i32
      %dma_wait3A_1493 = tpu.memref_slice %arg5[%dma_wait3A_1491, %dma_wait3A_1492] : memref<32x1000000xf32, #tpu.memory_space<hbm>> -> memref<32x128xf32, #tpu.memory_space<hbm>>
      tpu.wait_dma2 semaphore(%arg21 : memref<!tpu.dma_semaphore, #tpu.memory_space<semaphore_mem>>) src(%dma_wait3A_1493 : memref<32x128xf32, #tpu.memory_space<hbm>>) dst(%arg14 : memref<32x128xf32, #tpu.memory_space<vmem>>)
      %dma_wait3A_1494 = arith.constant 0 : i32
      %dma_wait3A_1495 = arith.constant 0 : i32
      %dma_wait3A_1496 = tpu.memref_slice %arg5[%dma_wait3A_1494, %dma_wait3A_1495] : memref<32x1000000xf32, #tpu.memory_space<hbm>> -> memref<32x128xf32, #tpu.memory_space<hbm>>
      %dma_wait3A_1497 = arith.constant 0 : i32
      %dma_wait3A_1498 = arith.constant 0 : i32
      %dma_wait3A_1499 = tpu.memref_slice %arg5[%dma_wait3A_1497, %dma_wait3A_1498] : memref<32x1000000xf32, #tpu.memory_space<hbm>> -> memref<32x128xf32, #tpu.memory_space<hbm>>
      tpu.wait_dma2 semaphore(%arg21 : memref<!tpu.dma_semaphore, #tpu.memory_space<semaphore_mem>>) src(%dma_wait3A_1499 : memref<32x128xf32, #tpu.memory_space<hbm>>) dst(%arg16 : memref<32x128xf32, #tpu.memory_space<vmem>>)
      %slice3A_1500 = vector.extract_strided_slice %get3A_104 {offsets = [15], sizes = [1], strides = [1]} : vector<16xi32> to vector<1xi32>
      %squeeze3A_1501 = vector.extract %slice3A_1500[0] : i32 from vector<1xi32>
      %rem3A_1502 = arith.constant 128 : i32
      %rem3A_1503 = arith.remsi %squeeze3A_1501, %rem3A_1502 : i32
      %broadcast_in_dim3A_1504 = vector.broadcast %rem3A_1503 : i32 to vector<16xi32>
      %iota3A_1505 = tpu.iota {dimensions = array<i32: 0>} : vector<16xi32>
      %gather3A_1506 = tpu.vector_load_idx %arg13[%iota3A_1505, %broadcast_in_dim3A_1504] : memref<32x128xf32, #tpu.memory_space<vmem>>[vector<16xi32>, vector<16xi32>], vector<16xf32>,
      %iota3A_1507 = tpu.iota {dimensions = array<i32: 0>} : vector<16xi32>
      %add3A_1508 = arith.constant 16 : i32
      %add3A_1509 = vector.broadcast %add3A_1508 : i32 to vector<16xi32>
      %add3A_1510 = arith.addi %iota3A_1507, %add3A_1509 : vector<16xi32>
      %gather3A_1511 = tpu.vector_load_idx %arg13[%add3A_1510, %broadcast_in_dim3A_1504] : memref<32x128xf32, #tpu.memory_space<vmem>>[vector<16xi32>, vector<16xi32>], vector<16xf32>,
      %slice3A_1512 = vector.extract_strided_slice %get3A_106 {offsets = [15], sizes = [1], strides = [1]} : vector<16xi32> to vector<1xi32>
      %squeeze3A_1513 = vector.extract %slice3A_1512[0] : i32 from vector<1xi32>
      %rem3A_1514 = arith.constant 128 : i32
      %rem3A_1515 = arith.remsi %squeeze3A_1513, %rem3A_1514 : i32
      %broadcast_in_dim3A_1516 = vector.broadcast %rem3A_1515 : i32 to vector<16xi32>
      %iota3A_1517 = tpu.iota {dimensions = array<i32: 0>} : vector<16xi32>
      %gather3A_1518 = tpu.vector_load_idx %arg15[%iota3A_1517, %broadcast_in_dim3A_1516] : memref<32x128xf32, #tpu.memory_space<vmem>>[vector<16xi32>, vector<16xi32>], vector<16xf32>,
      %iota3A_1519 = tpu.iota {dimensions = array<i32: 0>} : vector<16xi32>
      %add3A_1520 = arith.constant 16 : i32
      %add3A_1521 = vector.broadcast %add3A_1520 : i32 to vector<16xi32>
      %add3A_1522 = arith.addi %iota3A_1519, %add3A_1521 : vector<16xi32>
      %gather3A_1523 = tpu.vector_load_idx %arg15[%add3A_1522, %broadcast_in_dim3A_1516] : memref<32x128xf32, #tpu.memory_space<vmem>>[vector<16xi32>, vector<16xi32>], vector<16xf32>,
      %slice3A_1524 = vector.extract_strided_slice %get3A_108 {offsets = [15], sizes = [1], strides = [1]} : vector<16xi32> to vector<1xi32>
      %squeeze3A_1525 = vector.extract %slice3A_1524[0] : i32 from vector<1xi32>
      %rem3A_1526 = arith.constant 128 : i32
      %rem3A_1527 = arith.remsi %squeeze3A_1525, %rem3A_1526 : i32
      %broadcast_in_dim3A_1528 = vector.broadcast %rem3A_1527 : i32 to vector<16xi32>
      %iota3A_1529 = tpu.iota {dimensions = array<i32: 0>} : vector<16xi32>
      %gather3A_1530 = tpu.vector_load_idx %arg17[%iota3A_1529, %broadcast_in_dim3A_1528] : memref<32x128xf32, #tpu.memory_space<vmem>>[vector<16xi32>, vector<16xi32>], vector<16xf32>,
      %iota3A_1531 = tpu.iota {dimensions = array<i32: 0>} : vector<16xi32>
      %add3A_1532 = arith.constant 16 : i32
      %add3A_1533 = vector.broadcast %add3A_1532 : i32 to vector<16xi32>
      %add3A_1534 = arith.addi %iota3A_1531, %add3A_1533 : vector<16xi32>
      %gather3A_1535 = tpu.vector_load_idx %arg17[%add3A_1534, %broadcast_in_dim3A_1528] : memref<32x128xf32, #tpu.memory_space<vmem>>[vector<16xi32>, vector<16xi32>], vector<16xf32>,
      %mul3A_1536 = arith.mulf %gather3A_1506, %gather3A_1518 : vector<16xf32>
      %mul3A_1537 = arith.mulf %gather3A_1511, %gather3A_1523 : vector<16xf32>
      %add3A_1538 = arith.addf %mul3A_1536, %mul3A_1537 : vector<16xf32>
      %reduce_sum3A_1539 = arith.constant true
      %reduce_sum3A_1540 = vector.broadcast %reduce_sum3A_1539 : i1 to vector<16xi1>
      %reduce_sum3A_1541 = tpu.scan <sum>, %add3A_1538 masked %reduce_sum3A_1540 : vector<16xf32>, vector<16xi1> -> vector<16xf32>
      %reduce_sum3A_1542 = vector.extract %reduce_sum3A_1541[15] : f32 from vector<16xf32>
      %mul3A_1543 = arith.mulf %gather3A_1506, %gather3A_1530 : vector<16xf32>
      %mul3A_1544 = arith.mulf %gather3A_1511, %gather3A_1535 : vector<16xf32>
      %add3A_1545 = arith.addf %mul3A_1543, %mul3A_1544 : vector<16xf32>
      %reduce_sum3A_1546 = arith.constant true
      %reduce_sum3A_1547 = vector.broadcast %reduce_sum3A_1546 : i1 to vector<16xi1>
      %reduce_sum3A_1548 = tpu.scan <sum>, %add3A_1545 masked %reduce_sum3A_1547 : vector<16xf32>, vector<16xi1> -> vector<16xf32>
      %reduce_sum3A_1549 = vector.extract %reduce_sum3A_1548[15] : f32 from vector<16xf32>
      %eq3A_1550 = arith.constant 15 : i32
      %eq3A_1551 = vector.broadcast %eq3A_1550 : i32 to vector<16xi32>
      %eq3A_1552 = arith.cmpi eq, %iota3A, %eq3A_1551 : vector<16xi32>
      %broadcast_in_dim3A_1553 = vector.broadcast %reduce_sum3A_1542 : f32 to vector<16xf32>
      %select_n3A_1554 = arith.select %eq3A_1552, %broadcast_in_dim3A_1553, %select_n3A_1464 : vector<16xi1>, vector<16xf32>
      %broadcast_in_dim3A_1555 = vector.broadcast %reduce_sum3A_1549 : f32 to vector<16xf32>
      %select_n3A_1556 = arith.select %eq3A_1552, %broadcast_in_dim3A_1555, %select_n3A_1466 : vector<16xi1>, vector<16xf32>
      %swap3A = arith.index_cast %mul3A_102 : i32 to index
      %swap3A_1557 = tpu.vector_load %arg18[%swap3A] {strides = array<i32>} : memref<512xf32, #tpu.memory_space<vmem>>, vector<16xf32>,
      tpu.vector_store %arg18[%swap3A], %select_n3A_1554 {strides = array<i32>} : memref<512xf32, #tpu.memory_space<vmem>>, vector<16xf32>,
      %swap3A_1558 = arith.index_cast %mul3A_102 : i32 to index
      %swap3A_1559 = tpu.vector_load %arg19[%swap3A_1558] {strides = array<i32>} : memref<512xf32, #tpu.memory_space<vmem>>, vector<16xf32>,
      tpu.vector_store %arg19[%swap3A_1558], %select_n3A_1556 {strides = array<i32>} : memref<512xf32, #tpu.memory_space<vmem>>, vector<16xf32>,
    }
    %scan3A_99 = arith.constant 32 : i32
    "tpu.region"() ({
      %run_scoped3A = tpu.sem_alloc : memref<!tpu.dma_semaphore, #tpu.memory_space<semaphore_mem>>
      %dma_start3A_100 = tpu.memref_slice %arg7[%mul3A_2] : memref<16384xf32, #tpu.memory_space<hbm>> -> memref<512xf32, #tpu.memory_space<hbm>>
      %dma_start3A_101 = tpu.memref_slice %arg7[%mul3A_2] : memref<16384xf32, #tpu.memory_space<hbm>> -> memref<512xf32, #tpu.memory_space<hbm>>
      tpu.enqueue_dma source(%arg18 : memref<512xf32, #tpu.memory_space<vmem>>) target(%dma_start3A_101 : memref<512xf32, #tpu.memory_space<hbm>>) target_semaphore(%run_scoped3A : memref<!tpu.dma_semaphore, #tpu.memory_space<semaphore_mem>>)
      %dma_wait3A = tpu.memref_slice %arg7[%mul3A_2] : memref<16384xf32, #tpu.memory_space<hbm>> -> memref<512xf32, #tpu.memory_space<hbm>>
      %dma_wait3A_102 = tpu.memref_slice %arg7[%mul3A_2] : memref<16384xf32, #tpu.memory_space<hbm>> -> memref<512xf32, #tpu.memory_space<hbm>>
      tpu.wait_dma2 semaphore(%run_scoped3A : memref<!tpu.dma_semaphore, #tpu.memory_space<semaphore_mem>>) src(%arg18 : memref<512xf32, #tpu.memory_space<vmem>>) dst(%dma_wait3A_102 : memref<512xf32, #tpu.memory_space<hbm>>)
      tpu.yield
    }) : () -> ()
    "tpu.region"() ({
      %run_scoped3A = tpu.sem_alloc : memref<!tpu.dma_semaphore, #tpu.memory_space<semaphore_mem>>
      %dma_start3A_100 = tpu.memref_slice %arg8[%mul3A_2] : memref<16384xf32, #tpu.memory_space<hbm>> -> memref<512xf32, #tpu.memory_space<hbm>>
      %dma_start3A_101 = tpu.memref_slice %arg8[%mul3A_2] : memref<16384xf32, #tpu.memory_space<hbm>> -> memref<512xf32, #tpu.memory_space<hbm>>
      tpu.enqueue_dma source(%arg19 : memref<512xf32, #tpu.memory_space<vmem>>) target(%dma_start3A_101 : memref<512xf32, #tpu.memory_space<hbm>>) target_semaphore(%run_scoped3A : memref<!tpu.dma_semaphore, #tpu.memory_space<semaphore_mem>>)
      %dma_wait3A = tpu.memref_slice %arg8[%mul3A_2] : memref<16384xf32, #tpu.memory_space<hbm>> -> memref<512xf32, #tpu.memory_space<hbm>>
      %dma_wait3A_102 = tpu.memref_slice %arg8[%mul3A_2] : memref<16384xf32, #tpu.memory_space<hbm>> -> memref<512xf32, #tpu.memory_space<hbm>>
      tpu.wait_dma2 semaphore(%run_scoped3A : memref<!tpu.dma_semaphore, #tpu.memory_space<semaphore_mem>>) src(%arg19 : memref<512xf32, #tpu.memory_space<vmem>>) dst(%dma_wait3A_102 : memref<512xf32, #tpu.memory_space<hbm>>)
      tpu.yield
    }) : () -> ()
    return
  }
}

</mosaic_0001>

<sc_bundles>
// kernel: _mf_bpr.3.cloned.1.call-start
scs
__scs_entry_jumppad:
0x0: {  	(pc) =	sbr.rel $0x88, $3  }
0x1: {  	(tag) =	ssettag $0x0;
	lr =	simm.s32 $0x1  }
0x2: {  	[smem:$0x3F9C] =	sst lr;
	_ =	strace $0xD0000000  }
0x3: {  	_ = 	snop  }
0x4: {  	_ = 	snop  }
0x5: {  	_ = 	snop  }
0x6: {  	_ = 	snop  }
0x7: {  	_ = 	snop  }
__scs_overlays_trampoline_lowered:
0x8: {  	[smem:$0x3FAB] =	sst s0  }
0x9: {  	[smem:$0x3FAC] =	sst s1  }
0xa: {  	[smem:$0x3FAD] =	sst s2  }
0xb: {  	[smem:$0x3FAE] =	sst s3  }
0xc: {  	[smem:$0x3FAF] =	sst s4  }
0xd: {  	[smem:$0x3FB0] =	sst s5  }
0xe: {  	[smem:$0x3FB1] =	sst s6  }
0xf: {  	[smem:$0x3FB2] =	sst s7  }
0x10: {  	[smem:$0x3FB3] =	sst s8  }
0x11: {  	[smem:$0x3FB4] =	sst s9;
	s0 =	simm.s32 @!p0 $0x0  }
0x12: {  	s1 =	sld [smem:$0x3F9A];
	s0 =	simm.s32 @p0 $0x1  }
0x13: {  	[smem:$0x3FB5] =	sst s0;
	s0 =	simm.s32 @!p1 $0x0  }
0x14: {  	s2 =	sld [smem:$0x3F99];
	s0 =	simm.s32 @p1 $0x1  }
0x15: {  	[smem:$0x3FB6] =	sst s0;
	s0 =	simm.s32 @!p2 $0x0  }
0x16: {  	s3 =	sld [smem:$0x3FDB];
	s0 =	simm.s32 @p2 $0x1  }
0x17: {  	s4 =	simm.s32 $0x1BF5;
	[smem:$0x3FB8] =	sst s0  }
0x18: {  	s0 =	sld [smem:$0x3F9B];
	_ =	swait.ge [sflag:s4], $0x0  }
0x19: {  	s7 =	sld [smem:$0x3F9C]  }
0x1a: {  	s8 =	sadd.s32 $0xFFFFE003, lr  }
0x1b: {  	s9 =	sadd.s32 $0xFFFFFEF7, lr;
	s5 =	simm.s32 $0xFFFFFFFF;
	p2 =	slt.u32 s8, $0xFFFFF086  }
0x1c: {  	p1 =	slt.u32 s9, $0xF7A;
	s5 =	simm.s32 @!p2 $0x0  }
0x1d: {  	s5 =	simm.s32 @p1 $0x1;
	p0 =	seq.s32 s7, s2  }
0x1e: {  	s7 =	smul.u32 @!p0 $0xF7A, s2;
	p2 =	seq.s32 @!p0 s5, $0x0  }
0x1f: {  	s9 =	smul.u32 $0xF7A, s1;
	s8 =	simm.s32 @!p0 $0x1BF5;
	p2 =	por !p2, p0  }
0x20: {  	[sflag:s8] =	ssyncset.s32 @!p0 $0xFFFFF086;
	s6 =	sadd.s32 @!p0 s3, s7;
	s7 =	simm.s32 @!p0 $0x108  }
0x21: {  	s3 =	sadd.s32 s3, s9;
	s6 =	sadd.s32 @!p0 $0x88, s6;
	s7 =	simm.s32 @p2 $0x1082  }
0x22: {  	[simem:s7], [sflag:s8] =	dma.local @!p0 [hbm:s6], $0xF7A  }
0x23: {  	s9 =	sor.u32 $0xD0000000, s2;
	s6 =	simm.s32 $0x108;
	_ =	swait.ge @!p0 [sflag:s8], $0x0  }
0x24: {  	s3 =	sadd.s32 $0x88, s3;
	s6 =	simm.s32 @!p1 $0x1082;
	[sflag:s4] =	ssyncset.s32 $0xFFFFF086  }
0x25: {  	[simem:s6], [sflag:s4] =	dma.local [hbm:s3], $0xF7A  }
0x26: {  	[smem:$0x3F9C] =	sst s1;
	(tag) =	ssettag s2;
	_ =	strace s9  }
0x27: {  	s1 =	sld [smem:$0x3FAC]  }
0x28: {  	s2 =	sld [smem:$0x3FAD]  }
0x29: {  	s4 =	sld [smem:$0x3FAF]  }
0x2a: {  	p0 =	seq.s32 s5, $0x0;
	s5 =	sld [smem:$0x3FB0]  }
0x2b: {  	s6 =	sld [smem:$0x3FB1]  }
0x2c: {  	s7 =	sld [smem:$0x3FB2]  }
0x2d: {  	s3 =	simm.s32 $0x108;
	s8 =	sld [smem:$0x3FB3]  }
0x2e: {  	s3 =	simm.s32 @!p0 $0x1082;
	s9 =	sld [smem:$0x3FB4]  }
0x2f: {  	lr =	sadd.s32 s0, s3;
	s0 =	sld [smem:$0x3FAB]  }
0x30: {  	s3 =	sld [smem:$0x3FAE]  }
0x31: {  	[smem:$0x3FB7] =	sst s10  }
0x32: {  	s10 =	sld [smem:$0x3FB5];
	_ =	sdelay $0x3  }
0x33: {  	p0 =	seq.s32 s10, $0x1;
	s10 =	sld [smem:$0x3FB7];
	_ =	sdelay $0x3  }
0x34: {  	[smem:$0x3FB7] =	sst s10  }
0x35: {  	s10 =	sld [smem:$0x3FB6];
	_ =	sdelay $0x3  }
0x36: {  	p1 =	seq.s32 s10, $0x1;
	s10 =	sld [smem:$0x3FB7];
	_ =	sdelay $0x3  }
0x37: {  	[smem:$0x3FB7] =	sst s10  }
0x38: {  	s10 =	sld [smem:$0x3FB8]  }
0x39: {  	_ = 	snop;
	(pc) =	sbr.ind lr, $3  }
0x3a: {  	_ = 	snop  }
0x3b: {  	_ = 	snop  }
0x3c: {  	p2 =	seq.s32 s10, $0x1;
	s10 =	sld [smem:$0x3FB7]  }
0x3d: {  	_ =	shalt  }
0x3e: {  	_ =	shalt  }
0x3f: {  	_ =	shalt  }
0x40: {  	_ =	shalt  }
0x41: {  	_ =	shalt  }
0x42: {  	_ =	shalt  }
0x43: {  	_ =	shalt  }
0x44: {  	_ =	shalt  }
0x45: {  	_ =	shalt  }
0x46: {  	_ =	shalt  }
0x47: {  	_ =	shalt  }
0x48: {  	_ =	shalt  }
0x49: {  	_ =	shalt  }
0x4a: {  	_ =	shalt  }
0x4b: {  	_ =	shalt  }
0x4c: {  	_ =	shalt  }
0x4d: {  	_ =	shalt  }
0x4e: {  	_ =	shalt  }
0x4f: {  	_ =	shalt  }
0x50: {  	_ =	shalt  }
0x51: {  	_ =	shalt  }
0x52: {  	_ =	shalt  }
0x53: {  	_ =	shalt  }
0x54: {  	_ =	shalt  }
0x55: {  	_ =	shalt  }
0x56: {  	_ =	shalt  }
0x57: {  	_ =	shalt  }
0x58: {  	_ =	shalt  }
0x59: {  	_ =	shalt  }
0x5a: {  	_ =	shalt  }
0x5b: {  	_ =	shalt  }
0x5c: {  	_ =	shalt  }
0x5d: {  	_ =	shalt  }
0x5e: {  	_ =	shalt  }
0x5f: {  	_ =	shalt  }
0x60: {  	_ =	shalt  }
0x61: {  	_ =	shalt  }
0x62: {  	_ =	shalt  }
0x63: {  	_ =	shalt  }
0x64: {  	_ =	shalt  }
0x65: {  	_ =	shalt  }
0x66: {  	_ =	shalt  }
0x67: {  	_ =	shalt  }
0x68: {  	_ =	shalt  }
0x69: {  	_ =	shalt  }
0x6a: {  	_ =	shalt  }
0x6b: {  	_ =	shalt  }
0x6c: {  	_ =	shalt  }
0x6d: {  	_ =	shalt  }
0x6e: {  	_ =	shalt  }
0x6f: {  	_ =	shalt  }
0x70: {  	_ =	shalt  }
0x71: {  	_ =	shalt  }
0x72: {  	_ =	shalt  }
0x73: {  	_ =	shalt  }
0x74: {  	_ =	shalt  }
0x75: {  	_ =	shalt  }
0x76: {  	_ =	shalt  }
0x77: {  	_ =	shalt  }
0x78: {  	_ =	shalt  }
0x79: {  	_ =	shalt  }
0x7a: {  	_ =	shalt  }
0x7b: {  	_ =	shalt  }
0x7c: {  	_ =	shalt  }
0x7d: {  	_ =	shalt  }
0x7e: {  	_ =	shalt  }
0x7f: {  	_ =	shalt  }
0x80: {  	_ =	shalt  }
0x81: {  	_ =	shalt  }
0x82: {  	_ =	shalt  }
0x83: {  	_ =	shalt  }
0x84: {  	_ =	shalt  }
0x85: {  	_ =	shalt  }
0x86: {  	_ =	shalt  }
0x87: {  	_ =	shalt  }
.Lfunc_end0:
.L_simem_size_0:
called_computation_lowered:
.L_overlay_start_0:
0x88: {  	s2 =	sld [smem:$0x3FD9]  }
0x89: {  	s3 =	sld [smem:$0x3FFE];
	_ =	sdelay $0x1  }
0x8a: {  	s1 =	srdreg.scid  }
0x8b: {  	s0 =	sand.u32 $0x1, s1  }
0x8c: {  	s15 =	sshll.u32 s0, $0xA;
	s2 =	sadd.s32 s3, s2  }
0x8d: {  	s2 =	sadd.s32 s2, s15  }
0x8e: {  	[smem:$0x3FC3] =	sst s2  }
0x8f: {  	_ = 	snop  }
0x90: {  	s2 =	sld [smem:$0x3FC9]  }
0x91: {  	s16 =	sld [smem:$0x3FC8]  }
0x92: {  	s4 =	sld [smem:$0x3FD0]  }
0x93: {  	s5 =	sld [smem:$0x3FC7]  }
0x94: {  	s6 =	sld [smem:$0x3FC6]  }
0x95: {  	s8 =	simm.s32 $0xA;
	s9 =	simm.s32 $0x10;
	s7 =	sld [smem:$0x3FC5]  }
0x96: {  	[smem:s9], [sflag:s8] =	dma.local [hbm:s4], $0x1  }
0x97: {  	_ =	swait.eq [sflag:s8], $0x1  }
0x98: {  	[sflag:s8] =	ssyncset.done $0x0  }
0x99: {  	s17 =	sld [smem:$0x10];
	[sflag:s8] =	ssyncadd.s32 $0xFFFFFFFF  }
0x9a: {  	s18 =	sld [smem:$0x11];
	(tm) =	ssettm $0x1  }
0x9b: {  	s19 =	sld [smem:$0x3FFB];
	_ =	sdelay $0x3  }
0x9c: {  	_ =	strace s19  }
0x9d: {  	s9 =	sld [smem:$0x3FFC];
	_ =	sdelay $0x3  }
0x9e: {  	_ =	strace s9  }
0x9f: {  	s9 =	sld [smem:$0x3FFD];
	_ =	sdelay $0x3  }
0xa0: {  	_ =	strace s9  }
0xa1: {  	_ =	strace $0x8FFFFFFF  }
0xa2: {  	s20 =	sld [smem:$0x3FDB];
	_ =	sdelay $0x1  }
0xa3: {  	s10 =	simm.s32 $_scs_section_size  }
0xa4: {  	s11 =	simm.s32 $_size__tile_overlayer_lowered;
	s12 =	simm.s32 $_tile_overlayer_lowered  }
0xa5: {  	s23 =	simm.s32 $0x1BFF;
	s22 =	sshll.u32 s12, $0x1;
	s9 =	sadd.s32 s10, s20  }
0xa6: {  	s13 =	simm.s32 $0x0;
	s21 =	sshll.u32 s11, $0x1;
	s11 =	sadd.s32 s22, s9  }
0xa7: {  	[timem:s13], [sflag:s23] =	dma.local [hbm:s11], s21  }
0xa8: {  	_ =	swait.ge [sflag:s23], s21  }
0xa9: {  	s10 =	ssub.s32 $0x0, s21;
	[sflag:s23] =	ssyncset.done $0x0  }
0xaa: {  	[sflag:s23] =	ssyncadd.s32 s10;
	_ =	sdelay $0x1  }
0xab: {  	s24 =	simm.s32 $0x1B8B  }
0xac: {  	_ =	swait.ge [sflag:s24], $0x1  }
0xad: {  	[sflag:s24] =	ssyncset.done $0x0  }
0xae: {  	s25 =	simm.s32 $0x1B8E;
	[sflag:s24] =	ssyncadd.s32 $0xFFFFFFFF  }
0xaf: {  	s26 =	simm.s32 $execute0_lowered;
	[smem:$0x3FD2] =	sst s25  }
0xb0: {  	s10 =	sshll.u32 s26, $0x1;
	_ =	strace $0x80000046;
	[dreg:$0x1] =	wrdreg $0xFFFFFFFF  }
0xb1: {  	s28 =	simm.s32 $_size_execute0_lowered;
	s9 =	sadd.s32 s9, s10;
	[dreg:$0x0] =	wrdreg $0x0  }
0xb2: {  	s10 =	sshll.u32 s28, $0x1;
	[dreg:$0x2] =	wrdreg s9  }
0xb3: {  	[dreg:$0x3] =	wrdreg s10  }
0xb4: {  	[dreg:$0x4] =	wrdreg $0xC0  }
0xb5: {  	_ =	task [dreg:s13], $0x5FFFF  }
0xb6: {  	[dreg:$0x1] =	wrdreg $0xFFFFFFFF  }
0xb7: {  	[dreg:$0x0] =	wrdreg $0x60  }
0xb8: {  	[dreg:$0x2] =	wrdreg s2  }
0xb9: {  	[dreg:$0x3] =	wrdreg s16  }
0xba: {  	[dreg:$0x4] =	wrdreg s5  }
0xbb: {  	[dreg:$0x5] =	wrdreg s6  }
0xbc: {  	[dreg:$0x6] =	wrdreg s7  }
0xbd: {  	[dreg:$0x7] =	wrdreg s17  }
0xbe: {  	[dreg:$0x8] =	wrdreg s18  }
0xbf: {  	[dreg:$0x9] =	wrdreg $0x9  }
0xc0: {  	_ =	task.clear_ibuf [dreg:s13], $0xAFFFF;
	_ =	strace $0x90000046  }
0xc1: {  	s29 =	simm.s32 $0x9;
	_ =	strace $0x80000048  }
0xc2: {  	_ =	swait.ge [sflag:s29], $0x1  }
0xc3: {  	[sflag:s29] =	ssyncadd.s32 $0xFFFFFFFF  }
0xc4: {  	_ =	strace $0x90000048  }
0xc5: {  	_ =	sfence  }
0xc6: {  	s30 =	sld [smem:$0x0];
	_ =	sdelay $0x2  }
0xc7: {  	s31 =	sshll.u32 s1, $0xD;
	s1 =	sshrl.u32 s1, $0x2  }
0xc8: {  	s3 =	sand.u32 $0x4000, s31;
	s1 =	sadd.s32 s1, s30  }
0xc9: {  	s0 =	sor.u32 s3, s0;
	s1 =	sshll.u32 s1, $0x11  }
0xca: {  	s0 =	sor.u32 s1, s0  }
0xcb: {  	s0 =	sadd.s32 $0x8F2B, s0  }
0xcc: {  	[sflag:s0] =	ssyncadd.remote.s32 $0x1  }
0xcd: {  	_ =	sfence.sel $0xFFFF  }
0xce: {  	[dreg:$0x0] =	wrdreg $0xFFFFFFFF;
	(pc) =	sbr.abs _section_cstart, $3  }
0xcf: {  	[dreg:$0x1] =	wrdreg $0xFFFFFFFF  }
0xd0: {  	_ =	task.clear_ibuf [dreg:s13], $0x2FFFF;
	_ =	strace $0x9FFFFFFF  }
0xd1: {  	(tm) =	ssettm $0x7FFFFFFF  }
tec
execute0_lowered:
.L_overlay_start_1:
0x0: {  	(tag) =	ssettag $0x1  }
0x1: {  	s0 =	rddreg [dreg:$0x0]  }
0x2: {  	s3 =	rddreg [dreg:$0x1]  }
0x3: {  	s4 =	rddreg [dreg:$0x2]  }
0x4: {  	s1 =	rddreg [dreg:$0x3]  }
0x5: {  	s2 =	rddreg [dreg:$0x4]  }
0x6: {  	s5 =	rddreg [dreg:$0x5]  }
0x7: {  	s6 =	rddreg [dreg:$0x6]  }
0x8: {  	s7 =	srdreg.scid;
	s12 =	simm.s32 $0x0;
	s9 =	stileid.u32  }
0x9: {  	s11 =	simm.s32 $0x3;
	s14 =	simm.s32 $0x1;
	s15 =	simm.s32 $0x400  }
0xa: {  	s16 =	simm.s32 $0x7A1400;
	s17 =	simm.s32 $0x780;
	s7 =	sand.u32 $0x1, s7  }
0xb: {  	s9 =	sshll.u32 s9, $0x7;
	s8 =	ssub.s32 $0x2, s7;
	s7 =	sshll.u32 s7, $0x6  }
0xc: {  	s18 =	simm.s32 $0x2780;
	s19 =	simm.s32 $0x4780;
	s7 =	sor.u32 s7, s9  }
0xd: {  	s20 =	simm.s32 $0x1780;
	[smem:$0x7FF] =	sst s12;
	s0 =	sadd.s32 s0, s7  }
0xe: {  	v0 =	vlaneseq.u32;
	vm0 =	vmmov $0x1;
	vm1 =	vmmov $0x3;
	_ =	strace $0x80000047;
	s26 =	sadd.s32 s3, s7;
	[dreg:$0x8] =	wrdreg s0  }
0xf: {  	vm2 =	vmmov $0x7;
	vm3 =	vmmov $0xf;
	vm4 =	vmmov $0x1f;
	s21 =	simm.s32 $0x3780;
	s28 =	sadd.s32 s4, s7;
	[dreg:$0x9] =	wrdreg s26  }
0x10: {  	vm5 =	vmmov $0x3f;
	vm6 =	vmmov $0x7f;
	vm7 =	vmmov $0xff;
	s10 =	sshrl.u32 s8, $0x1;
	s29 =	sadd.s32 s5, s7;
	[dreg:$0xa] =	wrdreg s28  }
0x11: {  	vm8 =	vmmov $0x1ff;
	vm9 =	vmmov $0x3ff;
	v0 =	vmul.u32 $0x80, v0;
	s8 =	ssub.s32 s8, s10;
	s30 =	sadd.s32 s6, s7;
	[dreg:$0xb] =	wrdreg s29  }
0x12: {  	s22 =	simm.s32 $0x5780;
	vm10 =	vmmov $0x7ff;
	vm11 =	vmmov $0xfff;
	vm12 =	vmmov $0x1fff;
	[dreg:$0xc] =	wrdreg s30;
	s31 =	smax.u32 s8, $0x1  }
0x13: {  	s23 =	simm.s32 $0x2;
	vm13 =	vmmov $0x3fff;
	vm14 =	vmmov $0x7fff;
	v1 =	vor.u32 $0x800, v0;
	s26 =	simm.s32 $0x0;
	[dreg:$0xd] =	wrdreg s31  }
.LBB2_1:
0x14: {  	s0 =	rddreg [dreg:$0x8]  }
0x15: {  	[tilespmem:s12], [sflag:$0x3] =	stream.linear.gather [hbm4b:s0+s12], $0x200, $0x38;
	[tilespmem:$0x6B80] =	vst v63  }
0x16: {  	_ =	swait.ge [sflag:s11], $0x200  }
0x17: {  	[sflag:s11] =	ssyncset.done $0x0  }
0x18: {  	s3 =	simm.s32 $0x280;
	s7 =	rddreg [dreg:$0x9];
	[sflag:s11] =	ssyncadd.s32 $0xFFFFFE00  }
0x19: {  	[tilespmem:s3], [sflag:$0x3] =	stream.linear.gather [hbm4b:s7+s12], $0x200, $0x38;
	[tilespmem:$0x6B80] =	vst v63  }
0x1a: {  	_ =	swait.ge [sflag:s11], $0x200  }
0x1b: {  	[sflag:s11] =	ssyncset.done $0x0  }
0x1c: {  	s9 =	simm.s32 $0x500;
	s8 =	rddreg [dreg:$0xa];
	[sflag:s11] =	ssyncadd.s32 $0xFFFFFE00  }
0x1d: {  	[tilespmem:s9], [sflag:$0x3] =	stream.linear.gather [hbm4b:s8+s12], $0x200, $0x38;
	[tilespmem:$0x6B80] =	vst v63  }
0x1e: {  	_ =	swait.ge [sflag:s11], $0x200  }
0x1f: {  	[sflag:s11] =	ssyncset.done $0x0  }
0x20: {  	[sflag:s11] =	ssyncadd.s32 $0xFFFFFE00  }
0x21: {  	v2 =	vld [tilespmem:$0x280]  }
0x22: {  	v3 =	vld [tilespmem:$0x500]  }
0x23: {  	v4 =	vld [tilespmem:$0x0];
	_ =	sdelay $0x2  }
0x24: {  	(v2sf) =	vpush v2, $0x0  }
0x25: {  	(v2sf) =	vpush v3, $0x0  }
0x26: {  	(v2sf) =	vpush v4, $0x0;
	_ =	sdelay $0xc  }
0x27: {  	s10 =	spop (v2sf)  }
0x28: {  	s12 =	sshra.s32 s10, $0x1F;
	s4 =	spop (v2sf);
	s5 =	sand.u32 $0x7F, s10  }
0x29: {  	p0 =	slt.s32 s10, $0x1;
	s3 =	sshrl.u32 s12, $0x19;
	s6 =	spop (v2sf)  }
0x2a: {  	p1 =	sne.s32 s5, $0x0;
	s5 =	simm.s32 $0x1;
	s29 =	sand.u32 $0x7F, s4  }
0x2b: {  	s3 =	sadd.s32 s3, s10;
	s13 =	sand.u32 $0x7F, s6;
	p0 =	por !p0, !p1  }
0x2c: {  	p4 =	slt.s32 s6, $0x1;
	s25 =	sshra.s32 s6, $0x1F;
	p2 =	sne.s32 s13, $0x0  }
0x2d: {  	s24 =	sshrl.u32 s3, $0x7;
	s3 =	sshrl.u32 s25, $0x19;
	p1 =	por !p4, !p2  }
0x2e: {  	s3 =	sadd.s32 s3, s6;
	s6 =	simm.s32 $0x1;
	p1 =	por !p1, !p1  }
0x2f: {  	s30 =	sshra.s32 s4, $0x1F;
	s3 =	sshrl.u32 s3, $0x7;
	s6 =	simm.s32 @!p1 $0x0  }
0x30: {  	p6 =	slt.s32 s4, $0x1;
	p0 =	por !p0, !p0;
	s3 =	ssub.s32 s3, s6  }
0x31: {  	p5 =	sne.s32 s29, $0x0;
	s5 =	simm.s32 @!p0 $0x0;
	s3 =	sshll.u32 s3, $0x7  }
0x32: {  	p0 =	por !p6, !p5;
	s0 =	ssub.s32 s24, s5;
	s3 =	sand.u32 $0x1FFFFF80, s3  }
0x33: {  	s5 =	sshrl.u32 s30, $0x19;
	p0 =	por !p0, !p0;
	s3 =	sadd.s32 s1, s3  }
0x34: {  	[tilespmem:s17], [sflag:$0x1] =	stream.strided.gather [hbm4b:s3+s15], $0x1000, s16, s15, $0x38;
	[tilespmem:$0x6B80] =	vst v63  }
0x35: {  	s4 =	sadd.s32 s5, s4;
	s0 =	sshll.u32 s0, $0x7;
	s3 =	simm.s32 $0x1  }
0x36: {  	s4 =	sshrl.u32 s4, $0x7;
	s0 =	sand.u32 $0x1FFFFF80, s0;
	s3 =	simm.s32 @!p0 $0x0  }
0x37: {  	s0 =	sadd.s32 s2, s0;
	s3 =	ssub.s32 s4, s3  }
0x38: {  	[tilespmem:s18], [sflag:$0x1] =	stream.strided.gather [hbm4b:s0+s15], $0x1000, s16, s15, $0x38;
	[tilespmem:$0x6B80] =	vst v63  }
0x39: {  	s31 =	sshll.u32 s3, $0x7  }
0x3a: {  	s0 =	sand.u32 $0x1FFFFF80, s31  }
0x3b: {  	s28 =	simm.s32 $0x0;
	s0 =	sadd.s32 s2, s0  }
0x3c: {  	[tilespmem:s19], [sflag:$0x1] =	stream.strided.gather [hbm4b:s0+s15], $0x1000, s16, s15, $0x38;
	[tilespmem:$0x6B80] =	vst v63  }
.LBB2_2:
0x3d: {  	s29 =	sshra.s32 s28, $0x2  }
0x3e: {  	v7 =	vld [tilespmem:s29+$0x0]  }
0x3f: {  	v8 =	vld [tilespmem:s29+$0x280];
	_ =	sdelay $0x2  }
0x40: {  	v9 =	vld [tilespmem:s29+$0x500]  }
0x41: {  	(v2sf) =	vpush v7, $0x1  }
0x42: {  	(v2sf) =	vpush v8, $0x1;
	_ =	sdelay $0x2  }
0x43: {  	(v2sf) =	vpush v9, $0x1;
	_ =	sdelay $0xa  }
0x44: {  	s0 =	spop (v2sf)  }
0x45: {  	s30 =	spop (v2sf)  }
0x46: {  	s12 =	sand.u32 $0x7F, s0;
	s5 =	sshra.s32 s0, $0x1F;
	p4 =	slt.s32 s0, $0x1  }
0x47: {  	s3 =	sshra.s32 s30, $0x1F;
	s4 =	sand.u32 $0x7F, s30;
	p0 =	slt.s32 s30, $0x1  }
0x48: {  	s31 =	spop (v2sf);
	p2 =	sne.s32 s12, $0x0;
	s5 =	sshrl.u32 s5, $0x19  }
0x49: {  	s3 =	sshrl.u32 s3, $0x19;
	p1 =	sne.s32 s4, $0x0;
	s4 =	simm.s32 $0x1  }
0x4a: {  	s6 =	sadd.s32 s5, s0;
	s5 =	simm.s32 $0x1;
	s24 =	sshra.s32 s31, $0x1F  }
0x4b: {  	s25 =	sand.u32 $0x7F, s31;
	p5 =	slt.s32 s31, $0x1;
	s13 =	sadd.s32 s3, s30  }
0x4c: {  	p0 =	por !p0, !p1;
	p1 =	por !p4, !p2;
	s7 =	sshrl.u32 s6, $0x7  }
0x4d: {  	p6 =	sne.s32 s25, $0x0;
	p0 =	por !p0, !p0;
	p1 =	por !p1, !p1  }
0x4e: {  	s3 =	sshrl.u32 s13, $0x7;
	s4 =	simm.s32 @!p0 $0x0;
	s5 =	simm.s32 @!p1 $0x0  }
0x4f: {  	p0 =	por !p5, !p6;
	s3 =	ssub.s32 s3, s4;
	s5 =	ssub.s32 s7, s5  }
0x50: {  	s4 =	sshrl.u32 s24, $0x19;
	p0 =	por !p0, !p0;
	s5 =	sshll.u32 s5, $0x7  }
0x51: {  	s7 =	sadd.s32 s4, s31;
	s4 =	simm.s32 $0x1;
	s3 =	sshll.u32 s3, $0x7  }
0x52: {  	v2 =	vld [tilespmem:s29+$0x10];
	s5 =	sand.u32 $0x1FFFFF80, s5;
	s9 =	sshrl.u32 s7, $0x7;
	s4 =	simm.s32 @!p0 $0x0  }
0x53: {  	v3 =	vld [tilespmem:s29+$0x290];
	s3 =	sand.u32 $0x1FFFFF80, s3;
	s8 =	sadd.s32 s1, s5;
	s4 =	ssub.s32 s9, s4  }
0x54: {  	v4 =	vld [tilespmem:s29+$0x510];
	[tilespmem:s20], [sflag:$0x2] =	stream.strided.gather [hbm4b:s8+s15], $0x1000, s16, s15, $0x38  }
0x55: {  	s3 =	sadd.s32 s2, s3;
	s10 =	sshll.u32 s4, $0x7  }
0x56: {  	[tilespmem:s21], [sflag:$0x2] =	stream.strided.gather [hbm4b:s3+s15], $0x1000, s16, s15, $0x38;
	[tilespmem:$0x6B80] =	vst v63  }
0x57: {  	s3 =	sand.u32 $0x1FFFFF80, s10  }
0x58: {  	s3 =	sadd.s32 s2, s3  }
0x59: {  	[tilespmem:s22], [sflag:$0x2] =	stream.strided.gather [hbm4b:s3+s15], $0x1000, s16, s15, $0x38;
	[tilespmem:$0x6B80] =	vst v63  }
0x5a: {  	_ =	swait.ge [sflag:s14], $0x1000  }
0x5b: {  	[sflag:s14] =	ssyncset.done $0x0  }
0x5c: {  	[sflag:s14] =	ssyncadd.s32 $0xFFFFF000  }
0x5d: {  	_ =	swait.ge [sflag:s14], $0x1000  }
0x5e: {  	[sflag:s14] =	ssyncset.done $0x0  }
0x5f: {  	[sflag:s14] =	ssyncadd.s32 $0xFFFFF000  }
0x60: {  	_ =	swait.ge [sflag:s14], $0x1000  }
0x61: {  	(v2sf) =	vpush v7, $0x0;
	_ =	sdelay $0x1  }
0x62: {  	(v2sf) =	vpush v8, $0x0;
	_ =	sdelay $0x1  }
0x63: {  	(v2sf) =	vpush v9, $0x0;
	_ =	sdelay $0x9  }
0x64: {  	(v2sf) =	vpush v7, $0x2  }
0x65: {  	(v2sf) =	vpush v8, $0x2;
	s12 =	spop (v2sf)  }
0x66: {  	s24 =	sshra.s32 s12, $0x1F  }
0x67: {  	s25 =	spop (v2sf);
	s4 =	sshrl.u32 s24, $0x19  }
0x68: {  	s8 =	sshra.s32 s25, $0x1F;
	s4 =	sadd.s32 s4, s12  }
0x69: {  	s9 =	spop (v2sf);
	s8 =	sshrl.u32 s8, $0x19;
	s4 =	sand.u32 $0xFFFFFF80, s4  }
0x6a: {  	s10 =	sadd.s32 s8, s25;
	s3 =	ssub.s32 s12, s4;
	s12 =	sshra.s32 s9, $0x1F  }
0x6b: {  	s4 =	sand.u32 $0xFFFFFF80, s10;
	v5 =	vadd.s32 s3, v0;
	s8 =	sshrl.u32 s12, $0x19  }
0x6c: {  	v6 =	vadd.s32 s3, v1;
	s24 =	ssub.s32 s25, s4;
	s25 =	sadd.s32 s8, s9  }
0x6d: {  	(v2sf) =	vpush v9, $0x2;
	v10 =	vadd.s32 s24, v0;
	s4 =	sand.u32 $0xFFFFFF80, s25  }
0x6e: {  	[sflag:s14] =	ssyncset.done $0x0;
	v11 =	vadd.s32 s24, v1;
	s5 =	ssub.s32 s9, s4  }
0x6f: {  	[sflag:s14] =	ssyncadd.s32 $0xFFFFF000;
	v12 =	vadd.s32 s5, v0  }
0x70: {  	v13 =	vadd.s32 s5, v1;
	v5 =	vld.idx.msk [tilespmem:v5+s17+$0x0], $0xffff  }
0x71: {  	v6 =	vld.idx.msk [tilespmem:v6+s17+$0x0], $0xffff  }
0x72: {  	v10 =	vld.idx.msk [tilespmem:v10+s18+$0x0], $0xffff  }
0x73: {  	s12 =	spop (v2sf);
	v11 =	vld.idx.msk [tilespmem:v11+s18+$0x0], $0xffff  }
0x74: {  	s3 =	spop (v2sf);
	s10 =	sand.u32 $0x7F, s12;
	p3 =	slt.s32 s12, $0x1;
	v12 =	vld.idx.msk [tilespmem:v12+s19+$0x0], $0xffff  }
0x75: {  	s8 =	sshra.s32 s3, $0x1F;
	p1 =	slt.s32 s3, $0x1;
	s25 =	sshra.s32 s12, $0x1F;
	v13 =	vld.idx.msk [tilespmem:v13+s19+$0x0], $0xffff  }
0x76: {  	p4 =	sne.s32 s10, $0x0;
	s9 =	sand.u32 $0x7F, s3;
	s4 =	sshrl.u32 s8, $0x19  }
0x77: {  	s10 =	simm.s32 $0x1;
	p2 =	sne.s32 s9, $0x0;
	s5 =	sadd.s32 s4, s3  }
0x78: {  	s9 =	sshrl.u32 s25, $0x19;
	p0 =	por !p1, !p2;
	p1 =	por !p3, !p4  }
0x79: {  	s8 =	sadd.s32 s9, s12;
	s9 =	simm.s32 $0x1;
	p1 =	por !p1, !p1;
	v10 =	vmul.f32 v10, v5;
	v11 =	vmul.f32 v11, v6  }
0x7a: {  	p0 =	por !p0, !p0;
	s25 =	sshrl.u32 s8, $0x7;
	s9 =	simm.s32 @!p1 $0x0;
	v5 =	vmul.f32 v12, v5;
	v6 =	vmul.f32 v13, v6  }
0x7b: {  	s4 =	sshrl.u32 s5, $0x7;
	s10 =	simm.s32 @!p0 $0x0;
	s9 =	ssub.s32 s25, s9;
	v10 =	vadd.f32 v11, v10  }
0x7c: {  	s4 =	ssub.s32 s4, s10;
	s9 =	sshll.u32 s9, $0x7;
	s24 =	spop (v2sf);
	v5 =	vadd.f32 v6, v5  }
0x7d: {  	s4 =	sshll.u32 s4, $0x7;
	s10 =	sshra.s32 s24, $0x1F;
	s25 =	sand.u32 $0x7F, s24;
	(xrf2) =	vadd.scan.msk.f32 $0xffff, v10  }
0x7e: {  	p5 =	slt.s32 s24, $0x1;
	p6 =	sne.s32 s25, $0x0;
	s25 =	sand.u32 $0x1FFFFF80, s9;
	(xrf2) =	vadd.scan.msk.f32 $0xffff, v5  }
0x7f: {  	s10 =	sshrl.u32 s10, $0x19;
	p0 =	por !p5, !p6;
	s25 =	sadd.s32 s1, s25  }
0x80: {  	[tilespmem:s17], [sflag:$0x1] =	stream.strided.gather [hbm4b:s25+s15], $0x1000, s16, s15, $0x38;
	[tilespmem:$0x6B80] =	vst v63  }
0x81: {  	s9 =	sadd.s32 s10, s24;
	s10 =	simm.s32 $0x1;
	p0 =	por !p0, !p0  }
0x82: {  	s4 =	sand.u32 $0x1FFFFF80, s4;
	s25 =	sshrl.u32 s9, $0x7;
	s10 =	simm.s32 @!p0 $0x0  }
0x83: {  	s4 =	sadd.s32 s2, s4;
	s10 =	ssub.s32 s25, s10  }
0x84: {  	[tilespmem:s18], [sflag:$0x1] =	stream.strided.gather [hbm4b:s4+s15], $0x1000, s16, s15, $0x38;
	[tilespmem:$0x6B80] =	vst v63  }
0x85: {  	s25 =	sshll.u32 s10, $0x7  }
0x86: {  	s4 =	sand.u32 $0x1FFFFF80, s25  }
0x87: {  	s4 =	sadd.s32 s2, s4;
	v6, _, _ =	vpop (xrf2)  }
0x88: {  	[tilespmem:s19], [sflag:$0x1] =	stream.strided.gather [hbm4b:s4+s15], $0x1000, s16, s15, $0x38;
	v5, _, _ =	vpop (xrf2);
	[tilespmem:$0x6B80] =	vst v63  }
0x89: {  	_ =	swait.ge [sflag:s23], $0x1000  }
0x8a: {  	[sflag:s23] =	ssyncset.done $0x0  }
0x8b: {  	[sflag:s23] =	ssyncadd.s32 $0xFFFFF000  }
0x8c: {  	_ =	swait.ge [sflag:s23], $0x1000  }
0x8d: {  	[sflag:s23] =	ssyncset.done $0x0  }
0x8e: {  	[sflag:s23] =	ssyncadd.s32 $0xFFFFF000  }
0x8f: {  	_ =	swait.ge [sflag:s23], $0x1000  }
0x90: {  	(v2sf) =	vpush v7, $0x3  }
0x91: {  	(v2sf) =	vpush v8, $0x3;
	_ =	sdelay $0x1  }
0x92: {  	(v2sf) =	vpush v9, $0x3;
	_ =	sdelay $0x1  }
0x93: {  	s10 =	sand.u32 $0xFFFFFF80, s6  }
0x94: {  	s0 =	ssub.s32 s0, s10  }
0x95: {  	s13 =	sand.u32 $0xFFFFFF80, s13;
	v26 =	vadd.s32 s0, v0  }
0x96: {  	s25 =	ssub.s32 s30, s13;
	v27 =	vadd.s32 s0, v1  }
0x97: {  	s30 =	sand.u32 $0xFFFFFF80, s7;
	v28 =	vadd.s32 s25, v0  }
0x98: {  	v29 =	vadd.s32 s25, v1;
	s4 =	ssub.s32 s31, s30;
	[sflag:s23] =	ssyncset.done $0x0  }
0x99: {  	v14 =	vadd.s32 s4, v0;
	[sflag:s23] =	ssyncadd.s32 $0xFFFFF000  }
0x9a: {  	v15 =	vadd.s32 s4, v1;
	v10 =	vld.idx.msk [tilespmem:v26+s20+$0x0], $0xffff  }
0x9b: {  	v11 =	vld.idx.msk [tilespmem:v27+s20+$0x0], $0xffff  }
0x9c: {  	v12 =	vld.idx.msk [tilespmem:v28+s21+$0x0], $0xffff  }
0x9d: {  	v13 =	vld.idx.msk [tilespmem:v29+s21+$0x0], $0xffff;
	s13 =	spop (v2sf)  }
0x9e: {  	v14 =	vld.idx.msk [tilespmem:v14+s22+$0x0], $0xffff;
	s0 =	spop (v2sf);
	s10 =	sand.u32 $0x7F, s13;
	s31 =	sshra.s32 s13, $0x1F  }
0x9f: {  	v15 =	vld.idx.msk [tilespmem:v15+s22+$0x0], $0xffff;
	p3 =	slt.s32 s13, $0x1;
	s6 =	sshra.s32 s0, $0x1F;
	s7 =	sand.u32 $0x7F, s0  }
0xa0: {  	p1 =	slt.s32 s0, $0x1;
	s30 =	spop (v2sf);
	p4 =	sne.s32 s10, $0x0  }
0xa1: {  	s10 =	simm.s32 $0x1;
	s31 =	sshrl.u32 s31, $0x19;
	s4 =	sshrl.u32 s6, $0x19  }
0xa2: {  	p2 =	sne.s32 s7, $0x0;
	s6 =	sadd.s32 s31, s13;
	s7 =	simm.s32 $0x1  }
0xa3: {  	v12 =	vmul.f32 v12, v10;
	v13 =	vmul.f32 v13, v11;
	s25 =	sadd.s32 s4, s0;
	p0 =	por !p1, !p2;
	p1 =	por !p3, !p4  }
0xa4: {  	v10 =	vmul.f32 v14, v10;
	v11 =	vmul.f32 v15, v11;
	s31 =	sshrl.u32 s6, $0x7;
	p0 =	por !p0, !p0;
	p1 =	por !p1, !p1  }
0xa5: {  	v12 =	vadd.f32 v13, v12;
	s4 =	sshrl.u32 s25, $0x7;
	s10 =	simm.s32 @!p0 $0x0;
	s7 =	simm.s32 @!p1 $0x0  }
0xa6: {  	v10 =	vadd.f32 v11, v10;
	p5 =	slt.s32 s30, $0x1;
	s4 =	ssub.s32 s4, s10;
	s7 =	ssub.s32 s31, s7  }
0xa7: {  	(xrf2) =	vadd.scan.msk.f32 $0xffff, v12;
	s10 =	sshra.s32 s30, $0x1F;
	s31 =	sand.u32 $0x7F, s30;
	s7 =	sshll.u32 s7, $0x7  }
0xa8: {  	(xrf2) =	vadd.scan.msk.f32 $0xffff, v10;
	s10 =	sshrl.u32 s10, $0x19;
	p6 =	sne.s32 s31, $0x0;
	s7 =	sand.u32 $0x1FFFFF80, s7  }
0xa9: {  	s4 =	sshll.u32 s4, $0x7;
	p0 =	por !p5, !p6;
	s7 =	sadd.s32 s1, s7  }
0xaa: {  	[tilespmem:s20], [sflag:$0x2] =	stream.strided.gather [hbm4b:s7+s15], $0x1000, s16, s15, $0x38;
	[tilespmem:$0x6B80] =	vst v63  }
0xab: {  	s31 =	sadd.s32 s10, s30;
	p0 =	por !p0, !p0;
	s7 =	simm.s32 $0x1  }
0xac: {  	s4 =	sand.u32 $0x1FFFFF80, s4;
	s10 =	sshrl.u32 s31, $0x7;
	s7 =	simm.s32 @!p0 $0x0  }
0xad: {  	s4 =	sadd.s32 s2, s4;
	s7 =	ssub.s32 s10, s7  }
0xae: {  	[tilespmem:s21], [sflag:$0x2] =	stream.strided.gather [hbm4b:s4+s15], $0x1000, s16, s15, $0x38;
	[tilespmem:$0x6B80] =	vst v63  }
0xaf: {  	s7 =	sshll.u32 s7, $0x7  }
0xb0: {  	s4 =	sand.u32 $0x1FFFFF80, s7  }
0xb1: {  	v11, _, _ =	vpop (xrf2);
	s4 =	sadd.s32 s2, s4  }
0xb2: {  	v10, _, _ =	vpop (xrf2);
	[tilespmem:s22], [sflag:$0x2] =	stream.strided.gather [hbm4b:s4+s15], $0x1000, s16, s15, $0x38;
	[tilespmem:$0x6B80] =	vst v63  }
0xb3: {  	_ =	swait.ge [sflag:s14], $0x1000  }
0xb4: {  	[sflag:s14] =	ssyncset.done $0x0  }
0xb5: {  	[sflag:s14] =	ssyncadd.s32 $0xFFFFF000  }
0xb6: {  	_ =	swait.ge [sflag:s14], $0x1000  }
0xb7: {  	[sflag:s14] =	ssyncset.done $0x0  }
0xb8: {  	[sflag:s14] =	ssyncadd.s32 $0xFFFFF000  }
0xb9: {  	_ =	swait.ge [sflag:s14], $0x1000  }
0xba: {  	(v2sf) =	vpush v7, $0x4  }
0xbb: {  	(v2sf) =	vpush v8, $0x4;
	_ =	sdelay $0x1  }
0xbc: {  	(v2sf) =	vpush v9, $0x4;
	_ =	sdelay $0x1  }
0xbd: {  	s10 =	sand.u32 $0xFFFFFF80, s8  }
0xbe: {  	s4 =	ssub.s32 s12, s10  }
0xbf: {  	s5 =	sand.u32 $0xFFFFFF80, s5;
	v30 =	vadd.s32 s4, v0  }
0xc0: {  	s3 =	ssub.s32 s3, s5;
	v31 =	vadd.s32 s4, v1  }
0xc1: {  	v32 =	vadd.s32 s3, v0;
	s12 =	sand.u32 $0xFFFFFF80, s9  }
0xc2: {  	v33 =	vadd.s32 s3, v1;
	s5 =	ssub.s32 s24, s12;
	[sflag:s14] =	ssyncset.done $0x0  }
0xc3: {  	v16 =	vadd.s32 s5, v0;
	[sflag:s14] =	ssyncadd.s32 $0xFFFFF000  }
0xc4: {  	v17 =	vadd.s32 s5, v1;
	v12 =	vld.idx.msk [tilespmem:v30+s17+$0x0], $0xffff  }
0xc5: {  	v13 =	vld.idx.msk [tilespmem:v31+s17+$0x0], $0xffff  }
0xc6: {  	v14 =	vld.idx.msk [tilespmem:v32+s18+$0x0], $0xffff  }
0xc7: {  	v15 =	vld.idx.msk [tilespmem:v33+s18+$0x0], $0xffff;
	s12 =	spop (v2sf)  }
0xc8: {  	v16 =	vld.idx.msk [tilespmem:v16+s19+$0x0], $0xffff;
	s3 =	spop (v2sf);
	s9 =	sand.u32 $0x7F, s12;
	s10 =	sshra.s32 s12, $0x1F  }
0xc9: {  	v17 =	vld.idx.msk [tilespmem:v17+s19+$0x0], $0xffff;
	p3 =	slt.s32 s12, $0x1;
	s7 =	sshra.s32 s3, $0x1F;
	s8 =	sand.u32 $0x7F, s3  }
0xca: {  	p1 =	slt.s32 s3, $0x1;
	s24 =	spop (v2sf);
	p4 =	sne.s32 s9, $0x0  }
0xcb: {  	s9 =	simm.s32 $0x1;
	s4 =	sshrl.u32 s7, $0x19;
	p2 =	sne.s32 s8, $0x0  }
0xcc: {  	s8 =	sshrl.u32 s10, $0x19;
	p5 =	slt.s32 s24, $0x1;
	s5 =	sadd.s32 s4, s3  }
0xcd: {  	v14 =	vmul.f32 v14, v12;
	v15 =	vmul.f32 v15, v13;
	p0 =	por !p1, !p2;
	p1 =	por !p3, !p4;
	s7 =	sadd.s32 s8, s12  }
0xce: {  	v12 =	vmul.f32 v16, v12;
	v13 =	vmul.f32 v17, v13;
	s8 =	simm.s32 $0x1;
	s4 =	sshrl.u32 s5, $0x7;
	p0 =	por !p0, !p0  }
0xcf: {  	v14 =	vadd.f32 v15, v14;
	p1 =	por !p1, !p1;
	s10 =	sshrl.u32 s7, $0x7;
	s9 =	simm.s32 @!p0 $0x0  }
0xd0: {  	v12 =	vadd.f32 v13, v12;
	s8 =	simm.s32 @!p1 $0x0;
	s4 =	ssub.s32 s4, s9;
	s9 =	sshra.s32 s24, $0x1F  }
0xd1: {  	(xrf2) =	vadd.scan.msk.f32 $0xffff, v14;
	s8 =	ssub.s32 s10, s8;
	s10 =	sand.u32 $0x7F, s24;
	s9 =	sshrl.u32 s9, $0x19  }
0xd2: {  	(xrf2) =	vadd.scan.msk.f32 $0xffff, v12;
	s8 =	sshll.u32 s8, $0x7;
	p6 =	sne.s32 s10, $0x0;
	s4 =	sshll.u32 s4, $0x7  }
0xd3: {  	s10 =	sand.u32 $0x1FFFFF80, s8;
	s8 =	sadd.s32 s9, s24;
	p0 =	por !p5, !p6  }
0xd4: {  	s9 =	simm.s32 $0x1;
	s10 =	sadd.s32 s1, s10;
	p0 =	por !p0, !p0  }
0xd5: {  	[tilespmem:s17], [sflag:$0x1] =	stream.strided.gather [hbm4b:s10+s15], $0x1000, s16, s15, $0x38;
	[tilespmem:$0x6B80] =	vst v63  }
0xd6: {  	s4 =	sand.u32 $0x1FFFFF80, s4;
	s10 =	sshrl.u32 s8, $0x7;
	s9 =	simm.s32 @!p0 $0x0  }
0xd7: {  	s4 =	sadd.s32 s2, s4;
	s9 =	ssub.s32 s10, s9  }
0xd8: {  	[tilespmem:s18], [sflag:$0x1] =	stream.strided.gather [hbm4b:s4+s15], $0x1000, s16, s15, $0x38;
	[tilespmem:$0x6B80] =	vst v63  }
0xd9: {  	s9 =	sshll.u32 s9, $0x7  }
0xda: {  	s4 =	sand.u32 $0x1FFFFF80, s9  }
0xdb: {  	v12, _, _ =	vpop (xrf2);
	s4 =	sadd.s32 s2, s4  }
0xdc: {  	v13, _, _ =	vpop (xrf2);
	[tilespmem:s19], [sflag:$0x1] =	stream.strided.gather [hbm4b:s4+s15], $0x1000, s16, s15, $0x38;
	[tilespmem:$0x6B80] =	vst v63  }
0xdd: {  	_ =	swait.ge [sflag:s23], $0x1000  }
0xde: {  	[sflag:s23] =	ssyncset.done $0x0  }
0xdf: {  	[sflag:s23] =	ssyncadd.s32 $0xFFFFF000  }
0xe0: {  	_ =	swait.ge [sflag:s23], $0x1000  }
0xe1: {  	[sflag:s23] =	ssyncset.done $0x0  }
0xe2: {  	[sflag:s23] =	ssyncadd.s32 $0xFFFFF000  }
0xe3: {  	_ =	swait.ge [sflag:s23], $0x1000  }
0xe4: {  	(v2sf) =	vpush v7, $0x5  }
0xe5: {  	(v2sf) =	vpush v8, $0x5;
	_ =	sdelay $0x1  }
0xe6: {  	(v2sf) =	vpush v9, $0x5;
	_ =	sdelay $0x1  }
0xe7: {  	s10 =	sand.u32 $0xFFFFFF80, s6  }
0xe8: {  	s4 =	ssub.s32 s13, s10  }
0xe9: {  	s25 =	sand.u32 $0xFFFFFF80, s25;
	v34 =	vadd.s32 s4, v0  }
0xea: {  	s0 =	ssub.s32 s0, s25;
	v35 =	vadd.s32 s4, v1  }
0xeb: {  	v36 =	vadd.s32 s0, v0;
	s31 =	sand.u32 $0xFFFFFF80, s31  }
0xec: {  	v37 =	vadd.s32 s0, v1;
	s4 =	ssub.s32 s30, s31;
	[sflag:s23] =	ssyncset.done $0x0  }
0xed: {  	v18 =	vadd.s32 s4, v0;
	[sflag:s23] =	ssyncadd.s32 $0xFFFFF000  }
0xee: {  	v19 =	vadd.s32 s4, v1;
	v14 =	vld.idx.msk [tilespmem:v34+s20+$0x0], $0xffff  }
0xef: {  	v15 =	vld.idx.msk [tilespmem:v35+s20+$0x0], $0xffff  }
0xf0: {  	v16 =	vld.idx.msk [tilespmem:v36+s21+$0x0], $0xffff  }
0xf1: {  	v17 =	vld.idx.msk [tilespmem:v37+s21+$0x0], $0xffff;
	s13 =	spop (v2sf)  }
0xf2: {  	v18 =	vld.idx.msk [tilespmem:v18+s22+$0x0], $0xffff;
	s0 =	spop (v2sf);
	s10 =	sand.u32 $0x7F, s13;
	s31 =	sshra.s32 s13, $0x1F  }
0xf3: {  	v19 =	vld.idx.msk [tilespmem:v19+s22+$0x0], $0xffff;
	p3 =	slt.s32 s13, $0x1;
	s6 =	sshra.s32 s0, $0x1F;
	s9 =	sand.u32 $0x7F, s0  }
0xf4: {  	p1 =	slt.s32 s0, $0x1;
	s30 =	spop (v2sf);
	p4 =	sne.s32 s10, $0x0  }
0xf5: {  	s10 =	simm.s32 $0x1;
	s4 =	sshrl.u32 s6, $0x19;
	p2 =	sne.s32 s9, $0x0  }
0xf6: {  	s9 =	sshrl.u32 s31, $0x19;
	p5 =	slt.s32 s30, $0x1;
	s25 =	sadd.s32 s4, s0  }
0xf7: {  	v16 =	vmul.f32 v16, v14;
	v17 =	vmul.f32 v17, v15;
	p0 =	por !p1, !p2;
	p1 =	por !p3, !p4;
	s6 =	sadd.s32 s9, s13  }
0xf8: {  	v14 =	vmul.f32 v18, v14;
	v15 =	vmul.f32 v19, v15;
	s9 =	simm.s32 $0x1;
	s4 =	sshrl.u32 s25, $0x7;
	p0 =	por !p0, !p0  }
0xf9: {  	v16 =	vadd.f32 v17, v16;
	p1 =	por !p1, !p1;
	s31 =	sshrl.u32 s6, $0x7;
	s10 =	simm.s32 @!p0 $0x0  }
0xfa: {  	v14 =	vadd.f32 v15, v14;
	s9 =	simm.s32 @!p1 $0x0;
	s4 =	ssub.s32 s4, s10;
	s10 =	sshra.s32 s30, $0x1F  }
0xfb: {  	(xrf2) =	vadd.scan.msk.f32 $0xffff, v16;
	s9 =	ssub.s32 s31, s9;
	s31 =	sand.u32 $0x7F, s30;
	s10 =	sshrl.u32 s10, $0x19  }
0xfc: {  	(xrf2) =	vadd.scan.msk.f32 $0xffff, v14;
	s9 =	sshll.u32 s9, $0x7;
	p6 =	sne.s32 s31, $0x0;
	s4 =	sshll.u32 s4, $0x7  }
0xfd: {  	s31 =	sand.u32 $0x1FFFFF80, s9;
	s9 =	sadd.s32 s10, s30;
	p0 =	por !p5, !p6  }
0xfe: {  	s10 =	simm.s32 $0x1;
	s31 =	sadd.s32 s1, s31;
	p0 =	por !p0, !p0  }
0xff: {  	[tilespmem:s20], [sflag:$0x2] =	stream.strided.gather [hbm4b:s31+s15], $0x1000, s16, s15, $0x38;
	[tilespmem:$0x6B80] =	vst v63  }
0x100: {  	s4 =	sand.u32 $0x1FFFFF80, s4;
	s31 =	sshrl.u32 s9, $0x7;
	s10 =	simm.s32 @!p0 $0x0  }
0x101: {  	s4 =	sadd.s32 s2, s4;
	s10 =	ssub.s32 s31, s10  }
0x102: {  	[tilespmem:s21], [sflag:$0x2] =	stream.strided.gather [hbm4b:s4+s15], $0x1000, s16, s15, $0x38;
	[tilespmem:$0x6B80] =	vst v63  }
0x103: {  	s31 =	sshll.u32 s10, $0x7  }
0x104: {  	s4 =	sand.u32 $0x1FFFFF80, s31  }
0x105: {  	v14, _, _ =	vpop (xrf2);
	s4 =	sadd.s32 s2, s4  }
0x106: {  	v15, _, _ =	vpop (xrf2);
	[tilespmem:s22], [sflag:$0x2] =	stream.strided.gather [hbm4b:s4+s15], $0x1000, s16, s15, $0x38;
	[tilespmem:$0x6B80] =	vst v63  }
0x107: {  	_ =	swait.ge [sflag:s14], $0x1000  }
0x108: {  	[sflag:s14] =	ssyncset.done $0x0  }
0x109: {  	[sflag:s14] =	ssyncadd.s32 $0xFFFFF000  }
0x10a: {  	_ =	swait.ge [sflag:s14], $0x1000  }
0x10b: {  	[sflag:s14] =	ssyncset.done $0x0  }
0x10c: {  	[sflag:s14] =	ssyncadd.s32 $0xFFFFF000  }
0x10d: {  	_ =	swait.ge [sflag:s14], $0x1000  }
0x10e: {  	(v2sf) =	vpush v7, $0x6  }
0x10f: {  	(v2sf) =	vpush v8, $0x6;
	_ =	sdelay $0x1  }
0x110: {  	(v2sf) =	vpush v9, $0x6;
	_ =	sdelay $0x1  }
0x111: {  	s10 =	sand.u32 $0xFFFFFF80, s7  }
0x112: {  	s4 =	ssub.s32 s12, s10  }
0x113: {  	s5 =	sand.u32 $0xFFFFFF80, s5;
	v38 =	vadd.s32 s4, v0  }
0x114: {  	s3 =	ssub.s32 s3, s5;
	v39 =	vadd.s32 s4, v1  }
0x115: {  	v40 =	vadd.s32 s3, v0;
	s31 =	sand.u32 $0xFFFFFF80, s8  }
0x116: {  	v41 =	vadd.s32 s3, v1;
	s5 =	ssub.s32 s24, s31;
	[sflag:s14] =	ssyncset.done $0x0  }
0x117: {  	v20 =	vadd.s32 s5, v0;
	[sflag:s14] =	ssyncadd.s32 $0xFFFFF000  }
0x118: {  	v21 =	vadd.s32 s5, v1;
	v16 =	vld.idx.msk [tilespmem:v38+s17+$0x0], $0xffff  }
0x119: {  	v17 =	vld.idx.msk [tilespmem:v39+s17+$0x0], $0xffff  }
0x11a: {  	v18 =	vld.idx.msk [tilespmem:v40+s18+$0x0], $0xffff  }
0x11b: {  	v19 =	vld.idx.msk [tilespmem:v41+s18+$0x0], $0xffff;
	s12 =	spop (v2sf)  }
0x11c: {  	v20 =	vld.idx.msk [tilespmem:v20+s19+$0x0], $0xffff;
	s3 =	spop (v2sf);
	s10 =	sand.u32 $0x7F, s12;
	s31 =	sshra.s32 s12, $0x1F  }
0x11d: {  	v21 =	vld.idx.msk [tilespmem:v21+s19+$0x0], $0xffff;
	p3 =	slt.s32 s12, $0x1;
	s7 =	sshra.s32 s3, $0x1F;
	s8 =	sand.u32 $0x7F, s3  }
0x11e: {  	p1 =	slt.s32 s3, $0x1;
	s24 =	spop (v2sf);
	p4 =	sne.s32 s10, $0x0  }
0x11f: {  	s10 =	simm.s32 $0x1;
	s4 =	sshrl.u32 s7, $0x19;
	p2 =	sne.s32 s8, $0x0  }
0x120: {  	s8 =	sshrl.u32 s31, $0x19;
	p5 =	slt.s32 s24, $0x1;
	s5 =	sadd.s32 s4, s3  }
0x121: {  	v18 =	vmul.f32 v18, v16;
	v19 =	vmul.f32 v19, v17;
	p0 =	por !p1, !p2;
	p1 =	por !p3, !p4;
	s7 =	sadd.s32 s8, s12  }
0x122: {  	v16 =	vmul.f32 v20, v16;
	v17 =	vmul.f32 v21, v17;
	s8 =	simm.s32 $0x1;
	s4 =	sshrl.u32 s5, $0x7;
	p0 =	por !p0, !p0  }
0x123: {  	v18 =	vadd.f32 v19, v18;
	p1 =	por !p1, !p1;
	s31 =	sshrl.u32 s7, $0x7;
	s10 =	simm.s32 @!p0 $0x0  }
0x124: {  	v16 =	vadd.f32 v17, v16;
	s8 =	simm.s32 @!p1 $0x0;
	s4 =	ssub.s32 s4, s10;
	s10 =	sshra.s32 s24, $0x1F  }
0x125: {  	(xrf2) =	vadd.scan.msk.f32 $0xffff, v18;
	s8 =	ssub.s32 s31, s8;
	s31 =	sand.u32 $0x7F, s24;
	s10 =	sshrl.u32 s10, $0x19  }
0x126: {  	(xrf2) =	vadd.scan.msk.f32 $0xffff, v16;
	s8 =	sshll.u32 s8, $0x7;
	p6 =	sne.s32 s31, $0x0;
	s4 =	sshll.u32 s4, $0x7  }
0x127: {  	s31 =	sand.u32 $0x1FFFFF80, s8;
	s8 =	sadd.s32 s10, s24;
	p0 =	por !p5, !p6  }
0x128: {  	s10 =	simm.s32 $0x1;
	s31 =	sadd.s32 s1, s31;
	p0 =	por !p0, !p0  }
0x129: {  	[tilespmem:s17], [sflag:$0x1] =	stream.strided.gather [hbm4b:s31+s15], $0x1000, s16, s15, $0x38;
	[tilespmem:$0x6B80] =	vst v63  }
0x12a: {  	s4 =	sand.u32 $0x1FFFFF80, s4;
	s31 =	sshrl.u32 s8, $0x7;
	s10 =	simm.s32 @!p0 $0x0  }
0x12b: {  	s4 =	sadd.s32 s2, s4;
	s10 =	ssub.s32 s31, s10  }
0x12c: {  	[tilespmem:s18], [sflag:$0x1] =	stream.strided.gather [hbm4b:s4+s15], $0x1000, s16, s15, $0x38;
	[tilespmem:$0x6B80] =	vst v63  }
0x12d: {  	s31 =	sshll.u32 s10, $0x7  }
0x12e: {  	s4 =	sand.u32 $0x1FFFFF80, s31  }
0x12f: {  	v17, _, _ =	vpop (xrf2);
	s4 =	sadd.s32 s2, s4  }
0x130: {  	v16, _, _ =	vpop (xrf2);
	[tilespmem:s19], [sflag:$0x1] =	stream.strided.gather [hbm4b:s4+s15], $0x1000, s16, s15, $0x38;
	[tilespmem:$0x6B80] =	vst v63  }
0x131: {  	_ =	swait.ge [sflag:s23], $0x1000  }
0x132: {  	[sflag:s23] =	ssyncset.done $0x0  }
0x133: {  	[sflag:s23] =	ssyncadd.s32 $0xFFFFF000  }
0x134: {  	_ =	swait.ge [sflag:s23], $0x1000  }
0x135: {  	[sflag:s23] =	ssyncset.done $0x0  }
0x136: {  	[sflag:s23] =	ssyncadd.s32 $0xFFFFF000  }
0x137: {  	_ =	swait.ge [sflag:s23], $0x1000  }
0x138: {  	(v2sf) =	vpush v7, $0x7  }
0x139: {  	(v2sf) =	vpush v8, $0x7;
	_ =	sdelay $0x1  }
0x13a: {  	(v2sf) =	vpush v9, $0x7;
	_ =	sdelay $0x1  }
0x13b: {  	s10 =	sand.u32 $0xFFFFFF80, s6  }
0x13c: {  	s4 =	ssub.s32 s13, s10  }
0x13d: {  	s25 =	sand.u32 $0xFFFFFF80, s25;
	v42 =	vadd.s32 s4, v0  }
0x13e: {  	s0 =	ssub.s32 s0, s25;
	v43 =	vadd.s32 s4, v1  }
0x13f: {  	v44 =	vadd.s32 s0, v0;
	s31 =	sand.u32 $0xFFFFFF80, s9  }
0x140: {  	v45 =	vadd.s32 s0, v1;
	s4 =	ssub.s32 s30, s31;
	[sflag:s23] =	ssyncset.done $0x0  }
0x141: {  	v22 =	vadd.s32 s4, v0;
	[sflag:s23] =	ssyncadd.s32 $0xFFFFF000  }
0x142: {  	v23 =	vadd.s32 s4, v1;
	v18 =	vld.idx.msk [tilespmem:v42+s20+$0x0], $0xffff  }
0x143: {  	v19 =	vld.idx.msk [tilespmem:v43+s20+$0x0], $0xffff  }
0x144: {  	v20 =	vld.idx.msk [tilespmem:v44+s21+$0x0], $0xffff  }
0x145: {  	v21 =	vld.idx.msk [tilespmem:v45+s21+$0x0], $0xffff;
	s13 =	spop (v2sf)  }
0x146: {  	v22 =	vld.idx.msk [tilespmem:v22+s22+$0x0], $0xffff;
	s0 =	spop (v2sf);
	s10 =	sand.u32 $0x7F, s13;
	s31 =	sshra.s32 s13, $0x1F  }
0x147: {  	v23 =	vld.idx.msk [tilespmem:v23+s22+$0x0], $0xffff;
	p3 =	slt.s32 s13, $0x1;
	s6 =	sshra.s32 s0, $0x1F;
	s9 =	sand.u32 $0x7F, s0  }
0x148: {  	p1 =	slt.s32 s0, $0x1;
	s30 =	spop (v2sf);
	p4 =	sne.s32 s10, $0x0  }
0x149: {  	s10 =	simm.s32 $0x1;
	s4 =	sshrl.u32 s6, $0x19;
	p2 =	sne.s32 s9, $0x0  }
0x14a: {  	s9 =	sshrl.u32 s31, $0x19;
	p5 =	slt.s32 s30, $0x1;
	s25 =	sadd.s32 s4, s0  }
0x14b: {  	v20 =	vmul.f32 v20, v18;
	v21 =	vmul.f32 v21, v19;
	p0 =	por !p1, !p2;
	p1 =	por !p3, !p4;
	s6 =	sadd.s32 s9, s13  }
0x14c: {  	v18 =	vmul.f32 v22, v18;
	v19 =	vmul.f32 v23, v19;
	s9 =	simm.s32 $0x1;
	s4 =	sshrl.u32 s25, $0x7;
	p0 =	por !p0, !p0  }
0x14d: {  	v20 =	vadd.f32 v21, v20;
	p1 =	por !p1, !p1;
	s31 =	sshrl.u32 s6, $0x7;
	s10 =	simm.s32 @!p0 $0x0  }
0x14e: {  	v18 =	vadd.f32 v19, v18;
	s9 =	simm.s32 @!p1 $0x0;
	s4 =	ssub.s32 s4, s10;
	s10 =	sshra.s32 s30, $0x1F  }
0x14f: {  	(xrf2) =	vadd.scan.msk.f32 $0xffff, v20;
	s9 =	ssub.s32 s31, s9;
	s31 =	sand.u32 $0x7F, s30;
	s10 =	sshrl.u32 s10, $0x19  }
0x150: {  	(xrf2) =	vadd.scan.msk.f32 $0xffff, v18;
	s9 =	sshll.u32 s9, $0x7;
	p6 =	sne.s32 s31, $0x0;
	s4 =	sshll.u32 s4, $0x7  }
0x151: {  	s31 =	sand.u32 $0x1FFFFF80, s9;
	s9 =	sadd.s32 s10, s30;
	p0 =	por !p5, !p6  }
0x152: {  	s10 =	simm.s32 $0x1;
	s31 =	sadd.s32 s1, s31;
	p0 =	por !p0, !p0  }
0x153: {  	[tilespmem:s20], [sflag:$0x2] =	stream.strided.gather [hbm4b:s31+s15], $0x1000, s16, s15, $0x38;
	[tilespmem:$0x6B80] =	vst v63  }
0x154: {  	s4 =	sand.u32 $0x1FFFFF80, s4;
	s31 =	sshrl.u32 s9, $0x7;
	s10 =	simm.s32 @!p0 $0x0  }
0x155: {  	s4 =	sadd.s32 s2, s4;
	s10 =	ssub.s32 s31, s10  }
0x156: {  	[tilespmem:s21], [sflag:$0x2] =	stream.strided.gather [hbm4b:s4+s15], $0x1000, s16, s15, $0x38;
	[tilespmem:$0x6B80] =	vst v63  }
0x157: {  	s31 =	sshll.u32 s10, $0x7  }
0x158: {  	s4 =	sand.u32 $0x1FFFFF80, s31  }
0x159: {  	v18, _, _ =	vpop (xrf2);
	s4 =	sadd.s32 s2, s4  }
0x15a: {  	v19, _, _ =	vpop (xrf2);
	[tilespmem:s22], [sflag:$0x2] =	stream.strided.gather [hbm4b:s4+s15], $0x1000, s16, s15, $0x38;
	[tilespmem:$0x6B80] =	vst v63  }
0x15b: {  	_ =	swait.ge [sflag:s14], $0x1000  }
0x15c: {  	[sflag:s14] =	ssyncset.done $0x0  }
0x15d: {  	[sflag:s14] =	ssyncadd.s32 $0xFFFFF000  }
0x15e: {  	_ =	swait.ge [sflag:s14], $0x1000  }
0x15f: {  	[sflag:s14] =	ssyncset.done $0x0  }
0x160: {  	[sflag:s14] =	ssyncadd.s32 $0xFFFFF000  }
0x161: {  	_ =	swait.ge [sflag:s14], $0x1000  }
0x162: {  	(v2sf) =	vpush v7, $0x8  }
0x163: {  	(v2sf) =	vpush v8, $0x8;
	_ =	sdelay $0x1  }
0x164: {  	(v2sf) =	vpush v9, $0x8;
	_ =	sdelay $0x1  }
0x165: {  	s10 =	sand.u32 $0xFFFFFF80, s7  }
0x166: {  	s4 =	ssub.s32 s12, s10  }
0x167: {  	s5 =	sand.u32 $0xFFFFFF80, s5;
	v46 =	vadd.s32 s4, v0  }
0x168: {  	s3 =	ssub.s32 s3, s5;
	v47 =	vadd.s32 s4, v1  }
0x169: {  	v48 =	vadd.s32 s3, v0;
	s31 =	sand.u32 $0xFFFFFF80, s8  }
0x16a: {  	v49 =	vadd.s32 s3, v1;
	s5 =	ssub.s32 s24, s31;
	[sflag:s14] =	ssyncset.done $0x0  }
0x16b: {  	v24 =	vadd.s32 s5, v0;
	[sflag:s14] =	ssyncadd.s32 $0xFFFFF000  }
0x16c: {  	v25 =	vadd.s32 s5, v1;
	v20 =	vld.idx.msk [tilespmem:v46+s17+$0x0], $0xffff  }
0x16d: {  	v21 =	vld.idx.msk [tilespmem:v47+s17+$0x0], $0xffff  }
0x16e: {  	v22 =	vld.idx.msk [tilespmem:v48+s18+$0x0], $0xffff  }
0x16f: {  	v23 =	vld.idx.msk [tilespmem:v49+s18+$0x0], $0xffff;
	s12 =	spop (v2sf)  }
0x170: {  	v24 =	vld.idx.msk [tilespmem:v24+s19+$0x0], $0xffff;
	s3 =	spop (v2sf);
	s10 =	sand.u32 $0x7F, s12;
	s31 =	sshra.s32 s12, $0x1F  }
0x171: {  	v25 =	vld.idx.msk [tilespmem:v25+s19+$0x0], $0xffff;
	p3 =	slt.s32 s12, $0x1;
	s7 =	sshra.s32 s3, $0x1F;
	s8 =	sand.u32 $0x7F, s3  }
0x172: {  	p1 =	slt.s32 s3, $0x1;
	s24 =	spop (v2sf);
	p4 =	sne.s32 s10, $0x0  }
0x173: {  	s10 =	simm.s32 $0x1;
	s4 =	sshrl.u32 s7, $0x19;
	p2 =	sne.s32 s8, $0x0  }
0x174: {  	s8 =	sshrl.u32 s31, $0x19;
	p5 =	slt.s32 s24, $0x1;
	s5 =	sadd.s32 s4, s3  }
0x175: {  	v22 =	vmul.f32 v22, v20;
	v23 =	vmul.f32 v23, v21;
	p0 =	por !p1, !p2;
	p1 =	por !p3, !p4;
	s7 =	sadd.s32 s8, s12  }
0x176: {  	v20 =	vmul.f32 v24, v20;
	v21 =	vmul.f32 v25, v21;
	s8 =	simm.s32 $0x1;
	s4 =	sshrl.u32 s5, $0x7;
	p0 =	por !p0, !p0  }
0x177: {  	v22 =	vadd.f32 v23, v22;
	p1 =	por !p1, !p1;
	s31 =	sshrl.u32 s7, $0x7;
	s10 =	simm.s32 @!p0 $0x0  }
0x178: {  	v20 =	vadd.f32 v21, v20;
	s8 =	simm.s32 @!p1 $0x0;
	s4 =	ssub.s32 s4, s10;
	s10 =	sshra.s32 s24, $0x1F  }
0x179: {  	(xrf2) =	vadd.scan.msk.f32 $0xffff, v22;
	s8 =	ssub.s32 s31, s8;
	s31 =	sand.u32 $0x7F, s24;
	s10 =	sshrl.u32 s10, $0x19  }
0x17a: {  	(xrf2) =	vadd.scan.msk.f32 $0xffff, v20;
	s8 =	sshll.u32 s8, $0x7;
	p6 =	sne.s32 s31, $0x0;
	s4 =	sshll.u32 s4, $0x7  }
0x17b: {  	s31 =	sand.u32 $0x1FFFFF80, s8;
	s8 =	sadd.s32 s10, s24;
	p0 =	por !p5, !p6  }
0x17c: {  	s10 =	simm.s32 $0x1;
	s31 =	sadd.s32 s1, s31;
	p0 =	por !p0, !p0  }
0x17d: {  	[tilespmem:s17], [sflag:$0x1] =	stream.strided.gather [hbm4b:s31+s15], $0x1000, s16, s15, $0x38;
	[tilespmem:$0x6B80] =	vst v63  }
0x17e: {  	s4 =	sand.u32 $0x1FFFFF80, s4;
	s31 =	sshrl.u32 s8, $0x7;
	s10 =	simm.s32 @!p0 $0x0  }
0x17f: {  	s4 =	sadd.s32 s2, s4;
	s10 =	ssub.s32 s31, s10  }
0x180: {  	[tilespmem:s18], [sflag:$0x1] =	stream.strided.gather [hbm4b:s4+s15], $0x1000, s16, s15, $0x38;
	[tilespmem:$0x6B80] =	vst v63  }
0x181: {  	s31 =	sshll.u32 s10, $0x7  }
0x182: {  	s4 =	sand.u32 $0x1FFFFF80, s31  }
0x183: {  	v20, _, _ =	vpop (xrf2);
	s4 =	sadd.s32 s2, s4  }
0x184: {  	v21, _, _ =	vpop (xrf2);
	[tilespmem:s19], [sflag:$0x1] =	stream.strided.gather [hbm4b:s4+s15], $0x1000, s16, s15, $0x38;
	[tilespmem:$0x6B80] =	vst v63  }
0x185: {  	_ =	swait.ge [sflag:s23], $0x1000  }
0x186: {  	[sflag:s23] =	ssyncset.done $0x0  }
0x187: {  	[sflag:s23] =	ssyncadd.s32 $0xFFFFF000  }
0x188: {  	_ =	swait.ge [sflag:s23], $0x1000  }
0x189: {  	[sflag:s23] =	ssyncset.done $0x0  }
0x18a: {  	[sflag:s23] =	ssyncadd.s32 $0xFFFFF000  }
0x18b: {  	_ =	swait.ge [sflag:s23], $0x1000  }
0x18c: {  	(v2sf) =	vpush v7, $0x9  }
0x18d: {  	(v2sf) =	vpush v8, $0x9;
	_ =	sdelay $0x1  }
0x18e: {  	(v2sf) =	vpush v9, $0x9;
	_ =	sdelay $0x1  }
0x18f: {  	s10 =	sand.u32 $0xFFFFFF80, s6  }
0x190: {  	s4 =	ssub.s32 s13, s10  }
0x191: {  	s25 =	sand.u32 $0xFFFFFF80, s25;
	v50 =	vadd.s32 s4, v0  }
0x192: {  	s0 =	ssub.s32 s0, s25;
	v51 =	vadd.s32 s4, v1  }
0x193: {  	v52 =	vadd.s32 s0, v0;
	s31 =	sand.u32 $0xFFFFFF80, s9  }
0x194: {  	v53 =	vadd.s32 s0, v1;
	s4 =	ssub.s32 s30, s31;
	[sflag:s23] =	ssyncset.done $0x0  }
0x195: {  	v26 =	vadd.s32 s4, v0;
	[sflag:s23] =	ssyncadd.s32 $0xFFFFF000  }
0x196: {  	v27 =	vadd.s32 s4, v1;
	v22 =	vld.idx.msk [tilespmem:v50+s20+$0x0], $0xffff  }
0x197: {  	v23 =	vld.idx.msk [tilespmem:v51+s20+$0x0], $0xffff  }
0x198: {  	v24 =	vld.idx.msk [tilespmem:v52+s21+$0x0], $0xffff  }
0x199: {  	v25 =	vld.idx.msk [tilespmem:v53+s21+$0x0], $0xffff;
	s13 =	spop (v2sf)  }
0x19a: {  	v26 =	vld.idx.msk [tilespmem:v26+s22+$0x0], $0xffff;
	s0 =	spop (v2sf);
	s10 =	sand.u32 $0x7F, s13;
	s31 =	sshra.s32 s13, $0x1F  }
0x19b: {  	v27 =	vld.idx.msk [tilespmem:v27+s22+$0x0], $0xffff;
	p3 =	slt.s32 s13, $0x1;
	s6 =	sshra.s32 s0, $0x1F;
	s9 =	sand.u32 $0x7F, s0  }
0x19c: {  	p1 =	slt.s32 s0, $0x1;
	s30 =	spop (v2sf);
	p4 =	sne.s32 s10, $0x0  }
0x19d: {  	s10 =	simm.s32 $0x1;
	s4 =	sshrl.u32 s6, $0x19;
	p2 =	sne.s32 s9, $0x0  }
0x19e: {  	s9 =	sshrl.u32 s31, $0x19;
	p5 =	slt.s32 s30, $0x1;
	s25 =	sadd.s32 s4, s0  }
0x19f: {  	v24 =	vmul.f32 v24, v22;
	v25 =	vmul.f32 v25, v23;
	p0 =	por !p1, !p2;
	p1 =	por !p3, !p4;
	s6 =	sadd.s32 s9, s13  }
0x1a0: {  	v22 =	vmul.f32 v26, v22;
	v23 =	vmul.f32 v27, v23;
	s9 =	simm.s32 $0x1;
	s4 =	sshrl.u32 s25, $0x7;
	p0 =	por !p0, !p0  }
0x1a1: {  	v24 =	vadd.f32 v25, v24;
	p1 =	por !p1, !p1;
	s31 =	sshrl.u32 s6, $0x7;
	s10 =	simm.s32 @!p0 $0x0  }
0x1a2: {  	v22 =	vadd.f32 v23, v22;
	s9 =	simm.s32 @!p1 $0x0;
	s4 =	ssub.s32 s4, s10;
	s10 =	sshra.s32 s30, $0x1F  }
0x1a3: {  	(xrf2) =	vadd.scan.msk.f32 $0xffff, v24;
	s9 =	ssub.s32 s31, s9;
	s31 =	sand.u32 $0x7F, s30;
	s10 =	sshrl.u32 s10, $0x19  }
0x1a4: {  	(xrf2) =	vadd.scan.msk.f32 $0xffff, v22;
	s9 =	sshll.u32 s9, $0x7;
	p6 =	sne.s32 s31, $0x0;
	s4 =	sshll.u32 s4, $0x7  }
0x1a5: {  	s31 =	sand.u32 $0x1FFFFF80, s9;
	s9 =	sadd.s32 s10, s30;
	p0 =	por !p5, !p6  }
0x1a6: {  	s10 =	simm.s32 $0x1;
	s31 =	sadd.s32 s1, s31;
	p0 =	por !p0, !p0  }
0x1a7: {  	[tilespmem:s20], [sflag:$0x2] =	stream.strided.gather [hbm4b:s31+s15], $0x1000, s16, s15, $0x38;
	[tilespmem:$0x6B80] =	vst v63  }
0x1a8: {  	s4 =	sand.u32 $0x1FFFFF80, s4;
	s31 =	sshrl.u32 s9, $0x7;
	s10 =	simm.s32 @!p0 $0x0  }
0x1a9: {  	s4 =	sadd.s32 s2, s4;
	s10 =	ssub.s32 s31, s10  }
0x1aa: {  	[tilespmem:s21], [sflag:$0x2] =	stream.strided.gather [hbm4b:s4+s15], $0x1000, s16, s15, $0x38;
	[tilespmem:$0x6B80] =	vst v63  }
0x1ab: {  	s31 =	sshll.u32 s10, $0x7  }
0x1ac: {  	s4 =	sand.u32 $0x1FFFFF80, s31  }
0x1ad: {  	v23, _, _ =	vpop (xrf2);
	s4 =	sadd.s32 s2, s4  }
0x1ae: {  	v22, _, _ =	vpop (xrf2);
	[tilespmem:s22], [sflag:$0x2] =	stream.strided.gather [hbm4b:s4+s15], $0x1000, s16, s15, $0x38;
	[tilespmem:$0x6B80] =	vst v63  }
0x1af: {  	_ =	swait.ge [sflag:s14], $0x1000  }
0x1b0: {  	[sflag:s14] =	ssyncset.done $0x0  }
0x1b1: {  	[sflag:s14] =	ssyncadd.s32 $0xFFFFF000  }
0x1b2: {  	_ =	swait.ge [sflag:s14], $0x1000  }
0x1b3: {  	[sflag:s14] =	ssyncset.done $0x0  }
0x1b4: {  	[sflag:s14] =	ssyncadd.s32 $0xFFFFF000  }
0x1b5: {  	_ =	swait.ge [sflag:s14], $0x1000  }
0x1b6: {  	(v2sf) =	vpush v7, $0xA  }
0x1b7: {  	(v2sf) =	vpush v8, $0xA;
	_ =	sdelay $0x1  }
0x1b8: {  	(v2sf) =	vpush v9, $0xA;
	_ =	sdelay $0x1  }
0x1b9: {  	s10 =	sand.u32 $0xFFFFFF80, s7  }
0x1ba: {  	s4 =	ssub.s32 s12, s10  }
0x1bb: {  	s5 =	sand.u32 $0xFFFFFF80, s5;
	v54 =	vadd.s32 s4, v0  }
0x1bc: {  	s3 =	ssub.s32 s3, s5;
	v55 =	vadd.s32 s4, v1  }
0x1bd: {  	v56 =	vadd.s32 s3, v0;
	s31 =	sand.u32 $0xFFFFFF80, s8  }
0x1be: {  	v57 =	vadd.s32 s3, v1;
	s5 =	ssub.s32 s24, s31;
	[sflag:s14] =	ssyncset.done $0x0  }
0x1bf: {  	v28 =	vadd.s32 s5, v0;
	[sflag:s14] =	ssyncadd.s32 $0xFFFFF000  }
0x1c0: {  	v29 =	vadd.s32 s5, v1;
	v24 =	vld.idx.msk [tilespmem:v54+s17+$0x0], $0xffff  }
0x1c1: {  	v25 =	vld.idx.msk [tilespmem:v55+s17+$0x0], $0xffff  }
0x1c2: {  	v26 =	vld.idx.msk [tilespmem:v56+s18+$0x0], $0xffff  }
0x1c3: {  	v27 =	vld.idx.msk [tilespmem:v57+s18+$0x0], $0xffff;
	s12 =	spop (v2sf)  }
0x1c4: {  	v28 =	vld.idx.msk [tilespmem:v28+s19+$0x0], $0xffff;
	s3 =	spop (v2sf);
	s10 =	sand.u32 $0x7F, s12;
	s31 =	sshra.s32 s12, $0x1F  }
0x1c5: {  	v29 =	vld.idx.msk [tilespmem:v29+s19+$0x0], $0xffff;
	p3 =	slt.s32 s12, $0x1;
	s7 =	sshra.s32 s3, $0x1F;
	s8 =	sand.u32 $0x7F, s3  }
0x1c6: {  	p1 =	slt.s32 s3, $0x1;
	s24 =	spop (v2sf);
	p4 =	sne.s32 s10, $0x0  }
0x1c7: {  	s10 =	simm.s32 $0x1;
	s4 =	sshrl.u32 s7, $0x19;
	p2 =	sne.s32 s8, $0x0  }
0x1c8: {  	s8 =	sshrl.u32 s31, $0x19;
	p5 =	slt.s32 s24, $0x1;
	s5 =	sadd.s32 s4, s3  }
0x1c9: {  	v26 =	vmul.f32 v26, v24;
	v27 =	vmul.f32 v27, v25;
	p0 =	por !p1, !p2;
	p1 =	por !p3, !p4;
	s7 =	sadd.s32 s8, s12  }
0x1ca: {  	v24 =	vmul.f32 v28, v24;
	v25 =	vmul.f32 v29, v25;
	s8 =	simm.s32 $0x1;
	s4 =	sshrl.u32 s5, $0x7;
	p0 =	por !p0, !p0  }
0x1cb: {  	v26 =	vadd.f32 v27, v26;
	p1 =	por !p1, !p1;
	s31 =	sshrl.u32 s7, $0x7;
	s10 =	simm.s32 @!p0 $0x0  }
0x1cc: {  	v24 =	vadd.f32 v25, v24;
	s8 =	simm.s32 @!p1 $0x0;
	s4 =	ssub.s32 s4, s10;
	s10 =	sshra.s32 s24, $0x1F  }
0x1cd: {  	(xrf2) =	vadd.scan.msk.f32 $0xffff, v26;
	s8 =	ssub.s32 s31, s8;
	s31 =	sand.u32 $0x7F, s24;
	s10 =	sshrl.u32 s10, $0x19  }
0x1ce: {  	(xrf2) =	vadd.scan.msk.f32 $0xffff, v24;
	s8 =	sshll.u32 s8, $0x7;
	p6 =	sne.s32 s31, $0x0;
	s4 =	sshll.u32 s4, $0x7  }
0x1cf: {  	s31 =	sand.u32 $0x1FFFFF80, s8;
	s8 =	sadd.s32 s10, s24;
	p0 =	por !p5, !p6  }
0x1d0: {  	s10 =	simm.s32 $0x1;
	s31 =	sadd.s32 s1, s31;
	p0 =	por !p0, !p0  }
0x1d1: {  	[tilespmem:s17], [sflag:$0x1] =	stream.strided.gather [hbm4b:s31+s15], $0x1000, s16, s15, $0x38;
	[tilespmem:$0x6B80] =	vst v63  }
0x1d2: {  	s4 =	sand.u32 $0x1FFFFF80, s4;
	s31 =	sshrl.u32 s8, $0x7;
	s10 =	simm.s32 @!p0 $0x0  }
0x1d3: {  	s4 =	sadd.s32 s2, s4;
	s10 =	ssub.s32 s31, s10  }
0x1d4: {  	[tilespmem:s18], [sflag:$0x1] =	stream.strided.gather [hbm4b:s4+s15], $0x1000, s16, s15, $0x38;
	[tilespmem:$0x6B80] =	vst v63  }
0x1d5: {  	s31 =	sshll.u32 s10, $0x7  }
0x1d6: {  	s4 =	sand.u32 $0x1FFFFF80, s31  }
0x1d7: {  	v25, _, _ =	vpop (xrf2);
	s4 =	sadd.s32 s2, s4  }
0x1d8: {  	v24, _, _ =	vpop (xrf2);
	[tilespmem:s19], [sflag:$0x1] =	stream.strided.gather [hbm4b:s4+s15], $0x1000, s16, s15, $0x38;
	[tilespmem:$0x6B80] =	vst v63  }
0x1d9: {  	_ =	swait.ge [sflag:s23], $0x1000  }
0x1da: {  	[sflag:s23] =	ssyncset.done $0x0  }
0x1db: {  	[sflag:s23] =	ssyncadd.s32 $0xFFFFF000  }
0x1dc: {  	_ =	swait.ge [sflag:s23], $0x1000  }
0x1dd: {  	[sflag:s23] =	ssyncset.done $0x0  }
0x1de: {  	[sflag:s23] =	ssyncadd.s32 $0xFFFFF000  }
0x1df: {  	_ =	swait.ge [sflag:s23], $0x1000  }
0x1e0: {  	(v2sf) =	vpush v7, $0xB  }
0x1e1: {  	(v2sf) =	vpush v8, $0xB;
	_ =	sdelay $0x1  }
0x1e2: {  	(v2sf) =	vpush v9, $0xB;
	_ =	sdelay $0x1  }
0x1e3: {  	s10 =	sand.u32 $0xFFFFFF80, s6  }
0x1e4: {  	s4 =	ssub.s32 s13, s10  }
0x1e5: {  	s25 =	sand.u32 $0xFFFFFF80, s25;
	v58 =	vadd.s32 s4, v0  }
0x1e6: {  	s0 =	ssub.s32 s0, s25;
	v59 =	vadd.s32 s4, v1  }
0x1e7: {  	v60 =	vadd.s32 s0, v0;
	s31 =	sand.u32 $0xFFFFFF80, s9  }
0x1e8: {  	v61 =	vadd.s32 s0, v1;
	s4 =	ssub.s32 s30, s31;
	[sflag:s23] =	ssyncset.done $0x0  }
0x1e9: {  	v30 =	vadd.s32 s4, v0;
	[sflag:s23] =	ssyncadd.s32 $0xFFFFF000  }
0x1ea: {  	v31 =	vadd.s32 s4, v1;
	v26 =	vld.idx.msk [tilespmem:v58+s20+$0x0], $0xffff  }
0x1eb: {  	v27 =	vld.idx.msk [tilespmem:v59+s20+$0x0], $0xffff  }
0x1ec: {  	v28 =	vld.idx.msk [tilespmem:v60+s21+$0x0], $0xffff  }
0x1ed: {  	v29 =	vld.idx.msk [tilespmem:v61+s21+$0x0], $0xffff;
	s13 =	spop (v2sf)  }
0x1ee: {  	v30 =	vld.idx.msk [tilespmem:v30+s22+$0x0], $0xffff;
	s0 =	spop (v2sf);
	s10 =	sand.u32 $0x7F, s13;
	s31 =	sshra.s32 s13, $0x1F  }
0x1ef: {  	v31 =	vld.idx.msk [tilespmem:v31+s22+$0x0], $0xffff;
	p3 =	slt.s32 s13, $0x1;
	s6 =	sshra.s32 s0, $0x1F;
	s9 =	sand.u32 $0x7F, s0  }
0x1f0: {  	p1 =	slt.s32 s0, $0x1;
	s30 =	spop (v2sf);
	p4 =	sne.s32 s10, $0x0  }
0x1f1: {  	s10 =	simm.s32 $0x1;
	s4 =	sshrl.u32 s6, $0x19;
	p2 =	sne.s32 s9, $0x0  }
0x1f2: {  	s9 =	sshrl.u32 s31, $0x19;
	p5 =	slt.s32 s30, $0x1;
	s25 =	sadd.s32 s4, s0  }
0x1f3: {  	v28 =	vmul.f32 v28, v26;
	v29 =	vmul.f32 v29, v27;
	p0 =	por !p1, !p2;
	p1 =	por !p3, !p4;
	s6 =	sadd.s32 s9, s13  }
0x1f4: {  	v26 =	vmul.f32 v30, v26;
	v27 =	vmul.f32 v31, v27;
	s9 =	simm.s32 $0x1;
	s4 =	sshrl.u32 s25, $0x7;
	p0 =	por !p0, !p0  }
0x1f5: {  	v28 =	vadd.f32 v29, v28;
	p1 =	por !p1, !p1;
	s31 =	sshrl.u32 s6, $0x7;
	s10 =	simm.s32 @!p0 $0x0  }
0x1f6: {  	v26 =	vadd.f32 v27, v26;
	s9 =	simm.s32 @!p1 $0x0;
	s4 =	ssub.s32 s4, s10;
	s10 =	sshra.s32 s30, $0x1F  }
0x1f7: {  	(xrf2) =	vadd.scan.msk.f32 $0xffff, v28;
	s9 =	ssub.s32 s31, s9;
	s31 =	sand.u32 $0x7F, s30;
	s10 =	sshrl.u32 s10, $0x19  }
0x1f8: {  	(xrf2) =	vadd.scan.msk.f32 $0xffff, v26;
	s9 =	sshll.u32 s9, $0x7;
	p6 =	sne.s32 s31, $0x0;
	s4 =	sshll.u32 s4, $0x7  }
0x1f9: {  	s31 =	sand.u32 $0x1FFFFF80, s9;
	s9 =	sadd.s32 s10, s30;
	p0 =	por !p5, !p6  }
0x1fa: {  	s10 =	simm.s32 $0x1;
	s31 =	sadd.s32 s1, s31;
	p0 =	por !p0, !p0  }
0x1fb: {  	[tilespmem:s20], [sflag:$0x2] =	stream.strided.gather [hbm4b:s31+s15], $0x1000, s16, s15, $0x38;
	[tilespmem:$0x6B80] =	vst v63  }
0x1fc: {  	s4 =	sand.u32 $0x1FFFFF80, s4;
	s31 =	sshrl.u32 s9, $0x7;
	s10 =	simm.s32 @!p0 $0x0  }
0x1fd: {  	s4 =	sadd.s32 s2, s4;
	s10 =	ssub.s32 s31, s10  }
0x1fe: {  	[tilespmem:s21], [sflag:$0x2] =	stream.strided.gather [hbm4b:s4+s15], $0x1000, s16, s15, $0x38;
	[tilespmem:$0x6B80] =	vst v63  }
0x1ff: {  	s31 =	sshll.u32 s10, $0x7  }
0x200: {  	s4 =	sand.u32 $0x1FFFFF80, s31  }
0x201: {  	v26, _, _ =	vpop (xrf2);
	s4 =	sadd.s32 s2, s4  }
0x202: {  	v27, _, _ =	vpop (xrf2);
	[tilespmem:s22], [sflag:$0x2] =	stream.strided.gather [hbm4b:s4+s15], $0x1000, s16, s15, $0x38;
	[tilespmem:$0x6B80] =	vst v63  }
0x203: {  	_ =	swait.ge [sflag:s14], $0x1000  }
0x204: {  	[sflag:s14] =	ssyncset.done $0x0  }
0x205: {  	[sflag:s14] =	ssyncadd.s32 $0xFFFFF000  }
0x206: {  	_ =	swait.ge [sflag:s14], $0x1000  }
0x207: {  	[sflag:s14] =	ssyncset.done $0x0  }
0x208: {  	[sflag:s14] =	ssyncadd.s32 $0xFFFFF000  }
0x209: {  	_ =	swait.ge [sflag:s14], $0x1000  }
0x20a: {  	(v2sf) =	vpush v7, $0xC  }
0x20b: {  	(v2sf) =	vpush v8, $0xC;
	_ =	sdelay $0x1  }
0x20c: {  	(v2sf) =	vpush v9, $0xC;
	_ =	sdelay $0x1  }
0x20d: {  	s10 =	sand.u32 $0xFFFFFF80, s7  }
0x20e: {  	s4 =	ssub.s32 s12, s10  }
0x20f: {  	s5 =	sand.u32 $0xFFFFFF80, s5;
	v62 =	vadd.s32 s4, v0  }
0x210: {  	s3 =	ssub.s32 s3, s5;
	v63 =	vadd.s32 s4, v1  }
0x211: {  	v36 =	vadd.s32 s3, v0;
	s31 =	sand.u32 $0xFFFFFF80, s8  }
0x212: {  	v37 =	vadd.s32 s3, v1;
	s5 =	ssub.s32 s24, s31;
	[sflag:s14] =	ssyncset.done $0x0  }
0x213: {  	v32 =	vadd.s32 s5, v0;
	[sflag:s14] =	ssyncadd.s32 $0xFFFFF000  }
0x214: {  	v33 =	vadd.s32 s5, v1;
	v28 =	vld.idx.msk [tilespmem:v62+s17+$0x0], $0xffff  }
0x215: {  	v29 =	vld.idx.msk [tilespmem:v63+s17+$0x0], $0xffff  }
0x216: {  	v30 =	vld.idx.msk [tilespmem:v36+s18+$0x0], $0xffff  }
0x217: {  	v31 =	vld.idx.msk [tilespmem:v37+s18+$0x0], $0xffff;
	s12 =	spop (v2sf)  }
0x218: {  	v32 =	vld.idx.msk [tilespmem:v32+s19+$0x0], $0xffff;
	s3 =	spop (v2sf);
	s10 =	sand.u32 $0x7F, s12;
	s31 =	sshra.s32 s12, $0x1F  }
0x219: {  	v33 =	vld.idx.msk [tilespmem:v33+s19+$0x0], $0xffff;
	p3 =	slt.s32 s12, $0x1;
	s7 =	sshra.s32 s3, $0x1F;
	s8 =	sand.u32 $0x7F, s3  }
0x21a: {  	p1 =	slt.s32 s3, $0x1;
	s24 =	spop (v2sf);
	p4 =	sne.s32 s10, $0x0  }
0x21b: {  	s10 =	simm.s32 $0x1;
	s4 =	sshrl.u32 s7, $0x19;
	p2 =	sne.s32 s8, $0x0  }
0x21c: {  	s8 =	sshrl.u32 s31, $0x19;
	s5 =	sadd.s32 s4, s3;
	p0 =	por !p1, !p2  }
0x21d: {  	v30 =	vmul.f32 v30, v28;
	v31 =	vmul.f32 v31, v29;
	p1 =	por !p3, !p4;
	s7 =	sadd.s32 s8, s12;
	s8 =	simm.s32 $0x1  }
0x21e: {  	v28 =	vmul.f32 v32, v28;
	v29 =	vmul.f32 v33, v29;
	s4 =	sshrl.u32 s5, $0x7;
	p0 =	por !p0, !p0;
	p1 =	por !p1, !p1  }
0x21f: {  	v30 =	vadd.f32 v31, v30;
	s31 =	sshrl.u32 s7, $0x7;
	s10 =	simm.s32 @!p0 $0x0;
	s8 =	simm.s32 @!p1 $0x0  }
0x220: {  	v28 =	vadd.f32 v29, v28;
	p5 =	slt.s32 s24, $0x1;
	s4 =	ssub.s32 s4, s10;
	s8 =	ssub.s32 s31, s8  }
0x221: {  	(xrf2) =	vadd.scan.msk.f32 $0xffff, v30;
	s10 =	sshra.s32 s24, $0x1F;
	s31 =	sand.u32 $0x7F, s24;
	s8 =	sshll.u32 s8, $0x7  }
0x222: {  	(xrf2) =	vadd.scan.msk.f32 $0xffff, v28;
	s10 =	sshrl.u32 s10, $0x19;
	p6 =	sne.s32 s31, $0x0;
	s8 =	sand.u32 $0x1FFFFF80, s8  }
0x223: {  	s4 =	sshll.u32 s4, $0x7;
	p0 =	por !p5, !p6;
	s8 =	sadd.s32 s1, s8  }
0x224: {  	[tilespmem:s17], [sflag:$0x1] =	stream.strided.gather [hbm4b:s8+s15], $0x1000, s16, s15, $0x38;
	[tilespmem:$0x6B80] =	vst v63  }
0x225: {  	s10 =	sadd.s32 s10, s24;
	p0 =	por !p0, !p0;
	s8 =	simm.s32 $0x1  }
0x226: {  	s4 =	sand.u32 $0x1FFFFF80, s4;
	s31 =	sshrl.u32 s10, $0x7;
	s8 =	simm.s32 @!p0 $0x0  }
0x227: {  	s4 =	sadd.s32 s2, s4;
	s8 =	ssub.s32 s31, s8  }
0x228: {  	[tilespmem:s18], [sflag:$0x1] =	stream.strided.gather [hbm4b:s4+s15], $0x1000, s16, s15, $0x38;
	[tilespmem:$0x6B80] =	vst v63  }
0x229: {  	s31 =	sshll.u32 s8, $0x7  }
0x22a: {  	s4 =	sand.u32 $0x1FFFFF80, s31  }
0x22b: {  	v28, _, _ =	vpop (xrf2);
	s4 =	sadd.s32 s2, s4  }
0x22c: {  	v29, _, _ =	vpop (xrf2);
	[tilespmem:s19], [sflag:$0x1] =	stream.strided.gather [hbm4b:s4+s15], $0x1000, s16, s15, $0x38;
	[tilespmem:$0x6B80] =	vst v63  }
0x22d: {  	_ =	swait.ge [sflag:s23], $0x1000  }
0x22e: {  	[sflag:s23] =	ssyncset.done $0x0  }
0x22f: {  	[sflag:s23] =	ssyncadd.s32 $0xFFFFF000  }
0x230: {  	_ =	swait.ge [sflag:s23], $0x1000  }
0x231: {  	[sflag:s23] =	ssyncset.done $0x0  }
0x232: {  	[sflag:s23] =	ssyncadd.s32 $0xFFFFF000  }
0x233: {  	_ =	swait.ge [sflag:s23], $0x1000  }
0x234: {  	(v2sf) =	vpush v7, $0xD  }
0x235: {  	(v2sf) =	vpush v8, $0xD;
	_ =	sdelay $0x1  }
0x236: {  	(v2sf) =	vpush v9, $0xD;
	_ =	sdelay $0x1  }
0x237: {  	s8 =	sand.u32 $0xFFFFFF80, s6  }
0x238: {  	s4 =	ssub.s32 s13, s8  }
0x239: {  	s13 =	sand.u32 $0xFFFFFF80, s25;
	v38 =	vadd.s32 s4, v0  }
0x23a: {  	v39 =	vadd.s32 s4, v1;
	s0 =	ssub.s32 s0, s13  }
0x23b: {  	s25 =	sand.u32 $0xFFFFFF80, s9;
	v40 =	vadd.s32 s0, v0  }
0x23c: {  	s31 =	ssub.s32 s30, s25;
	v41 =	vadd.s32 s0, v1;
	[sflag:s23] =	ssyncset.done $0x0  }
0x23d: {  	v34 =	vadd.s32 s31, v0;
	[sflag:s23] =	ssyncadd.s32 $0xFFFFF000  }
0x23e: {  	v35 =	vadd.s32 s31, v1;
	v30 =	vld.idx.msk [tilespmem:v38+s20+$0x0], $0xffff  }
0x23f: {  	v31 =	vld.idx.msk [tilespmem:v39+s20+$0x0], $0xffff  }
0x240: {  	v32 =	vld.idx.msk [tilespmem:v40+s21+$0x0], $0xffff  }
0x241: {  	v33 =	vld.idx.msk [tilespmem:v41+s21+$0x0], $0xffff;
	s31 =	spop (v2sf)  }
0x242: {  	v34 =	vld.idx.msk [tilespmem:v34+s22+$0x0], $0xffff;
	s13 =	spop (v2sf);
	s8 =	sand.u32 $0x7F, s31;
	s9 =	sshra.s32 s31, $0x1F  }
0x243: {  	v35 =	vld.idx.msk [tilespmem:v35+s22+$0x0], $0xffff;
	p3 =	slt.s32 s31, $0x1;
	s4 =	sshra.s32 s13, $0x1F;
	s6 =	sand.u32 $0x7F, s13  }
0x244: {  	p1 =	slt.s32 s13, $0x1;
	s25 =	spop (v2sf);
	p4 =	sne.s32 s8, $0x0  }
0x245: {  	s8 =	sshrl.u32 s9, $0x19;
	s9 =	simm.s32 $0x1;
	s0 =	sshrl.u32 s4, $0x19  }
0x246: {  	p2 =	sne.s32 s6, $0x0;
	s4 =	simm.s32 $0x1;
	s8 =	sadd.s32 s8, s31  }
0x247: {  	v32 =	vmul.f32 v32, v30;
	v33 =	vmul.f32 v33, v31;
	s6 =	sadd.s32 s0, s13;
	p0 =	por !p1, !p2;
	p1 =	por !p3, !p4  }
0x248: {  	v30 =	vmul.f32 v34, v30;
	v31 =	vmul.f32 v35, v31;
	s30 =	sshrl.u32 s8, $0x7;
	p0 =	por !p0, !p0;
	p1 =	por !p1, !p1  }
0x249: {  	v32 =	vadd.f32 v33, v32;
	s0 =	sshrl.u32 s6, $0x7;
	s4 =	simm.s32 @!p0 $0x0;
	s9 =	simm.s32 @!p1 $0x0  }
0x24a: {  	v30 =	vadd.f32 v31, v30;
	p5 =	slt.s32 s25, $0x1;
	s0 =	ssub.s32 s0, s4;
	s9 =	ssub.s32 s30, s9  }
0x24b: {  	(xrf2) =	vadd.scan.msk.f32 $0xffff, v32;
	s4 =	sshra.s32 s25, $0x1F;
	s30 =	sand.u32 $0x7F, s25;
	s9 =	sshll.u32 s9, $0x7  }
0x24c: {  	(xrf2) =	vadd.scan.msk.f32 $0xffff, v30;
	s4 =	sshrl.u32 s4, $0x19;
	p6 =	sne.s32 s30, $0x0;
	s9 =	sand.u32 $0x1FFFFF80, s9  }
0x24d: {  	s0 =	sshll.u32 s0, $0x7;
	p0 =	por !p5, !p6;
	s9 =	sadd.s32 s1, s9  }
0x24e: {  	[tilespmem:s20], [sflag:$0x2] =	stream.strided.gather [hbm4b:s9+s15], $0x1000, s16, s15, $0x38;
	[tilespmem:$0x6B80] =	vst v63  }
0x24f: {  	s4 =	sadd.s32 s4, s25;
	p0 =	por !p0, !p0;
	s9 =	simm.s32 $0x1  }
0x250: {  	s0 =	sand.u32 $0x1FFFFF80, s0;
	s30 =	sshrl.u32 s4, $0x7;
	s9 =	simm.s32 @!p0 $0x0  }
0x251: {  	s0 =	sadd.s32 s2, s0;
	s9 =	ssub.s32 s30, s9  }
0x252: {  	[tilespmem:s21], [sflag:$0x2] =	stream.strided.gather [hbm4b:s0+s15], $0x1000, s16, s15, $0x38;
	[tilespmem:$0x6B80] =	vst v63  }
0x253: {  	s30 =	sshll.u32 s9, $0x7  }
0x254: {  	s0 =	sand.u32 $0x1FFFFF80, s30  }
0x255: {  	v31, _, _ =	vpop (xrf2);
	s0 =	sadd.s32 s2, s0  }
0x256: {  	v30, _, _ =	vpop (xrf2);
	[tilespmem:s22], [sflag:$0x2] =	stream.strided.gather [hbm4b:s0+s15], $0x1000, s16, s15, $0x38;
	[tilespmem:$0x6B80] =	vst v63  }
0x257: {  	_ =	swait.ge [sflag:s14], $0x1000  }
0x258: {  	[sflag:s14] =	ssyncset.done $0x0  }
0x259: {  	[sflag:s14] =	ssyncadd.s32 $0xFFFFF000  }
0x25a: {  	_ =	swait.ge [sflag:s14], $0x1000  }
0x25b: {  	[sflag:s14] =	ssyncset.done $0x0  }
0x25c: {  	[sflag:s14] =	ssyncadd.s32 $0xFFFFF000  }
0x25d: {  	_ =	swait.ge [sflag:s14], $0x1000  }
0x25e: {  	(v2sf) =	vpush v7, $0xE  }
0x25f: {  	(v2sf) =	vpush v8, $0xE;
	_ =	sdelay $0x1  }
0x260: {  	(v2sf) =	vpush v9, $0xE;
	_ =	sdelay $0x1  }
0x261: {  	s9 =	sand.u32 $0xFFFFFF80, s7  }
0x262: {  	s0 =	ssub.s32 s12, s9  }
0x263: {  	s5 =	sand.u32 $0xFFFFFF80, s5;
	v42 =	vadd.s32 s0, v0  }
0x264: {  	s12 =	ssub.s32 s3, s5;
	v43 =	vadd.s32 s0, v1  }
0x265: {  	s30 =	sand.u32 $0xFFFFFF80, s10;
	v44 =	vadd.s32 s12, v0  }
0x266: {  	s5 =	ssub.s32 s24, s30;
	v45 =	vadd.s32 s12, v1;
	[sflag:s14] =	ssyncset.done $0x0  }
0x267: {  	v36 =	vadd.s32 s5, v0;
	[sflag:s14] =	ssyncadd.s32 $0xFFFFF000  }
0x268: {  	v37 =	vadd.s32 s5, v1;
	v32 =	vld.idx.msk [tilespmem:v42+s17+$0x0], $0xffff  }
0x269: {  	v33 =	vld.idx.msk [tilespmem:v43+s17+$0x0], $0xffff  }
0x26a: {  	v34 =	vld.idx.msk [tilespmem:v44+s18+$0x0], $0xffff  }
0x26b: {  	v35 =	vld.idx.msk [tilespmem:v45+s18+$0x0], $0xffff;
	s12 =	spop (v2sf)  }
0x26c: {  	v36 =	vld.idx.msk [tilespmem:v36+s19+$0x0], $0xffff;
	s0 =	spop (v2sf);
	s10 =	sand.u32 $0x7F, s12;
	s24 =	sshra.s32 s12, $0x1F  }
0x26d: {  	v37 =	vld.idx.msk [tilespmem:v37+s19+$0x0], $0xffff;
	p3 =	slt.s32 s12, $0x1;
	s7 =	sshra.s32 s0, $0x1F;
	s9 =	sand.u32 $0x7F, s0  }
0x26e: {  	p1 =	slt.s32 s0, $0x1;
	s30 =	spop (v2sf);
	p4 =	sne.s32 s10, $0x0  }
0x26f: {  	s10 =	simm.s32 $0x1;
	s3 =	sshrl.u32 s7, $0x19;
	p2 =	sne.s32 s9, $0x0  }
0x270: {  	s9 =	sshrl.u32 s24, $0x19;
	p5 =	slt.s32 s30, $0x1;
	s5 =	sadd.s32 s3, s0  }
0x271: {  	v34 =	vmul.f32 v34, v32;
	v35 =	vmul.f32 v35, v33;
	p0 =	por !p1, !p2;
	p1 =	por !p3, !p4;
	s7 =	sadd.s32 s9, s12  }
0x272: {  	v32 =	vmul.f32 v36, v32;
	v33 =	vmul.f32 v37, v33;
	s9 =	simm.s32 $0x1;
	s3 =	sshrl.u32 s5, $0x7;
	p0 =	por !p0, !p0  }
0x273: {  	v34 =	vadd.f32 v35, v34;
	p1 =	por !p1, !p1;
	s24 =	sshrl.u32 s7, $0x7;
	s10 =	simm.s32 @!p0 $0x0  }
0x274: {  	v32 =	vadd.f32 v33, v32;
	s9 =	simm.s32 @!p1 $0x0;
	s3 =	ssub.s32 s3, s10;
	s10 =	sshra.s32 s30, $0x1F  }
0x275: {  	(xrf2) =	vadd.scan.msk.f32 $0xffff, v34;
	s9 =	ssub.s32 s24, s9;
	s24 =	sand.u32 $0x7F, s30;
	s10 =	sshrl.u32 s10, $0x19  }
0x276: {  	(xrf2) =	vadd.scan.msk.f32 $0xffff, v32;
	s9 =	sshll.u32 s9, $0x7;
	p6 =	sne.s32 s24, $0x0;
	s3 =	sshll.u32 s3, $0x7  }
0x277: {  	s24 =	sand.u32 $0x1FFFFF80, s9;
	s9 =	sadd.s32 s10, s30;
	p0 =	por !p5, !p6  }
0x278: {  	s10 =	simm.s32 $0x1;
	s24 =	sadd.s32 s1, s24;
	p0 =	por !p0, !p0  }
0x279: {  	[tilespmem:s17], [sflag:$0x1] =	stream.strided.gather [hbm4b:s24+s15], $0x1000, s16, s15, $0x38;
	[tilespmem:$0x6B80] =	vst v63  }
0x27a: {  	s3 =	sand.u32 $0x1FFFFF80, s3;
	s24 =	sshrl.u32 s9, $0x7;
	s10 =	simm.s32 @!p0 $0x0  }
0x27b: {  	s3 =	sadd.s32 s2, s3;
	s10 =	ssub.s32 s24, s10  }
0x27c: {  	[tilespmem:s18], [sflag:$0x1] =	stream.strided.gather [hbm4b:s3+s15], $0x1000, s16, s15, $0x38;
	[tilespmem:$0x6B80] =	vst v63  }
0x27d: {  	s10 =	sshll.u32 s10, $0x7  }
0x27e: {  	s3 =	sand.u32 $0x1FFFFF80, s10  }
0x27f: {  	v32, _, _ =	vpop (xrf2);
	s3 =	sadd.s32 s2, s3  }
0x280: {  	v33, _, _ =	vpop (xrf2);
	[tilespmem:s19], [sflag:$0x1] =	stream.strided.gather [hbm4b:s3+s15], $0x1000, s16, s15, $0x38;
	[tilespmem:$0x6B80] =	vst v63  }
0x281: {  	_ =	swait.ge [sflag:s23], $0x1000  }
0x282: {  	[sflag:s23] =	ssyncset.done $0x0  }
0x283: {  	[sflag:s23] =	ssyncadd.s32 $0xFFFFF000  }
0x284: {  	_ =	swait.ge [sflag:s23], $0x1000  }
0x285: {  	[sflag:s23] =	ssyncset.done $0x0  }
0x286: {  	[sflag:s23] =	ssyncadd.s32 $0xFFFFF000  }
0x287: {  	_ =	swait.ge [sflag:s23], $0x1000  }
0x288: {  	(v2sf) =	vpush v7, $0xF  }
0x289: {  	(v2sf) =	vpush v8, $0xF;
	_ =	sdelay $0x1  }
0x28a: {  	(v2sf) =	vpush v9, $0xF;
	_ =	sdelay $0x1  }
0x28b: {  	s24 =	sand.u32 $0xFFFFFF80, s8  }
0x28c: {  	s3 =	ssub.s32 s31, s24  }
0x28d: {  	s6 =	sand.u32 $0xFFFFFF80, s6;
	v46 =	vadd.s32 s3, v0  }
0x28e: {  	s6 =	ssub.s32 s13, s6;
	v47 =	vadd.s32 s3, v1  }
0x28f: {  	v48 =	vadd.s32 s6, v0;
	s4 =	sand.u32 $0xFFFFFF80, s4  }
0x290: {  	v49 =	vadd.s32 s6, v1;
	s8 =	ssub.s32 s25, s4;
	[sflag:s23] =	ssyncset.done $0x0  }
0x291: {  	v50 =	vadd.s32 s8, v0;
	[sflag:s23] =	ssyncadd.s32 $0xFFFFF000  }
0x292: {  	v51 =	vadd.s32 s8, v1;
	v7 =	vld.idx.msk [tilespmem:v46+s20+$0x0], $0xffff  }
0x293: {  	v8 =	vld.idx.msk [tilespmem:v47+s20+$0x0], $0xffff  }
0x294: {  	v9 =	vld.idx.msk [tilespmem:v48+s21+$0x0], $0xffff  }
0x295: {  	v34 =	vld.idx.msk [tilespmem:v49+s21+$0x0], $0xffff;
	s13 =	spop (v2sf)  }
0x296: {  	s4 =	simm.s32 $0x1;
	v35 =	vld.idx.msk [tilespmem:v50+s22+$0x0], $0xffff;
	s31 =	spop (v2sf);
	s8 =	sand.u32 $0x7F, s13  }
0x297: {  	v36 =	vld.idx.msk [tilespmem:v51+s22+$0x0], $0xffff;
	p3 =	slt.s32 s13, $0x1;
	s10 =	sshra.s32 s31, $0x1F;
	s24 =	sand.u32 $0x7F, s31  }
0x298: {  	p1 =	slt.s32 s31, $0x1;
	s3 =	spop (v2sf);
	p4 =	sne.s32 s8, $0x0  }
0x299: {  	s8 =	simm.s32 $0x1;
	s25 =	sshrl.u32 s10, $0x19;
	p2 =	sne.s32 s24, $0x0  }
0x29a: {  	s10 =	sshra.s32 s13, $0x1F;
	s6 =	sadd.s32 s25, s31;
	p0 =	por !p1, !p2  }
0x29b: {  	v9 =	vmul.f32 v9, v7;
	v34 =	vmul.f32 v34, v8;
	p1 =	por !p3, !p4;
	s24 =	sshra.s32 s6, $0x7;
	s6 =	sshrl.u32 s10, $0x19  }
0x29c: {  	v7 =	vmul.f32 v35, v7;
	v8 =	vmul.f32 v36, v8;
	p6 =	slt.s32 s3, $0x1;
	p1 =	por !p1, !p1;
	s6 =	sadd.s32 s6, s13  }
0x29d: {  	v9 =	vadd.f32 v34, v9;
	s25 =	sand.u32 $0x7F, s3;
	s8 =	simm.s32 @!p1 $0x0;
	s6 =	sshra.s32 s6, $0x7  }
0x29e: {  	v7 =	vadd.f32 v8, v7;
	p0 =	por !p0, !p0;
	p5 =	sne.s32 s25, $0x0;
	s8 =	ssub.s32 s6, s8  }
0x29f: {  	(xrf2) =	vadd.scan.msk.f32 $0xffff, v9;
	s25 =	sshra.s32 s3, $0x1F;
	s4 =	simm.s32 @!p0 $0x0;
	s8 =	sshll.u32 s8, $0x7  }
0x2a0: {  	(xrf2) =	vadd.scan.msk.f32 $0xffff, v7;
	s10 =	sshrl.u32 s25, $0x19;
	p0 =	por !p6, !p5;
	s8 =	sand.u32 $0x1FFFFF80, s8  }
0x2a1: {  	s4 =	ssub.s32 s24, s4;
	s10 =	sadd.s32 s10, s3;
	s8 =	sadd.s32 s1, s8  }
0x2a2: {  	[tilespmem:s20], [sflag:$0x2] =	stream.strided.gather [hbm4b:s8+s15], $0x1000, s16, s15, $0x38;
	[tilespmem:$0x6B80] =	vst v63  }
0x2a3: {  	p0 =	por !p0, !p0;
	s25 =	sshll.u32 s4, $0x7;
	s8 =	simm.s32 $0x1  }
0x2a4: {  	s4 =	sshra.s32 s10, $0x7;
	s25 =	sand.u32 $0x1FFFFF80, s25;
	s8 =	simm.s32 @!p0 $0x0  }
0x2a5: {  	s10 =	sadd.s32 s2, s25;
	s8 =	ssub.s32 s4, s8  }
0x2a6: {  	[tilespmem:s21], [sflag:$0x2] =	stream.strided.gather [hbm4b:s10+s15], $0x1000, s16, s15, $0x38;
	[tilespmem:$0x6B80] =	vst v63  }
0x2a7: {  	s8 =	sshll.u32 s8, $0x7  }
0x2a8: {  	s8 =	sand.u32 $0x1FFFFF80, s8  }
0x2a9: {  	v7, _, _ =	vpop (xrf2);
	s8 =	sadd.s32 s2, s8  }
0x2aa: {  	v8, _, _ =	vpop (xrf2);
	[tilespmem:s22], [sflag:$0x2] =	stream.strided.gather [hbm4b:s8+s15], $0x1000, s16, s15, $0x38;
	[tilespmem:$0x6B80] =	vst v63  }
0x2ab: {  	_ =	swait.ge [sflag:s14], $0x1000  }
0x2ac: {  	[sflag:s14] =	ssyncset.done $0x0  }
0x2ad: {  	[sflag:s14] =	ssyncadd.s32 $0xFFFFF000  }
0x2ae: {  	_ =	swait.ge [sflag:s14], $0x1000  }
0x2af: {  	[sflag:s14] =	ssyncset.done $0x0  }
0x2b0: {  	[sflag:s14] =	ssyncadd.s32 $0xFFFFF000  }
0x2b1: {  	p0 =	seq.s32 s28, $0x7C0;
	_ =	swait.ge [sflag:s14], $0x1000  }
0x2b2: {  	(v2sf) =	vpush @!p0 v4, $0x0  }
0x2b3: {  	(v2sf) =	vpush @!p0 v3, $0x0  }
0x2b4: {  	(v2sf) =	vpush @!p0 v2, $0x0;
	_ =	sdelay $0xc  }
0x2b5: {  	s8 =	spop @!p0 (v2sf)  }
0x2b6: {  	s7 =	sand.u32 $0xFFFFFF80, s7;
	s5 =	sand.u32 $0xFFFFFF80, s5;
	s10 =	spop @!p0 (v2sf)  }
0x2b7: {  	s7 =	ssub.s32 s12, s7;
	s0 =	ssub.s32 s0, s5;
	s12 =	spop @!p0 (v2sf)  }
0x2b8: {  	v52 =	vadd.s32 s0, v0;
	s25 =	sand.u32 $0xFFFFFF80, s9;
	s5 =	sand.u32 @!p0 $0x7F, s12  }
0x2b9: {  	v53 =	vadd.s32 s0, v1;
	s9 =	ssub.s32 s30, s25;
	p1 =	slt.s32 @!p0 s12, $0x1;
	p2 =	sne.s32 @!p0 s5, $0x0  }
0x2ba: {  	v54 =	vadd.s32 s9, v0;
	[sflag:s14] =	ssyncset.done $0x0;
	v3 =	vadd.s32 s7, v1;
	v2 =	vadd.s32 s7, v0;
	s7 =	sshra.s32 @!p0 s12, $0x1F;
	p1 =	por @!p0 !p1, !p2  }
0x2bb: {  	v55 =	vadd.s32 s9, v1;
	[sflag:s14] =	ssyncadd.s32 $0xFFFFF000;
	s5 =	sshrl.u32 @!p0 s7, $0x19;
	p1 =	por @!p0 !p1, !p1  }
0x2bc: {  	s7 =	simm.s32 @!p0 $0x1;
	s5 =	sadd.s32 @!p0 s5, s12;
	p1 =	por !p1, p0  }
0x2bd: {  	v4 =	vld.idx.msk [tilespmem:v52+s18+$0x0], $0xffff;
	s0 =	sshrl.u32 @!p0 s5, $0x7;
	s7 =	simm.s32 @p1 $0x0  }
0x2be: {  	v9 =	vld.idx.msk [tilespmem:v53+s18+$0x0], $0xffff;
	s0 =	ssub.s32 @!p0 s0, s7  }
0x2bf: {  	v34 =	vld.idx.msk [tilespmem:v54+s19+$0x0], $0xffff;
	s0 =	sshll.u32 @!p0 s0, $0x7  }
0x2c0: {  	s9 =	simm.s32 @!p0 $0x780;
	v35 =	vld.idx.msk [tilespmem:v55+s19+$0x0], $0xffff;
	s0 =	sand.u32 @!p0 $0x1FFFFF80, s0  }
0x2c1: {  	v3 =	vld.idx.msk [tilespmem:v3+s17+$0x0], $0xffff;
	s5 =	simm.s32 @!p0 $0x400;
	s7 =	simm.s32 @!p0 $0x7A1400;
	s0 =	sadd.s32 @!p0 s1, s0  }
0x2c2: {  	v2 =	vld.idx.msk [tilespmem:v2+s17+$0x0], $0xffff;
	[tilespmem:s9], [sflag:$0x1] =	stream.strided.gather @!p0 [hbm4b:s0+s5], $0x1000, s7, s5, $0x38  }
0x2c3: {  	s0 =	sand.u32 @!p0 $0x7F, s10  }
0x2c4: {  	p1 =	slt.s32 @!p0 s10, $0x1;
	p2 =	sne.s32 @!p0 s0, $0x0  }
0x2c5: {  	s0 =	sshra.s32 @!p0 s10, $0x1F;
	p1 =	por @!p0 !p1, !p2  }
0x2c6: {  	s0 =	sshrl.u32 @!p0 s0, $0x19;
	p1 =	por @!p0 !p1, !p1  }
0x2c7: {  	s9 =	simm.s32 @!p0 $0x1;
	s0 =	sadd.s32 @!p0 s0, s10;
	p1 =	por !p1, p0  }
0x2c8: {  	v9 =	vmul.f32 v9, v3;
	v4 =	vmul.f32 v4, v2;
	s0 =	sshrl.u32 @!p0 s0, $0x7;
	s9 =	simm.s32 @p1 $0x0  }
0x2c9: {  	s0 =	ssub.s32 @!p0 s0, s9  }
0x2ca: {  	v3 =	vmul.f32 v35, v3;
	v2 =	vmul.f32 v34, v2;
	v4 =	vadd.f32 v9, v4;
	s0 =	sshll.u32 @!p0 s0, $0x7  }
0x2cb: {  	s0 =	sand.u32 @!p0 $0x1FFFFF80, s0  }
0x2cc: {  	v2 =	vadd.f32 v3, v2;
	(xrf2) =	vadd.scan.msk.f32 $0xffff, v4;
	s9 =	simm.s32 @!p0 $0x2780;
	s0 =	sadd.s32 @!p0 s2, s0  }
0x2cd: {  	[tilespmem:s9], [sflag:$0x1] =	stream.strided.gather @!p0 [hbm4b:s0+s5], $0x1000, s7, s5, $0x38;
	[tilespmem:$0x6B80] =	vst v63  }
0x2ce: {  	(xrf2) =	vadd.scan.msk.f32 $0xffff, v2;
	s0 =	sand.u32 @!p0 $0x7F, s8  }
0x2cf: {  	p1 =	slt.s32 @!p0 s8, $0x1;
	p2 =	sne.s32 @!p0 s0, $0x0  }
0x2d0: {  	s0 =	sshra.s32 @!p0 s8, $0x1F;
	p1 =	por @!p0 !p1, !p2  }
0x2d1: {  	s0 =	sshrl.u32 @!p0 s0, $0x19;
	p1 =	por @!p0 !p1, !p1  }
0x2d2: {  	s0 =	sadd.s32 @!p0 s0, s8;
	s8 =	simm.s32 @!p0 $0x1;
	p1 =	por !p1, p0  }
0x2d3: {  	s0 =	sshrl.u32 @!p0 s0, $0x7;
	s8 =	simm.s32 @p1 $0x0  }
0x2d4: {  	s0 =	ssub.s32 @!p0 s0, s8  }
0x2d5: {  	s0 =	sshll.u32 @!p0 s0, $0x7  }
0x2d6: {  	s0 =	sand.u32 @!p0 $0x1FFFFF80, s0  }
0x2d7: {  	v2, _, _ =	vpop (xrf2);
	s8 =	simm.s32 @!p0 $0x4780;
	s0 =	sadd.s32 @!p0 s2, s0  }
0x2d8: {  	v3, _, _ =	vpop (xrf2);
	[tilespmem:s8], [sflag:$0x1] =	stream.strided.gather @!p0 [hbm4b:s0+s5], $0x1000, s7, s5, $0x38;
	[tilespmem:$0x6B80] =	vst v63  }
0x2d9: {  	_ =	swait.ge [sflag:s23], $0x1000  }
0x2da: {  	[sflag:s23] =	ssyncset.done $0x0  }
0x2db: {  	s12 =	sshll.u32 s6, $0x7;
	[sflag:s23] =	ssyncadd.s32 $0xFFFFF000  }
0x2dc: {  	s0 =	ssub.s32 s13, s12;
	_ =	swait.ge [sflag:s23], $0x1000  }
0x2dd: {  	s25 =	sshll.u32 s24, $0x7;
	v56 =	vadd.s32 s0, v0;
	[sflag:s23] =	ssyncset.done $0x0  }
0x2de: {  	s30 =	ssub.s32 s31, s25;
	v57 =	vadd.s32 s0, v1;
	[sflag:s23] =	ssyncadd.s32 $0xFFFFF000  }
0x2df: {  	v58 =	vadd.s32 s30, v0;
	s4 =	sshll.u32 s4, $0x7;
	_ =	swait.ge [sflag:s23], $0x1000  }
0x2e0: {  	v59 =	vadd.s32 s30, v1;
	s31 =	ssub.s32 s3, s4;
	[sflag:s23] =	ssyncset.done $0x0  }
0x2e1: {  	v60 =	vadd.s32 s31, v0;
	[sflag:s23] =	ssyncadd.s32 $0xFFFFF000  }
0x2e2: {  	v61 =	vadd.s32 s31, v1;
	v4 =	vld.idx.msk [tilespmem:v56+s20+$0x0], $0xffff  }
0x2e3: {  	v9 =	vld.idx.msk [tilespmem:v57+s20+$0x0], $0xffff  }
0x2e4: {  	v6 =	vbroadcast v6, $0xF;
	v11 =	vbroadcast v11, $0xF;
	v34 =	vld.idx.msk [tilespmem:v58+s21+$0x0], $0xffff  }
0x2e5: {  	v5 =	vbroadcast v5, $0xF;
	v10 =	vbroadcast v10, $0xF;
	v35 =	vld.idx.msk [tilespmem:v59+s21+$0x0], $0xffff  }
0x2e6: {  	v6 =	vsel vm0, v6, v11;
	v62 =	vbroadcast v12, $0xF;
	v63 =	vbroadcast v13, $0xF;
	v36 =	vld.idx.msk [tilespmem:v60+s22+$0x0], $0xffff  }
0x2e7: {  	v5 =	vsel vm0, v5, v10;
	v38 =	vbroadcast v14, $0xF;
	v39 =	vbroadcast v15, $0xF;
	v40 =	vld.idx.msk [tilespmem:v61+s22+$0x0], $0xffff  }
0x2e8: {  	v6 =	vsel vm1, v6, v62;
	v5 =	vsel vm1, v5, v63;
	v41 =	vbroadcast v17, $0xF  }
0x2e9: {  	v6 =	vsel vm2, v6, v38;
	v5 =	vsel vm2, v5, v39;
	v42 =	vbroadcast v16, $0xF  }
0x2ea: {  	v6 =	vsel vm3, v6, v41;
	v43 =	vbroadcast v18, $0xF;
	v44 =	vbroadcast v19, $0xF  }
0x2eb: {  	v5 =	vsel vm3, v5, v42;
	v45 =	vmul.f32 v34, v4;
	v46 =	vmul.f32 v35, v9  }
0x2ec: {  	v6 =	vsel vm4, v6, v43;
	v4 =	vmul.f32 v36, v4;
	v9 =	vmul.f32 v40, v9  }
0x2ed: {  	v5 =	vsel vm4, v5, v44;
	v47 =	vbroadcast v20, $0xF;
	v10 =	vadd.f32 v46, v45  }
0x2ee: {  	v48 =	vbroadcast v21, $0xF;
	v49 =	vbroadcast v23, $0xF;
	v4 =	vadd.f32 v9, v4  }
0x2ef: {  	v50 =	vbroadcast v22, $0xF;
	v51 =	vbroadcast v25, $0xF;
	v6 =	vsel vm5, v6, v47;
	(xrf2) =	vadd.scan.msk.f32 $0xffff, v10  }
0x2f0: {  	v5 =	vsel vm5, v5, v48;
	v6 =	vsel vm6, v6, v49;
	v7 =	vbroadcast v7, $0xF;
	(xrf2) =	vadd.scan.msk.f32 $0xffff, v4  }
0x2f1: {  	v5 =	vsel vm6, v5, v50;
	v8 =	vbroadcast v8, $0xF;
	v53 =	vbroadcast v26, $0xF  }
0x2f2: {  	v6 =	vsel vm7, v6, v51;
	v52 =	vbroadcast v24, $0xF;
	v55 =	vbroadcast v28, $0xF  }
0x2f3: {  	v54 =	vbroadcast v27, $0xF;
	v6 =	vsel vm8, v6, v53;
	v56 =	vbroadcast v29, $0xF  }
0x2f4: {  	v57 =	vbroadcast v31, $0xF;
	v58 =	vsel vm9, v6, v55;
	v4 =	vsel vm7, v5, v52  }
0x2f5: {  	v59 =	vbroadcast v30, $0xF;
	v60 =	vbroadcast v32, $0xF;
	v4 =	vsel vm8, v4, v54  }
0x2f6: {  	s28 =	sadd.s32 $0x40, s28;
	v61 =	vbroadcast v33, $0xF;
	v5 =	vsel vm10, v58, v57;
	v4 =	vsel vm9, v4, v56  }
0x2f7: {  	v2 =	vbroadcast v2, $0xF;
	p0 =	sne.s32 s28, $0x800;
	v5 =	vsel vm11, v5, v60;
	v4 =	vsel vm10, v4, v59  }
.Ltmp0:
0x2f8: {  	v3 =	vbroadcast v3, $0xF;
	v5 =	vsel vm12, v5, v7;
	v4 =	vsel vm11, v4, v61;
	(pc) =	sbr.rel @p0 .LBB2_2-.Ltmp0, $4  }
0x2f9: {  	v2 =	vsel vm13, v5, v2;
	v4 =	vsel vm12, v4, v8;
	v62, _, _ =	vpop (xrf2)  }
0x2fa: {  	v3 =	vsel vm13, v4, v3;
	v63, _, _ =	vpop (xrf2);
	v2 =	vsel vm14, v2, v62  }
0x2fb: {  	v3 =	vsel vm14, v3, v63;
	[tilespmem:s29+$0x6780] =	vst v2  }
0x2fc: {  	[tilespmem:s29+$0x6980] =	vst v3  }
0x2fd: {  	s12 =	simm.s32 $0x0;
	s0 =	rddreg [dreg:$0xb];
	s3 =	simm.s32 $0x6780  }
0x2fe: {  	[hbm4b:s0+s12] =	stream.linear.scatter [tilespmem:s3], [sflag:$0x3], $0x200, $0x38;
	[tilespmem:$0x6B80] =	vst v63  }
0x2ff: {  	_ =	swait.ge [sflag:s11], $0x200  }
0x300: {  	[sflag:s11] =	ssyncset.done $0x0  }
0x301: {  	s30 =	simm.s32 $0x6980;
	s29 =	rddreg [dreg:$0xc];
	[sflag:s11] =	ssyncadd.s32 $0xFFFFFE00  }
0x302: {  	[hbm4b:s29+s12] =	stream.linear.scatter [tilespmem:s30], [sflag:$0x3], $0x200, $0x38;
	[tilespmem:$0x6B80] =	vst v63  }
0x303: {  	_ =	swait.ge [sflag:s11], $0x200  }
0x304: {  	s26 =	sadd.s32 $0x1, s26;
	s31 =	rddreg [dreg:$0xd]  }
0x305: {  	p0 =	sne.s32 s26, s31  }
.Ltmp1:
0x306: {  	_ = 	snop;
	(pc) =	sbr.rel @p0 .LBB2_1-.Ltmp1, $3  }
0x307: {  	_ =	sdelay $0x1  }
0x308: {  	[sflag:s11] =	ssyncset.done $0x0  }
0x309: {  	[sflag:s11] =	ssyncadd.s32 $0xFFFFFE00  }
0x30a: {  	_ =	sfence.sel $0x180000  }
0x30b: {  	[bflag:$0x0] =	sbarrier.arrive $0xFFFF  }
0x30c: {  	_ =	strace $0x90000047  }
0x30d: {  	s0 =	stileid.u32;
	[bflag:$0x2] =	sbarrier.arrive $0xFFFF  }
0x30e: {  	p0 =	sne.s32 s0, $0x0;
	s0 =	rddreg [dreg:$0x7]  }
0x30f: {  	s0 =	sadd.s32 @!p0 $0x100000, s0  }
0x310: {  	[sflag:s0] =	ssyncadd.tile.s32 @!p0 $0x1;
	_ =	shalt  }
.Lfunc_end2:
_tile_overlayer_lowered:
.L_overlay_start_2:
0x311: {  	(tag) =	ssettag $0x2  }
0x312: {  	s0 =	rddreg [dreg:$0x0];
	s2 =	stileid.u32  }
0x313: {  	s1 =	rddreg [dreg:$0x1];
	p0 =	sne.s32 s2, $0x0  }
0x314: {  	s3 =	rddreg [dreg:$0x2];
	[bflag:$0x3] =	sbarrier.arrive $0xFFFF;
	s2 =	simm.s32 @!p0 $0x1C03  }
0x315: {  	[timem:s3], [sflag:s2] =	dma.local @!p0 [hbm:s0], s1  }
0x316: {  	s0 =	simm.s32 @!p0 $0x3  }
0x317: {  	_ =	swait.ge @!p0 [sflag:s0], s1  }
0x318: {  	s1 =	ssub.s32 @!p0 $0x0, s1;
	[sflag:s0] =	ssyncset.done @!p0 $0x0  }
0x319: {  	[sflag:s0] =	ssyncadd.s32 @!p0 s1  }
0x31a: {  	[bflag:$0x3] =	sbarrier.arrive $0xFFFF  }
0x31b: {  	_ =	shalt  }

</sc_bundles>
